<compile_context>
chip_gen: v7x
topology: tpu7x:2x2x1
jax: 0.10.2.dev20260603
libtpu: 0.0.44.dev20260713+nightly
codegen_flags: <defaults>
</compile_context>

<pallas_src>
import functools

import jax
import jax.numpy as jnp
from jax import lax
from jax.experimental import pallas as pl
from jax.experimental.pallas import tpu as pltpu
from jax.experimental.pallas import tpu_sc as plsc

_B = 16384
_F = 26
_D = 32
_N = _B * _F
_NC = 2
_NS = 16
_NW = _NC * _NS
_PER_W = _N // _NW
_CH = 128
_NCH = _PER_W // _CH
_LANES = 16
_NBUF = 4


def _body(ids_hbm, vals_hbm, table_hbm, bias_hbm, out_hbm,
          idx_v, val_v, rows_v, bias_v, out_v, sem_t, sem_b, sem_o):
    wid = lax.axis_index("s") * _NC + lax.axis_index("c")

    pltpu.sync_copy(ids_hbm.at[wid], idx_v)
    pltpu.sync_copy(vals_hbm.at[pl.ds(wid * _PER_W, _PER_W)], val_v)

    zero16 = lax.broadcasted_iota(jnp.int32, (_LANES,), 0) * 0

    def start_gathers(ch, b):
        pltpu.async_copy(table_hbm.at[idx_v.at[ch]], rows_v.at[b], sem_t.at[b])
        pltpu.async_copy(bias_hbm.at[idx_v.at[ch]], bias_v.at[b], sem_b.at[b])

    def wait_gathers(ch, b):
        pltpu.make_async_copy(
            table_hbm.at[idx_v.at[ch]], rows_v.at[b], sem_t.at[b]).wait()
        pltpu.make_async_copy(
            bias_hbm.at[idx_v.at[ch]], bias_v.at[b], sem_b.at[b]).wait()

    def out_slice(ch):
        return out_hbm.at[pl.ds((wid * _NCH + ch) * _CH, _CH)]

    def compute(ch, b):
        def grp_body(g, carry):
            val16 = val_v[pl.ds(ch * _CH + g * _LANES, _LANES)]
            for j in range(_LANES):
                row = g * _LANES + j
                vexp = val16.at[zero16 + j].get(mode="promise_in_bounds")
                r0 = rows_v[b, row, pl.ds(0, _LANES)]
                r1 = rows_v[b, row, pl.ds(_LANES, _LANES)]
                b0 = bias_v[b, row, pl.ds(0, _LANES)]
                b1 = bias_v[b, row, pl.ds(_LANES, _LANES)]
                out_v[b, row, pl.ds(0, _LANES)] = r0 * vexp + b0
                out_v[b, row, pl.ds(_LANES, _LANES)] = r1 * vexp + b1
            return carry

        lax.fori_loop(0, _CH // _LANES, grp_body, 0)

    for b in range(_NBUF):
        start_gathers(b, b)

    @pl.loop(0, _NCH, step=_NBUF)
    def _chunk_loop(c0):
        for b in range(_NBUF):
            ch = c0 + b

            @pl.when(ch >= _NBUF)
            def _():
                pltpu.make_async_copy(
                    out_v.at[b], out_slice(ch - _NBUF), sem_o.at[b]).wait()

            wait_gathers(ch, b)
            compute(ch, b)
            pltpu.async_copy(out_v.at[b], out_slice(ch), sem_o.at[b])

            @pl.when(ch + _NBUF < _NCH)
            def _():
                start_gathers(ch + _NBUF, b)

    for b in range(_NBUF):
        pltpu.make_async_copy(
            out_v.at[b], out_slice(_NCH - _NBUF + b), sem_o.at[b]).wait()


@jax.jit
def _emb(ids3, vals1, table, bias_table):
    mesh = plsc.VectorSubcoreMesh(core_axis_name="c", subcore_axis_name="s")
    f = functools.partial(
        pl.kernel,
        out_type=jax.ShapeDtypeStruct((_N, _D), jnp.float32),
        mesh=mesh,
        compiler_params=pltpu.CompilerParams(use_tc_tiling_on_sc=False),
        scratch_types=[
            pltpu.VMEM((_NCH, _CH), jnp.int32),
            pltpu.VMEM((_PER_W,), jnp.float32),
            pltpu.VMEM((_NBUF, _CH, _D), jnp.float32),
            pltpu.VMEM((_NBUF, _CH, _D), jnp.float32),
            pltpu.VMEM((_NBUF, _CH, _D), jnp.float32),
            pltpu.SemaphoreType.DMA((_NBUF,)),
            pltpu.SemaphoreType.DMA((_NBUF,)),
            pltpu.SemaphoreType.DMA((_NBUF,)),
        ],
    )(_body)
    return f(ids3, vals1, table, bias_table)


def kernel(ids, values, table, bias_table):
    ids3 = ids.reshape(_NW, _NCH, _CH)
    vals1 = values.reshape(_N)
    out = _emb(ids3, vals1, table, bias_table)
    return out.reshape(_B, _F, _D)

# --- scband reference (transcript-rebuilt; emitter-appended) ---
"""Pipeline reference for scband-numerical-embedding-46548855554482 (READ-ONLY COPY).

The authoritative reference and input builder live on the scoring server;
editing this copy changes nothing except your own understanding.
"""

import jax, jax.numpy as jnp
import numpy as np

NUM_EMBEDDINGS = 1000000
EMBED_DIM = 32
BATCH = 16384
FIELDS = 26


def setup_inputs(seed: int = 0) -> dict:
    key = jax.random.key(seed)
    k1, k2, k3, k4 = jax.random.split(key, 4)
    ids = jax.random.randint(k1, (BATCH, FIELDS), 0, NUM_EMBEDDINGS, dtype=jnp.int32)
    values = jax.random.normal(k2, (BATCH, FIELDS), dtype=jnp.float32)
    # Embedding tables have num_embeddings + 1 rows, row 0 is padding (zeros)
    table = jax.random.normal(k3, (NUM_EMBEDDINGS + 1, EMBED_DIM), dtype=jnp.float32) * 0.01
    table = table.at[0].set(0.0)
    bias_table = jax.random.normal(k4, (NUM_EMBEDDINGS + 1, EMBED_DIM), dtype=jnp.float32) * 0.01
    bias_table = bias_table.at[0].set(0.0)
    return {"ids": ids, "values": values, "table": table, "bias_table": bias_table}


def reference(ids, values, table, bias_table):
    # mode='scale' with bias: emb(ids) * values.unsqueeze(-1) + bias_emb(ids)
    x = jnp.take(table, ids, axis=0)            # [B, F, D] gather
    out = x * values[..., None]                  # scale by numerical value
    b = jnp.take(bias_table, ids, axis=0)        # [B, F, D] gather
    return out + b

if __name__ == "__main__":
    import jax
    _d = setup_inputs()
    print(jax.jit(kernel)(*tuple(_d.values())))

</pallas_src>

<mosaic_0001>
#map = affine_map<(d0, d1) -> (0, 0, 0)>
#map1 = affine_map<(d0, d1) -> (0)>
#map2 = affine_map<(d0, d1) -> (0, 0)>
module attributes {stable_mosaic.version = 14 : i64} {
  func.func @_body(%arg0: i32, %arg1: i32, %arg2: memref<32x104x128xi32, #tpu.memory_space<hbm>>, %arg3: memref<425984xf32, #tpu.memory_space<hbm>>, %arg4: memref<1000001x32xf32, #tpu.memory_space<hbm>>, %arg5: memref<1000001x32xf32, #tpu.memory_space<hbm>>, %arg6: memref<425984x32xf32, #tpu.memory_space<hbm>>, %arg7: memref<104x128xi32, #tpu.memory_space<vmem>>, %arg8: memref<13312xf32, #tpu.memory_space<vmem>>, %arg9: memref<4x128x32xf32, #tpu.memory_space<vmem>>, %arg10: memref<4x128x32xf32, #tpu.memory_space<vmem>>, %arg11: memref<4x128x32xf32, #tpu.memory_space<vmem>>, %arg12: memref<4x!tpu.dma_semaphore, #tpu.memory_space<semaphore_mem>>, %arg13: memref<4x!tpu.dma_semaphore, #tpu.memory_space<semaphore_mem>>, %arg14: memref<4x!tpu.dma_semaphore, #tpu.memory_space<semaphore_mem>>) attributes {dimension_semantics = [#tpu.dimension_semantics<core_parallel>, #tpu.dimension_semantics<subcore_parallel>], iteration_bounds = array<i64: 2, 16>, scalar_prefetch = 0 : i64, scratch_operands = 8 : i64, tpu.core_type = #tpu.core_type<sc_vector_subcore>, window_params = [{transform_indices = #map}, {transform_indices = #map1}, {transform_indices = #map2}, {transform_indices = #map2}, {transform_indices = #map2}]} {
    %mul3A = arith.constant 2 : i32
    %mul3A_0 = arith.muli %arg1, %mul3A : i32
    %add3A = arith.addi %mul3A_0, %arg0 : i32
    "tpu.region"() ({
      %run_scoped3A = tpu.sem_alloc : memref<!tpu.dma_semaphore, #tpu.memory_space<semaphore_mem>>
      %dma_start3A_216 = arith.constant 0 : i32
      %dma_start3A_217 = arith.constant 0 : i32
      %dma_start3A_218 = tpu.memref_slice %arg2[%add3A, %dma_start3A_216, %dma_start3A_217] : memref<32x104x128xi32, #tpu.memory_space<hbm>> -> memref<1x104x128xi32, #tpu.memory_space<hbm>>
      %dma_start3A_219 = tpu.memref_squeeze %dma_start3A_218 : memref<1x104x128xi32, #tpu.memory_space<hbm>> -> memref<104x128xi32, #tpu.memory_space<hbm>>
      %dma_start3A_220 = arith.constant 0 : i32
      %dma_start3A_221 = arith.constant 0 : i32
      %dma_start3A_222 = tpu.memref_slice %arg2[%add3A, %dma_start3A_220, %dma_start3A_221] : memref<32x104x128xi32, #tpu.memory_space<hbm>> -> memref<1x104x128xi32, #tpu.memory_space<hbm>>
      %dma_start3A_223 = tpu.memref_squeeze %dma_start3A_222 : memref<1x104x128xi32, #tpu.memory_space<hbm>> -> memref<104x128xi32, #tpu.memory_space<hbm>>
      tpu.enqueue_dma source(%dma_start3A_223 : memref<104x128xi32, #tpu.memory_space<hbm>>) target(%arg7 : memref<104x128xi32, #tpu.memory_space<vmem>>) target_semaphore(%run_scoped3A : memref<!tpu.dma_semaphore, #tpu.memory_space<semaphore_mem>>)
      %dma_wait3A_224 = arith.constant 0 : i32
      %dma_wait3A_225 = arith.constant 0 : i32
      %dma_wait3A_226 = tpu.memref_slice %arg2[%add3A, %dma_wait3A_224, %dma_wait3A_225] : memref<32x104x128xi32, #tpu.memory_space<hbm>> -> memref<1x104x128xi32, #tpu.memory_space<hbm>>
      %dma_wait3A_227 = tpu.memref_squeeze %dma_wait3A_226 : memref<1x104x128xi32, #tpu.memory_space<hbm>> -> memref<104x128xi32, #tpu.memory_space<hbm>>
      %dma_wait3A_228 = arith.constant 0 : i32
      %dma_wait3A_229 = arith.constant 0 : i32
      %dma_wait3A_230 = tpu.memref_slice %arg2[%add3A, %dma_wait3A_228, %dma_wait3A_229] : memref<32x104x128xi32, #tpu.memory_space<hbm>> -> memref<1x104x128xi32, #tpu.memory_space<hbm>>
      %dma_wait3A_231 = tpu.memref_squeeze %dma_wait3A_230 : memref<1x104x128xi32, #tpu.memory_space<hbm>> -> memref<104x128xi32, #tpu.memory_space<hbm>>
      tpu.wait_dma2 semaphore(%run_scoped3A : memref<!tpu.dma_semaphore, #tpu.memory_space<semaphore_mem>>) src(%dma_wait3A_231 : memref<104x128xi32, #tpu.memory_space<hbm>>) dst(%arg7 : memref<104x128xi32, #tpu.memory_space<vmem>>)
      tpu.yield
    }) : () -> ()
    %mul3A_1 = arith.constant 13312 : i32
    %mul3A_2 = arith.muli %add3A, %mul3A_1 : i32
    "tpu.region"() ({
      %run_scoped3A = tpu.sem_alloc : memref<!tpu.dma_semaphore, #tpu.memory_space<semaphore_mem>>
      %dma_start3A_216 = tpu.memref_slice %arg3[%mul3A_2] : memref<425984xf32, #tpu.memory_space<hbm>> -> memref<13312xf32, #tpu.memory_space<hbm>>
      %dma_start3A_217 = tpu.memref_slice %arg3[%mul3A_2] : memref<425984xf32, #tpu.memory_space<hbm>> -> memref<13312xf32, #tpu.memory_space<hbm>>
      tpu.enqueue_dma source(%dma_start3A_217 : memref<13312xf32, #tpu.memory_space<hbm>>) target(%arg8 : memref<13312xf32, #tpu.memory_space<vmem>>) target_semaphore(%run_scoped3A : memref<!tpu.dma_semaphore, #tpu.memory_space<semaphore_mem>>)
      %dma_wait3A_218 = tpu.memref_slice %arg3[%mul3A_2] : memref<425984xf32, #tpu.memory_space<hbm>> -> memref<13312xf32, #tpu.memory_space<hbm>>
      %dma_wait3A_219 = tpu.memref_slice %arg3[%mul3A_2] : memref<425984xf32, #tpu.memory_space<hbm>> -> memref<13312xf32, #tpu.memory_space<hbm>>
      tpu.wait_dma2 semaphore(%run_scoped3A : memref<!tpu.dma_semaphore, #tpu.memory_space<semaphore_mem>>) src(%dma_wait3A_219 : memref<13312xf32, #tpu.memory_space<hbm>>) dst(%arg8 : memref<13312xf32, #tpu.memory_space<vmem>>)
      tpu.yield
    }) : () -> ()
    %iota3A = tpu.iota {dimensions = array<i32: 0>} : vector<16xi32>
    %mul3A_3 = arith.constant 0 : i32
    %mul3A_4 = vector.broadcast %mul3A_3 : i32 to vector<16xi32>
    %mul3A_5 = arith.muli %iota3A, %mul3A_4 : vector<16xi32>
    %dma_start3A = arith.constant 0 : i32
    %dma_start3A_6 = arith.constant 0 : i32
    %dma_start3A_7 = arith.constant 0 : i32
    %dma_start3A_8 = arith.constant 0 : i32
    %dma_start3A_9 = arith.constant 0 : i32
    %dma_start3A_10 = tpu.memref_slice %arg9[%dma_start3A_6, %dma_start3A_8, %dma_start3A_9] : memref<4x128x32xf32, #tpu.memory_space<vmem>> -> memref<1x128x32xf32, #tpu.memory_space<vmem>>
    %dma_start3A_11 = tpu.memref_squeeze %dma_start3A_10 : memref<1x128x32xf32, #tpu.memory_space<vmem>> -> memref<128x32xf32, #tpu.memory_space<vmem>>
    %dma_start3A_12 = arith.constant 0 : i32
    %dma_start3A_13 = tpu.memref_slice %arg7[%dma_start3A, %dma_start3A_12] : memref<104x128xi32, #tpu.memory_space<vmem>> -> memref<1x128xi32, #tpu.memory_space<vmem>>
    %dma_start3A_14 = tpu.memref_squeeze %dma_start3A_13 : memref<1x128xi32, #tpu.memory_space<vmem>> -> memref<128xi32, #tpu.memory_space<vmem>>
    %dma_start3A_15 = arith.constant 0 : i32
    %dma_start3A_16 = arith.constant 0 : i32
    %dma_start3A_17 = tpu.memref_slice %arg4[%dma_start3A_15, %dma_start3A_16] : memref<1000001x32xf32, #tpu.memory_space<hbm>> -> memref<1000001x32xf32, #tpu.memory_space<hbm>>
    %dma_start3A_18 = tpu.memref_slice %arg12[%dma_start3A_7] : memref<4x!tpu.dma_semaphore, #tpu.memory_space<semaphore_mem>> -> memref<1x!tpu.dma_semaphore, #tpu.memory_space<semaphore_mem>>
    %dma_start3A_19 = tpu.memref_squeeze %dma_start3A_18 : memref<1x!tpu.dma_semaphore, #tpu.memory_space<semaphore_mem>> -> memref<!tpu.dma_semaphore, #tpu.memory_space<semaphore_mem>>
    tpu.enqueue_indirect_dma source(%dma_start3A_17 : memref<1000001x32xf32, #tpu.memory_space<hbm>>) target(%dma_start3A_11 : memref<128x32xf32, #tpu.memory_space<vmem>>) offsets(%dma_start3A_14 : memref<128xi32, #tpu.memory_space<vmem>>) semaphore(%dma_start3A_19 : memref<!tpu.dma_semaphore, #tpu.memory_space<semaphore_mem>>)
    %dma_start3A_20 = arith.constant 0 : i32
    %dma_start3A_21 = arith.constant 0 : i32
    %dma_start3A_22 = arith.constant 0 : i32
    %dma_start3A_23 = arith.constant 0 : i32
    %dma_start3A_24 = arith.constant 0 : i32
    %dma_start3A_25 = tpu.memref_slice %arg10[%dma_start3A_21, %dma_start3A_23, %dma_start3A_24] : memref<4x128x32xf32, #tpu.memory_space<vmem>> -> memref<1x128x32xf32, #tpu.memory_space<vmem>>
    %dma_start3A_26 = tpu.memref_squeeze %dma_start3A_25 : memref<1x128x32xf32, #tpu.memory_space<vmem>> -> memref<128x32xf32, #tpu.memory_space<vmem>>
    %dma_start3A_27 = arith.constant 0 : i32
    %dma_start3A_28 = tpu.memref_slice %arg7[%dma_start3A_20, %dma_start3A_27] : memref<104x128xi32, #tpu.memory_space<vmem>> -> memref<1x128xi32, #tpu.memory_space<vmem>>
    %dma_start3A_29 = tpu.memref_squeeze %dma_start3A_28 : memref<1x128xi32, #tpu.memory_space<vmem>> -> memref<128xi32, #tpu.memory_space<vmem>>
    %dma_start3A_30 = arith.constant 0 : i32
    %dma_start3A_31 = arith.constant 0 : i32
    %dma_start3A_32 = tpu.memref_slice %arg5[%dma_start3A_30, %dma_start3A_31] : memref<1000001x32xf32, #tpu.memory_space<hbm>> -> memref<1000001x32xf32, #tpu.memory_space<hbm>>
    %dma_start3A_33 = tpu.memref_slice %arg13[%dma_start3A_22] : memref<4x!tpu.dma_semaphore, #tpu.memory_space<semaphore_mem>> -> memref<1x!tpu.dma_semaphore, #tpu.memory_space<semaphore_mem>>
    %dma_start3A_34 = tpu.memref_squeeze %dma_start3A_33 : memref<1x!tpu.dma_semaphore, #tpu.memory_space<semaphore_mem>> -> memref<!tpu.dma_semaphore, #tpu.memory_space<semaphore_mem>>
    tpu.enqueue_indirect_dma source(%dma_start3A_32 : memref<1000001x32xf32, #tpu.memory_space<hbm>>) target(%dma_start3A_26 : memref<128x32xf32, #tpu.memory_space<vmem>>) offsets(%dma_start3A_29 : memref<128xi32, #tpu.memory_space<vmem>>) semaphore(%dma_start3A_34 : memref<!tpu.dma_semaphore, #tpu.memory_space<semaphore_mem>>)
    %dma_start3A_35 = arith.constant 1 : i32
    %dma_start3A_36 = arith.constant 1 : i32
    %dma_start3A_37 = arith.constant 1 : i32
    %dma_start3A_38 = arith.constant 0 : i32
    %dma_start3A_39 = arith.constant 0 : i32
    %dma_start3A_40 = tpu.memref_slice %arg9[%dma_start3A_36, %dma_start3A_38, %dma_start3A_39] : memref<4x128x32xf32, #tpu.memory_space<vmem>> -> memref<1x128x32xf32, #tpu.memory_space<vmem>>
    %dma_start3A_41 = tpu.memref_squeeze %dma_start3A_40 : memref<1x128x32xf32, #tpu.memory_space<vmem>> -> memref<128x32xf32, #tpu.memory_space<vmem>>
    %dma_start3A_42 = arith.constant 0 : i32
    %dma_start3A_43 = tpu.memref_slice %arg7[%dma_start3A_35, %dma_start3A_42] : memref<104x128xi32, #tpu.memory_space<vmem>> -> memref<1x128xi32, #tpu.memory_space<vmem>>
    %dma_start3A_44 = tpu.memref_squeeze %dma_start3A_43 : memref<1x128xi32, #tpu.memory_space<vmem>> -> memref<128xi32, #tpu.memory_space<vmem>>
    %dma_start3A_45 = arith.constant 0 : i32
    %dma_start3A_46 = arith.constant 0 : i32
    %dma_start3A_47 = tpu.memref_slice %arg4[%dma_start3A_45, %dma_start3A_46] : memref<1000001x32xf32, #tpu.memory_space<hbm>> -> memref<1000001x32xf32, #tpu.memory_space<hbm>>
    %dma_start3A_48 = tpu.memref_slice %arg12[%dma_start3A_37] : memref<4x!tpu.dma_semaphore, #tpu.memory_space<semaphore_mem>> -> memref<1x!tpu.dma_semaphore, #tpu.memory_space<semaphore_mem>>
    %dma_start3A_49 = tpu.memref_squeeze %dma_start3A_48 : memref<1x!tpu.dma_semaphore, #tpu.memory_space<semaphore_mem>> -> memref<!tpu.dma_semaphore, #tpu.memory_space<semaphore_mem>>
    tpu.enqueue_indirect_dma source(%dma_start3A_47 : memref<1000001x32xf32, #tpu.memory_space<hbm>>) target(%dma_start3A_41 : memref<128x32xf32, #tpu.memory_space<vmem>>) offsets(%dma_start3A_44 : memref<128xi32, #tpu.memory_space<vmem>>) semaphore(%dma_start3A_49 : memref<!tpu.dma_semaphore, #tpu.memory_space<semaphore_mem>>)
    %dma_start3A_50 = arith.constant 1 : i32
    %dma_start3A_51 = arith.constant 1 : i32
    %dma_start3A_52 = arith.constant 1 : i32
    %dma_start3A_53 = arith.constant 0 : i32
    %dma_start3A_54 = arith.constant 0 : i32
    %dma_start3A_55 = tpu.memref_slice %arg10[%dma_start3A_51, %dma_start3A_53, %dma_start3A_54] : memref<4x128x32xf32, #tpu.memory_space<vmem>> -> memref<1x128x32xf32, #tpu.memory_space<vmem>>
    %dma_start3A_56 = tpu.memref_squeeze %dma_start3A_55 : memref<1x128x32xf32, #tpu.memory_space<vmem>> -> memref<128x32xf32, #tpu.memory_space<vmem>>
    %dma_start3A_57 = arith.constant 0 : i32
    %dma_start3A_58 = tpu.memref_slice %arg7[%dma_start3A_50, %dma_start3A_57] : memref<104x128xi32, #tpu.memory_space<vmem>> -> memref<1x128xi32, #tpu.memory_space<vmem>>
    %dma_start3A_59 = tpu.memref_squeeze %dma_start3A_58 : memref<1x128xi32, #tpu.memory_space<vmem>> -> memref<128xi32, #tpu.memory_space<vmem>>
    %dma_start3A_60 = arith.constant 0 : i32
    %dma_start3A_61 = arith.constant 0 : i32
    %dma_start3A_62 = tpu.memref_slice %arg5[%dma_start3A_60, %dma_start3A_61] : memref<1000001x32xf32, #tpu.memory_space<hbm>> -> memref<1000001x32xf32, #tpu.memory_space<hbm>>
    %dma_start3A_63 = tpu.memref_slice %arg13[%dma_start3A_52] : memref<4x!tpu.dma_semaphore, #tpu.memory_space<semaphore_mem>> -> memref<1x!tpu.dma_semaphore, #tpu.memory_space<semaphore_mem>>
    %dma_start3A_64 = tpu.memref_squeeze %dma_start3A_63 : memref<1x!tpu.dma_semaphore, #tpu.memory_space<semaphore_mem>> -> memref<!tpu.dma_semaphore, #tpu.memory_space<semaphore_mem>>
    tpu.enqueue_indirect_dma source(%dma_start3A_62 : memref<1000001x32xf32, #tpu.memory_space<hbm>>) target(%dma_start3A_56 : memref<128x32xf32, #tpu.memory_space<vmem>>) offsets(%dma_start3A_59 : memref<128xi32, #tpu.memory_space<vmem>>) semaphore(%dma_start3A_64 : memref<!tpu.dma_semaphore, #tpu.memory_space<semaphore_mem>>)
    %dma_start3A_65 = arith.constant 2 : i32
    %dma_start3A_66 = arith.constant 2 : i32
    %dma_start3A_67 = arith.constant 2 : i32
    %dma_start3A_68 = arith.constant 0 : i32
    %dma_start3A_69 = arith.constant 0 : i32
    %dma_start3A_70 = tpu.memref_slice %arg9[%dma_start3A_66, %dma_start3A_68, %dma_start3A_69] : memref<4x128x32xf32, #tpu.memory_space<vmem>> -> memref<1x128x32xf32, #tpu.memory_space<vmem>>
    %dma_start3A_71 = tpu.memref_squeeze %dma_start3A_70 : memref<1x128x32xf32, #tpu.memory_space<vmem>> -> memref<128x32xf32, #tpu.memory_space<vmem>>
    %dma_start3A_72 = arith.constant 0 : i32
    %dma_start3A_73 = tpu.memref_slice %arg7[%dma_start3A_65, %dma_start3A_72] : memref<104x128xi32, #tpu.memory_space<vmem>> -> memref<1x128xi32, #tpu.memory_space<vmem>>
    %dma_start3A_74 = tpu.memref_squeeze %dma_start3A_73 : memref<1x128xi32, #tpu.memory_space<vmem>> -> memref<128xi32, #tpu.memory_space<vmem>>
    %dma_start3A_75 = arith.constant 0 : i32
    %dma_start3A_76 = arith.constant 0 : i32
    %dma_start3A_77 = tpu.memref_slice %arg4[%dma_start3A_75, %dma_start3A_76] : memref<1000001x32xf32, #tpu.memory_space<hbm>> -> memref<1000001x32xf32, #tpu.memory_space<hbm>>
    %dma_start3A_78 = tpu.memref_slice %arg12[%dma_start3A_67] : memref<4x!tpu.dma_semaphore, #tpu.memory_space<semaphore_mem>> -> memref<1x!tpu.dma_semaphore, #tpu.memory_space<semaphore_mem>>
    %dma_start3A_79 = tpu.memref_squeeze %dma_start3A_78 : memref<1x!tpu.dma_semaphore, #tpu.memory_space<semaphore_mem>> -> memref<!tpu.dma_semaphore, #tpu.memory_space<semaphore_mem>>
    tpu.enqueue_indirect_dma source(%dma_start3A_77 : memref<1000001x32xf32, #tpu.memory_space<hbm>>) target(%dma_start3A_71 : memref<128x32xf32, #tpu.memory_space<vmem>>) offsets(%dma_start3A_74 : memref<128xi32, #tpu.memory_space<vmem>>) semaphore(%dma_start3A_79 : memref<!tpu.dma_semaphore, #tpu.memory_space<semaphore_mem>>)
    %dma_start3A_80 = arith.constant 2 : i32
    %dma_start3A_81 = arith.constant 2 : i32
    %dma_start3A_82 = arith.constant 2 : i32
    %dma_start3A_83 = arith.constant 0 : i32
    %dma_start3A_84 = arith.constant 0 : i32
    %dma_start3A_85 = tpu.memref_slice %arg10[%dma_start3A_81, %dma_start3A_83, %dma_start3A_84] : memref<4x128x32xf32, #tpu.memory_space<vmem>> -> memref<1x128x32xf32, #tpu.memory_space<vmem>>
    %dma_start3A_86 = tpu.memref_squeeze %dma_start3A_85 : memref<1x128x32xf32, #tpu.memory_space<vmem>> -> memref<128x32xf32, #tpu.memory_space<vmem>>
    %dma_start3A_87 = arith.constant 0 : i32
    %dma_start3A_88 = tpu.memref_slice %arg7[%dma_start3A_80, %dma_start3A_87] : memref<104x128xi32, #tpu.memory_space<vmem>> -> memref<1x128xi32, #tpu.memory_space<vmem>>
    %dma_start3A_89 = tpu.memref_squeeze %dma_start3A_88 : memref<1x128xi32, #tpu.memory_space<vmem>> -> memref<128xi32, #tpu.memory_space<vmem>>
    %dma_start3A_90 = arith.constant 0 : i32
    %dma_start3A_91 = arith.constant 0 : i32
    %dma_start3A_92 = tpu.memref_slice %arg5[%dma_start3A_90, %dma_start3A_91] : memref<1000001x32xf32, #tpu.memory_space<hbm>> -> memref<1000001x32xf32, #tpu.memory_space<hbm>>
    %dma_start3A_93 = tpu.memref_slice %arg13[%dma_start3A_82] : memref<4x!tpu.dma_semaphore, #tpu.memory_space<semaphore_mem>> -> memref<1x!tpu.dma_semaphore, #tpu.memory_space<semaphore_mem>>
    %dma_start3A_94 = tpu.memref_squeeze %dma_start3A_93 : memref<1x!tpu.dma_semaphore, #tpu.memory_space<semaphore_mem>> -> memref<!tpu.dma_semaphore, #tpu.memory_space<semaphore_mem>>
    tpu.enqueue_indirect_dma source(%dma_start3A_92 : memref<1000001x32xf32, #tpu.memory_space<hbm>>) target(%dma_start3A_86 : memref<128x32xf32, #tpu.memory_space<vmem>>) offsets(%dma_start3A_89 : memref<128xi32, #tpu.memory_space<vmem>>) semaphore(%dma_start3A_94 : memref<!tpu.dma_semaphore, #tpu.memory_space<semaphore_mem>>)
    %dma_start3A_95 = arith.constant 3 : i32
    %dma_start3A_96 = arith.constant 3 : i32
    %dma_start3A_97 = arith.constant 3 : i32
    %dma_start3A_98 = arith.constant 0 : i32
    %dma_start3A_99 = arith.constant 0 : i32
    %dma_start3A_100 = tpu.memref_slice %arg9[%dma_start3A_96, %dma_start3A_98, %dma_start3A_99] : memref<4x128x32xf32, #tpu.memory_space<vmem>> -> memref<1x128x32xf32, #tpu.memory_space<vmem>>
    %dma_start3A_101 = tpu.memref_squeeze %dma_start3A_100 : memref<1x128x32xf32, #tpu.memory_space<vmem>> -> memref<128x32xf32, #tpu.memory_space<vmem>>
    %dma_start3A_102 = arith.constant 0 : i32
    %dma_start3A_103 = tpu.memref_slice %arg7[%dma_start3A_95, %dma_start3A_102] : memref<104x128xi32, #tpu.memory_space<vmem>> -> memref<1x128xi32, #tpu.memory_space<vmem>>
    %dma_start3A_104 = tpu.memref_squeeze %dma_start3A_103 : memref<1x128xi32, #tpu.memory_space<vmem>> -> memref<128xi32, #tpu.memory_space<vmem>>
    %dma_start3A_105 = arith.constant 0 : i32
    %dma_start3A_106 = arith.constant 0 : i32
    %dma_start3A_107 = tpu.memref_slice %arg4[%dma_start3A_105, %dma_start3A_106] : memref<1000001x32xf32, #tpu.memory_space<hbm>> -> memref<1000001x32xf32, #tpu.memory_space<hbm>>
    %dma_start3A_108 = tpu.memref_slice %arg12[%dma_start3A_97] : memref<4x!tpu.dma_semaphore, #tpu.memory_space<semaphore_mem>> -> memref<1x!tpu.dma_semaphore, #tpu.memory_space<semaphore_mem>>
    %dma_start3A_109 = tpu.memref_squeeze %dma_start3A_108 : memref<1x!tpu.dma_semaphore, #tpu.memory_space<semaphore_mem>> -> memref<!tpu.dma_semaphore, #tpu.memory_space<semaphore_mem>>
    tpu.enqueue_indirect_dma source(%dma_start3A_107 : memref<1000001x32xf32, #tpu.memory_space<hbm>>) target(%dma_start3A_101 : memref<128x32xf32, #tpu.memory_space<vmem>>) offsets(%dma_start3A_104 : memref<128xi32, #tpu.memory_space<vmem>>) semaphore(%dma_start3A_109 : memref<!tpu.dma_semaphore, #tpu.memory_space<semaphore_mem>>)
    %dma_start3A_110 = arith.constant 3 : i32
    %dma_start3A_111 = arith.constant 3 : i32
    %dma_start3A_112 = arith.constant 3 : i32
    %dma_start3A_113 = arith.constant 0 : i32
    %dma_start3A_114 = arith.constant 0 : i32
    %dma_start3A_115 = tpu.memref_slice %arg10[%dma_start3A_111, %dma_start3A_113, %dma_start3A_114] : memref<4x128x32xf32, #tpu.memory_space<vmem>> -> memref<1x128x32xf32, #tpu.memory_space<vmem>>
    %dma_start3A_116 = tpu.memref_squeeze %dma_start3A_115 : memref<1x128x32xf32, #tpu.memory_space<vmem>> -> memref<128x32xf32, #tpu.memory_space<vmem>>
    %dma_start3A_117 = arith.constant 0 : i32
    %dma_start3A_118 = tpu.memref_slice %arg7[%dma_start3A_110, %dma_start3A_117] : memref<104x128xi32, #tpu.memory_space<vmem>> -> memref<1x128xi32, #tpu.memory_space<vmem>>
    %dma_start3A_119 = tpu.memref_squeeze %dma_start3A_118 : memref<1x128xi32, #tpu.memory_space<vmem>> -> memref<128xi32, #tpu.memory_space<vmem>>
    %dma_start3A_120 = arith.constant 0 : i32
    %dma_start3A_121 = arith.constant 0 : i32
    %dma_start3A_122 = tpu.memref_slice %arg5[%dma_start3A_120, %dma_start3A_121] : memref<1000001x32xf32, #tpu.memory_space<hbm>> -> memref<1000001x32xf32, #tpu.memory_space<hbm>>
    %dma_start3A_123 = tpu.memref_slice %arg13[%dma_start3A_112] : memref<4x!tpu.dma_semaphore, #tpu.memory_space<semaphore_mem>> -> memref<1x!tpu.dma_semaphore, #tpu.memory_space<semaphore_mem>>
    %dma_start3A_124 = tpu.memref_squeeze %dma_start3A_123 : memref<1x!tpu.dma_semaphore, #tpu.memory_space<semaphore_mem>> -> memref<!tpu.dma_semaphore, #tpu.memory_space<semaphore_mem>>
    tpu.enqueue_indirect_dma source(%dma_start3A_122 : memref<1000001x32xf32, #tpu.memory_space<hbm>>) target(%dma_start3A_116 : memref<128x32xf32, #tpu.memory_space<vmem>>) offsets(%dma_start3A_119 : memref<128xi32, #tpu.memory_space<vmem>>) semaphore(%dma_start3A_124 : memref<!tpu.dma_semaphore, #tpu.memory_space<semaphore_mem>>)
    %scan3A = arith.constant 0 : i32
    %scan3A_125 = arith.constant 26 : i32
    %scan3A_126 = arith.addi %scan3A, %scan3A_125 : i32
    %scan3A_127 = arith.constant 1 : i32
    scf.for %scan3A_216 = %scan3A to %scan3A_126 step %scan3A_127  : i32 {
      %mul3A_217 = arith.constant 4 : i32
      %mul3A_218 = arith.muli %scan3A_216, %mul3A_217 : i32
      %add3A_219 = arith.constant 0 : i32
      %add3A_220 = arith.addi %add3A_219, %mul3A_218 : i32
      %add3A_221 = arith.constant 0 : i32
      %add3A_222 = arith.addi %add3A_220, %add3A_221 : i32
      %ge3A = arith.constant 4 : i32
      %ge3A_223 = arith.cmpi sge, %add3A_222, %ge3A : i32
      %convert_element_type3A = arith.extui %ge3A_223 : i1 to i32
      %cond3A = arith.constant 0 : i32
      %cond3A_224 = arith.cmpi ne, %convert_element_type3A, %cond3A : i32
      scf.if %cond3A_224 {
        %sub3A = arith.constant 4 : i32
        %sub3A_493 = arith.subi %add3A_222, %sub3A : i32
        %mul3A_494 = arith.constant 104 : i32
        %mul3A_495 = arith.muli %add3A, %mul3A_494 : i32
        %add3A_496 = arith.addi %mul3A_495, %sub3A_493 : i32
        %mul3A_497 = arith.constant 128 : i32
        %mul3A_498 = arith.muli %add3A_496, %mul3A_497 : i32
        %dma_wait3A_499 = arith.constant 0 : i32
        %dma_wait3A_500 = arith.constant 0 : i32
        %dma_wait3A_501 = arith.constant 0 : i32
        %dma_wait3A_502 = arith.constant 0 : i32
        %dma_wait3A_503 = tpu.memref_slice %arg11[%dma_wait3A_499, %dma_wait3A_501, %dma_wait3A_502] : memref<4x128x32xf32, #tpu.memory_space<vmem>> -> memref<1x128x32xf32, #tpu.memory_space<vmem>>
        %dma_wait3A_504 = tpu.memref_squeeze %dma_wait3A_503 : memref<1x128x32xf32, #tpu.memory_space<vmem>> -> memref<128x32xf32, #tpu.memory_space<vmem>>
        %dma_wait3A_505 = arith.constant 0 : i32
        %dma_wait3A_506 = tpu.memref_slice %arg6[%mul3A_498, %dma_wait3A_505] : memref<425984x32xf32, #tpu.memory_space<hbm>> -> memref<128x32xf32, #tpu.memory_space<hbm>>
        %dma_wait3A_507 = tpu.memref_slice %arg14[%dma_wait3A_500] : memref<4x!tpu.dma_semaphore, #tpu.memory_space<semaphore_mem>> -> memref<1x!tpu.dma_semaphore, #tpu.memory_space<semaphore_mem>>
        %dma_wait3A_508 = tpu.memref_squeeze %dma_wait3A_507 : memref<1x!tpu.dma_semaphore, #tpu.memory_space<semaphore_mem>> -> memref<!tpu.dma_semaphore, #tpu.memory_space<semaphore_mem>>
        %dma_wait3A_509 = arith.constant 0 : i32
        %dma_wait3A_510 = tpu.memref_slice %arg6[%mul3A_498, %dma_wait3A_509] : memref<425984x32xf32, #tpu.memory_space<hbm>> -> memref<128x32xf32, #tpu.memory_space<hbm>>
        %dma_wait3A_511 = arith.constant 0 : i32
        %dma_wait3A_512 = arith.constant 0 : i32
        %dma_wait3A_513 = tpu.memref_slice %arg11[%dma_wait3A_499, %dma_wait3A_511, %dma_wait3A_512] : memref<4x128x32xf32, #tpu.memory_space<vmem>> -> memref<1x128x32xf32, #tpu.memory_space<vmem>>
        %dma_wait3A_514 = tpu.memref_squeeze %dma_wait3A_513 : memref<1x128x32xf32, #tpu.memory_space<vmem>> -> memref<128x32xf32, #tpu.memory_space<vmem>>
        tpu.wait_dma2 semaphore(%dma_wait3A_508 : memref<!tpu.dma_semaphore, #tpu.memory_space<semaphore_mem>>) src(%dma_wait3A_514 : memref<128x32xf32, #tpu.memory_space<vmem>>) dst(%dma_wait3A_510 : memref<128x32xf32, #tpu.memory_space<hbm>>)
      } else {
      }
      %dma_wait3A_225 = arith.constant 0 : i32
      %dma_wait3A_226 = arith.constant 0 : i32
      %dma_wait3A_227 = arith.constant 0 : i32
      %dma_wait3A_228 = arith.constant 0 : i32
      %dma_wait3A_229 = tpu.memref_slice %arg9[%dma_wait3A_225, %dma_wait3A_227, %dma_wait3A_228] : memref<4x128x32xf32, #tpu.memory_space<vmem>> -> memref<1x128x32xf32, #tpu.memory_space<vmem>>
      %dma_wait3A_230 = tpu.memref_squeeze %dma_wait3A_229 : memref<1x128x32xf32, #tpu.memory_space<vmem>> -> memref<128x32xf32, #tpu.memory_space<vmem>>
      %dma_wait3A_231 = arith.constant 0 : i32
      %dma_wait3A_232 = tpu.memref_slice %arg7[%add3A_222, %dma_wait3A_231] : memref<104x128xi32, #tpu.memory_space<vmem>> -> memref<1x128xi32, #tpu.memory_space<vmem>>
      %dma_wait3A_233 = tpu.memref_squeeze %dma_wait3A_232 : memref<1x128xi32, #tpu.memory_space<vmem>> -> memref<128xi32, #tpu.memory_space<vmem>>
      %dma_wait3A_234 = arith.constant 0 : i32
      %dma_wait3A_235 = arith.constant 0 : i32
      %dma_wait3A_236 = tpu.memref_slice %arg4[%dma_wait3A_234, %dma_wait3A_235] : memref<1000001x32xf32, #tpu.memory_space<hbm>> -> memref<1000001x32xf32, #tpu.memory_space<hbm>>
      %dma_wait3A_237 = tpu.memref_slice %arg12[%dma_wait3A_226] : memref<4x!tpu.dma_semaphore, #tpu.memory_space<semaphore_mem>> -> memref<1x!tpu.dma_semaphore, #tpu.memory_space<semaphore_mem>>
      %dma_wait3A_238 = tpu.memref_squeeze %dma_wait3A_237 : memref<1x!tpu.dma_semaphore, #tpu.memory_space<semaphore_mem>> -> memref<!tpu.dma_semaphore, #tpu.memory_space<semaphore_mem>>
      tpu.wait_indirect_dma semaphore(%dma_wait3A_238 : memref<!tpu.dma_semaphore, #tpu.memory_space<semaphore_mem>>) src(%dma_wait3A_236 : memref<1000001x32xf32, #tpu.memory_space<hbm>>) dst(%dma_wait3A_230 : memref<128x32xf32, #tpu.memory_space<vmem>>)
      %dma_wait3A_239 = arith.constant 0 : i32
      %dma_wait3A_240 = arith.constant 0 : i32
      %dma_wait3A_241 = arith.constant 0 : i32
      %dma_wait3A_242 = arith.constant 0 : i32
      %dma_wait3A_243 = tpu.memref_slice %arg10[%dma_wait3A_239, %dma_wait3A_241, %dma_wait3A_242] : memref<4x128x32xf32, #tpu.memory_space<vmem>> -> memref<1x128x32xf32, #tpu.memory_space<vmem>>
      %dma_wait3A_244 = tpu.memref_squeeze %dma_wait3A_243 : memref<1x128x32xf32, #tpu.memory_space<vmem>> -> memref<128x32xf32, #tpu.memory_space<vmem>>
      %dma_wait3A_245 = arith.constant 0 : i32
      %dma_wait3A_246 = tpu.memref_slice %arg7[%add3A_222, %dma_wait3A_245] : memref<104x128xi32, #tpu.memory_space<vmem>> -> memref<1x128xi32, #tpu.memory_space<vmem>>
      %dma_wait3A_247 = tpu.memref_squeeze %dma_wait3A_246 : memref<1x128xi32, #tpu.memory_space<vmem>> -> memref<128xi32, #tpu.memory_space<vmem>>
      %dma_wait3A_248 = arith.constant 0 : i32
      %dma_wait3A_249 = arith.constant 0 : i32
      %dma_wait3A_250 = tpu.memref_slice %arg5[%dma_wait3A_248, %dma_wait3A_249] : memref<1000001x32xf32, #tpu.memory_space<hbm>> -> memref<1000001x32xf32, #tpu.memory_space<hbm>>
      %dma_wait3A_251 = tpu.memref_slice %arg13[%dma_wait3A_240] : memref<4x!tpu.dma_semaphore, #tpu.memory_space<semaphore_mem>> -> memref<1x!tpu.dma_semaphore, #tpu.memory_space<semaphore_mem>>
      %dma_wait3A_252 = tpu.memref_squeeze %dma_wait3A_251 : memref<1x!tpu.dma_semaphore, #tpu.memory_space<semaphore_mem>> -> memref<!tpu.dma_semaphore, #tpu.memory_space<semaphore_mem>>
      tpu.wait_indirect_dma semaphore(%dma_wait3A_252 : memref<!tpu.dma_semaphore, #tpu.memory_space<semaphore_mem>>) src(%dma_wait3A_250 : memref<1000001x32xf32, #tpu.memory_space<hbm>>) dst(%dma_wait3A_244 : memref<128x32xf32, #tpu.memory_space<vmem>>)
      %scan3A_253 = arith.constant 0 : i32
      %scan3A_254 = arith.constant 0 : i32
      %scan3A_255 = arith.constant 8 : i32
      %scan3A_256 = arith.addi %scan3A_254, %scan3A_255 : i32
      %scan3A_257 = arith.constant 1 : i32
      scf.for %scan3A_493 = %scan3A_254 to %scan3A_256 step %scan3A_257  : i32 {
        %mul3A_494 = arith.constant 128 : i32
        %mul3A_495 = arith.muli %add3A_222, %mul3A_494 : i32
        %mul3A_496 = arith.constant 16 : i32
        %mul3A_497 = arith.muli %scan3A_493, %mul3A_496 : i32
        %add3A_498 = arith.addi %mul3A_495, %mul3A_497 : i32
        %get3A = arith.index_cast %add3A_498 : i32 to index
        %get3A_499 = tpu.vector_load %arg8[%get3A] {strides = array<i32>} : memref<13312xf32, #tpu.memory_space<vmem>>, vector<16xf32>,
        %get3A_500 = vector.shape_cast %get3A_499 : vector<16xf32> to vector<16xf32>
        %mul3A_501 = arith.constant 16 : i32
        %mul3A_502 = arith.muli %scan3A_493, %mul3A_501 : i32
        %add3A_503 = arith.constant 0 : i32
        %add3A_504 = arith.addi %mul3A_502, %add3A_503 : i32
        %add3A_505 = arith.constant 0 : i32
        %add3A_506 = vector.broadcast %add3A_505 : i32 to vector<16xi32>
        %add3A_507 = arith.addi %mul3A_5, %add3A_506 : vector<16xi32>
        %lt3A_508 = arith.constant 0 : i32
        %lt3A_509 = vector.broadcast %lt3A_508 : i32 to vector<16xi32>
        %lt3A_510 = arith.cmpi slt, %add3A_507, %lt3A_509 : vector<16xi32>
        %add3A_511 = arith.constant 16 : i32
        %add3A_512 = vector.broadcast %add3A_511 : i32 to vector<16xi32>
        %add3A_513 = arith.addi %add3A_507, %add3A_512 : vector<16xi32>
        %select_n3A = arith.select %lt3A_510, %add3A_513, %add3A_507 : vector<16xi1>, vector<16xi32>
        %broadcast_in_dim3A = vector.shape_cast %select_n3A : vector<16xi32> to vector<16x1xi32>
        %gather3A = vector.shape_cast %broadcast_in_dim3A : vector<16x1xi32> to vector<16xi32>
        %gather3A_514 = tpu.dynamic_gather %get3A_500[%gather3A] in [0] : vector<16xf32>, vector<16xi32> -> vector<16xf32>
        %get3A_515 = arith.constant 0 : i32
        %get3A_516 = arith.index_cast %get3A_515 : i32 to index
        %get3A_517 = arith.index_cast %add3A_504 : i32 to index
        %get3A_518 = arith.constant 0 : index
        %get3A_519 = tpu.vector_load %arg9[%get3A_516, %get3A_517, %get3A_518] {strides = array<i32>} : memref<4x128x32xf32, #tpu.memory_space<vmem>>, vector<1x1x16xf32>,
        %get3A_520 = vector.shape_cast %get3A_519 : vector<1x1x16xf32> to vector<16xf32>
        %get3A_521 = arith.constant 0 : i32
        %get3A_522 = arith.index_cast %get3A_521 : i32 to index
        %get3A_523 = arith.index_cast %add3A_504 : i32 to index
        %get3A_524 = arith.constant 16 : index
        %get3A_525 = tpu.vector_load %arg9[%get3A_522, %get3A_523, %get3A_524] {strides = array<i32>} : memref<4x128x32xf32, #tpu.memory_space<vmem>>, vector<1x1x16xf32>,
        %get3A_526 = vector.shape_cast %get3A_525 : vector<1x1x16xf32> to vector<16xf32>
        %get3A_527 = arith.constant 0 : i32
        %get3A_528 = arith.index_cast %get3A_527 : i32 to index
        %get3A_529 = arith.index_cast %add3A_504 : i32 to index
        %get3A_530 = arith.constant 0 : index
        %get3A_531 = tpu.vector_load %arg10[%get3A_528, %get3A_529, %get3A_530] {strides = array<i32>} : memref<4x128x32xf32, #tpu.memory_space<vmem>>, vector<1x1x16xf32>,
        %get3A_532 = vector.shape_cast %get3A_531 : vector<1x1x16xf32> to vector<16xf32>
        %get3A_533 = arith.constant 0 : i32
        %get3A_534 = arith.index_cast %get3A_533 : i32 to index
        %get3A_535 = arith.index_cast %add3A_504 : i32 to index
        %get3A_536 = arith.constant 16 : index
        %get3A_537 = tpu.vector_load %arg10[%get3A_534, %get3A_535, %get3A_536] {strides = array<i32>} : memref<4x128x32xf32, #tpu.memory_space<vmem>>, vector<1x1x16xf32>,
        %get3A_538 = vector.shape_cast %get3A_537 : vector<1x1x16xf32> to vector<16xf32>
        %mul3A_539 = arith.mulf %get3A_520, %gather3A_514 : vector<16xf32>
        %add3A_540 = arith.addf %mul3A_539, %get3A_532 : vector<16xf32>
        %swap3A = arith.constant 0 : i32
        %swap3A_541 = arith.index_cast %swap3A : i32 to index
        %swap3A_542 = arith.index_cast %add3A_504 : i32 to index
        %swap3A_543 = arith.constant 0 : index
        %swap3A_544 = tpu.vector_load %arg11[%swap3A_541, %swap3A_542, %swap3A_543] {strides = array<i32>} : memref<4x128x32xf32, #tpu.memory_space<vmem>>, vector<1x1x16xf32>,
        %swap3A_545 = vector.shape_cast %swap3A_544 : vector<1x1x16xf32> to vector<16xf32>
        %swap3A_546 = vector.shape_cast %add3A_540 : vector<16xf32> to vector<1x1x16xf32>
        tpu.vector_store %arg11[%swap3A_541, %swap3A_542, %swap3A_543], %swap3A_546 {strides = array<i32>} : memref<4x128x32xf32, #tpu.memory_space<vmem>>, vector<1x1x16xf32>,
        %mul3A_547 = arith.mulf %get3A_526, %gather3A_514 : vector<16xf32>
        %add3A_548 = arith.addf %mul3A_547, %get3A_538 : vector<16xf32>
        %swap3A_549 = arith.constant 0 : i32
        %swap3A_550 = arith.index_cast %swap3A_549 : i32 to index
        %swap3A_551 = arith.index_cast %add3A_504 : i32 to index
        %swap3A_552 = arith.constant 16 : index
        %swap3A_553 = tpu.vector_load %arg11[%swap3A_550, %swap3A_551, %swap3A_552] {strides = array<i32>} : memref<4x128x32xf32, #tpu.memory_space<vmem>>, vector<1x1x16xf32>,
        %swap3A_554 = vector.shape_cast %swap3A_553 : vector<1x1x16xf32> to vector<16xf32>
        %swap3A_555 = vector.shape_cast %add3A_548 : vector<16xf32> to vector<1x1x16xf32>
        tpu.vector_store %arg11[%swap3A_550, %swap3A_551, %swap3A_552], %swap3A_555 {strides = array<i32>} : memref<4x128x32xf32, #tpu.memory_space<vmem>>, vector<1x1x16xf32>,
        %mul3A_556 = arith.constant 16 : i32
        %mul3A_557 = arith.muli %scan3A_493, %mul3A_556 : i32
        %add3A_558 = arith.constant 1 : i32
        %add3A_559 = arith.addi %mul3A_557, %add3A_558 : i32
        %add3A_560 = arith.constant 1 : i32
        %add3A_561 = vector.broadcast %add3A_560 : i32 to vector<16xi32>
        %add3A_562 = arith.addi %mul3A_5, %add3A_561 : vector<16xi32>
        %lt3A_563 = arith.constant 0 : i32
        %lt3A_564 = vector.broadcast %lt3A_563 : i32 to vector<16xi32>
        %lt3A_565 = arith.cmpi slt, %add3A_562, %lt3A_564 : vector<16xi32>
        %add3A_566 = arith.constant 16 : i32
        %add3A_567 = vector.broadcast %add3A_566 : i32 to vector<16xi32>
        %add3A_568 = arith.addi %add3A_562, %add3A_567 : vector<16xi32>
        %select_n3A_569 = arith.select %lt3A_565, %add3A_568, %add3A_562 : vector<16xi1>, vector<16xi32>
        %broadcast_in_dim3A_570 = vector.shape_cast %select_n3A_569 : vector<16xi32> to vector<16x1xi32>
        %gather3A_571 = vector.shape_cast %broadcast_in_dim3A_570 : vector<16x1xi32> to vector<16xi32>
        %gather3A_572 = tpu.dynamic_gather %get3A_500[%gather3A_571] in [0] : vector<16xf32>, vector<16xi32> -> vector<16xf32>
        %get3A_573 = arith.constant 0 : i32
        %get3A_574 = arith.index_cast %get3A_573 : i32 to index
        %get3A_575 = arith.index_cast %add3A_559 : i32 to index
        %get3A_576 = arith.constant 0 : index
        %get3A_577 = tpu.vector_load %arg9[%get3A_574, %get3A_575, %get3A_576] {strides = array<i32>} : memref<4x128x32xf32, #tpu.memory_space<vmem>>, vector<1x1x16xf32>,
        %get3A_578 = vector.shape_cast %get3A_577 : vector<1x1x16xf32> to vector<16xf32>
        %get3A_579 = arith.constant 0 : i32
        %get3A_580 = arith.index_cast %get3A_579 : i32 to index
        %get3A_581 = arith.index_cast %add3A_559 : i32 to index
        %get3A_582 = arith.constant 16 : index
        %get3A_583 = tpu.vector_load %arg9[%get3A_580, %get3A_581, %get3A_582] {strides = array<i32>} : memref<4x128x32xf32, #tpu.memory_space<vmem>>, vector<1x1x16xf32>,
        %get3A_584 = vector.shape_cast %get3A_583 : vector<1x1x16xf32> to vector<16xf32>
        %get3A_585 = arith.constant 0 : i32
        %get3A_586 = arith.index_cast %get3A_585 : i32 to index
        %get3A_587 = arith.index_cast %add3A_559 : i32 to index
        %get3A_588 = arith.constant 0 : index
        %get3A_589 = tpu.vector_load %arg10[%get3A_586, %get3A_587, %get3A_588] {strides = array<i32>} : memref<4x128x32xf32, #tpu.memory_space<vmem>>, vector<1x1x16xf32>,
        %get3A_590 = vector.shape_cast %get3A_589 : vector<1x1x16xf32> to vector<16xf32>
        %get3A_591 = arith.constant 0 : i32
        %get3A_592 = arith.index_cast %get3A_591 : i32 to index
        %get3A_593 = arith.index_cast %add3A_559 : i32 to index
        %get3A_594 = arith.constant 16 : index
        %get3A_595 = tpu.vector_load %arg10[%get3A_592, %get3A_593, %get3A_594] {strides = array<i32>} : memref<4x128x32xf32, #tpu.memory_space<vmem>>, vector<1x1x16xf32>,
        %get3A_596 = vector.shape_cast %get3A_595 : vector<1x1x16xf32> to vector<16xf32>
        %mul3A_597 = arith.mulf %get3A_578, %gather3A_572 : vector<16xf32>
        %add3A_598 = arith.addf %mul3A_597, %get3A_590 : vector<16xf32>
        %swap3A_599 = arith.constant 0 : i32
        %swap3A_600 = arith.index_cast %swap3A_599 : i32 to index
        %swap3A_601 = arith.index_cast %add3A_559 : i32 to index
        %swap3A_602 = arith.constant 0 : index
        %swap3A_603 = tpu.vector_load %arg11[%swap3A_600, %swap3A_601, %swap3A_602] {strides = array<i32>} : memref<4x128x32xf32, #tpu.memory_space<vmem>>, vector<1x1x16xf32>,
        %swap3A_604 = vector.shape_cast %swap3A_603 : vector<1x1x16xf32> to vector<16xf32>
        %swap3A_605 = vector.shape_cast %add3A_598 : vector<16xf32> to vector<1x1x16xf32>
        tpu.vector_store %arg11[%swap3A_600, %swap3A_601, %swap3A_602], %swap3A_605 {strides = array<i32>} : memref<4x128x32xf32, #tpu.memory_space<vmem>>, vector<1x1x16xf32>,
        %mul3A_606 = arith.mulf %get3A_584, %gather3A_572 : vector<16xf32>
        %add3A_607 = arith.addf %mul3A_606, %get3A_596 : vector<16xf32>
        %swap3A_608 = arith.constant 0 : i32
        %swap3A_609 = arith.index_cast %swap3A_608 : i32 to index
        %swap3A_610 = arith.index_cast %add3A_559 : i32 to index
        %swap3A_611 = arith.constant 16 : index
        %swap3A_612 = tpu.vector_load %arg11[%swap3A_609, %swap3A_610, %swap3A_611] {strides = array<i32>} : memref<4x128x32xf32, #tpu.memory_space<vmem>>, vector<1x1x16xf32>,
        %swap3A_613 = vector.shape_cast %swap3A_612 : vector<1x1x16xf32> to vector<16xf32>
        %swap3A_614 = vector.shape_cast %add3A_607 : vector<16xf32> to vector<1x1x16xf32>
        tpu.vector_store %arg11[%swap3A_609, %swap3A_610, %swap3A_611], %swap3A_614 {strides = array<i32>} : memref<4x128x32xf32, #tpu.memory_space<vmem>>, vector<1x1x16xf32>,
        %mul3A_615 = arith.constant 16 : i32
        %mul3A_616 = arith.muli %scan3A_493, %mul3A_615 : i32
        %add3A_617 = arith.constant 2 : i32
        %add3A_618 = arith.addi %mul3A_616, %add3A_617 : i32
        %add3A_619 = arith.constant 2 : i32
        %add3A_620 = vector.broadcast %add3A_619 : i32 to vector<16xi32>
        %add3A_621 = arith.addi %mul3A_5, %add3A_620 : vector<16xi32>
        %lt3A_622 = arith.constant 0 : i32
        %lt3A_623 = vector.broadcast %lt3A_622 : i32 to vector<16xi32>
        %lt3A_624 = arith.cmpi slt, %add3A_621, %lt3A_623 : vector<16xi32>
        %add3A_625 = arith.constant 16 : i32
        %add3A_626 = vector.broadcast %add3A_625 : i32 to vector<16xi32>
        %add3A_627 = arith.addi %add3A_621, %add3A_626 : vector<16xi32>
        %select_n3A_628 = arith.select %lt3A_624, %add3A_627, %add3A_621 : vector<16xi1>, vector<16xi32>
        %broadcast_in_dim3A_629 = vector.shape_cast %select_n3A_628 : vector<16xi32> to vector<16x1xi32>
        %gather3A_630 = vector.shape_cast %broadcast_in_dim3A_629 : vector<16x1xi32> to vector<16xi32>
        %gather3A_631 = tpu.dynamic_gather %get3A_500[%gather3A_630] in [0] : vector<16xf32>, vector<16xi32> -> vector<16xf32>
        %get3A_632 = arith.constant 0 : i32
        %get3A_633 = arith.index_cast %get3A_632 : i32 to index
        %get3A_634 = arith.index_cast %add3A_618 : i32 to index
        %get3A_635 = arith.constant 0 : index
        %get3A_636 = tpu.vector_load %arg9[%get3A_633, %get3A_634, %get3A_635] {strides = array<i32>} : memref<4x128x32xf32, #tpu.memory_space<vmem>>, vector<1x1x16xf32>,
        %get3A_637 = vector.shape_cast %get3A_636 : vector<1x1x16xf32> to vector<16xf32>
        %get3A_638 = arith.constant 0 : i32
        %get3A_639 = arith.index_cast %get3A_638 : i32 to index
        %get3A_640 = arith.index_cast %add3A_618 : i32 to index
        %get3A_641 = arith.constant 16 : index
        %get3A_642 = tpu.vector_load %arg9[%get3A_639, %get3A_640, %get3A_641] {strides = array<i32>} : memref<4x128x32xf32, #tpu.memory_space<vmem>>, vector<1x1x16xf32>,
        %get3A_643 = vector.shape_cast %get3A_642 : vector<1x1x16xf32> to vector<16xf32>
        %get3A_644 = arith.constant 0 : i32
        %get3A_645 = arith.index_cast %get3A_644 : i32 to index
        %get3A_646 = arith.index_cast %add3A_618 : i32 to index
        %get3A_647 = arith.constant 0 : index
        %get3A_648 = tpu.vector_load %arg10[%get3A_645, %get3A_646, %get3A_647] {strides = array<i32>} : memref<4x128x32xf32, #tpu.memory_space<vmem>>, vector<1x1x16xf32>,
        %get3A_649 = vector.shape_cast %get3A_648 : vector<1x1x16xf32> to vector<16xf32>
        %get3A_650 = arith.constant 0 : i32
        %get3A_651 = arith.index_cast %get3A_650 : i32 to index
        %get3A_652 = arith.index_cast %add3A_618 : i32 to index
        %get3A_653 = arith.constant 16 : index
        %get3A_654 = tpu.vector_load %arg10[%get3A_651, %get3A_652, %get3A_653] {strides = array<i32>} : memref<4x128x32xf32, #tpu.memory_space<vmem>>, vector<1x1x16xf32>,
        %get3A_655 = vector.shape_cast %get3A_654 : vector<1x1x16xf32> to vector<16xf32>
        %mul3A_656 = arith.mulf %get3A_637, %gather3A_631 : vector<16xf32>
        %add3A_657 = arith.addf %mul3A_656, %get3A_649 : vector<16xf32>
        %swap3A_658 = arith.constant 0 : i32
        %swap3A_659 = arith.index_cast %swap3A_658 : i32 to index
        %swap3A_660 = arith.index_cast %add3A_618 : i32 to index
        %swap3A_661 = arith.constant 0 : index
        %swap3A_662 = tpu.vector_load %arg11[%swap3A_659, %swap3A_660, %swap3A_661] {strides = array<i32>} : memref<4x128x32xf32, #tpu.memory_space<vmem>>, vector<1x1x16xf32>,
        %swap3A_663 = vector.shape_cast %swap3A_662 : vector<1x1x16xf32> to vector<16xf32>
        %swap3A_664 = vector.shape_cast %add3A_657 : vector<16xf32> to vector<1x1x16xf32>
        tpu.vector_store %arg11[%swap3A_659, %swap3A_660, %swap3A_661], %swap3A_664 {strides = array<i32>} : memref<4x128x32xf32, #tpu.memory_space<vmem>>, vector<1x1x16xf32>,
        %mul3A_665 = arith.mulf %get3A_643, %gather3A_631 : vector<16xf32>
        %add3A_666 = arith.addf %mul3A_665, %get3A_655 : vector<16xf32>
        %swap3A_667 = arith.constant 0 : i32
        %swap3A_668 = arith.index_cast %swap3A_667 : i32 to index
        %swap3A_669 = arith.index_cast %add3A_618 : i32 to index
        %swap3A_670 = arith.constant 16 : index
        %swap3A_671 = tpu.vector_load %arg11[%swap3A_668, %swap3A_669, %swap3A_670] {strides = array<i32>} : memref<4x128x32xf32, #tpu.memory_space<vmem>>, vector<1x1x16xf32>,
        %swap3A_672 = vector.shape_cast %swap3A_671 : vector<1x1x16xf32> to vector<16xf32>
        %swap3A_673 = vector.shape_cast %add3A_666 : vector<16xf32> to vector<1x1x16xf32>
        tpu.vector_store %arg11[%swap3A_668, %swap3A_669, %swap3A_670], %swap3A_673 {strides = array<i32>} : memref<4x128x32xf32, #tpu.memory_space<vmem>>, vector<1x1x16xf32>,
        %mul3A_674 = arith.constant 16 : i32
        %mul3A_675 = arith.muli %scan3A_493, %mul3A_674 : i32
        %add3A_676 = arith.constant 3 : i32
        %add3A_677 = arith.addi %mul3A_675, %add3A_676 : i32
        %add3A_678 = arith.constant 3 : i32
        %add3A_679 = vector.broadcast %add3A_678 : i32 to vector<16xi32>
        %add3A_680 = arith.addi %mul3A_5, %add3A_679 : vector<16xi32>
        %lt3A_681 = arith.constant 0 : i32
        %lt3A_682 = vector.broadcast %lt3A_681 : i32 to vector<16xi32>
        %lt3A_683 = arith.cmpi slt, %add3A_680, %lt3A_682 : vector<16xi32>
        %add3A_684 = arith.constant 16 : i32
        %add3A_685 = vector.broadcast %add3A_684 : i32 to vector<16xi32>
        %add3A_686 = arith.addi %add3A_680, %add3A_685 : vector<16xi32>
        %select_n3A_687 = arith.select %lt3A_683, %add3A_686, %add3A_680 : vector<16xi1>, vector<16xi32>
        %broadcast_in_dim3A_688 = vector.shape_cast %select_n3A_687 : vector<16xi32> to vector<16x1xi32>
        %gather3A_689 = vector.shape_cast %broadcast_in_dim3A_688 : vector<16x1xi32> to vector<16xi32>
        %gather3A_690 = tpu.dynamic_gather %get3A_500[%gather3A_689] in [0] : vector<16xf32>, vector<16xi32> -> vector<16xf32>
        %get3A_691 = arith.constant 0 : i32
        %get3A_692 = arith.index_cast %get3A_691 : i32 to index
        %get3A_693 = arith.index_cast %add3A_677 : i32 to index
        %get3A_694 = arith.constant 0 : index
        %get3A_695 = tpu.vector_load %arg9[%get3A_692, %get3A_693, %get3A_694] {strides = array<i32>} : memref<4x128x32xf32, #tpu.memory_space<vmem>>, vector<1x1x16xf32>,
        %get3A_696 = vector.shape_cast %get3A_695 : vector<1x1x16xf32> to vector<16xf32>
        %get3A_697 = arith.constant 0 : i32
        %get3A_698 = arith.index_cast %get3A_697 : i32 to index
        %get3A_699 = arith.index_cast %add3A_677 : i32 to index
        %get3A_700 = arith.constant 16 : index
        %get3A_701 = tpu.vector_load %arg9[%get3A_698, %get3A_699, %get3A_700] {strides = array<i32>} : memref<4x128x32xf32, #tpu.memory_space<vmem>>, vector<1x1x16xf32>,
        %get3A_702 = vector.shape_cast %get3A_701 : vector<1x1x16xf32> to vector<16xf32>
        %get3A_703 = arith.constant 0 : i32
        %get3A_704 = arith.index_cast %get3A_703 : i32 to index
        %get3A_705 = arith.index_cast %add3A_677 : i32 to index
        %get3A_706 = arith.constant 0 : index
        %get3A_707 = tpu.vector_load %arg10[%get3A_704, %get3A_705, %get3A_706] {strides = array<i32>} : memref<4x128x32xf32, #tpu.memory_space<vmem>>, vector<1x1x16xf32>,
        %get3A_708 = vector.shape_cast %get3A_707 : vector<1x1x16xf32> to vector<16xf32>
        %get3A_709 = arith.constant 0 : i32
        %get3A_710 = arith.index_cast %get3A_709 : i32 to index
        %get3A_711 = arith.index_cast %add3A_677 : i32 to index
        %get3A_712 = arith.constant 16 : index
        %get3A_713 = tpu.vector_load %arg10[%get3A_710, %get3A_711, %get3A_712] {strides = array<i32>} : memref<4x128x32xf32, #tpu.memory_space<vmem>>, vector<1x1x16xf32>,
        %get3A_714 = vector.shape_cast %get3A_713 : vector<1x1x16xf32> to vector<16xf32>
        %mul3A_715 = arith.mulf %get3A_696, %gather3A_690 : vector<16xf32>
        %add3A_716 = arith.addf %mul3A_715, %get3A_708 : vector<16xf32>
        %swap3A_717 = arith.constant 0 : i32
        %swap3A_718 = arith.index_cast %swap3A_717 : i32 to index
        %swap3A_719 = arith.index_cast %add3A_677 : i32 to index
        %swap3A_720 = arith.constant 0 : index
        %swap3A_721 = tpu.vector_load %arg11[%swap3A_718, %swap3A_719, %swap3A_720] {strides = array<i32>} : memref<4x128x32xf32, #tpu.memory_space<vmem>>, vector<1x1x16xf32>,
        %swap3A_722 = vector.shape_cast %swap3A_721 : vector<1x1x16xf32> to vector<16xf32>
        %swap3A_723 = vector.shape_cast %add3A_716 : vector<16xf32> to vector<1x1x16xf32>
        tpu.vector_store %arg11[%swap3A_718, %swap3A_719, %swap3A_720], %swap3A_723 {strides = array<i32>} : memref<4x128x32xf32, #tpu.memory_space<vmem>>, vector<1x1x16xf32>,
        %mul3A_724 = arith.mulf %get3A_702, %gather3A_690 : vector<16xf32>
        %add3A_725 = arith.addf %mul3A_724, %get3A_714 : vector<16xf32>
        %swap3A_726 = arith.constant 0 : i32
        %swap3A_727 = arith.index_cast %swap3A_726 : i32 to index
        %swap3A_728 = arith.index_cast %add3A_677 : i32 to index
        %swap3A_729 = arith.constant 16 : index
        %swap3A_730 = tpu.vector_load %arg11[%swap3A_727, %swap3A_728, %swap3A_729] {strides = array<i32>} : memref<4x128x32xf32, #tpu.memory_space<vmem>>, vector<1x1x16xf32>,
        %swap3A_731 = vector.shape_cast %swap3A_730 : vector<1x1x16xf32> to vector<16xf32>
        %swap3A_732 = vector.shape_cast %add3A_725 : vector<16xf32> to vector<1x1x16xf32>
        tpu.vector_store %arg11[%swap3A_727, %swap3A_728, %swap3A_729], %swap3A_732 {strides = array<i32>} : memref<4x128x32xf32, #tpu.memory_space<vmem>>, vector<1x1x16xf32>,
        %mul3A_733 = arith.constant 16 : i32
        %mul3A_734 = arith.muli %scan3A_493, %mul3A_733 : i32
        %add3A_735 = arith.constant 4 : i32
        %add3A_736 = arith.addi %mul3A_734, %add3A_735 : i32
        %add3A_737 = arith.constant 4 : i32
        %add3A_738 = vector.broadcast %add3A_737 : i32 to vector<16xi32>
        %add3A_739 = arith.addi %mul3A_5, %add3A_738 : vector<16xi32>
        %lt3A_740 = arith.constant 0 : i32
        %lt3A_741 = vector.broadcast %lt3A_740 : i32 to vector<16xi32>
        %lt3A_742 = arith.cmpi slt, %add3A_739, %lt3A_741 : vector<16xi32>
        %add3A_743 = arith.constant 16 : i32
        %add3A_744 = vector.broadcast %add3A_743 : i32 to vector<16xi32>
        %add3A_745 = arith.addi %add3A_739, %add3A_744 : vector<16xi32>
        %select_n3A_746 = arith.select %lt3A_742, %add3A_745, %add3A_739 : vector<16xi1>, vector<16xi32>
        %broadcast_in_dim3A_747 = vector.shape_cast %select_n3A_746 : vector<16xi32> to vector<16x1xi32>
        %gather3A_748 = vector.shape_cast %broadcast_in_dim3A_747 : vector<16x1xi32> to vector<16xi32>
        %gather3A_749 = tpu.dynamic_gather %get3A_500[%gather3A_748] in [0] : vector<16xf32>, vector<16xi32> -> vector<16xf32>
        %get3A_750 = arith.constant 0 : i32
        %get3A_751 = arith.index_cast %get3A_750 : i32 to index
        %get3A_752 = arith.index_cast %add3A_736 : i32 to index
        %get3A_753 = arith.constant 0 : index
        %get3A_754 = tpu.vector_load %arg9[%get3A_751, %get3A_752, %get3A_753] {strides = array<i32>} : memref<4x128x32xf32, #tpu.memory_space<vmem>>, vector<1x1x16xf32>,
        %get3A_755 = vector.shape_cast %get3A_754 : vector<1x1x16xf32> to vector<16xf32>
        %get3A_756 = arith.constant 0 : i32
        %get3A_757 = arith.index_cast %get3A_756 : i32 to index
        %get3A_758 = arith.index_cast %add3A_736 : i32 to index
        %get3A_759 = arith.constant 16 : index
        %get3A_760 = tpu.vector_load %arg9[%get3A_757, %get3A_758, %get3A_759] {strides = array<i32>} : memref<4x128x32xf32, #tpu.memory_space<vmem>>, vector<1x1x16xf32>,
        %get3A_761 = vector.shape_cast %get3A_760 : vector<1x1x16xf32> to vector<16xf32>
        %get3A_762 = arith.constant 0 : i32
        %get3A_763 = arith.index_cast %get3A_762 : i32 to index
        %get3A_764 = arith.index_cast %add3A_736 : i32 to index
        %get3A_765 = arith.constant 0 : index
        %get3A_766 = tpu.vector_load %arg10[%get3A_763, %get3A_764, %get3A_765] {strides = array<i32>} : memref<4x128x32xf32, #tpu.memory_space<vmem>>, vector<1x1x16xf32>,
        %get3A_767 = vector.shape_cast %get3A_766 : vector<1x1x16xf32> to vector<16xf32>
        %get3A_768 = arith.constant 0 : i32
        %get3A_769 = arith.index_cast %get3A_768 : i32 to index
        %get3A_770 = arith.index_cast %add3A_736 : i32 to index
        %get3A_771 = arith.constant 16 : index
        %get3A_772 = tpu.vector_load %arg10[%get3A_769, %get3A_770, %get3A_771] {strides = array<i32>} : memref<4x128x32xf32, #tpu.memory_space<vmem>>, vector<1x1x16xf32>,
        %get3A_773 = vector.shape_cast %get3A_772 : vector<1x1x16xf32> to vector<16xf32>
        %mul3A_774 = arith.mulf %get3A_755, %gather3A_749 : vector<16xf32>
        %add3A_775 = arith.addf %mul3A_774, %get3A_767 : vector<16xf32>
        %swap3A_776 = arith.constant 0 : i32
        %swap3A_777 = arith.index_cast %swap3A_776 : i32 to index
        %swap3A_778 = arith.index_cast %add3A_736 : i32 to index
        %swap3A_779 = arith.constant 0 : index
        %swap3A_780 = tpu.vector_load %arg11[%swap3A_777, %swap3A_778, %swap3A_779] {strides = array<i32>} : memref<4x128x32xf32, #tpu.memory_space<vmem>>, vector<1x1x16xf32>,
        %swap3A_781 = vector.shape_cast %swap3A_780 : vector<1x1x16xf32> to vector<16xf32>
        %swap3A_782 = vector.shape_cast %add3A_775 : vector<16xf32> to vector<1x1x16xf32>
        tpu.vector_store %arg11[%swap3A_777, %swap3A_778, %swap3A_779], %swap3A_782 {strides = array<i32>} : memref<4x128x32xf32, #tpu.memory_space<vmem>>, vector<1x1x16xf32>,
        %mul3A_783 = arith.mulf %get3A_761, %gather3A_749 : vector<16xf32>
        %add3A_784 = arith.addf %mul3A_783, %get3A_773 : vector<16xf32>
        %swap3A_785 = arith.constant 0 : i32
        %swap3A_786 = arith.index_cast %swap3A_785 : i32 to index
        %swap3A_787 = arith.index_cast %add3A_736 : i32 to index
        %swap3A_788 = arith.constant 16 : index
        %swap3A_789 = tpu.vector_load %arg11[%swap3A_786, %swap3A_787, %swap3A_788] {strides = array<i32>} : memref<4x128x32xf32, #tpu.memory_space<vmem>>, vector<1x1x16xf32>,
        %swap3A_790 = vector.shape_cast %swap3A_789 : vector<1x1x16xf32> to vector<16xf32>
        %swap3A_791 = vector.shape_cast %add3A_784 : vector<16xf32> to vector<1x1x16xf32>
        tpu.vector_store %arg11[%swap3A_786, %swap3A_787, %swap3A_788], %swap3A_791 {strides = array<i32>} : memref<4x128x32xf32, #tpu.memory_space<vmem>>, vector<1x1x16xf32>,
        %mul3A_792 = arith.constant 16 : i32
        %mul3A_793 = arith.muli %scan3A_493, %mul3A_792 : i32
        %add3A_794 = arith.constant 5 : i32
        %add3A_795 = arith.addi %mul3A_793, %add3A_794 : i32
        %add3A_796 = arith.constant 5 : i32
        %add3A_797 = vector.broadcast %add3A_796 : i32 to vector<16xi32>
        %add3A_798 = arith.addi %mul3A_5, %add3A_797 : vector<16xi32>
        %lt3A_799 = arith.constant 0 : i32
        %lt3A_800 = vector.broadcast %lt3A_799 : i32 to vector<16xi32>
        %lt3A_801 = arith.cmpi slt, %add3A_798, %lt3A_800 : vector<16xi32>
        %add3A_802 = arith.constant 16 : i32
        %add3A_803 = vector.broadcast %add3A_802 : i32 to vector<16xi32>
        %add3A_804 = arith.addi %add3A_798, %add3A_803 : vector<16xi32>
        %select_n3A_805 = arith.select %lt3A_801, %add3A_804, %add3A_798 : vector<16xi1>, vector<16xi32>
        %broadcast_in_dim3A_806 = vector.shape_cast %select_n3A_805 : vector<16xi32> to vector<16x1xi32>
        %gather3A_807 = vector.shape_cast %broadcast_in_dim3A_806 : vector<16x1xi32> to vector<16xi32>
        %gather3A_808 = tpu.dynamic_gather %get3A_500[%gather3A_807] in [0] : vector<16xf32>, vector<16xi32> -> vector<16xf32>
        %get3A_809 = arith.constant 0 : i32
        %get3A_810 = arith.index_cast %get3A_809 : i32 to index
        %get3A_811 = arith.index_cast %add3A_795 : i32 to index
        %get3A_812 = arith.constant 0 : index
        %get3A_813 = tpu.vector_load %arg9[%get3A_810, %get3A_811, %get3A_812] {strides = array<i32>} : memref<4x128x32xf32, #tpu.memory_space<vmem>>, vector<1x1x16xf32>,
        %get3A_814 = vector.shape_cast %get3A_813 : vector<1x1x16xf32> to vector<16xf32>
        %get3A_815 = arith.constant 0 : i32
        %get3A_816 = arith.index_cast %get3A_815 : i32 to index
        %get3A_817 = arith.index_cast %add3A_795 : i32 to index
        %get3A_818 = arith.constant 16 : index
        %get3A_819 = tpu.vector_load %arg9[%get3A_816, %get3A_817, %get3A_818] {strides = array<i32>} : memref<4x128x32xf32, #tpu.memory_space<vmem>>, vector<1x1x16xf32>,
        %get3A_820 = vector.shape_cast %get3A_819 : vector<1x1x16xf32> to vector<16xf32>
        %get3A_821 = arith.constant 0 : i32
        %get3A_822 = arith.index_cast %get3A_821 : i32 to index
        %get3A_823 = arith.index_cast %add3A_795 : i32 to index
        %get3A_824 = arith.constant 0 : index
        %get3A_825 = tpu.vector_load %arg10[%get3A_822, %get3A_823, %get3A_824] {strides = array<i32>} : memref<4x128x32xf32, #tpu.memory_space<vmem>>, vector<1x1x16xf32>,
        %get3A_826 = vector.shape_cast %get3A_825 : vector<1x1x16xf32> to vector<16xf32>
        %get3A_827 = arith.constant 0 : i32
        %get3A_828 = arith.index_cast %get3A_827 : i32 to index
        %get3A_829 = arith.index_cast %add3A_795 : i32 to index
        %get3A_830 = arith.constant 16 : index
        %get3A_831 = tpu.vector_load %arg10[%get3A_828, %get3A_829, %get3A_830] {strides = array<i32>} : memref<4x128x32xf32, #tpu.memory_space<vmem>>, vector<1x1x16xf32>,
        %get3A_832 = vector.shape_cast %get3A_831 : vector<1x1x16xf32> to vector<16xf32>
        %mul3A_833 = arith.mulf %get3A_814, %gather3A_808 : vector<16xf32>
        %add3A_834 = arith.addf %mul3A_833, %get3A_826 : vector<16xf32>
        %swap3A_835 = arith.constant 0 : i32
        %swap3A_836 = arith.index_cast %swap3A_835 : i32 to index
        %swap3A_837 = arith.index_cast %add3A_795 : i32 to index
        %swap3A_838 = arith.constant 0 : index
        %swap3A_839 = tpu.vector_load %arg11[%swap3A_836, %swap3A_837, %swap3A_838] {strides = array<i32>} : memref<4x128x32xf32, #tpu.memory_space<vmem>>, vector<1x1x16xf32>,
        %swap3A_840 = vector.shape_cast %swap3A_839 : vector<1x1x16xf32> to vector<16xf32>
        %swap3A_841 = vector.shape_cast %add3A_834 : vector<16xf32> to vector<1x1x16xf32>
        tpu.vector_store %arg11[%swap3A_836, %swap3A_837, %swap3A_838], %swap3A_841 {strides = array<i32>} : memref<4x128x32xf32, #tpu.memory_space<vmem>>, vector<1x1x16xf32>,
        %mul3A_842 = arith.mulf %get3A_820, %gather3A_808 : vector<16xf32>
        %add3A_843 = arith.addf %mul3A_842, %get3A_832 : vector<16xf32>
        %swap3A_844 = arith.constant 0 : i32
        %swap3A_845 = arith.index_cast %swap3A_844 : i32 to index
        %swap3A_846 = arith.index_cast %add3A_795 : i32 to index
        %swap3A_847 = arith.constant 16 : index
        %swap3A_848 = tpu.vector_load %arg11[%swap3A_845, %swap3A_846, %swap3A_847] {strides = array<i32>} : memref<4x128x32xf32, #tpu.memory_space<vmem>>, vector<1x1x16xf32>,
        %swap3A_849 = vector.shape_cast %swap3A_848 : vector<1x1x16xf32> to vector<16xf32>
        %swap3A_850 = vector.shape_cast %add3A_843 : vector<16xf32> to vector<1x1x16xf32>
        tpu.vector_store %arg11[%swap3A_845, %swap3A_846, %swap3A_847], %swap3A_850 {strides = array<i32>} : memref<4x128x32xf32, #tpu.memory_space<vmem>>, vector<1x1x16xf32>,
        %mul3A_851 = arith.constant 16 : i32
        %mul3A_852 = arith.muli %scan3A_493, %mul3A_851 : i32
        %add3A_853 = arith.constant 6 : i32
        %add3A_854 = arith.addi %mul3A_852, %add3A_853 : i32
        %add3A_855 = arith.constant 6 : i32
        %add3A_856 = vector.broadcast %add3A_855 : i32 to vector<16xi32>
        %add3A_857 = arith.addi %mul3A_5, %add3A_856 : vector<16xi32>
        %lt3A_858 = arith.constant 0 : i32
        %lt3A_859 = vector.broadcast %lt3A_858 : i32 to vector<16xi32>
        %lt3A_860 = arith.cmpi slt, %add3A_857, %lt3A_859 : vector<16xi32>
        %add3A_861 = arith.constant 16 : i32
        %add3A_862 = vector.broadcast %add3A_861 : i32 to vector<16xi32>
        %add3A_863 = arith.addi %add3A_857, %add3A_862 : vector<16xi32>
        %select_n3A_864 = arith.select %lt3A_860, %add3A_863, %add3A_857 : vector<16xi1>, vector<16xi32>
        %broadcast_in_dim3A_865 = vector.shape_cast %select_n3A_864 : vector<16xi32> to vector<16x1xi32>
        %gather3A_866 = vector.shape_cast %broadcast_in_dim3A_865 : vector<16x1xi32> to vector<16xi32>
        %gather3A_867 = tpu.dynamic_gather %get3A_500[%gather3A_866] in [0] : vector<16xf32>, vector<16xi32> -> vector<16xf32>
        %get3A_868 = arith.constant 0 : i32
        %get3A_869 = arith.index_cast %get3A_868 : i32 to index
        %get3A_870 = arith.index_cast %add3A_854 : i32 to index
        %get3A_871 = arith.constant 0 : index
        %get3A_872 = tpu.vector_load %arg9[%get3A_869, %get3A_870, %get3A_871] {strides = array<i32>} : memref<4x128x32xf32, #tpu.memory_space<vmem>>, vector<1x1x16xf32>,
        %get3A_873 = vector.shape_cast %get3A_872 : vector<1x1x16xf32> to vector<16xf32>
        %get3A_874 = arith.constant 0 : i32
        %get3A_875 = arith.index_cast %get3A_874 : i32 to index
        %get3A_876 = arith.index_cast %add3A_854 : i32 to index
        %get3A_877 = arith.constant 16 : index
        %get3A_878 = tpu.vector_load %arg9[%get3A_875, %get3A_876, %get3A_877] {strides = array<i32>} : memref<4x128x32xf32, #tpu.memory_space<vmem>>, vector<1x1x16xf32>,
        %get3A_879 = vector.shape_cast %get3A_878 : vector<1x1x16xf32> to vector<16xf32>
        %get3A_880 = arith.constant 0 : i32
        %get3A_881 = arith.index_cast %get3A_880 : i32 to index
        %get3A_882 = arith.index_cast %add3A_854 : i32 to index
        %get3A_883 = arith.constant 0 : index
        %get3A_884 = tpu.vector_load %arg10[%get3A_881, %get3A_882, %get3A_883] {strides = array<i32>} : memref<4x128x32xf32, #tpu.memory_space<vmem>>, vector<1x1x16xf32>,
        %get3A_885 = vector.shape_cast %get3A_884 : vector<1x1x16xf32> to vector<16xf32>
        %get3A_886 = arith.constant 0 : i32
        %get3A_887 = arith.index_cast %get3A_886 : i32 to index
        %get3A_888 = arith.index_cast %add3A_854 : i32 to index
        %get3A_889 = arith.constant 16 : index
        %get3A_890 = tpu.vector_load %arg10[%get3A_887, %get3A_888, %get3A_889] {strides = array<i32>} : memref<4x128x32xf32, #tpu.memory_space<vmem>>, vector<1x1x16xf32>,
        %get3A_891 = vector.shape_cast %get3A_890 : vector<1x1x16xf32> to vector<16xf32>
        %mul3A_892 = arith.mulf %get3A_873, %gather3A_867 : vector<16xf32>
        %add3A_893 = arith.addf %mul3A_892, %get3A_885 : vector<16xf32>
        %swap3A_894 = arith.constant 0 : i32
        %swap3A_895 = arith.index_cast %swap3A_894 : i32 to index
        %swap3A_896 = arith.index_cast %add3A_854 : i32 to index
        %swap3A_897 = arith.constant 0 : index
        %swap3A_898 = tpu.vector_load %arg11[%swap3A_895, %swap3A_896, %swap3A_897] {strides = array<i32>} : memref<4x128x32xf32, #tpu.memory_space<vmem>>, vector<1x1x16xf32>,
        %swap3A_899 = vector.shape_cast %swap3A_898 : vector<1x1x16xf32> to vector<16xf32>
        %swap3A_900 = vector.shape_cast %add3A_893 : vector<16xf32> to vector<1x1x16xf32>
        tpu.vector_store %arg11[%swap3A_895, %swap3A_896, %swap3A_897], %swap3A_900 {strides = array<i32>} : memref<4x128x32xf32, #tpu.memory_space<vmem>>, vector<1x1x16xf32>,
        %mul3A_901 = arith.mulf %get3A_879, %gather3A_867 : vector<16xf32>
        %add3A_902 = arith.addf %mul3A_901, %get3A_891 : vector<16xf32>
        %swap3A_903 = arith.constant 0 : i32
        %swap3A_904 = arith.index_cast %swap3A_903 : i32 to index
        %swap3A_905 = arith.index_cast %add3A_854 : i32 to index
        %swap3A_906 = arith.constant 16 : index
        %swap3A_907 = tpu.vector_load %arg11[%swap3A_904, %swap3A_905, %swap3A_906] {strides = array<i32>} : memref<4x128x32xf32, #tpu.memory_space<vmem>>, vector<1x1x16xf32>,
        %swap3A_908 = vector.shape_cast %swap3A_907 : vector<1x1x16xf32> to vector<16xf32>
        %swap3A_909 = vector.shape_cast %add3A_902 : vector<16xf32> to vector<1x1x16xf32>
        tpu.vector_store %arg11[%swap3A_904, %swap3A_905, %swap3A_906], %swap3A_909 {strides = array<i32>} : memref<4x128x32xf32, #tpu.memory_space<vmem>>, vector<1x1x16xf32>,
        %mul3A_910 = arith.constant 16 : i32
        %mul3A_911 = arith.muli %scan3A_493, %mul3A_910 : i32
        %add3A_912 = arith.constant 7 : i32
        %add3A_913 = arith.addi %mul3A_911, %add3A_912 : i32
        %add3A_914 = arith.constant 7 : i32
        %add3A_915 = vector.broadcast %add3A_914 : i32 to vector<16xi32>
        %add3A_916 = arith.addi %mul3A_5, %add3A_915 : vector<16xi32>
        %lt3A_917 = arith.constant 0 : i32
        %lt3A_918 = vector.broadcast %lt3A_917 : i32 to vector<16xi32>
        %lt3A_919 = arith.cmpi slt, %add3A_916, %lt3A_918 : vector<16xi32>
        %add3A_920 = arith.constant 16 : i32
        %add3A_921 = vector.broadcast %add3A_920 : i32 to vector<16xi32>
        %add3A_922 = arith.addi %add3A_916, %add3A_921 : vector<16xi32>
        %select_n3A_923 = arith.select %lt3A_919, %add3A_922, %add3A_916 : vector<16xi1>, vector<16xi32>
        %broadcast_in_dim3A_924 = vector.shape_cast %select_n3A_923 : vector<16xi32> to vector<16x1xi32>
        %gather3A_925 = vector.shape_cast %broadcast_in_dim3A_924 : vector<16x1xi32> to vector<16xi32>
        %gather3A_926 = tpu.dynamic_gather %get3A_500[%gather3A_925] in [0] : vector<16xf32>, vector<16xi32> -> vector<16xf32>
        %get3A_927 = arith.constant 0 : i32
        %get3A_928 = arith.index_cast %get3A_927 : i32 to index
        %get3A_929 = arith.index_cast %add3A_913 : i32 to index
        %get3A_930 = arith.constant 0 : index
        %get3A_931 = tpu.vector_load %arg9[%get3A_928, %get3A_929, %get3A_930] {strides = array<i32>} : memref<4x128x32xf32, #tpu.memory_space<vmem>>, vector<1x1x16xf32>,
        %get3A_932 = vector.shape_cast %get3A_931 : vector<1x1x16xf32> to vector<16xf32>
        %get3A_933 = arith.constant 0 : i32
        %get3A_934 = arith.index_cast %get3A_933 : i32 to index
        %get3A_935 = arith.index_cast %add3A_913 : i32 to index
        %get3A_936 = arith.constant 16 : index
        %get3A_937 = tpu.vector_load %arg9[%get3A_934, %get3A_935, %get3A_936] {strides = array<i32>} : memref<4x128x32xf32, #tpu.memory_space<vmem>>, vector<1x1x16xf32>,
        %get3A_938 = vector.shape_cast %get3A_937 : vector<1x1x16xf32> to vector<16xf32>
        %get3A_939 = arith.constant 0 : i32
        %get3A_940 = arith.index_cast %get3A_939 : i32 to index
        %get3A_941 = arith.index_cast %add3A_913 : i32 to index
        %get3A_942 = arith.constant 0 : index
        %get3A_943 = tpu.vector_load %arg10[%get3A_940, %get3A_941, %get3A_942] {strides = array<i32>} : memref<4x128x32xf32, #tpu.memory_space<vmem>>, vector<1x1x16xf32>,
        %get3A_944 = vector.shape_cast %get3A_943 : vector<1x1x16xf32> to vector<16xf32>
        %get3A_945 = arith.constant 0 : i32
        %get3A_946 = arith.index_cast %get3A_945 : i32 to index
        %get3A_947 = arith.index_cast %add3A_913 : i32 to index
        %get3A_948 = arith.constant 16 : index
        %get3A_949 = tpu.vector_load %arg10[%get3A_946, %get3A_947, %get3A_948] {strides = array<i32>} : memref<4x128x32xf32, #tpu.memory_space<vmem>>, vector<1x1x16xf32>,
        %get3A_950 = vector.shape_cast %get3A_949 : vector<1x1x16xf32> to vector<16xf32>
        %mul3A_951 = arith.mulf %get3A_932, %gather3A_926 : vector<16xf32>
        %add3A_952 = arith.addf %mul3A_951, %get3A_944 : vector<16xf32>
        %swap3A_953 = arith.constant 0 : i32
        %swap3A_954 = arith.index_cast %swap3A_953 : i32 to index
        %swap3A_955 = arith.index_cast %add3A_913 : i32 to index
        %swap3A_956 = arith.constant 0 : index
        %swap3A_957 = tpu.vector_load %arg11[%swap3A_954, %swap3A_955, %swap3A_956] {strides = array<i32>} : memref<4x128x32xf32, #tpu.memory_space<vmem>>, vector<1x1x16xf32>,
        %swap3A_958 = vector.shape_cast %swap3A_957 : vector<1x1x16xf32> to vector<16xf32>
        %swap3A_959 = vector.shape_cast %add3A_952 : vector<16xf32> to vector<1x1x16xf32>
        tpu.vector_store %arg11[%swap3A_954, %swap3A_955, %swap3A_956], %swap3A_959 {strides = array<i32>} : memref<4x128x32xf32, #tpu.memory_space<vmem>>, vector<1x1x16xf32>,
        %mul3A_960 = arith.mulf %get3A_938, %gather3A_926 : vector<16xf32>
        %add3A_961 = arith.addf %mul3A_960, %get3A_950 : vector<16xf32>
        %swap3A_962 = arith.constant 0 : i32
        %swap3A_963 = arith.index_cast %swap3A_962 : i32 to index
        %swap3A_964 = arith.index_cast %add3A_913 : i32 to index
        %swap3A_965 = arith.constant 16 : index
        %swap3A_966 = tpu.vector_load %arg11[%swap3A_963, %swap3A_964, %swap3A_965] {strides = array<i32>} : memref<4x128x32xf32, #tpu.memory_space<vmem>>, vector<1x1x16xf32>,
        %swap3A_967 = vector.shape_cast %swap3A_966 : vector<1x1x16xf32> to vector<16xf32>
        %swap3A_968 = vector.shape_cast %add3A_961 : vector<16xf32> to vector<1x1x16xf32>
        tpu.vector_store %arg11[%swap3A_963, %swap3A_964, %swap3A_965], %swap3A_968 {strides = array<i32>} : memref<4x128x32xf32, #tpu.memory_space<vmem>>, vector<1x1x16xf32>,
        %mul3A_969 = arith.constant 16 : i32
        %mul3A_970 = arith.muli %scan3A_493, %mul3A_969 : i32
        %add3A_971 = arith.constant 8 : i32
        %add3A_972 = arith.addi %mul3A_970, %add3A_971 : i32
        %add3A_973 = arith.constant 8 : i32
        %add3A_974 = vector.broadcast %add3A_973 : i32 to vector<16xi32>
        %add3A_975 = arith.addi %mul3A_5, %add3A_974 : vector<16xi32>
        %lt3A_976 = arith.constant 0 : i32
        %lt3A_977 = vector.broadcast %lt3A_976 : i32 to vector<16xi32>
        %lt3A_978 = arith.cmpi slt, %add3A_975, %lt3A_977 : vector<16xi32>
        %add3A_979 = arith.constant 16 : i32
        %add3A_980 = vector.broadcast %add3A_979 : i32 to vector<16xi32>
        %add3A_981 = arith.addi %add3A_975, %add3A_980 : vector<16xi32>
        %select_n3A_982 = arith.select %lt3A_978, %add3A_981, %add3A_975 : vector<16xi1>, vector<16xi32>
        %broadcast_in_dim3A_983 = vector.shape_cast %select_n3A_982 : vector<16xi32> to vector<16x1xi32>
        %gather3A_984 = vector.shape_cast %broadcast_in_dim3A_983 : vector<16x1xi32> to vector<16xi32>
        %gather3A_985 = tpu.dynamic_gather %get3A_500[%gather3A_984] in [0] : vector<16xf32>, vector<16xi32> -> vector<16xf32>
        %get3A_986 = arith.constant 0 : i32
        %get3A_987 = arith.index_cast %get3A_986 : i32 to index
        %get3A_988 = arith.index_cast %add3A_972 : i32 to index
        %get3A_989 = arith.constant 0 : index
        %get3A_990 = tpu.vector_load %arg9[%get3A_987, %get3A_988, %get3A_989] {strides = array<i32>} : memref<4x128x32xf32, #tpu.memory_space<vmem>>, vector<1x1x16xf32>,
        %get3A_991 = vector.shape_cast %get3A_990 : vector<1x1x16xf32> to vector<16xf32>
        %get3A_992 = arith.constant 0 : i32
        %get3A_993 = arith.index_cast %get3A_992 : i32 to index
        %get3A_994 = arith.index_cast %add3A_972 : i32 to index
        %get3A_995 = arith.constant 16 : index
        %get3A_996 = tpu.vector_load %arg9[%get3A_993, %get3A_994, %get3A_995] {strides = array<i32>} : memref<4x128x32xf32, #tpu.memory_space<vmem>>, vector<1x1x16xf32>,
        %get3A_997 = vector.shape_cast %get3A_996 : vector<1x1x16xf32> to vector<16xf32>
        %get3A_998 = arith.constant 0 : i32
        %get3A_999 = arith.index_cast %get3A_998 : i32 to index
        %get3A_1000 = arith.index_cast %add3A_972 : i32 to index
        %get3A_1001 = arith.constant 0 : index
        %get3A_1002 = tpu.vector_load %arg10[%get3A_999, %get3A_1000, %get3A_1001] {strides = array<i32>} : memref<4x128x32xf32, #tpu.memory_space<vmem>>, vector<1x1x16xf32>,
        %get3A_1003 = vector.shape_cast %get3A_1002 : vector<1x1x16xf32> to vector<16xf32>
        %get3A_1004 = arith.constant 0 : i32
        %get3A_1005 = arith.index_cast %get3A_1004 : i32 to index
        %get3A_1006 = arith.index_cast %add3A_972 : i32 to index
        %get3A_1007 = arith.constant 16 : index
        %get3A_1008 = tpu.vector_load %arg10[%get3A_1005, %get3A_1006, %get3A_1007] {strides = array<i32>} : memref<4x128x32xf32, #tpu.memory_space<vmem>>, vector<1x1x16xf32>,
        %get3A_1009 = vector.shape_cast %get3A_1008 : vector<1x1x16xf32> to vector<16xf32>
        %mul3A_1010 = arith.mulf %get3A_991, %gather3A_985 : vector<16xf32>
        %add3A_1011 = arith.addf %mul3A_1010, %get3A_1003 : vector<16xf32>
        %swap3A_1012 = arith.constant 0 : i32
        %swap3A_1013 = arith.index_cast %swap3A_1012 : i32 to index
        %swap3A_1014 = arith.index_cast %add3A_972 : i32 to index
        %swap3A_1015 = arith.constant 0 : index
        %swap3A_1016 = tpu.vector_load %arg11[%swap3A_1013, %swap3A_1014, %swap3A_1015] {strides = array<i32>} : memref<4x128x32xf32, #tpu.memory_space<vmem>>, vector<1x1x16xf32>,
        %swap3A_1017 = vector.shape_cast %swap3A_1016 : vector<1x1x16xf32> to vector<16xf32>
        %swap3A_1018 = vector.shape_cast %add3A_1011 : vector<16xf32> to vector<1x1x16xf32>
        tpu.vector_store %arg11[%swap3A_1013, %swap3A_1014, %swap3A_1015], %swap3A_1018 {strides = array<i32>} : memref<4x128x32xf32, #tpu.memory_space<vmem>>, vector<1x1x16xf32>,
        %mul3A_1019 = arith.mulf %get3A_997, %gather3A_985 : vector<16xf32>
        %add3A_1020 = arith.addf %mul3A_1019, %get3A_1009 : vector<16xf32>
        %swap3A_1021 = arith.constant 0 : i32
        %swap3A_1022 = arith.index_cast %swap3A_1021 : i32 to index
        %swap3A_1023 = arith.index_cast %add3A_972 : i32 to index
        %swap3A_1024 = arith.constant 16 : index
        %swap3A_1025 = tpu.vector_load %arg11[%swap3A_1022, %swap3A_1023, %swap3A_1024] {strides = array<i32>} : memref<4x128x32xf32, #tpu.memory_space<vmem>>, vector<1x1x16xf32>,
        %swap3A_1026 = vector.shape_cast %swap3A_1025 : vector<1x1x16xf32> to vector<16xf32>
        %swap3A_1027 = vector.shape_cast %add3A_1020 : vector<16xf32> to vector<1x1x16xf32>
        tpu.vector_store %arg11[%swap3A_1022, %swap3A_1023, %swap3A_1024], %swap3A_1027 {strides = array<i32>} : memref<4x128x32xf32, #tpu.memory_space<vmem>>, vector<1x1x16xf32>,
        %mul3A_1028 = arith.constant 16 : i32
        %mul3A_1029 = arith.muli %scan3A_493, %mul3A_1028 : i32
        %add3A_1030 = arith.constant 9 : i32
        %add3A_1031 = arith.addi %mul3A_1029, %add3A_1030 : i32
        %add3A_1032 = arith.constant 9 : i32
        %add3A_1033 = vector.broadcast %add3A_1032 : i32 to vector<16xi32>
        %add3A_1034 = arith.addi %mul3A_5, %add3A_1033 : vector<16xi32>
        %lt3A_1035 = arith.constant 0 : i32
        %lt3A_1036 = vector.broadcast %lt3A_1035 : i32 to vector<16xi32>
        %lt3A_1037 = arith.cmpi slt, %add3A_1034, %lt3A_1036 : vector<16xi32>
        %add3A_1038 = arith.constant 16 : i32
        %add3A_1039 = vector.broadcast %add3A_1038 : i32 to vector<16xi32>
        %add3A_1040 = arith.addi %add3A_1034, %add3A_1039 : vector<16xi32>
        %select_n3A_1041 = arith.select %lt3A_1037, %add3A_1040, %add3A_1034 : vector<16xi1>, vector<16xi32>
        %broadcast_in_dim3A_1042 = vector.shape_cast %select_n3A_1041 : vector<16xi32> to vector<16x1xi32>
        %gather3A_1043 = vector.shape_cast %broadcast_in_dim3A_1042 : vector<16x1xi32> to vector<16xi32>
        %gather3A_1044 = tpu.dynamic_gather %get3A_500[%gather3A_1043] in [0] : vector<16xf32>, vector<16xi32> -> vector<16xf32>
        %get3A_1045 = arith.constant 0 : i32
        %get3A_1046 = arith.index_cast %get3A_1045 : i32 to index
        %get3A_1047 = arith.index_cast %add3A_1031 : i32 to index
        %get3A_1048 = arith.constant 0 : index
        %get3A_1049 = tpu.vector_load %arg9[%get3A_1046, %get3A_1047, %get3A_1048] {strides = array<i32>} : memref<4x128x32xf32, #tpu.memory_space<vmem>>, vector<1x1x16xf32>,
        %get3A_1050 = vector.shape_cast %get3A_1049 : vector<1x1x16xf32> to vector<16xf32>
        %get3A_1051 = arith.constant 0 : i32
        %get3A_1052 = arith.index_cast %get3A_1051 : i32 to index
        %get3A_1053 = arith.index_cast %add3A_1031 : i32 to index
        %get3A_1054 = arith.constant 16 : index
        %get3A_1055 = tpu.vector_load %arg9[%get3A_1052, %get3A_1053, %get3A_1054] {strides = array<i32>} : memref<4x128x32xf32, #tpu.memory_space<vmem>>, vector<1x1x16xf32>,
        %get3A_1056 = vector.shape_cast %get3A_1055 : vector<1x1x16xf32> to vector<16xf32>
        %get3A_1057 = arith.constant 0 : i32
        %get3A_1058 = arith.index_cast %get3A_1057 : i32 to index
        %get3A_1059 = arith.index_cast %add3A_1031 : i32 to index
        %get3A_1060 = arith.constant 0 : index
        %get3A_1061 = tpu.vector_load %arg10[%get3A_1058, %get3A_1059, %get3A_1060] {strides = array<i32>} : memref<4x128x32xf32, #tpu.memory_space<vmem>>, vector<1x1x16xf32>,
        %get3A_1062 = vector.shape_cast %get3A_1061 : vector<1x1x16xf32> to vector<16xf32>
        %get3A_1063 = arith.constant 0 : i32
        %get3A_1064 = arith.index_cast %get3A_1063 : i32 to index
        %get3A_1065 = arith.index_cast %add3A_1031 : i32 to index
        %get3A_1066 = arith.constant 16 : index
        %get3A_1067 = tpu.vector_load %arg10[%get3A_1064, %get3A_1065, %get3A_1066] {strides = array<i32>} : memref<4x128x32xf32, #tpu.memory_space<vmem>>, vector<1x1x16xf32>,
        %get3A_1068 = vector.shape_cast %get3A_1067 : vector<1x1x16xf32> to vector<16xf32>
        %mul3A_1069 = arith.mulf %get3A_1050, %gather3A_1044 : vector<16xf32>
        %add3A_1070 = arith.addf %mul3A_1069, %get3A_1062 : vector<16xf32>
        %swap3A_1071 = arith.constant 0 : i32
        %swap3A_1072 = arith.index_cast %swap3A_1071 : i32 to index
        %swap3A_1073 = arith.index_cast %add3A_1031 : i32 to index
        %swap3A_1074 = arith.constant 0 : index
        %swap3A_1075 = tpu.vector_load %arg11[%swap3A_1072, %swap3A_1073, %swap3A_1074] {strides = array<i32>} : memref<4x128x32xf32, #tpu.memory_space<vmem>>, vector<1x1x16xf32>,
        %swap3A_1076 = vector.shape_cast %swap3A_1075 : vector<1x1x16xf32> to vector<16xf32>
        %swap3A_1077 = vector.shape_cast %add3A_1070 : vector<16xf32> to vector<1x1x16xf32>
        tpu.vector_store %arg11[%swap3A_1072, %swap3A_1073, %swap3A_1074], %swap3A_1077 {strides = array<i32>} : memref<4x128x32xf32, #tpu.memory_space<vmem>>, vector<1x1x16xf32>,
        %mul3A_1078 = arith.mulf %get3A_1056, %gather3A_1044 : vector<16xf32>
        %add3A_1079 = arith.addf %mul3A_1078, %get3A_1068 : vector<16xf32>
        %swap3A_1080 = arith.constant 0 : i32
        %swap3A_1081 = arith.index_cast %swap3A_1080 : i32 to index
        %swap3A_1082 = arith.index_cast %add3A_1031 : i32 to index
        %swap3A_1083 = arith.constant 16 : index
        %swap3A_1084 = tpu.vector_load %arg11[%swap3A_1081, %swap3A_1082, %swap3A_1083] {strides = array<i32>} : memref<4x128x32xf32, #tpu.memory_space<vmem>>, vector<1x1x16xf32>,
        %swap3A_1085 = vector.shape_cast %swap3A_1084 : vector<1x1x16xf32> to vector<16xf32>
        %swap3A_1086 = vector.shape_cast %add3A_1079 : vector<16xf32> to vector<1x1x16xf32>
        tpu.vector_store %arg11[%swap3A_1081, %swap3A_1082, %swap3A_1083], %swap3A_1086 {strides = array<i32>} : memref<4x128x32xf32, #tpu.memory_space<vmem>>, vector<1x1x16xf32>,
        %mul3A_1087 = arith.constant 16 : i32
        %mul3A_1088 = arith.muli %scan3A_493, %mul3A_1087 : i32
        %add3A_1089 = arith.constant 10 : i32
        %add3A_1090 = arith.addi %mul3A_1088, %add3A_1089 : i32
        %add3A_1091 = arith.constant 10 : i32
        %add3A_1092 = vector.broadcast %add3A_1091 : i32 to vector<16xi32>
        %add3A_1093 = arith.addi %mul3A_5, %add3A_1092 : vector<16xi32>
        %lt3A_1094 = arith.constant 0 : i32
        %lt3A_1095 = vector.broadcast %lt3A_1094 : i32 to vector<16xi32>
        %lt3A_1096 = arith.cmpi slt, %add3A_1093, %lt3A_1095 : vector<16xi32>
        %add3A_1097 = arith.constant 16 : i32
        %add3A_1098 = vector.broadcast %add3A_1097 : i32 to vector<16xi32>
        %add3A_1099 = arith.addi %add3A_1093, %add3A_1098 : vector<16xi32>
        %select_n3A_1100 = arith.select %lt3A_1096, %add3A_1099, %add3A_1093 : vector<16xi1>, vector<16xi32>
        %broadcast_in_dim3A_1101 = vector.shape_cast %select_n3A_1100 : vector<16xi32> to vector<16x1xi32>
        %gather3A_1102 = vector.shape_cast %broadcast_in_dim3A_1101 : vector<16x1xi32> to vector<16xi32>
        %gather3A_1103 = tpu.dynamic_gather %get3A_500[%gather3A_1102] in [0] : vector<16xf32>, vector<16xi32> -> vector<16xf32>
        %get3A_1104 = arith.constant 0 : i32
        %get3A_1105 = arith.index_cast %get3A_1104 : i32 to index
        %get3A_1106 = arith.index_cast %add3A_1090 : i32 to index
        %get3A_1107 = arith.constant 0 : index
        %get3A_1108 = tpu.vector_load %arg9[%get3A_1105, %get3A_1106, %get3A_1107] {strides = array<i32>} : memref<4x128x32xf32, #tpu.memory_space<vmem>>, vector<1x1x16xf32>,
        %get3A_1109 = vector.shape_cast %get3A_1108 : vector<1x1x16xf32> to vector<16xf32>
        %get3A_1110 = arith.constant 0 : i32
        %get3A_1111 = arith.index_cast %get3A_1110 : i32 to index
        %get3A_1112 = arith.index_cast %add3A_1090 : i32 to index
        %get3A_1113 = arith.constant 16 : index
        %get3A_1114 = tpu.vector_load %arg9[%get3A_1111, %get3A_1112, %get3A_1113] {strides = array<i32>} : memref<4x128x32xf32, #tpu.memory_space<vmem>>, vector<1x1x16xf32>,
        %get3A_1115 = vector.shape_cast %get3A_1114 : vector<1x1x16xf32> to vector<16xf32>
        %get3A_1116 = arith.constant 0 : i32
        %get3A_1117 = arith.index_cast %get3A_1116 : i32 to index
        %get3A_1118 = arith.index_cast %add3A_1090 : i32 to index
        %get3A_1119 = arith.constant 0 : index
        %get3A_1120 = tpu.vector_load %arg10[%get3A_1117, %get3A_1118, %get3A_1119] {strides = array<i32>} : memref<4x128x32xf32, #tpu.memory_space<vmem>>, vector<1x1x16xf32>,
        %get3A_1121 = vector.shape_cast %get3A_1120 : vector<1x1x16xf32> to vector<16xf32>
        %get3A_1122 = arith.constant 0 : i32
        %get3A_1123 = arith.index_cast %get3A_1122 : i32 to index
        %get3A_1124 = arith.index_cast %add3A_1090 : i32 to index
        %get3A_1125 = arith.constant 16 : index
        %get3A_1126 = tpu.vector_load %arg10[%get3A_1123, %get3A_1124, %get3A_1125] {strides = array<i32>} : memref<4x128x32xf32, #tpu.memory_space<vmem>>, vector<1x1x16xf32>,
        %get3A_1127 = vector.shape_cast %get3A_1126 : vector<1x1x16xf32> to vector<16xf32>
        %mul3A_1128 = arith.mulf %get3A_1109, %gather3A_1103 : vector<16xf32>
        %add3A_1129 = arith.addf %mul3A_1128, %get3A_1121 : vector<16xf32>
        %swap3A_1130 = arith.constant 0 : i32
        %swap3A_1131 = arith.index_cast %swap3A_1130 : i32 to index
        %swap3A_1132 = arith.index_cast %add3A_1090 : i32 to index
        %swap3A_1133 = arith.constant 0 : index
        %swap3A_1134 = tpu.vector_load %arg11[%swap3A_1131, %swap3A_1132, %swap3A_1133] {strides = array<i32>} : memref<4x128x32xf32, #tpu.memory_space<vmem>>, vector<1x1x16xf32>,
        %swap3A_1135 = vector.shape_cast %swap3A_1134 : vector<1x1x16xf32> to vector<16xf32>
        %swap3A_1136 = vector.shape_cast %add3A_1129 : vector<16xf32> to vector<1x1x16xf32>
        tpu.vector_store %arg11[%swap3A_1131, %swap3A_1132, %swap3A_1133], %swap3A_1136 {strides = array<i32>} : memref<4x128x32xf32, #tpu.memory_space<vmem>>, vector<1x1x16xf32>,
        %mul3A_1137 = arith.mulf %get3A_1115, %gather3A_1103 : vector<16xf32>
        %add3A_1138 = arith.addf %mul3A_1137, %get3A_1127 : vector<16xf32>
        %swap3A_1139 = arith.constant 0 : i32
        %swap3A_1140 = arith.index_cast %swap3A_1139 : i32 to index
        %swap3A_1141 = arith.index_cast %add3A_1090 : i32 to index
        %swap3A_1142 = arith.constant 16 : index
        %swap3A_1143 = tpu.vector_load %arg11[%swap3A_1140, %swap3A_1141, %swap3A_1142] {strides = array<i32>} : memref<4x128x32xf32, #tpu.memory_space<vmem>>, vector<1x1x16xf32>,
        %swap3A_1144 = vector.shape_cast %swap3A_1143 : vector<1x1x16xf32> to vector<16xf32>
        %swap3A_1145 = vector.shape_cast %add3A_1138 : vector<16xf32> to vector<1x1x16xf32>
        tpu.vector_store %arg11[%swap3A_1140, %swap3A_1141, %swap3A_1142], %swap3A_1145 {strides = array<i32>} : memref<4x128x32xf32, #tpu.memory_space<vmem>>, vector<1x1x16xf32>,
        %mul3A_1146 = arith.constant 16 : i32
        %mul3A_1147 = arith.muli %scan3A_493, %mul3A_1146 : i32
        %add3A_1148 = arith.constant 11 : i32
        %add3A_1149 = arith.addi %mul3A_1147, %add3A_1148 : i32
        %add3A_1150 = arith.constant 11 : i32
        %add3A_1151 = vector.broadcast %add3A_1150 : i32 to vector<16xi32>
        %add3A_1152 = arith.addi %mul3A_5, %add3A_1151 : vector<16xi32>
        %lt3A_1153 = arith.constant 0 : i32
        %lt3A_1154 = vector.broadcast %lt3A_1153 : i32 to vector<16xi32>
        %lt3A_1155 = arith.cmpi slt, %add3A_1152, %lt3A_1154 : vector<16xi32>
        %add3A_1156 = arith.constant 16 : i32
        %add3A_1157 = vector.broadcast %add3A_1156 : i32 to vector<16xi32>
        %add3A_1158 = arith.addi %add3A_1152, %add3A_1157 : vector<16xi32>
        %select_n3A_1159 = arith.select %lt3A_1155, %add3A_1158, %add3A_1152 : vector<16xi1>, vector<16xi32>
        %broadcast_in_dim3A_1160 = vector.shape_cast %select_n3A_1159 : vector<16xi32> to vector<16x1xi32>
        %gather3A_1161 = vector.shape_cast %broadcast_in_dim3A_1160 : vector<16x1xi32> to vector<16xi32>
        %gather3A_1162 = tpu.dynamic_gather %get3A_500[%gather3A_1161] in [0] : vector<16xf32>, vector<16xi32> -> vector<16xf32>
        %get3A_1163 = arith.constant 0 : i32
        %get3A_1164 = arith.index_cast %get3A_1163 : i32 to index
        %get3A_1165 = arith.index_cast %add3A_1149 : i32 to index
        %get3A_1166 = arith.constant 0 : index
        %get3A_1167 = tpu.vector_load %arg9[%get3A_1164, %get3A_1165, %get3A_1166] {strides = array<i32>} : memref<4x128x32xf32, #tpu.memory_space<vmem>>, vector<1x1x16xf32>,
        %get3A_1168 = vector.shape_cast %get3A_1167 : vector<1x1x16xf32> to vector<16xf32>
        %get3A_1169 = arith.constant 0 : i32
        %get3A_1170 = arith.index_cast %get3A_1169 : i32 to index
        %get3A_1171 = arith.index_cast %add3A_1149 : i32 to index
        %get3A_1172 = arith.constant 16 : index
        %get3A_1173 = tpu.vector_load %arg9[%get3A_1170, %get3A_1171, %get3A_1172] {strides = array<i32>} : memref<4x128x32xf32, #tpu.memory_space<vmem>>, vector<1x1x16xf32>,
        %get3A_1174 = vector.shape_cast %get3A_1173 : vector<1x1x16xf32> to vector<16xf32>
        %get3A_1175 = arith.constant 0 : i32
        %get3A_1176 = arith.index_cast %get3A_1175 : i32 to index
        %get3A_1177 = arith.index_cast %add3A_1149 : i32 to index
        %get3A_1178 = arith.constant 0 : index
        %get3A_1179 = tpu.vector_load %arg10[%get3A_1176, %get3A_1177, %get3A_1178] {strides = array<i32>} : memref<4x128x32xf32, #tpu.memory_space<vmem>>, vector<1x1x16xf32>,
        %get3A_1180 = vector.shape_cast %get3A_1179 : vector<1x1x16xf32> to vector<16xf32>
        %get3A_1181 = arith.constant 0 : i32
        %get3A_1182 = arith.index_cast %get3A_1181 : i32 to index
        %get3A_1183 = arith.index_cast %add3A_1149 : i32 to index
        %get3A_1184 = arith.constant 16 : index
        %get3A_1185 = tpu.vector_load %arg10[%get3A_1182, %get3A_1183, %get3A_1184] {strides = array<i32>} : memref<4x128x32xf32, #tpu.memory_space<vmem>>, vector<1x1x16xf32>,
        %get3A_1186 = vector.shape_cast %get3A_1185 : vector<1x1x16xf32> to vector<16xf32>
        %mul3A_1187 = arith.mulf %get3A_1168, %gather3A_1162 : vector<16xf32>
        %add3A_1188 = arith.addf %mul3A_1187, %get3A_1180 : vector<16xf32>
        %swap3A_1189 = arith.constant 0 : i32
        %swap3A_1190 = arith.index_cast %swap3A_1189 : i32 to index
        %swap3A_1191 = arith.index_cast %add3A_1149 : i32 to index
        %swap3A_1192 = arith.constant 0 : index
        %swap3A_1193 = tpu.vector_load %arg11[%swap3A_1190, %swap3A_1191, %swap3A_1192] {strides = array<i32>} : memref<4x128x32xf32, #tpu.memory_space<vmem>>, vector<1x1x16xf32>,
        %swap3A_1194 = vector.shape_cast %swap3A_1193 : vector<1x1x16xf32> to vector<16xf32>
        %swap3A_1195 = vector.shape_cast %add3A_1188 : vector<16xf32> to vector<1x1x16xf32>
        tpu.vector_store %arg11[%swap3A_1190, %swap3A_1191, %swap3A_1192], %swap3A_1195 {strides = array<i32>} : memref<4x128x32xf32, #tpu.memory_space<vmem>>, vector<1x1x16xf32>,
        %mul3A_1196 = arith.mulf %get3A_1174, %gather3A_1162 : vector<16xf32>
        %add3A_1197 = arith.addf %mul3A_1196, %get3A_1186 : vector<16xf32>
        %swap3A_1198 = arith.constant 0 : i32
        %swap3A_1199 = arith.index_cast %swap3A_1198 : i32 to index
        %swap3A_1200 = arith.index_cast %add3A_1149 : i32 to index
        %swap3A_1201 = arith.constant 16 : index
        %swap3A_1202 = tpu.vector_load %arg11[%swap3A_1199, %swap3A_1200, %swap3A_1201] {strides = array<i32>} : memref<4x128x32xf32, #tpu.memory_space<vmem>>, vector<1x1x16xf32>,
        %swap3A_1203 = vector.shape_cast %swap3A_1202 : vector<1x1x16xf32> to vector<16xf32>
        %swap3A_1204 = vector.shape_cast %add3A_1197 : vector<16xf32> to vector<1x1x16xf32>
        tpu.vector_store %arg11[%swap3A_1199, %swap3A_1200, %swap3A_1201], %swap3A_1204 {strides = array<i32>} : memref<4x128x32xf32, #tpu.memory_space<vmem>>, vector<1x1x16xf32>,
        %mul3A_1205 = arith.constant 16 : i32
        %mul3A_1206 = arith.muli %scan3A_493, %mul3A_1205 : i32
        %add3A_1207 = arith.constant 12 : i32
        %add3A_1208 = arith.addi %mul3A_1206, %add3A_1207 : i32
        %add3A_1209 = arith.constant 12 : i32
        %add3A_1210 = vector.broadcast %add3A_1209 : i32 to vector<16xi32>
        %add3A_1211 = arith.addi %mul3A_5, %add3A_1210 : vector<16xi32>
        %lt3A_1212 = arith.constant 0 : i32
        %lt3A_1213 = vector.broadcast %lt3A_1212 : i32 to vector<16xi32>
        %lt3A_1214 = arith.cmpi slt, %add3A_1211, %lt3A_1213 : vector<16xi32>
        %add3A_1215 = arith.constant 16 : i32
        %add3A_1216 = vector.broadcast %add3A_1215 : i32 to vector<16xi32>
        %add3A_1217 = arith.addi %add3A_1211, %add3A_1216 : vector<16xi32>
        %select_n3A_1218 = arith.select %lt3A_1214, %add3A_1217, %add3A_1211 : vector<16xi1>, vector<16xi32>
        %broadcast_in_dim3A_1219 = vector.shape_cast %select_n3A_1218 : vector<16xi32> to vector<16x1xi32>
        %gather3A_1220 = vector.shape_cast %broadcast_in_dim3A_1219 : vector<16x1xi32> to vector<16xi32>
        %gather3A_1221 = tpu.dynamic_gather %get3A_500[%gather3A_1220] in [0] : vector<16xf32>, vector<16xi32> -> vector<16xf32>
        %get3A_1222 = arith.constant 0 : i32
        %get3A_1223 = arith.index_cast %get3A_1222 : i32 to index
        %get3A_1224 = arith.index_cast %add3A_1208 : i32 to index
        %get3A_1225 = arith.constant 0 : index
        %get3A_1226 = tpu.vector_load %arg9[%get3A_1223, %get3A_1224, %get3A_1225] {strides = array<i32>} : memref<4x128x32xf32, #tpu.memory_space<vmem>>, vector<1x1x16xf32>,
        %get3A_1227 = vector.shape_cast %get3A_1226 : vector<1x1x16xf32> to vector<16xf32>
        %get3A_1228 = arith.constant 0 : i32
        %get3A_1229 = arith.index_cast %get3A_1228 : i32 to index
        %get3A_1230 = arith.index_cast %add3A_1208 : i32 to index
        %get3A_1231 = arith.constant 16 : index
        %get3A_1232 = tpu.vector_load %arg9[%get3A_1229, %get3A_1230, %get3A_1231] {strides = array<i32>} : memref<4x128x32xf32, #tpu.memory_space<vmem>>, vector<1x1x16xf32>,
        %get3A_1233 = vector.shape_cast %get3A_1232 : vector<1x1x16xf32> to vector<16xf32>
        %get3A_1234 = arith.constant 0 : i32
        %get3A_1235 = arith.index_cast %get3A_1234 : i32 to index
        %get3A_1236 = arith.index_cast %add3A_1208 : i32 to index
        %get3A_1237 = arith.constant 0 : index
        %get3A_1238 = tpu.vector_load %arg10[%get3A_1235, %get3A_1236, %get3A_1237] {strides = array<i32>} : memref<4x128x32xf32, #tpu.memory_space<vmem>>, vector<1x1x16xf32>,
        %get3A_1239 = vector.shape_cast %get3A_1238 : vector<1x1x16xf32> to vector<16xf32>
        %get3A_1240 = arith.constant 0 : i32
        %get3A_1241 = arith.index_cast %get3A_1240 : i32 to index
        %get3A_1242 = arith.index_cast %add3A_1208 : i32 to index
        %get3A_1243 = arith.constant 16 : index
        %get3A_1244 = tpu.vector_load %arg10[%get3A_1241, %get3A_1242, %get3A_1243] {strides = array<i32>} : memref<4x128x32xf32, #tpu.memory_space<vmem>>, vector<1x1x16xf32>,
        %get3A_1245 = vector.shape_cast %get3A_1244 : vector<1x1x16xf32> to vector<16xf32>
        %mul3A_1246 = arith.mulf %get3A_1227, %gather3A_1221 : vector<16xf32>
        %add3A_1247 = arith.addf %mul3A_1246, %get3A_1239 : vector<16xf32>
        %swap3A_1248 = arith.constant 0 : i32
        %swap3A_1249 = arith.index_cast %swap3A_1248 : i32 to index
        %swap3A_1250 = arith.index_cast %add3A_1208 : i32 to index
        %swap3A_1251 = arith.constant 0 : index
        %swap3A_1252 = tpu.vector_load %arg11[%swap3A_1249, %swap3A_1250, %swap3A_1251] {strides = array<i32>} : memref<4x128x32xf32, #tpu.memory_space<vmem>>, vector<1x1x16xf32>,
        %swap3A_1253 = vector.shape_cast %swap3A_1252 : vector<1x1x16xf32> to vector<16xf32>
        %swap3A_1254 = vector.shape_cast %add3A_1247 : vector<16xf32> to vector<1x1x16xf32>
        tpu.vector_store %arg11[%swap3A_1249, %swap3A_1250, %swap3A_1251], %swap3A_1254 {strides = array<i32>} : memref<4x128x32xf32, #tpu.memory_space<vmem>>, vector<1x1x16xf32>,
        %mul3A_1255 = arith.mulf %get3A_1233, %gather3A_1221 : vector<16xf32>
        %add3A_1256 = arith.addf %mul3A_1255, %get3A_1245 : vector<16xf32>
        %swap3A_1257 = arith.constant 0 : i32
        %swap3A_1258 = arith.index_cast %swap3A_1257 : i32 to index
        %swap3A_1259 = arith.index_cast %add3A_1208 : i32 to index
        %swap3A_1260 = arith.constant 16 : index
        %swap3A_1261 = tpu.vector_load %arg11[%swap3A_1258, %swap3A_1259, %swap3A_1260] {strides = array<i32>} : memref<4x128x32xf32, #tpu.memory_space<vmem>>, vector<1x1x16xf32>,
        %swap3A_1262 = vector.shape_cast %swap3A_1261 : vector<1x1x16xf32> to vector<16xf32>
        %swap3A_1263 = vector.shape_cast %add3A_1256 : vector<16xf32> to vector<1x1x16xf32>
        tpu.vector_store %arg11[%swap3A_1258, %swap3A_1259, %swap3A_1260], %swap3A_1263 {strides = array<i32>} : memref<4x128x32xf32, #tpu.memory_space<vmem>>, vector<1x1x16xf32>,
        %mul3A_1264 = arith.constant 16 : i32
        %mul3A_1265 = arith.muli %scan3A_493, %mul3A_1264 : i32
        %add3A_1266 = arith.constant 13 : i32
        %add3A_1267 = arith.addi %mul3A_1265, %add3A_1266 : i32
        %add3A_1268 = arith.constant 13 : i32
        %add3A_1269 = vector.broadcast %add3A_1268 : i32 to vector<16xi32>
        %add3A_1270 = arith.addi %mul3A_5, %add3A_1269 : vector<16xi32>
        %lt3A_1271 = arith.constant 0 : i32
        %lt3A_1272 = vector.broadcast %lt3A_1271 : i32 to vector<16xi32>
        %lt3A_1273 = arith.cmpi slt, %add3A_1270, %lt3A_1272 : vector<16xi32>
        %add3A_1274 = arith.constant 16 : i32
        %add3A_1275 = vector.broadcast %add3A_1274 : i32 to vector<16xi32>
        %add3A_1276 = arith.addi %add3A_1270, %add3A_1275 : vector<16xi32>
        %select_n3A_1277 = arith.select %lt3A_1273, %add3A_1276, %add3A_1270 : vector<16xi1>, vector<16xi32>
        %broadcast_in_dim3A_1278 = vector.shape_cast %select_n3A_1277 : vector<16xi32> to vector<16x1xi32>
        %gather3A_1279 = vector.shape_cast %broadcast_in_dim3A_1278 : vector<16x1xi32> to vector<16xi32>
        %gather3A_1280 = tpu.dynamic_gather %get3A_500[%gather3A_1279] in [0] : vector<16xf32>, vector<16xi32> -> vector<16xf32>
        %get3A_1281 = arith.constant 0 : i32
        %get3A_1282 = arith.index_cast %get3A_1281 : i32 to index
        %get3A_1283 = arith.index_cast %add3A_1267 : i32 to index
        %get3A_1284 = arith.constant 0 : index
        %get3A_1285 = tpu.vector_load %arg9[%get3A_1282, %get3A_1283, %get3A_1284] {strides = array<i32>} : memref<4x128x32xf32, #tpu.memory_space<vmem>>, vector<1x1x16xf32>,
        %get3A_1286 = vector.shape_cast %get3A_1285 : vector<1x1x16xf32> to vector<16xf32>
        %get3A_1287 = arith.constant 0 : i32
        %get3A_1288 = arith.index_cast %get3A_1287 : i32 to index
        %get3A_1289 = arith.index_cast %add3A_1267 : i32 to index
        %get3A_1290 = arith.constant 16 : index
        %get3A_1291 = tpu.vector_load %arg9[%get3A_1288, %get3A_1289, %get3A_1290] {strides = array<i32>} : memref<4x128x32xf32, #tpu.memory_space<vmem>>, vector<1x1x16xf32>,
        %get3A_1292 = vector.shape_cast %get3A_1291 : vector<1x1x16xf32> to vector<16xf32>
        %get3A_1293 = arith.constant 0 : i32
        %get3A_1294 = arith.index_cast %get3A_1293 : i32 to index
        %get3A_1295 = arith.index_cast %add3A_1267 : i32 to index
        %get3A_1296 = arith.constant 0 : index
        %get3A_1297 = tpu.vector_load %arg10[%get3A_1294, %get3A_1295, %get3A_1296] {strides = array<i32>} : memref<4x128x32xf32, #tpu.memory_space<vmem>>, vector<1x1x16xf32>,
        %get3A_1298 = vector.shape_cast %get3A_1297 : vector<1x1x16xf32> to vector<16xf32>
        %get3A_1299 = arith.constant 0 : i32
        %get3A_1300 = arith.index_cast %get3A_1299 : i32 to index
        %get3A_1301 = arith.index_cast %add3A_1267 : i32 to index
        %get3A_1302 = arith.constant 16 : index
        %get3A_1303 = tpu.vector_load %arg10[%get3A_1300, %get3A_1301, %get3A_1302] {strides = array<i32>} : memref<4x128x32xf32, #tpu.memory_space<vmem>>, vector<1x1x16xf32>,
        %get3A_1304 = vector.shape_cast %get3A_1303 : vector<1x1x16xf32> to vector<16xf32>
        %mul3A_1305 = arith.mulf %get3A_1286, %gather3A_1280 : vector<16xf32>
        %add3A_1306 = arith.addf %mul3A_1305, %get3A_1298 : vector<16xf32>
        %swap3A_1307 = arith.constant 0 : i32
        %swap3A_1308 = arith.index_cast %swap3A_1307 : i32 to index
        %swap3A_1309 = arith.index_cast %add3A_1267 : i32 to index
        %swap3A_1310 = arith.constant 0 : index
        %swap3A_1311 = tpu.vector_load %arg11[%swap3A_1308, %swap3A_1309, %swap3A_1310] {strides = array<i32>} : memref<4x128x32xf32, #tpu.memory_space<vmem>>, vector<1x1x16xf32>,
        %swap3A_1312 = vector.shape_cast %swap3A_1311 : vector<1x1x16xf32> to vector<16xf32>
        %swap3A_1313 = vector.shape_cast %add3A_1306 : vector<16xf32> to vector<1x1x16xf32>
        tpu.vector_store %arg11[%swap3A_1308, %swap3A_1309, %swap3A_1310], %swap3A_1313 {strides = array<i32>} : memref<4x128x32xf32, #tpu.memory_space<vmem>>, vector<1x1x16xf32>,
        %mul3A_1314 = arith.mulf %get3A_1292, %gather3A_1280 : vector<16xf32>
        %add3A_1315 = arith.addf %mul3A_1314, %get3A_1304 : vector<16xf32>
        %swap3A_1316 = arith.constant 0 : i32
        %swap3A_1317 = arith.index_cast %swap3A_1316 : i32 to index
        %swap3A_1318 = arith.index_cast %add3A_1267 : i32 to index
        %swap3A_1319 = arith.constant 16 : index
        %swap3A_1320 = tpu.vector_load %arg11[%swap3A_1317, %swap3A_1318, %swap3A_1319] {strides = array<i32>} : memref<4x128x32xf32, #tpu.memory_space<vmem>>, vector<1x1x16xf32>,
        %swap3A_1321 = vector.shape_cast %swap3A_1320 : vector<1x1x16xf32> to vector<16xf32>
        %swap3A_1322 = vector.shape_cast %add3A_1315 : vector<16xf32> to vector<1x1x16xf32>
        tpu.vector_store %arg11[%swap3A_1317, %swap3A_1318, %swap3A_1319], %swap3A_1322 {strides = array<i32>} : memref<4x128x32xf32, #tpu.memory_space<vmem>>, vector<1x1x16xf32>,
        %mul3A_1323 = arith.constant 16 : i32
        %mul3A_1324 = arith.muli %scan3A_493, %mul3A_1323 : i32
        %add3A_1325 = arith.constant 14 : i32
        %add3A_1326 = arith.addi %mul3A_1324, %add3A_1325 : i32
        %add3A_1327 = arith.constant 14 : i32
        %add3A_1328 = vector.broadcast %add3A_1327 : i32 to vector<16xi32>
        %add3A_1329 = arith.addi %mul3A_5, %add3A_1328 : vector<16xi32>
        %lt3A_1330 = arith.constant 0 : i32
        %lt3A_1331 = vector.broadcast %lt3A_1330 : i32 to vector<16xi32>
        %lt3A_1332 = arith.cmpi slt, %add3A_1329, %lt3A_1331 : vector<16xi32>
        %add3A_1333 = arith.constant 16 : i32
        %add3A_1334 = vector.broadcast %add3A_1333 : i32 to vector<16xi32>
        %add3A_1335 = arith.addi %add3A_1329, %add3A_1334 : vector<16xi32>
        %select_n3A_1336 = arith.select %lt3A_1332, %add3A_1335, %add3A_1329 : vector<16xi1>, vector<16xi32>
        %broadcast_in_dim3A_1337 = vector.shape_cast %select_n3A_1336 : vector<16xi32> to vector<16x1xi32>
        %gather3A_1338 = vector.shape_cast %broadcast_in_dim3A_1337 : vector<16x1xi32> to vector<16xi32>
        %gather3A_1339 = tpu.dynamic_gather %get3A_500[%gather3A_1338] in [0] : vector<16xf32>, vector<16xi32> -> vector<16xf32>
        %get3A_1340 = arith.constant 0 : i32
        %get3A_1341 = arith.index_cast %get3A_1340 : i32 to index
        %get3A_1342 = arith.index_cast %add3A_1326 : i32 to index
        %get3A_1343 = arith.constant 0 : index
        %get3A_1344 = tpu.vector_load %arg9[%get3A_1341, %get3A_1342, %get3A_1343] {strides = array<i32>} : memref<4x128x32xf32, #tpu.memory_space<vmem>>, vector<1x1x16xf32>,
        %get3A_1345 = vector.shape_cast %get3A_1344 : vector<1x1x16xf32> to vector<16xf32>
        %get3A_1346 = arith.constant 0 : i32
        %get3A_1347 = arith.index_cast %get3A_1346 : i32 to index
        %get3A_1348 = arith.index_cast %add3A_1326 : i32 to index
        %get3A_1349 = arith.constant 16 : index
        %get3A_1350 = tpu.vector_load %arg9[%get3A_1347, %get3A_1348, %get3A_1349] {strides = array<i32>} : memref<4x128x32xf32, #tpu.memory_space<vmem>>, vector<1x1x16xf32>,
        %get3A_1351 = vector.shape_cast %get3A_1350 : vector<1x1x16xf32> to vector<16xf32>
        %get3A_1352 = arith.constant 0 : i32
        %get3A_1353 = arith.index_cast %get3A_1352 : i32 to index
        %get3A_1354 = arith.index_cast %add3A_1326 : i32 to index
        %get3A_1355 = arith.constant 0 : index
        %get3A_1356 = tpu.vector_load %arg10[%get3A_1353, %get3A_1354, %get3A_1355] {strides = array<i32>} : memref<4x128x32xf32, #tpu.memory_space<vmem>>, vector<1x1x16xf32>,
        %get3A_1357 = vector.shape_cast %get3A_1356 : vector<1x1x16xf32> to vector<16xf32>
        %get3A_1358 = arith.constant 0 : i32
        %get3A_1359 = arith.index_cast %get3A_1358 : i32 to index
        %get3A_1360 = arith.index_cast %add3A_1326 : i32 to index
        %get3A_1361 = arith.constant 16 : index
        %get3A_1362 = tpu.vector_load %arg10[%get3A_1359, %get3A_1360, %get3A_1361] {strides = array<i32>} : memref<4x128x32xf32, #tpu.memory_space<vmem>>, vector<1x1x16xf32>,
        %get3A_1363 = vector.shape_cast %get3A_1362 : vector<1x1x16xf32> to vector<16xf32>
        %mul3A_1364 = arith.mulf %get3A_1345, %gather3A_1339 : vector<16xf32>
        %add3A_1365 = arith.addf %mul3A_1364, %get3A_1357 : vector<16xf32>
        %swap3A_1366 = arith.constant 0 : i32
        %swap3A_1367 = arith.index_cast %swap3A_1366 : i32 to index
        %swap3A_1368 = arith.index_cast %add3A_1326 : i32 to index
        %swap3A_1369 = arith.constant 0 : index
        %swap3A_1370 = tpu.vector_load %arg11[%swap3A_1367, %swap3A_1368, %swap3A_1369] {strides = array<i32>} : memref<4x128x32xf32, #tpu.memory_space<vmem>>, vector<1x1x16xf32>,
        %swap3A_1371 = vector.shape_cast %swap3A_1370 : vector<1x1x16xf32> to vector<16xf32>
        %swap3A_1372 = vector.shape_cast %add3A_1365 : vector<16xf32> to vector<1x1x16xf32>
        tpu.vector_store %arg11[%swap3A_1367, %swap3A_1368, %swap3A_1369], %swap3A_1372 {strides = array<i32>} : memref<4x128x32xf32, #tpu.memory_space<vmem>>, vector<1x1x16xf32>,
        %mul3A_1373 = arith.mulf %get3A_1351, %gather3A_1339 : vector<16xf32>
        %add3A_1374 = arith.addf %mul3A_1373, %get3A_1363 : vector<16xf32>
        %swap3A_1375 = arith.constant 0 : i32
        %swap3A_1376 = arith.index_cast %swap3A_1375 : i32 to index
        %swap3A_1377 = arith.index_cast %add3A_1326 : i32 to index
        %swap3A_1378 = arith.constant 16 : index
        %swap3A_1379 = tpu.vector_load %arg11[%swap3A_1376, %swap3A_1377, %swap3A_1378] {strides = array<i32>} : memref<4x128x32xf32, #tpu.memory_space<vmem>>, vector<1x1x16xf32>,
        %swap3A_1380 = vector.shape_cast %swap3A_1379 : vector<1x1x16xf32> to vector<16xf32>
        %swap3A_1381 = vector.shape_cast %add3A_1374 : vector<16xf32> to vector<1x1x16xf32>
        tpu.vector_store %arg11[%swap3A_1376, %swap3A_1377, %swap3A_1378], %swap3A_1381 {strides = array<i32>} : memref<4x128x32xf32, #tpu.memory_space<vmem>>, vector<1x1x16xf32>,
        %mul3A_1382 = arith.constant 16 : i32
        %mul3A_1383 = arith.muli %scan3A_493, %mul3A_1382 : i32
        %add3A_1384 = arith.constant 15 : i32
        %add3A_1385 = arith.addi %mul3A_1383, %add3A_1384 : i32
        %add3A_1386 = arith.constant 15 : i32
        %add3A_1387 = vector.broadcast %add3A_1386 : i32 to vector<16xi32>
        %add3A_1388 = arith.addi %mul3A_5, %add3A_1387 : vector<16xi32>
        %lt3A_1389 = arith.constant 0 : i32
        %lt3A_1390 = vector.broadcast %lt3A_1389 : i32 to vector<16xi32>
        %lt3A_1391 = arith.cmpi slt, %add3A_1388, %lt3A_1390 : vector<16xi32>
        %add3A_1392 = arith.constant 16 : i32
        %add3A_1393 = vector.broadcast %add3A_1392 : i32 to vector<16xi32>
        %add3A_1394 = arith.addi %add3A_1388, %add3A_1393 : vector<16xi32>
        %select_n3A_1395 = arith.select %lt3A_1391, %add3A_1394, %add3A_1388 : vector<16xi1>, vector<16xi32>
        %broadcast_in_dim3A_1396 = vector.shape_cast %select_n3A_1395 : vector<16xi32> to vector<16x1xi32>
        %gather3A_1397 = vector.shape_cast %broadcast_in_dim3A_1396 : vector<16x1xi32> to vector<16xi32>
        %gather3A_1398 = tpu.dynamic_gather %get3A_500[%gather3A_1397] in [0] : vector<16xf32>, vector<16xi32> -> vector<16xf32>
        %get3A_1399 = arith.constant 0 : i32
        %get3A_1400 = arith.index_cast %get3A_1399 : i32 to index
        %get3A_1401 = arith.index_cast %add3A_1385 : i32 to index
        %get3A_1402 = arith.constant 0 : index
        %get3A_1403 = tpu.vector_load %arg9[%get3A_1400, %get3A_1401, %get3A_1402] {strides = array<i32>} : memref<4x128x32xf32, #tpu.memory_space<vmem>>, vector<1x1x16xf32>,
        %get3A_1404 = vector.shape_cast %get3A_1403 : vector<1x1x16xf32> to vector<16xf32>
        %get3A_1405 = arith.constant 0 : i32
        %get3A_1406 = arith.index_cast %get3A_1405 : i32 to index
        %get3A_1407 = arith.index_cast %add3A_1385 : i32 to index
        %get3A_1408 = arith.constant 16 : index
        %get3A_1409 = tpu.vector_load %arg9[%get3A_1406, %get3A_1407, %get3A_1408] {strides = array<i32>} : memref<4x128x32xf32, #tpu.memory_space<vmem>>, vector<1x1x16xf32>,
        %get3A_1410 = vector.shape_cast %get3A_1409 : vector<1x1x16xf32> to vector<16xf32>
        %get3A_1411 = arith.constant 0 : i32
        %get3A_1412 = arith.index_cast %get3A_1411 : i32 to index
        %get3A_1413 = arith.index_cast %add3A_1385 : i32 to index
        %get3A_1414 = arith.constant 0 : index
        %get3A_1415 = tpu.vector_load %arg10[%get3A_1412, %get3A_1413, %get3A_1414] {strides = array<i32>} : memref<4x128x32xf32, #tpu.memory_space<vmem>>, vector<1x1x16xf32>,
        %get3A_1416 = vector.shape_cast %get3A_1415 : vector<1x1x16xf32> to vector<16xf32>
        %get3A_1417 = arith.constant 0 : i32
        %get3A_1418 = arith.index_cast %get3A_1417 : i32 to index
        %get3A_1419 = arith.index_cast %add3A_1385 : i32 to index
        %get3A_1420 = arith.constant 16 : index
        %get3A_1421 = tpu.vector_load %arg10[%get3A_1418, %get3A_1419, %get3A_1420] {strides = array<i32>} : memref<4x128x32xf32, #tpu.memory_space<vmem>>, vector<1x1x16xf32>,
        %get3A_1422 = vector.shape_cast %get3A_1421 : vector<1x1x16xf32> to vector<16xf32>
        %mul3A_1423 = arith.mulf %get3A_1404, %gather3A_1398 : vector<16xf32>
        %add3A_1424 = arith.addf %mul3A_1423, %get3A_1416 : vector<16xf32>
        %swap3A_1425 = arith.constant 0 : i32
        %swap3A_1426 = arith.index_cast %swap3A_1425 : i32 to index
        %swap3A_1427 = arith.index_cast %add3A_1385 : i32 to index
        %swap3A_1428 = arith.constant 0 : index
        %swap3A_1429 = tpu.vector_load %arg11[%swap3A_1426, %swap3A_1427, %swap3A_1428] {strides = array<i32>} : memref<4x128x32xf32, #tpu.memory_space<vmem>>, vector<1x1x16xf32>,
        %swap3A_1430 = vector.shape_cast %swap3A_1429 : vector<1x1x16xf32> to vector<16xf32>
        %swap3A_1431 = vector.shape_cast %add3A_1424 : vector<16xf32> to vector<1x1x16xf32>
        tpu.vector_store %arg11[%swap3A_1426, %swap3A_1427, %swap3A_1428], %swap3A_1431 {strides = array<i32>} : memref<4x128x32xf32, #tpu.memory_space<vmem>>, vector<1x1x16xf32>,
        %mul3A_1432 = arith.mulf %get3A_1410, %gather3A_1398 : vector<16xf32>
        %add3A_1433 = arith.addf %mul3A_1432, %get3A_1422 : vector<16xf32>
        %swap3A_1434 = arith.constant 0 : i32
        %swap3A_1435 = arith.index_cast %swap3A_1434 : i32 to index
        %swap3A_1436 = arith.index_cast %add3A_1385 : i32 to index
        %swap3A_1437 = arith.constant 16 : index
        %swap3A_1438 = tpu.vector_load %arg11[%swap3A_1435, %swap3A_1436, %swap3A_1437] {strides = array<i32>} : memref<4x128x32xf32, #tpu.memory_space<vmem>>, vector<1x1x16xf32>,
        %swap3A_1439 = vector.shape_cast %swap3A_1438 : vector<1x1x16xf32> to vector<16xf32>
        %swap3A_1440 = vector.shape_cast %add3A_1433 : vector<16xf32> to vector<1x1x16xf32>
        tpu.vector_store %arg11[%swap3A_1435, %swap3A_1436, %swap3A_1437], %swap3A_1440 {strides = array<i32>} : memref<4x128x32xf32, #tpu.memory_space<vmem>>, vector<1x1x16xf32>,
      }
      %scan3A_258 = arith.constant 8 : i32
      %mul3A_259 = arith.constant 104 : i32
      %mul3A_260 = arith.muli %add3A, %mul3A_259 : i32
      %add3A_261 = arith.addi %mul3A_260, %add3A_222 : i32
      %mul3A_262 = arith.constant 128 : i32
      %mul3A_263 = arith.muli %add3A_261, %mul3A_262 : i32
      %dma_start3A_264 = arith.constant 0 : i32
      %dma_start3A_265 = arith.constant 0 : i32
      %dma_start3A_266 = arith.constant 0 : i32
      %dma_start3A_267 = arith.constant 0 : i32
      %dma_start3A_268 = tpu.memref_slice %arg11[%dma_start3A_264, %dma_start3A_266, %dma_start3A_267] : memref<4x128x32xf32, #tpu.memory_space<vmem>> -> memref<1x128x32xf32, #tpu.memory_space<vmem>>
      %dma_start3A_269 = tpu.memref_squeeze %dma_start3A_268 : memref<1x128x32xf32, #tpu.memory_space<vmem>> -> memref<128x32xf32, #tpu.memory_space<vmem>>
      %dma_start3A_270 = arith.constant 0 : i32
      %dma_start3A_271 = tpu.memref_slice %arg6[%mul3A_263, %dma_start3A_270] : memref<425984x32xf32, #tpu.memory_space<hbm>> -> memref<128x32xf32, #tpu.memory_space<hbm>>
      %dma_start3A_272 = tpu.memref_slice %arg14[%dma_start3A_265] : memref<4x!tpu.dma_semaphore, #tpu.memory_space<semaphore_mem>> -> memref<1x!tpu.dma_semaphore, #tpu.memory_space<semaphore_mem>>
      %dma_start3A_273 = tpu.memref_squeeze %dma_start3A_272 : memref<1x!tpu.dma_semaphore, #tpu.memory_space<semaphore_mem>> -> memref<!tpu.dma_semaphore, #tpu.memory_space<semaphore_mem>>
      %dma_start3A_274 = arith.constant 0 : i32
      %dma_start3A_275 = tpu.memref_slice %arg6[%mul3A_263, %dma_start3A_274] : memref<425984x32xf32, #tpu.memory_space<hbm>> -> memref<128x32xf32, #tpu.memory_space<hbm>>
      %dma_start3A_276 = arith.constant 0 : i32
      %dma_start3A_277 = arith.constant 0 : i32
      %dma_start3A_278 = tpu.memref_slice %arg11[%dma_start3A_264, %dma_start3A_276, %dma_start3A_277] : memref<4x128x32xf32, #tpu.memory_space<vmem>> -> memref<1x128x32xf32, #tpu.memory_space<vmem>>
      %dma_start3A_279 = tpu.memref_squeeze %dma_start3A_278 : memref<1x128x32xf32, #tpu.memory_space<vmem>> -> memref<128x32xf32, #tpu.memory_space<vmem>>
      tpu.enqueue_dma source(%dma_start3A_279 : memref<128x32xf32, #tpu.memory_space<vmem>>) target(%dma_start3A_275 : memref<128x32xf32, #tpu.memory_space<hbm>>) target_semaphore(%dma_start3A_273 : memref<!tpu.dma_semaphore, #tpu.memory_space<semaphore_mem>>)
      %add3A_280 = arith.constant 4 : i32
      %add3A_281 = arith.addi %add3A_222, %add3A_280 : i32
      %lt3A = arith.constant 104 : i32
      %lt3A_282 = arith.cmpi slt, %add3A_281, %lt3A : i32
      %convert_element_type3A_283 = arith.extui %lt3A_282 : i1 to i32
      %cond3A_284 = arith.constant 0 : i32
      %cond3A_285 = arith.cmpi ne, %convert_element_type3A_283, %cond3A_284 : i32
      scf.if %cond3A_285 {
        %add3A_493 = arith.constant 4 : i32
        %add3A_494 = arith.addi %add3A_222, %add3A_493 : i32
        %dma_start3A_495 = arith.constant 0 : i32
        %dma_start3A_496 = arith.constant 0 : i32
        %dma_start3A_497 = arith.constant 0 : i32
        %dma_start3A_498 = arith.constant 0 : i32
        %dma_start3A_499 = tpu.memref_slice %arg9[%dma_start3A_495, %dma_start3A_497, %dma_start3A_498] : memref<4x128x32xf32, #tpu.memory_space<vmem>> -> memref<1x128x32xf32, #tpu.memory_space<vmem>>
        %dma_start3A_500 = tpu.memref_squeeze %dma_start3A_499 : memref<1x128x32xf32, #tpu.memory_space<vmem>> -> memref<128x32xf32, #tpu.memory_space<vmem>>
        %dma_start3A_501 = arith.constant 0 : i32
        %dma_start3A_502 = tpu.memref_slice %arg7[%add3A_494, %dma_start3A_501] : memref<104x128xi32, #tpu.memory_space<vmem>> -> memref<1x128xi32, #tpu.memory_space<vmem>>
        %dma_start3A_503 = tpu.memref_squeeze %dma_start3A_502 : memref<1x128xi32, #tpu.memory_space<vmem>> -> memref<128xi32, #tpu.memory_space<vmem>>
        %dma_start3A_504 = arith.constant 0 : i32
        %dma_start3A_505 = arith.constant 0 : i32
        %dma_start3A_506 = tpu.memref_slice %arg4[%dma_start3A_504, %dma_start3A_505] : memref<1000001x32xf32, #tpu.memory_space<hbm>> -> memref<1000001x32xf32, #tpu.memory_space<hbm>>
        %dma_start3A_507 = tpu.memref_slice %arg12[%dma_start3A_496] : memref<4x!tpu.dma_semaphore, #tpu.memory_space<semaphore_mem>> -> memref<1x!tpu.dma_semaphore, #tpu.memory_space<semaphore_mem>>
        %dma_start3A_508 = tpu.memref_squeeze %dma_start3A_507 : memref<1x!tpu.dma_semaphore, #tpu.memory_space<semaphore_mem>> -> memref<!tpu.dma_semaphore, #tpu.memory_space<semaphore_mem>>
        tpu.enqueue_indirect_dma source(%dma_start3A_506 : memref<1000001x32xf32, #tpu.memory_space<hbm>>) target(%dma_start3A_500 : memref<128x32xf32, #tpu.memory_space<vmem>>) offsets(%dma_start3A_503 : memref<128xi32, #tpu.memory_space<vmem>>) semaphore(%dma_start3A_508 : memref<!tpu.dma_semaphore, #tpu.memory_space<semaphore_mem>>)
        %dma_start3A_509 = arith.constant 0 : i32
        %dma_start3A_510 = arith.constant 0 : i32
        %dma_start3A_511 = arith.constant 0 : i32
        %dma_start3A_512 = arith.constant 0 : i32
        %dma_start3A_513 = tpu.memref_slice %arg10[%dma_start3A_509, %dma_start3A_511, %dma_start3A_512] : memref<4x128x32xf32, #tpu.memory_space<vmem>> -> memref<1x128x32xf32, #tpu.memory_space<vmem>>
        %dma_start3A_514 = tpu.memref_squeeze %dma_start3A_513 : memref<1x128x32xf32, #tpu.memory_space<vmem>> -> memref<128x32xf32, #tpu.memory_space<vmem>>
        %dma_start3A_515 = arith.constant 0 : i32
        %dma_start3A_516 = tpu.memref_slice %arg7[%add3A_494, %dma_start3A_515] : memref<104x128xi32, #tpu.memory_space<vmem>> -> memref<1x128xi32, #tpu.memory_space<vmem>>
        %dma_start3A_517 = tpu.memref_squeeze %dma_start3A_516 : memref<1x128xi32, #tpu.memory_space<vmem>> -> memref<128xi32, #tpu.memory_space<vmem>>
        %dma_start3A_518 = arith.constant 0 : i32
        %dma_start3A_519 = arith.constant 0 : i32
        %dma_start3A_520 = tpu.memref_slice %arg5[%dma_start3A_518, %dma_start3A_519] : memref<1000001x32xf32, #tpu.memory_space<hbm>> -> memref<1000001x32xf32, #tpu.memory_space<hbm>>
        %dma_start3A_521 = tpu.memref_slice %arg13[%dma_start3A_510] : memref<4x!tpu.dma_semaphore, #tpu.memory_space<semaphore_mem>> -> memref<1x!tpu.dma_semaphore, #tpu.memory_space<semaphore_mem>>
        %dma_start3A_522 = tpu.memref_squeeze %dma_start3A_521 : memref<1x!tpu.dma_semaphore, #tpu.memory_space<semaphore_mem>> -> memref<!tpu.dma_semaphore, #tpu.memory_space<semaphore_mem>>
        tpu.enqueue_indirect_dma source(%dma_start3A_520 : memref<1000001x32xf32, #tpu.memory_space<hbm>>) target(%dma_start3A_514 : memref<128x32xf32, #tpu.memory_space<vmem>>) offsets(%dma_start3A_517 : memref<128xi32, #tpu.memory_space<vmem>>) semaphore(%dma_start3A_522 : memref<!tpu.dma_semaphore, #tpu.memory_space<semaphore_mem>>)
      } else {
      }
      %add3A_286 = arith.constant 1 : i32
      %add3A_287 = arith.addi %add3A_220, %add3A_286 : i32
      %ge3A_288 = arith.constant 4 : i32
      %ge3A_289 = arith.cmpi sge, %add3A_287, %ge3A_288 : i32
      %convert_element_type3A_290 = arith.extui %ge3A_289 : i1 to i32
      %cond3A_291 = arith.constant 0 : i32
      %cond3A_292 = arith.cmpi ne, %convert_element_type3A_290, %cond3A_291 : i32
      scf.if %cond3A_292 {
        %sub3A = arith.constant 4 : i32
        %sub3A_493 = arith.subi %add3A_287, %sub3A : i32
        %mul3A_494 = arith.constant 104 : i32
        %mul3A_495 = arith.muli %add3A, %mul3A_494 : i32
        %add3A_496 = arith.addi %mul3A_495, %sub3A_493 : i32
        %mul3A_497 = arith.constant 128 : i32
        %mul3A_498 = arith.muli %add3A_496, %mul3A_497 : i32
        %dma_wait3A_499 = arith.constant 1 : i32
        %dma_wait3A_500 = arith.constant 1 : i32
        %dma_wait3A_501 = arith.constant 0 : i32
        %dma_wait3A_502 = arith.constant 0 : i32
        %dma_wait3A_503 = tpu.memref_slice %arg11[%dma_wait3A_499, %dma_wait3A_501, %dma_wait3A_502] : memref<4x128x32xf32, #tpu.memory_space<vmem>> -> memref<1x128x32xf32, #tpu.memory_space<vmem>>
        %dma_wait3A_504 = tpu.memref_squeeze %dma_wait3A_503 : memref<1x128x32xf32, #tpu.memory_space<vmem>> -> memref<128x32xf32, #tpu.memory_space<vmem>>
        %dma_wait3A_505 = arith.constant 0 : i32
        %dma_wait3A_506 = tpu.memref_slice %arg6[%mul3A_498, %dma_wait3A_505] : memref<425984x32xf32, #tpu.memory_space<hbm>> -> memref<128x32xf32, #tpu.memory_space<hbm>>
        %dma_wait3A_507 = tpu.memref_slice %arg14[%dma_wait3A_500] : memref<4x!tpu.dma_semaphore, #tpu.memory_space<semaphore_mem>> -> memref<1x!tpu.dma_semaphore, #tpu.memory_space<semaphore_mem>>
        %dma_wait3A_508 = tpu.memref_squeeze %dma_wait3A_507 : memref<1x!tpu.dma_semaphore, #tpu.memory_space<semaphore_mem>> -> memref<!tpu.dma_semaphore, #tpu.memory_space<semaphore_mem>>
        %dma_wait3A_509 = arith.constant 0 : i32
        %dma_wait3A_510 = tpu.memref_slice %arg6[%mul3A_498, %dma_wait3A_509] : memref<425984x32xf32, #tpu.memory_space<hbm>> -> memref<128x32xf32, #tpu.memory_space<hbm>>
        %dma_wait3A_511 = arith.constant 0 : i32
        %dma_wait3A_512 = arith.constant 0 : i32
        %dma_wait3A_513 = tpu.memref_slice %arg11[%dma_wait3A_499, %dma_wait3A_511, %dma_wait3A_512] : memref<4x128x32xf32, #tpu.memory_space<vmem>> -> memref<1x128x32xf32, #tpu.memory_space<vmem>>
        %dma_wait3A_514 = tpu.memref_squeeze %dma_wait3A_513 : memref<1x128x32xf32, #tpu.memory_space<vmem>> -> memref<128x32xf32, #tpu.memory_space<vmem>>
        tpu.wait_dma2 semaphore(%dma_wait3A_508 : memref<!tpu.dma_semaphore, #tpu.memory_space<semaphore_mem>>) src(%dma_wait3A_514 : memref<128x32xf32, #tpu.memory_space<vmem>>) dst(%dma_wait3A_510 : memref<128x32xf32, #tpu.memory_space<hbm>>)
      } else {
      }
      %dma_wait3A_293 = arith.constant 1 : i32
      %dma_wait3A_294 = arith.constant 1 : i32
      %dma_wait3A_295 = arith.constant 0 : i32
      %dma_wait3A_296 = arith.constant 0 : i32
      %dma_wait3A_297 = tpu.memref_slice %arg9[%dma_wait3A_293, %dma_wait3A_295, %dma_wait3A_296] : memref<4x128x32xf32, #tpu.memory_space<vmem>> -> memref<1x128x32xf32, #tpu.memory_space<vmem>>
      %dma_wait3A_298 = tpu.memref_squeeze %dma_wait3A_297 : memref<1x128x32xf32, #tpu.memory_space<vmem>> -> memref<128x32xf32, #tpu.memory_space<vmem>>
      %dma_wait3A_299 = arith.constant 0 : i32
      %dma_wait3A_300 = tpu.memref_slice %arg7[%add3A_287, %dma_wait3A_299] : memref<104x128xi32, #tpu.memory_space<vmem>> -> memref<1x128xi32, #tpu.memory_space<vmem>>
      %dma_wait3A_301 = tpu.memref_squeeze %dma_wait3A_300 : memref<1x128xi32, #tpu.memory_space<vmem>> -> memref<128xi32, #tpu.memory_space<vmem>>
      %dma_wait3A_302 = arith.constant 0 : i32
      %dma_wait3A_303 = arith.constant 0 : i32
      %dma_wait3A_304 = tpu.memref_slice %arg4[%dma_wait3A_302, %dma_wait3A_303] : memref<1000001x32xf32, #tpu.memory_space<hbm>> -> memref<1000001x32xf32, #tpu.memory_space<hbm>>
      %dma_wait3A_305 = tpu.memref_slice %arg12[%dma_wait3A_294] : memref<4x!tpu.dma_semaphore, #tpu.memory_space<semaphore_mem>> -> memref<1x!tpu.dma_semaphore, #tpu.memory_space<semaphore_mem>>
      %dma_wait3A_306 = tpu.memref_squeeze %dma_wait3A_305 : memref<1x!tpu.dma_semaphore, #tpu.memory_space<semaphore_mem>> -> memref<!tpu.dma_semaphore, #tpu.memory_space<semaphore_mem>>
      tpu.wait_indirect_dma semaphore(%dma_wait3A_306 : memref<!tpu.dma_semaphore, #tpu.memory_space<semaphore_mem>>) src(%dma_wait3A_304 : memref<1000001x32xf32, #tpu.memory_space<hbm>>) dst(%dma_wait3A_298 : memref<128x32xf32, #tpu.memory_space<vmem>>)
      %dma_wait3A_307 = arith.constant 1 : i32
      %dma_wait3A_308 = arith.constant 1 : i32
      %dma_wait3A_309 = arith.constant 0 : i32
      %dma_wait3A_310 = arith.constant 0 : i32
      %dma_wait3A_311 = tpu.memref_slice %arg10[%dma_wait3A_307, %dma_wait3A_309, %dma_wait3A_310] : memref<4x128x32xf32, #tpu.memory_space<vmem>> -> memref<1x128x32xf32, #tpu.memory_space<vmem>>
      %dma_wait3A_312 = tpu.memref_squeeze %dma_wait3A_311 : memref<1x128x32xf32, #tpu.memory_space<vmem>> -> memref<128x32xf32, #tpu.memory_space<vmem>>
      %dma_wait3A_313 = arith.constant 0 : i32
      %dma_wait3A_314 = tpu.memref_slice %arg7[%add3A_287, %dma_wait3A_313] : memref<104x128xi32, #tpu.memory_space<vmem>> -> memref<1x128xi32, #tpu.memory_space<vmem>>
      %dma_wait3A_315 = tpu.memref_squeeze %dma_wait3A_314 : memref<1x128xi32, #tpu.memory_space<vmem>> -> memref<128xi32, #tpu.memory_space<vmem>>
      %dma_wait3A_316 = arith.constant 0 : i32
      %dma_wait3A_317 = arith.constant 0 : i32
      %dma_wait3A_318 = tpu.memref_slice %arg5[%dma_wait3A_316, %dma_wait3A_317] : memref<1000001x32xf32, #tpu.memory_space<hbm>> -> memref<1000001x32xf32, #tpu.memory_space<hbm>>
      %dma_wait3A_319 = tpu.memref_slice %arg13[%dma_wait3A_308] : memref<4x!tpu.dma_semaphore, #tpu.memory_space<semaphore_mem>> -> memref<1x!tpu.dma_semaphore, #tpu.memory_space<semaphore_mem>>
      %dma_wait3A_320 = tpu.memref_squeeze %dma_wait3A_319 : memref<1x!tpu.dma_semaphore, #tpu.memory_space<semaphore_mem>> -> memref<!tpu.dma_semaphore, #tpu.memory_space<semaphore_mem>>
      tpu.wait_indirect_dma semaphore(%dma_wait3A_320 : memref<!tpu.dma_semaphore, #tpu.memory_space<semaphore_mem>>) src(%dma_wait3A_318 : memref<1000001x32xf32, #tpu.memory_space<hbm>>) dst(%dma_wait3A_312 : memref<128x32xf32, #tpu.memory_space<vmem>>)
      %scan3A_321 = arith.constant 0 : i32
      %scan3A_322 = arith.constant 0 : i32
      %scan3A_323 = arith.constant 8 : i32
      %scan3A_324 = arith.addi %scan3A_322, %scan3A_323 : i32
      %scan3A_325 = arith.constant 1 : i32
      scf.for %scan3A_493 = %scan3A_322 to %scan3A_324 step %scan3A_325  : i32 {
        %mul3A_494 = arith.constant 128 : i32
        %mul3A_495 = arith.muli %add3A_287, %mul3A_494 : i32
        %mul3A_496 = arith.constant 16 : i32
        %mul3A_497 = arith.muli %scan3A_493, %mul3A_496 : i32
        %add3A_498 = arith.addi %mul3A_495, %mul3A_497 : i32
        %get3A = arith.index_cast %add3A_498 : i32 to index
        %get3A_499 = tpu.vector_load %arg8[%get3A] {strides = array<i32>} : memref<13312xf32, #tpu.memory_space<vmem>>, vector<16xf32>,
        %get3A_500 = vector.shape_cast %get3A_499 : vector<16xf32> to vector<16xf32>
        %mul3A_501 = arith.constant 16 : i32
        %mul3A_502 = arith.muli %scan3A_493, %mul3A_501 : i32
        %add3A_503 = arith.constant 0 : i32
        %add3A_504 = arith.addi %mul3A_502, %add3A_503 : i32
        %add3A_505 = arith.constant 0 : i32
        %add3A_506 = vector.broadcast %add3A_505 : i32 to vector<16xi32>
        %add3A_507 = arith.addi %mul3A_5, %add3A_506 : vector<16xi32>
        %lt3A_508 = arith.constant 0 : i32
        %lt3A_509 = vector.broadcast %lt3A_508 : i32 to vector<16xi32>
        %lt3A_510 = arith.cmpi slt, %add3A_507, %lt3A_509 : vector<16xi32>
        %add3A_511 = arith.constant 16 : i32
        %add3A_512 = vector.broadcast %add3A_511 : i32 to vector<16xi32>
        %add3A_513 = arith.addi %add3A_507, %add3A_512 : vector<16xi32>
        %select_n3A = arith.select %lt3A_510, %add3A_513, %add3A_507 : vector<16xi1>, vector<16xi32>
        %broadcast_in_dim3A = vector.shape_cast %select_n3A : vector<16xi32> to vector<16x1xi32>
        %gather3A = vector.shape_cast %broadcast_in_dim3A : vector<16x1xi32> to vector<16xi32>
        %gather3A_514 = tpu.dynamic_gather %get3A_500[%gather3A] in [0] : vector<16xf32>, vector<16xi32> -> vector<16xf32>
        %get3A_515 = arith.constant 1 : i32
        %get3A_516 = arith.index_cast %get3A_515 : i32 to index
        %get3A_517 = arith.index_cast %add3A_504 : i32 to index
        %get3A_518 = arith.constant 0 : index
        %get3A_519 = tpu.vector_load %arg9[%get3A_516, %get3A_517, %get3A_518] {strides = array<i32>} : memref<4x128x32xf32, #tpu.memory_space<vmem>>, vector<1x1x16xf32>,
        %get3A_520 = vector.shape_cast %get3A_519 : vector<1x1x16xf32> to vector<16xf32>
        %get3A_521 = arith.constant 1 : i32
        %get3A_522 = arith.index_cast %get3A_521 : i32 to index
        %get3A_523 = arith.index_cast %add3A_504 : i32 to index
        %get3A_524 = arith.constant 16 : index
        %get3A_525 = tpu.vector_load %arg9[%get3A_522, %get3A_523, %get3A_524] {strides = array<i32>} : memref<4x128x32xf32, #tpu.memory_space<vmem>>, vector<1x1x16xf32>,
        %get3A_526 = vector.shape_cast %get3A_525 : vector<1x1x16xf32> to vector<16xf32>
        %get3A_527 = arith.constant 1 : i32
        %get3A_528 = arith.index_cast %get3A_527 : i32 to index
        %get3A_529 = arith.index_cast %add3A_504 : i32 to index
        %get3A_530 = arith.constant 0 : index
        %get3A_531 = tpu.vector_load %arg10[%get3A_528, %get3A_529, %get3A_530] {strides = array<i32>} : memref<4x128x32xf32, #tpu.memory_space<vmem>>, vector<1x1x16xf32>,
        %get3A_532 = vector.shape_cast %get3A_531 : vector<1x1x16xf32> to vector<16xf32>
        %get3A_533 = arith.constant 1 : i32
        %get3A_534 = arith.index_cast %get3A_533 : i32 to index
        %get3A_535 = arith.index_cast %add3A_504 : i32 to index
        %get3A_536 = arith.constant 16 : index
        %get3A_537 = tpu.vector_load %arg10[%get3A_534, %get3A_535, %get3A_536] {strides = array<i32>} : memref<4x128x32xf32, #tpu.memory_space<vmem>>, vector<1x1x16xf32>,
        %get3A_538 = vector.shape_cast %get3A_537 : vector<1x1x16xf32> to vector<16xf32>
        %mul3A_539 = arith.mulf %get3A_520, %gather3A_514 : vector<16xf32>
        %add3A_540 = arith.addf %mul3A_539, %get3A_532 : vector<16xf32>
        %swap3A = arith.constant 1 : i32
        %swap3A_541 = arith.index_cast %swap3A : i32 to index
        %swap3A_542 = arith.index_cast %add3A_504 : i32 to index
        %swap3A_543 = arith.constant 0 : index
        %swap3A_544 = tpu.vector_load %arg11[%swap3A_541, %swap3A_542, %swap3A_543] {strides = array<i32>} : memref<4x128x32xf32, #tpu.memory_space<vmem>>, vector<1x1x16xf32>,
        %swap3A_545 = vector.shape_cast %swap3A_544 : vector<1x1x16xf32> to vector<16xf32>
        %swap3A_546 = vector.shape_cast %add3A_540 : vector<16xf32> to vector<1x1x16xf32>
        tpu.vector_store %arg11[%swap3A_541, %swap3A_542, %swap3A_543], %swap3A_546 {strides = array<i32>} : memref<4x128x32xf32, #tpu.memory_space<vmem>>, vector<1x1x16xf32>,
        %mul3A_547 = arith.mulf %get3A_526, %gather3A_514 : vector<16xf32>
        %add3A_548 = arith.addf %mul3A_547, %get3A_538 : vector<16xf32>
        %swap3A_549 = arith.constant 1 : i32
        %swap3A_550 = arith.index_cast %swap3A_549 : i32 to index
        %swap3A_551 = arith.index_cast %add3A_504 : i32 to index
        %swap3A_552 = arith.constant 16 : index
        %swap3A_553 = tpu.vector_load %arg11[%swap3A_550, %swap3A_551, %swap3A_552] {strides = array<i32>} : memref<4x128x32xf32, #tpu.memory_space<vmem>>, vector<1x1x16xf32>,
        %swap3A_554 = vector.shape_cast %swap3A_553 : vector<1x1x16xf32> to vector<16xf32>
        %swap3A_555 = vector.shape_cast %add3A_548 : vector<16xf32> to vector<1x1x16xf32>
        tpu.vector_store %arg11[%swap3A_550, %swap3A_551, %swap3A_552], %swap3A_555 {strides = array<i32>} : memref<4x128x32xf32, #tpu.memory_space<vmem>>, vector<1x1x16xf32>,
        %mul3A_556 = arith.constant 16 : i32
        %mul3A_557 = arith.muli %scan3A_493, %mul3A_556 : i32
        %add3A_558 = arith.constant 1 : i32
        %add3A_559 = arith.addi %mul3A_557, %add3A_558 : i32
        %add3A_560 = arith.constant 1 : i32
        %add3A_561 = vector.broadcast %add3A_560 : i32 to vector<16xi32>
        %add3A_562 = arith.addi %mul3A_5, %add3A_561 : vector<16xi32>
        %lt3A_563 = arith.constant 0 : i32
        %lt3A_564 = vector.broadcast %lt3A_563 : i32 to vector<16xi32>
        %lt3A_565 = arith.cmpi slt, %add3A_562, %lt3A_564 : vector<16xi32>
        %add3A_566 = arith.constant 16 : i32
        %add3A_567 = vector.broadcast %add3A_566 : i32 to vector<16xi32>
        %add3A_568 = arith.addi %add3A_562, %add3A_567 : vector<16xi32>
        %select_n3A_569 = arith.select %lt3A_565, %add3A_568, %add3A_562 : vector<16xi1>, vector<16xi32>
        %broadcast_in_dim3A_570 = vector.shape_cast %select_n3A_569 : vector<16xi32> to vector<16x1xi32>
        %gather3A_571 = vector.shape_cast %broadcast_in_dim3A_570 : vector<16x1xi32> to vector<16xi32>
        %gather3A_572 = tpu.dynamic_gather %get3A_500[%gather3A_571] in [0] : vector<16xf32>, vector<16xi32> -> vector<16xf32>
        %get3A_573 = arith.constant 1 : i32
        %get3A_574 = arith.index_cast %get3A_573 : i32 to index
        %get3A_575 = arith.index_cast %add3A_559 : i32 to index
        %get3A_576 = arith.constant 0 : index
        %get3A_577 = tpu.vector_load %arg9[%get3A_574, %get3A_575, %get3A_576] {strides = array<i32>} : memref<4x128x32xf32, #tpu.memory_space<vmem>>, vector<1x1x16xf32>,
        %get3A_578 = vector.shape_cast %get3A_577 : vector<1x1x16xf32> to vector<16xf32>
        %get3A_579 = arith.constant 1 : i32
        %get3A_580 = arith.index_cast %get3A_579 : i32 to index
        %get3A_581 = arith.index_cast %add3A_559 : i32 to index
        %get3A_582 = arith.constant 16 : index
        %get3A_583 = tpu.vector_load %arg9[%get3A_580, %get3A_581, %get3A_582] {strides = array<i32>} : memref<4x128x32xf32, #tpu.memory_space<vmem>>, vector<1x1x16xf32>,
        %get3A_584 = vector.shape_cast %get3A_583 : vector<1x1x16xf32> to vector<16xf32>
        %get3A_585 = arith.constant 1 : i32
        %get3A_586 = arith.index_cast %get3A_585 : i32 to index
        %get3A_587 = arith.index_cast %add3A_559 : i32 to index
        %get3A_588 = arith.constant 0 : index
        %get3A_589 = tpu.vector_load %arg10[%get3A_586, %get3A_587, %get3A_588] {strides = array<i32>} : memref<4x128x32xf32, #tpu.memory_space<vmem>>, vector<1x1x16xf32>,
        %get3A_590 = vector.shape_cast %get3A_589 : vector<1x1x16xf32> to vector<16xf32>
        %get3A_591 = arith.constant 1 : i32
        %get3A_592 = arith.index_cast %get3A_591 : i32 to index
        %get3A_593 = arith.index_cast %add3A_559 : i32 to index
        %get3A_594 = arith.constant 16 : index
        %get3A_595 = tpu.vector_load %arg10[%get3A_592, %get3A_593, %get3A_594] {strides = array<i32>} : memref<4x128x32xf32, #tpu.memory_space<vmem>>, vector<1x1x16xf32>,
        %get3A_596 = vector.shape_cast %get3A_595 : vector<1x1x16xf32> to vector<16xf32>
        %mul3A_597 = arith.mulf %get3A_578, %gather3A_572 : vector<16xf32>
        %add3A_598 = arith.addf %mul3A_597, %get3A_590 : vector<16xf32>
        %swap3A_599 = arith.constant 1 : i32
        %swap3A_600 = arith.index_cast %swap3A_599 : i32 to index
        %swap3A_601 = arith.index_cast %add3A_559 : i32 to index
        %swap3A_602 = arith.constant 0 : index
        %swap3A_603 = tpu.vector_load %arg11[%swap3A_600, %swap3A_601, %swap3A_602] {strides = array<i32>} : memref<4x128x32xf32, #tpu.memory_space<vmem>>, vector<1x1x16xf32>,
        %swap3A_604 = vector.shape_cast %swap3A_603 : vector<1x1x16xf32> to vector<16xf32>
        %swap3A_605 = vector.shape_cast %add3A_598 : vector<16xf32> to vector<1x1x16xf32>
        tpu.vector_store %arg11[%swap3A_600, %swap3A_601, %swap3A_602], %swap3A_605 {strides = array<i32>} : memref<4x128x32xf32, #tpu.memory_space<vmem>>, vector<1x1x16xf32>,
        %mul3A_606 = arith.mulf %get3A_584, %gather3A_572 : vector<16xf32>
        %add3A_607 = arith.addf %mul3A_606, %get3A_596 : vector<16xf32>
        %swap3A_608 = arith.constant 1 : i32
        %swap3A_609 = arith.index_cast %swap3A_608 : i32 to index
        %swap3A_610 = arith.index_cast %add3A_559 : i32 to index
        %swap3A_611 = arith.constant 16 : index
        %swap3A_612 = tpu.vector_load %arg11[%swap3A_609, %swap3A_610, %swap3A_611] {strides = array<i32>} : memref<4x128x32xf32, #tpu.memory_space<vmem>>, vector<1x1x16xf32>,
        %swap3A_613 = vector.shape_cast %swap3A_612 : vector<1x1x16xf32> to vector<16xf32>
        %swap3A_614 = vector.shape_cast %add3A_607 : vector<16xf32> to vector<1x1x16xf32>
        tpu.vector_store %arg11[%swap3A_609, %swap3A_610, %swap3A_611], %swap3A_614 {strides = array<i32>} : memref<4x128x32xf32, #tpu.memory_space<vmem>>, vector<1x1x16xf32>,
        %mul3A_615 = arith.constant 16 : i32
        %mul3A_616 = arith.muli %scan3A_493, %mul3A_615 : i32
        %add3A_617 = arith.constant 2 : i32
        %add3A_618 = arith.addi %mul3A_616, %add3A_617 : i32
        %add3A_619 = arith.constant 2 : i32
        %add3A_620 = vector.broadcast %add3A_619 : i32 to vector<16xi32>
        %add3A_621 = arith.addi %mul3A_5, %add3A_620 : vector<16xi32>
        %lt3A_622 = arith.constant 0 : i32
        %lt3A_623 = vector.broadcast %lt3A_622 : i32 to vector<16xi32>
        %lt3A_624 = arith.cmpi slt, %add3A_621, %lt3A_623 : vector<16xi32>
        %add3A_625 = arith.constant 16 : i32
        %add3A_626 = vector.broadcast %add3A_625 : i32 to vector<16xi32>
        %add3A_627 = arith.addi %add3A_621, %add3A_626 : vector<16xi32>
        %select_n3A_628 = arith.select %lt3A_624, %add3A_627, %add3A_621 : vector<16xi1>, vector<16xi32>
        %broadcast_in_dim3A_629 = vector.shape_cast %select_n3A_628 : vector<16xi32> to vector<16x1xi32>
        %gather3A_630 = vector.shape_cast %broadcast_in_dim3A_629 : vector<16x1xi32> to vector<16xi32>
        %gather3A_631 = tpu.dynamic_gather %get3A_500[%gather3A_630] in [0] : vector<16xf32>, vector<16xi32> -> vector<16xf32>
        %get3A_632 = arith.constant 1 : i32
        %get3A_633 = arith.index_cast %get3A_632 : i32 to index
        %get3A_634 = arith.index_cast %add3A_618 : i32 to index
        %get3A_635 = arith.constant 0 : index
        %get3A_636 = tpu.vector_load %arg9[%get3A_633, %get3A_634, %get3A_635] {strides = array<i32>} : memref<4x128x32xf32, #tpu.memory_space<vmem>>, vector<1x1x16xf32>,
        %get3A_637 = vector.shape_cast %get3A_636 : vector<1x1x16xf32> to vector<16xf32>
        %get3A_638 = arith.constant 1 : i32
        %get3A_639 = arith.index_cast %get3A_638 : i32 to index
        %get3A_640 = arith.index_cast %add3A_618 : i32 to index
        %get3A_641 = arith.constant 16 : index
        %get3A_642 = tpu.vector_load %arg9[%get3A_639, %get3A_640, %get3A_641] {strides = array<i32>} : memref<4x128x32xf32, #tpu.memory_space<vmem>>, vector<1x1x16xf32>,
        %get3A_643 = vector.shape_cast %get3A_642 : vector<1x1x16xf32> to vector<16xf32>
        %get3A_644 = arith.constant 1 : i32
        %get3A_645 = arith.index_cast %get3A_644 : i32 to index
        %get3A_646 = arith.index_cast %add3A_618 : i32 to index
        %get3A_647 = arith.constant 0 : index
        %get3A_648 = tpu.vector_load %arg10[%get3A_645, %get3A_646, %get3A_647] {strides = array<i32>} : memref<4x128x32xf32, #tpu.memory_space<vmem>>, vector<1x1x16xf32>,
        %get3A_649 = vector.shape_cast %get3A_648 : vector<1x1x16xf32> to vector<16xf32>
        %get3A_650 = arith.constant 1 : i32
        %get3A_651 = arith.index_cast %get3A_650 : i32 to index
        %get3A_652 = arith.index_cast %add3A_618 : i32 to index
        %get3A_653 = arith.constant 16 : index
        %get3A_654 = tpu.vector_load %arg10[%get3A_651, %get3A_652, %get3A_653] {strides = array<i32>} : memref<4x128x32xf32, #tpu.memory_space<vmem>>, vector<1x1x16xf32>,
        %get3A_655 = vector.shape_cast %get3A_654 : vector<1x1x16xf32> to vector<16xf32>
        %mul3A_656 = arith.mulf %get3A_637, %gather3A_631 : vector<16xf32>
        %add3A_657 = arith.addf %mul3A_656, %get3A_649 : vector<16xf32>
        %swap3A_658 = arith.constant 1 : i32
        %swap3A_659 = arith.index_cast %swap3A_658 : i32 to index
        %swap3A_660 = arith.index_cast %add3A_618 : i32 to index
        %swap3A_661 = arith.constant 0 : index
        %swap3A_662 = tpu.vector_load %arg11[%swap3A_659, %swap3A_660, %swap3A_661] {strides = array<i32>} : memref<4x128x32xf32, #tpu.memory_space<vmem>>, vector<1x1x16xf32>,
        %swap3A_663 = vector.shape_cast %swap3A_662 : vector<1x1x16xf32> to vector<16xf32>
        %swap3A_664 = vector.shape_cast %add3A_657 : vector<16xf32> to vector<1x1x16xf32>
        tpu.vector_store %arg11[%swap3A_659, %swap3A_660, %swap3A_661], %swap3A_664 {strides = array<i32>} : memref<4x128x32xf32, #tpu.memory_space<vmem>>, vector<1x1x16xf32>,
        %mul3A_665 = arith.mulf %get3A_643, %gather3A_631 : vector<16xf32>
        %add3A_666 = arith.addf %mul3A_665, %get3A_655 : vector<16xf32>
        %swap3A_667 = arith.constant 1 : i32
        %swap3A_668 = arith.index_cast %swap3A_667 : i32 to index
        %swap3A_669 = arith.index_cast %add3A_618 : i32 to index
        %swap3A_670 = arith.constant 16 : index
        %swap3A_671 = tpu.vector_load %arg11[%swap3A_668, %swap3A_669, %swap3A_670] {strides = array<i32>} : memref<4x128x32xf32, #tpu.memory_space<vmem>>, vector<1x1x16xf32>,
        %swap3A_672 = vector.shape_cast %swap3A_671 : vector<1x1x16xf32> to vector<16xf32>
        %swap3A_673 = vector.shape_cast %add3A_666 : vector<16xf32> to vector<1x1x16xf32>
        tpu.vector_store %arg11[%swap3A_668, %swap3A_669, %swap3A_670], %swap3A_673 {strides = array<i32>} : memref<4x128x32xf32, #tpu.memory_space<vmem>>, vector<1x1x16xf32>,
        %mul3A_674 = arith.constant 16 : i32
        %mul3A_675 = arith.muli %scan3A_493, %mul3A_674 : i32
        %add3A_676 = arith.constant 3 : i32
        %add3A_677 = arith.addi %mul3A_675, %add3A_676 : i32
        %add3A_678 = arith.constant 3 : i32
        %add3A_679 = vector.broadcast %add3A_678 : i32 to vector<16xi32>
        %add3A_680 = arith.addi %mul3A_5, %add3A_679 : vector<16xi32>
        %lt3A_681 = arith.constant 0 : i32
        %lt3A_682 = vector.broadcast %lt3A_681 : i32 to vector<16xi32>
        %lt3A_683 = arith.cmpi slt, %add3A_680, %lt3A_682 : vector<16xi32>
        %add3A_684 = arith.constant 16 : i32
        %add3A_685 = vector.broadcast %add3A_684 : i32 to vector<16xi32>
        %add3A_686 = arith.addi %add3A_680, %add3A_685 : vector<16xi32>
        %select_n3A_687 = arith.select %lt3A_683, %add3A_686, %add3A_680 : vector<16xi1>, vector<16xi32>
        %broadcast_in_dim3A_688 = vector.shape_cast %select_n3A_687 : vector<16xi32> to vector<16x1xi32>
        %gather3A_689 = vector.shape_cast %broadcast_in_dim3A_688 : vector<16x1xi32> to vector<16xi32>
        %gather3A_690 = tpu.dynamic_gather %get3A_500[%gather3A_689] in [0] : vector<16xf32>, vector<16xi32> -> vector<16xf32>
        %get3A_691 = arith.constant 1 : i32
        %get3A_692 = arith.index_cast %get3A_691 : i32 to index
        %get3A_693 = arith.index_cast %add3A_677 : i32 to index
        %get3A_694 = arith.constant 0 : index
        %get3A_695 = tpu.vector_load %arg9[%get3A_692, %get3A_693, %get3A_694] {strides = array<i32>} : memref<4x128x32xf32, #tpu.memory_space<vmem>>, vector<1x1x16xf32>,
        %get3A_696 = vector.shape_cast %get3A_695 : vector<1x1x16xf32> to vector<16xf32>
        %get3A_697 = arith.constant 1 : i32
        %get3A_698 = arith.index_cast %get3A_697 : i32 to index
        %get3A_699 = arith.index_cast %add3A_677 : i32 to index
        %get3A_700 = arith.constant 16 : index
        %get3A_701 = tpu.vector_load %arg9[%get3A_698, %get3A_699, %get3A_700] {strides = array<i32>} : memref<4x128x32xf32, #tpu.memory_space<vmem>>, vector<1x1x16xf32>,
        %get3A_702 = vector.shape_cast %get3A_701 : vector<1x1x16xf32> to vector<16xf32>
        %get3A_703 = arith.constant 1 : i32
        %get3A_704 = arith.index_cast %get3A_703 : i32 to index
        %get3A_705 = arith.index_cast %add3A_677 : i32 to index
        %get3A_706 = arith.constant 0 : index
        %get3A_707 = tpu.vector_load %arg10[%get3A_704, %get3A_705, %get3A_706] {strides = array<i32>} : memref<4x128x32xf32, #tpu.memory_space<vmem>>, vector<1x1x16xf32>,
        %get3A_708 = vector.shape_cast %get3A_707 : vector<1x1x16xf32> to vector<16xf32>
        %get3A_709 = arith.constant 1 : i32
        %get3A_710 = arith.index_cast %get3A_709 : i32 to index
        %get3A_711 = arith.index_cast %add3A_677 : i32 to index
        %get3A_712 = arith.constant 16 : index
        %get3A_713 = tpu.vector_load %arg10[%get3A_710, %get3A_711, %get3A_712] {strides = array<i32>} : memref<4x128x32xf32, #tpu.memory_space<vmem>>, vector<1x1x16xf32>,
        %get3A_714 = vector.shape_cast %get3A_713 : vector<1x1x16xf32> to vector<16xf32>
        %mul3A_715 = arith.mulf %get3A_696, %gather3A_690 : vector<16xf32>
        %add3A_716 = arith.addf %mul3A_715, %get3A_708 : vector<16xf32>
        %swap3A_717 = arith.constant 1 : i32
        %swap3A_718 = arith.index_cast %swap3A_717 : i32 to index
        %swap3A_719 = arith.index_cast %add3A_677 : i32 to index
        %swap3A_720 = arith.constant 0 : index
        %swap3A_721 = tpu.vector_load %arg11[%swap3A_718, %swap3A_719, %swap3A_720] {strides = array<i32>} : memref<4x128x32xf32, #tpu.memory_space<vmem>>, vector<1x1x16xf32>,
        %swap3A_722 = vector.shape_cast %swap3A_721 : vector<1x1x16xf32> to vector<16xf32>
        %swap3A_723 = vector.shape_cast %add3A_716 : vector<16xf32> to vector<1x1x16xf32>
        tpu.vector_store %arg11[%swap3A_718, %swap3A_719, %swap3A_720], %swap3A_723 {strides = array<i32>} : memref<4x128x32xf32, #tpu.memory_space<vmem>>, vector<1x1x16xf32>,
        %mul3A_724 = arith.mulf %get3A_702, %gather3A_690 : vector<16xf32>
        %add3A_725 = arith.addf %mul3A_724, %get3A_714 : vector<16xf32>
        %swap3A_726 = arith.constant 1 : i32
        %swap3A_727 = arith.index_cast %swap3A_726 : i32 to index
        %swap3A_728 = arith.index_cast %add3A_677 : i32 to index
        %swap3A_729 = arith.constant 16 : index
        %swap3A_730 = tpu.vector_load %arg11[%swap3A_727, %swap3A_728, %swap3A_729] {strides = array<i32>} : memref<4x128x32xf32, #tpu.memory_space<vmem>>, vector<1x1x16xf32>,
        %swap3A_731 = vector.shape_cast %swap3A_730 : vector<1x1x16xf32> to vector<16xf32>
        %swap3A_732 = vector.shape_cast %add3A_725 : vector<16xf32> to vector<1x1x16xf32>
        tpu.vector_store %arg11[%swap3A_727, %swap3A_728, %swap3A_729], %swap3A_732 {strides = array<i32>} : memref<4x128x32xf32, #tpu.memory_space<vmem>>, vector<1x1x16xf32>,
        %mul3A_733 = arith.constant 16 : i32
        %mul3A_734 = arith.muli %scan3A_493, %mul3A_733 : i32
        %add3A_735 = arith.constant 4 : i32
        %add3A_736 = arith.addi %mul3A_734, %add3A_735 : i32
        %add3A_737 = arith.constant 4 : i32
        %add3A_738 = vector.broadcast %add3A_737 : i32 to vector<16xi32>
        %add3A_739 = arith.addi %mul3A_5, %add3A_738 : vector<16xi32>
        %lt3A_740 = arith.constant 0 : i32
        %lt3A_741 = vector.broadcast %lt3A_740 : i32 to vector<16xi32>
        %lt3A_742 = arith.cmpi slt, %add3A_739, %lt3A_741 : vector<16xi32>
        %add3A_743 = arith.constant 16 : i32
        %add3A_744 = vector.broadcast %add3A_743 : i32 to vector<16xi32>
        %add3A_745 = arith.addi %add3A_739, %add3A_744 : vector<16xi32>
        %select_n3A_746 = arith.select %lt3A_742, %add3A_745, %add3A_739 : vector<16xi1>, vector<16xi32>
        %broadcast_in_dim3A_747 = vector.shape_cast %select_n3A_746 : vector<16xi32> to vector<16x1xi32>
        %gather3A_748 = vector.shape_cast %broadcast_in_dim3A_747 : vector<16x1xi32> to vector<16xi32>
        %gather3A_749 = tpu.dynamic_gather %get3A_500[%gather3A_748] in [0] : vector<16xf32>, vector<16xi32> -> vector<16xf32>
        %get3A_750 = arith.constant 1 : i32
        %get3A_751 = arith.index_cast %get3A_750 : i32 to index
        %get3A_752 = arith.index_cast %add3A_736 : i32 to index
        %get3A_753 = arith.constant 0 : index
        %get3A_754 = tpu.vector_load %arg9[%get3A_751, %get3A_752, %get3A_753] {strides = array<i32>} : memref<4x128x32xf32, #tpu.memory_space<vmem>>, vector<1x1x16xf32>,
        %get3A_755 = vector.shape_cast %get3A_754 : vector<1x1x16xf32> to vector<16xf32>
        %get3A_756 = arith.constant 1 : i32
        %get3A_757 = arith.index_cast %get3A_756 : i32 to index
        %get3A_758 = arith.index_cast %add3A_736 : i32 to index
        %get3A_759 = arith.constant 16 : index
        %get3A_760 = tpu.vector_load %arg9[%get3A_757, %get3A_758, %get3A_759] {strides = array<i32>} : memref<4x128x32xf32, #tpu.memory_space<vmem>>, vector<1x1x16xf32>,
        %get3A_761 = vector.shape_cast %get3A_760 : vector<1x1x16xf32> to vector<16xf32>
        %get3A_762 = arith.constant 1 : i32
        %get3A_763 = arith.index_cast %get3A_762 : i32 to index
        %get3A_764 = arith.index_cast %add3A_736 : i32 to index
        %get3A_765 = arith.constant 0 : index
        %get3A_766 = tpu.vector_load %arg10[%get3A_763, %get3A_764, %get3A_765] {strides = array<i32>} : memref<4x128x32xf32, #tpu.memory_space<vmem>>, vector<1x1x16xf32>,
        %get3A_767 = vector.shape_cast %get3A_766 : vector<1x1x16xf32> to vector<16xf32>
        %get3A_768 = arith.constant 1 : i32
        %get3A_769 = arith.index_cast %get3A_768 : i32 to index
        %get3A_770 = arith.index_cast %add3A_736 : i32 to index
        %get3A_771 = arith.constant 16 : index
        %get3A_772 = tpu.vector_load %arg10[%get3A_769, %get3A_770, %get3A_771] {strides = array<i32>} : memref<4x128x32xf32, #tpu.memory_space<vmem>>, vector<1x1x16xf32>,
        %get3A_773 = vector.shape_cast %get3A_772 : vector<1x1x16xf32> to vector<16xf32>
        %mul3A_774 = arith.mulf %get3A_755, %gather3A_749 : vector<16xf32>
        %add3A_775 = arith.addf %mul3A_774, %get3A_767 : vector<16xf32>
        %swap3A_776 = arith.constant 1 : i32
        %swap3A_777 = arith.index_cast %swap3A_776 : i32 to index
        %swap3A_778 = arith.index_cast %add3A_736 : i32 to index
        %swap3A_779 = arith.constant 0 : index
        %swap3A_780 = tpu.vector_load %arg11[%swap3A_777, %swap3A_778, %swap3A_779] {strides = array<i32>} : memref<4x128x32xf32, #tpu.memory_space<vmem>>, vector<1x1x16xf32>,
        %swap3A_781 = vector.shape_cast %swap3A_780 : vector<1x1x16xf32> to vector<16xf32>
        %swap3A_782 = vector.shape_cast %add3A_775 : vector<16xf32> to vector<1x1x16xf32>
        tpu.vector_store %arg11[%swap3A_777, %swap3A_778, %swap3A_779], %swap3A_782 {strides = array<i32>} : memref<4x128x32xf32, #tpu.memory_space<vmem>>, vector<1x1x16xf32>,
        %mul3A_783 = arith.mulf %get3A_761, %gather3A_749 : vector<16xf32>
        %add3A_784 = arith.addf %mul3A_783, %get3A_773 : vector<16xf32>
        %swap3A_785 = arith.constant 1 : i32
        %swap3A_786 = arith.index_cast %swap3A_785 : i32 to index
        %swap3A_787 = arith.index_cast %add3A_736 : i32 to index
        %swap3A_788 = arith.constant 16 : index
        %swap3A_789 = tpu.vector_load %arg11[%swap3A_786, %swap3A_787, %swap3A_788] {strides = array<i32>} : memref<4x128x32xf32, #tpu.memory_space<vmem>>, vector<1x1x16xf32>,
        %swap3A_790 = vector.shape_cast %swap3A_789 : vector<1x1x16xf32> to vector<16xf32>
        %swap3A_791 = vector.shape_cast %add3A_784 : vector<16xf32> to vector<1x1x16xf32>
        tpu.vector_store %arg11[%swap3A_786, %swap3A_787, %swap3A_788], %swap3A_791 {strides = array<i32>} : memref<4x128x32xf32, #tpu.memory_space<vmem>>, vector<1x1x16xf32>,
        %mul3A_792 = arith.constant 16 : i32
        %mul3A_793 = arith.muli %scan3A_493, %mul3A_792 : i32
        %add3A_794 = arith.constant 5 : i32
        %add3A_795 = arith.addi %mul3A_793, %add3A_794 : i32
        %add3A_796 = arith.constant 5 : i32
        %add3A_797 = vector.broadcast %add3A_796 : i32 to vector<16xi32>
        %add3A_798 = arith.addi %mul3A_5, %add3A_797 : vector<16xi32>
        %lt3A_799 = arith.constant 0 : i32
        %lt3A_800 = vector.broadcast %lt3A_799 : i32 to vector<16xi32>
        %lt3A_801 = arith.cmpi slt, %add3A_798, %lt3A_800 : vector<16xi32>
        %add3A_802 = arith.constant 16 : i32
        %add3A_803 = vector.broadcast %add3A_802 : i32 to vector<16xi32>
        %add3A_804 = arith.addi %add3A_798, %add3A_803 : vector<16xi32>
        %select_n3A_805 = arith.select %lt3A_801, %add3A_804, %add3A_798 : vector<16xi1>, vector<16xi32>
        %broadcast_in_dim3A_806 = vector.shape_cast %select_n3A_805 : vector<16xi32> to vector<16x1xi32>
        %gather3A_807 = vector.shape_cast %broadcast_in_dim3A_806 : vector<16x1xi32> to vector<16xi32>
        %gather3A_808 = tpu.dynamic_gather %get3A_500[%gather3A_807] in [0] : vector<16xf32>, vector<16xi32> -> vector<16xf32>
        %get3A_809 = arith.constant 1 : i32
        %get3A_810 = arith.index_cast %get3A_809 : i32 to index
        %get3A_811 = arith.index_cast %add3A_795 : i32 to index
        %get3A_812 = arith.constant 0 : index
        %get3A_813 = tpu.vector_load %arg9[%get3A_810, %get3A_811, %get3A_812] {strides = array<i32>} : memref<4x128x32xf32, #tpu.memory_space<vmem>>, vector<1x1x16xf32>,
        %get3A_814 = vector.shape_cast %get3A_813 : vector<1x1x16xf32> to vector<16xf32>
        %get3A_815 = arith.constant 1 : i32
        %get3A_816 = arith.index_cast %get3A_815 : i32 to index
        %get3A_817 = arith.index_cast %add3A_795 : i32 to index
        %get3A_818 = arith.constant 16 : index
        %get3A_819 = tpu.vector_load %arg9[%get3A_816, %get3A_817, %get3A_818] {strides = array<i32>} : memref<4x128x32xf32, #tpu.memory_space<vmem>>, vector<1x1x16xf32>,
        %get3A_820 = vector.shape_cast %get3A_819 : vector<1x1x16xf32> to vector<16xf32>
        %get3A_821 = arith.constant 1 : i32
        %get3A_822 = arith.index_cast %get3A_821 : i32 to index
        %get3A_823 = arith.index_cast %add3A_795 : i32 to index
        %get3A_824 = arith.constant 0 : index
        %get3A_825 = tpu.vector_load %arg10[%get3A_822, %get3A_823, %get3A_824] {strides = array<i32>} : memref<4x128x32xf32, #tpu.memory_space<vmem>>, vector<1x1x16xf32>,
        %get3A_826 = vector.shape_cast %get3A_825 : vector<1x1x16xf32> to vector<16xf32>
        %get3A_827 = arith.constant 1 : i32
        %get3A_828 = arith.index_cast %get3A_827 : i32 to index
        %get3A_829 = arith.index_cast %add3A_795 : i32 to index
        %get3A_830 = arith.constant 16 : index
        %get3A_831 = tpu.vector_load %arg10[%get3A_828, %get3A_829, %get3A_830] {strides = array<i32>} : memref<4x128x32xf32, #tpu.memory_space<vmem>>, vector<1x1x16xf32>,
        %get3A_832 = vector.shape_cast %get3A_831 : vector<1x1x16xf32> to vector<16xf32>
        %mul3A_833 = arith.mulf %get3A_814, %gather3A_808 : vector<16xf32>
        %add3A_834 = arith.addf %mul3A_833, %get3A_826 : vector<16xf32>
        %swap3A_835 = arith.constant 1 : i32
        %swap3A_836 = arith.index_cast %swap3A_835 : i32 to index
        %swap3A_837 = arith.index_cast %add3A_795 : i32 to index
        %swap3A_838 = arith.constant 0 : index
        %swap3A_839 = tpu.vector_load %arg11[%swap3A_836, %swap3A_837, %swap3A_838] {strides = array<i32>} : memref<4x128x32xf32, #tpu.memory_space<vmem>>, vector<1x1x16xf32>,
        %swap3A_840 = vector.shape_cast %swap3A_839 : vector<1x1x16xf32> to vector<16xf32>
        %swap3A_841 = vector.shape_cast %add3A_834 : vector<16xf32> to vector<1x1x16xf32>
        tpu.vector_store %arg11[%swap3A_836, %swap3A_837, %swap3A_838], %swap3A_841 {strides = array<i32>} : memref<4x128x32xf32, #tpu.memory_space<vmem>>, vector<1x1x16xf32>,
        %mul3A_842 = arith.mulf %get3A_820, %gather3A_808 : vector<16xf32>
        %add3A_843 = arith.addf %mul3A_842, %get3A_832 : vector<16xf32>
        %swap3A_844 = arith.constant 1 : i32
        %swap3A_845 = arith.index_cast %swap3A_844 : i32 to index
        %swap3A_846 = arith.index_cast %add3A_795 : i32 to index
        %swap3A_847 = arith.constant 16 : index
        %swap3A_848 = tpu.vector_load %arg11[%swap3A_845, %swap3A_846, %swap3A_847] {strides = array<i32>} : memref<4x128x32xf32, #tpu.memory_space<vmem>>, vector<1x1x16xf32>,
        %swap3A_849 = vector.shape_cast %swap3A_848 : vector<1x1x16xf32> to vector<16xf32>
        %swap3A_850 = vector.shape_cast %add3A_843 : vector<16xf32> to vector<1x1x16xf32>
        tpu.vector_store %arg11[%swap3A_845, %swap3A_846, %swap3A_847], %swap3A_850 {strides = array<i32>} : memref<4x128x32xf32, #tpu.memory_space<vmem>>, vector<1x1x16xf32>,
        %mul3A_851 = arith.constant 16 : i32
        %mul3A_852 = arith.muli %scan3A_493, %mul3A_851 : i32
        %add3A_853 = arith.constant 6 : i32
        %add3A_854 = arith.addi %mul3A_852, %add3A_853 : i32
        %add3A_855 = arith.constant 6 : i32
        %add3A_856 = vector.broadcast %add3A_855 : i32 to vector<16xi32>
        %add3A_857 = arith.addi %mul3A_5, %add3A_856 : vector<16xi32>
        %lt3A_858 = arith.constant 0 : i32
        %lt3A_859 = vector.broadcast %lt3A_858 : i32 to vector<16xi32>
        %lt3A_860 = arith.cmpi slt, %add3A_857, %lt3A_859 : vector<16xi32>
        %add3A_861 = arith.constant 16 : i32
        %add3A_862 = vector.broadcast %add3A_861 : i32 to vector<16xi32>
        %add3A_863 = arith.addi %add3A_857, %add3A_862 : vector<16xi32>
        %select_n3A_864 = arith.select %lt3A_860, %add3A_863, %add3A_857 : vector<16xi1>, vector<16xi32>
        %broadcast_in_dim3A_865 = vector.shape_cast %select_n3A_864 : vector<16xi32> to vector<16x1xi32>
        %gather3A_866 = vector.shape_cast %broadcast_in_dim3A_865 : vector<16x1xi32> to vector<16xi32>
        %gather3A_867 = tpu.dynamic_gather %get3A_500[%gather3A_866] in [0] : vector<16xf32>, vector<16xi32> -> vector<16xf32>
        %get3A_868 = arith.constant 1 : i32
        %get3A_869 = arith.index_cast %get3A_868 : i32 to index
        %get3A_870 = arith.index_cast %add3A_854 : i32 to index
        %get3A_871 = arith.constant 0 : index
        %get3A_872 = tpu.vector_load %arg9[%get3A_869, %get3A_870, %get3A_871] {strides = array<i32>} : memref<4x128x32xf32, #tpu.memory_space<vmem>>, vector<1x1x16xf32>,
        %get3A_873 = vector.shape_cast %get3A_872 : vector<1x1x16xf32> to vector<16xf32>
        %get3A_874 = arith.constant 1 : i32
        %get3A_875 = arith.index_cast %get3A_874 : i32 to index
        %get3A_876 = arith.index_cast %add3A_854 : i32 to index
        %get3A_877 = arith.constant 16 : index
        %get3A_878 = tpu.vector_load %arg9[%get3A_875, %get3A_876, %get3A_877] {strides = array<i32>} : memref<4x128x32xf32, #tpu.memory_space<vmem>>, vector<1x1x16xf32>,
        %get3A_879 = vector.shape_cast %get3A_878 : vector<1x1x16xf32> to vector<16xf32>
        %get3A_880 = arith.constant 1 : i32
        %get3A_881 = arith.index_cast %get3A_880 : i32 to index
        %get3A_882 = arith.index_cast %add3A_854 : i32 to index
        %get3A_883 = arith.constant 0 : index
        %get3A_884 = tpu.vector_load %arg10[%get3A_881, %get3A_882, %get3A_883] {strides = array<i32>} : memref<4x128x32xf32, #tpu.memory_space<vmem>>, vector<1x1x16xf32>,
        %get3A_885 = vector.shape_cast %get3A_884 : vector<1x1x16xf32> to vector<16xf32>
        %get3A_886 = arith.constant 1 : i32
        %get3A_887 = arith.index_cast %get3A_886 : i32 to index
        %get3A_888 = arith.index_cast %add3A_854 : i32 to index
        %get3A_889 = arith.constant 16 : index
        %get3A_890 = tpu.vector_load %arg10[%get3A_887, %get3A_888, %get3A_889] {strides = array<i32>} : memref<4x128x32xf32, #tpu.memory_space<vmem>>, vector<1x1x16xf32>,
        %get3A_891 = vector.shape_cast %get3A_890 : vector<1x1x16xf32> to vector<16xf32>
        %mul3A_892 = arith.mulf %get3A_873, %gather3A_867 : vector<16xf32>
        %add3A_893 = arith.addf %mul3A_892, %get3A_885 : vector<16xf32>
        %swap3A_894 = arith.constant 1 : i32
        %swap3A_895 = arith.index_cast %swap3A_894 : i32 to index
        %swap3A_896 = arith.index_cast %add3A_854 : i32 to index
        %swap3A_897 = arith.constant 0 : index
        %swap3A_898 = tpu.vector_load %arg11[%swap3A_895, %swap3A_896, %swap3A_897] {strides = array<i32>} : memref<4x128x32xf32, #tpu.memory_space<vmem>>, vector<1x1x16xf32>,
        %swap3A_899 = vector.shape_cast %swap3A_898 : vector<1x1x16xf32> to vector<16xf32>
        %swap3A_900 = vector.shape_cast %add3A_893 : vector<16xf32> to vector<1x1x16xf32>
        tpu.vector_store %arg11[%swap3A_895, %swap3A_896, %swap3A_897], %swap3A_900 {strides = array<i32>} : memref<4x128x32xf32, #tpu.memory_space<vmem>>, vector<1x1x16xf32>,
        %mul3A_901 = arith.mulf %get3A_879, %gather3A_867 : vector<16xf32>
        %add3A_902 = arith.addf %mul3A_901, %get3A_891 : vector<16xf32>
        %swap3A_903 = arith.constant 1 : i32
        %swap3A_904 = arith.index_cast %swap3A_903 : i32 to index
        %swap3A_905 = arith.index_cast %add3A_854 : i32 to index
        %swap3A_906 = arith.constant 16 : index
        %swap3A_907 = tpu.vector_load %arg11[%swap3A_904, %swap3A_905, %swap3A_906] {strides = array<i32>} : memref<4x128x32xf32, #tpu.memory_space<vmem>>, vector<1x1x16xf32>,
        %swap3A_908 = vector.shape_cast %swap3A_907 : vector<1x1x16xf32> to vector<16xf32>
        %swap3A_909 = vector.shape_cast %add3A_902 : vector<16xf32> to vector<1x1x16xf32>
        tpu.vector_store %arg11[%swap3A_904, %swap3A_905, %swap3A_906], %swap3A_909 {strides = array<i32>} : memref<4x128x32xf32, #tpu.memory_space<vmem>>, vector<1x1x16xf32>,
        %mul3A_910 = arith.constant 16 : i32
        %mul3A_911 = arith.muli %scan3A_493, %mul3A_910 : i32
        %add3A_912 = arith.constant 7 : i32
        %add3A_913 = arith.addi %mul3A_911, %add3A_912 : i32
        %add3A_914 = arith.constant 7 : i32
        %add3A_915 = vector.broadcast %add3A_914 : i32 to vector<16xi32>
        %add3A_916 = arith.addi %mul3A_5, %add3A_915 : vector<16xi32>
        %lt3A_917 = arith.constant 0 : i32
        %lt3A_918 = vector.broadcast %lt3A_917 : i32 to vector<16xi32>
        %lt3A_919 = arith.cmpi slt, %add3A_916, %lt3A_918 : vector<16xi32>
        %add3A_920 = arith.constant 16 : i32
        %add3A_921 = vector.broadcast %add3A_920 : i32 to vector<16xi32>
        %add3A_922 = arith.addi %add3A_916, %add3A_921 : vector<16xi32>
        %select_n3A_923 = arith.select %lt3A_919, %add3A_922, %add3A_916 : vector<16xi1>, vector<16xi32>
        %broadcast_in_dim3A_924 = vector.shape_cast %select_n3A_923 : vector<16xi32> to vector<16x1xi32>
        %gather3A_925 = vector.shape_cast %broadcast_in_dim3A_924 : vector<16x1xi32> to vector<16xi32>
        %gather3A_926 = tpu.dynamic_gather %get3A_500[%gather3A_925] in [0] : vector<16xf32>, vector<16xi32> -> vector<16xf32>
        %get3A_927 = arith.constant 1 : i32
        %get3A_928 = arith.index_cast %get3A_927 : i32 to index
        %get3A_929 = arith.index_cast %add3A_913 : i32 to index
        %get3A_930 = arith.constant 0 : index
        %get3A_931 = tpu.vector_load %arg9[%get3A_928, %get3A_929, %get3A_930] {strides = array<i32>} : memref<4x128x32xf32, #tpu.memory_space<vmem>>, vector<1x1x16xf32>,
        %get3A_932 = vector.shape_cast %get3A_931 : vector<1x1x16xf32> to vector<16xf32>
        %get3A_933 = arith.constant 1 : i32
        %get3A_934 = arith.index_cast %get3A_933 : i32 to index
        %get3A_935 = arith.index_cast %add3A_913 : i32 to index
        %get3A_936 = arith.constant 16 : index
        %get3A_937 = tpu.vector_load %arg9[%get3A_934, %get3A_935, %get3A_936] {strides = array<i32>} : memref<4x128x32xf32, #tpu.memory_space<vmem>>, vector<1x1x16xf32>,
        %get3A_938 = vector.shape_cast %get3A_937 : vector<1x1x16xf32> to vector<16xf32>
        %get3A_939 = arith.constant 1 : i32
        %get3A_940 = arith.index_cast %get3A_939 : i32 to index
        %get3A_941 = arith.index_cast %add3A_913 : i32 to index
        %get3A_942 = arith.constant 0 : index
        %get3A_943 = tpu.vector_load %arg10[%get3A_940, %get3A_941, %get3A_942] {strides = array<i32>} : memref<4x128x32xf32, #tpu.memory_space<vmem>>, vector<1x1x16xf32>,
        %get3A_944 = vector.shape_cast %get3A_943 : vector<1x1x16xf32> to vector<16xf32>
        %get3A_945 = arith.constant 1 : i32
        %get3A_946 = arith.index_cast %get3A_945 : i32 to index
        %get3A_947 = arith.index_cast %add3A_913 : i32 to index
        %get3A_948 = arith.constant 16 : index
        %get3A_949 = tpu.vector_load %arg10[%get3A_946, %get3A_947, %get3A_948] {strides = array<i32>} : memref<4x128x32xf32, #tpu.memory_space<vmem>>, vector<1x1x16xf32>,
        %get3A_950 = vector.shape_cast %get3A_949 : vector<1x1x16xf32> to vector<16xf32>
        %mul3A_951 = arith.mulf %get3A_932, %gather3A_926 : vector<16xf32>
        %add3A_952 = arith.addf %mul3A_951, %get3A_944 : vector<16xf32>
        %swap3A_953 = arith.constant 1 : i32
        %swap3A_954 = arith.index_cast %swap3A_953 : i32 to index
        %swap3A_955 = arith.index_cast %add3A_913 : i32 to index
        %swap3A_956 = arith.constant 0 : index
        %swap3A_957 = tpu.vector_load %arg11[%swap3A_954, %swap3A_955, %swap3A_956] {strides = array<i32>} : memref<4x128x32xf32, #tpu.memory_space<vmem>>, vector<1x1x16xf32>,
        %swap3A_958 = vector.shape_cast %swap3A_957 : vector<1x1x16xf32> to vector<16xf32>
        %swap3A_959 = vector.shape_cast %add3A_952 : vector<16xf32> to vector<1x1x16xf32>
        tpu.vector_store %arg11[%swap3A_954, %swap3A_955, %swap3A_956], %swap3A_959 {strides = array<i32>} : memref<4x128x32xf32, #tpu.memory_space<vmem>>, vector<1x1x16xf32>,
        %mul3A_960 = arith.mulf %get3A_938, %gather3A_926 : vector<16xf32>
        %add3A_961 = arith.addf %mul3A_960, %get3A_950 : vector<16xf32>
        %swap3A_962 = arith.constant 1 : i32
        %swap3A_963 = arith.index_cast %swap3A_962 : i32 to index
        %swap3A_964 = arith.index_cast %add3A_913 : i32 to index
        %swap3A_965 = arith.constant 16 : index
        %swap3A_966 = tpu.vector_load %arg11[%swap3A_963, %swap3A_964, %swap3A_965] {strides = array<i32>} : memref<4x128x32xf32, #tpu.memory_space<vmem>>, vector<1x1x16xf32>,
        %swap3A_967 = vector.shape_cast %swap3A_966 : vector<1x1x16xf32> to vector<16xf32>
        %swap3A_968 = vector.shape_cast %add3A_961 : vector<16xf32> to vector<1x1x16xf32>
        tpu.vector_store %arg11[%swap3A_963, %swap3A_964, %swap3A_965], %swap3A_968 {strides = array<i32>} : memref<4x128x32xf32, #tpu.memory_space<vmem>>, vector<1x1x16xf32>,
        %mul3A_969 = arith.constant 16 : i32
        %mul3A_970 = arith.muli %scan3A_493, %mul3A_969 : i32
        %add3A_971 = arith.constant 8 : i32
        %add3A_972 = arith.addi %mul3A_970, %add3A_971 : i32
        %add3A_973 = arith.constant 8 : i32
        %add3A_974 = vector.broadcast %add3A_973 : i32 to vector<16xi32>
        %add3A_975 = arith.addi %mul3A_5, %add3A_974 : vector<16xi32>
        %lt3A_976 = arith.constant 0 : i32
        %lt3A_977 = vector.broadcast %lt3A_976 : i32 to vector<16xi32>
        %lt3A_978 = arith.cmpi slt, %add3A_975, %lt3A_977 : vector<16xi32>
        %add3A_979 = arith.constant 16 : i32
        %add3A_980 = vector.broadcast %add3A_979 : i32 to vector<16xi32>
        %add3A_981 = arith.addi %add3A_975, %add3A_980 : vector<16xi32>
        %select_n3A_982 = arith.select %lt3A_978, %add3A_981, %add3A_975 : vector<16xi1>, vector<16xi32>
        %broadcast_in_dim3A_983 = vector.shape_cast %select_n3A_982 : vector<16xi32> to vector<16x1xi32>
        %gather3A_984 = vector.shape_cast %broadcast_in_dim3A_983 : vector<16x1xi32> to vector<16xi32>
        %gather3A_985 = tpu.dynamic_gather %get3A_500[%gather3A_984] in [0] : vector<16xf32>, vector<16xi32> -> vector<16xf32>
        %get3A_986 = arith.constant 1 : i32
        %get3A_987 = arith.index_cast %get3A_986 : i32 to index
        %get3A_988 = arith.index_cast %add3A_972 : i32 to index
        %get3A_989 = arith.constant 0 : index
        %get3A_990 = tpu.vector_load %arg9[%get3A_987, %get3A_988, %get3A_989] {strides = array<i32>} : memref<4x128x32xf32, #tpu.memory_space<vmem>>, vector<1x1x16xf32>,
        %get3A_991 = vector.shape_cast %get3A_990 : vector<1x1x16xf32> to vector<16xf32>
        %get3A_992 = arith.constant 1 : i32
        %get3A_993 = arith.index_cast %get3A_992 : i32 to index
        %get3A_994 = arith.index_cast %add3A_972 : i32 to index
        %get3A_995 = arith.constant 16 : index
        %get3A_996 = tpu.vector_load %arg9[%get3A_993, %get3A_994, %get3A_995] {strides = array<i32>} : memref<4x128x32xf32, #tpu.memory_space<vmem>>, vector<1x1x16xf32>,
        %get3A_997 = vector.shape_cast %get3A_996 : vector<1x1x16xf32> to vector<16xf32>
        %get3A_998 = arith.constant 1 : i32
        %get3A_999 = arith.index_cast %get3A_998 : i32 to index
        %get3A_1000 = arith.index_cast %add3A_972 : i32 to index
        %get3A_1001 = arith.constant 0 : index
        %get3A_1002 = tpu.vector_load %arg10[%get3A_999, %get3A_1000, %get3A_1001] {strides = array<i32>} : memref<4x128x32xf32, #tpu.memory_space<vmem>>, vector<1x1x16xf32>,
        %get3A_1003 = vector.shape_cast %get3A_1002 : vector<1x1x16xf32> to vector<16xf32>
        %get3A_1004 = arith.constant 1 : i32
        %get3A_1005 = arith.index_cast %get3A_1004 : i32 to index
        %get3A_1006 = arith.index_cast %add3A_972 : i32 to index
        %get3A_1007 = arith.constant 16 : index
        %get3A_1008 = tpu.vector_load %arg10[%get3A_1005, %get3A_1006, %get3A_1007] {strides = array<i32>} : memref<4x128x32xf32, #tpu.memory_space<vmem>>, vector<1x1x16xf32>,
        %get3A_1009 = vector.shape_cast %get3A_1008 : vector<1x1x16xf32> to vector<16xf32>
        %mul3A_1010 = arith.mulf %get3A_991, %gather3A_985 : vector<16xf32>
        %add3A_1011 = arith.addf %mul3A_1010, %get3A_1003 : vector<16xf32>
        %swap3A_1012 = arith.constant 1 : i32
        %swap3A_1013 = arith.index_cast %swap3A_1012 : i32 to index
        %swap3A_1014 = arith.index_cast %add3A_972 : i32 to index
        %swap3A_1015 = arith.constant 0 : index
        %swap3A_1016 = tpu.vector_load %arg11[%swap3A_1013, %swap3A_1014, %swap3A_1015] {strides = array<i32>} : memref<4x128x32xf32, #tpu.memory_space<vmem>>, vector<1x1x16xf32>,
        %swap3A_1017 = vector.shape_cast %swap3A_1016 : vector<1x1x16xf32> to vector<16xf32>
        %swap3A_1018 = vector.shape_cast %add3A_1011 : vector<16xf32> to vector<1x1x16xf32>
        tpu.vector_store %arg11[%swap3A_1013, %swap3A_1014, %swap3A_1015], %swap3A_1018 {strides = array<i32>} : memref<4x128x32xf32, #tpu.memory_space<vmem>>, vector<1x1x16xf32>,
        %mul3A_1019 = arith.mulf %get3A_997, %gather3A_985 : vector<16xf32>
        %add3A_1020 = arith.addf %mul3A_1019, %get3A_1009 : vector<16xf32>
        %swap3A_1021 = arith.constant 1 : i32
        %swap3A_1022 = arith.index_cast %swap3A_1021 : i32 to index
        %swap3A_1023 = arith.index_cast %add3A_972 : i32 to index
        %swap3A_1024 = arith.constant 16 : index
        %swap3A_1025 = tpu.vector_load %arg11[%swap3A_1022, %swap3A_1023, %swap3A_1024] {strides = array<i32>} : memref<4x128x32xf32, #tpu.memory_space<vmem>>, vector<1x1x16xf32>,
        %swap3A_1026 = vector.shape_cast %swap3A_1025 : vector<1x1x16xf32> to vector<16xf32>
        %swap3A_1027 = vector.shape_cast %add3A_1020 : vector<16xf32> to vector<1x1x16xf32>
        tpu.vector_store %arg11[%swap3A_1022, %swap3A_1023, %swap3A_1024], %swap3A_1027 {strides = array<i32>} : memref<4x128x32xf32, #tpu.memory_space<vmem>>, vector<1x1x16xf32>,
        %mul3A_1028 = arith.constant 16 : i32
        %mul3A_1029 = arith.muli %scan3A_493, %mul3A_1028 : i32
        %add3A_1030 = arith.constant 9 : i32
        %add3A_1031 = arith.addi %mul3A_1029, %add3A_1030 : i32
        %add3A_1032 = arith.constant 9 : i32
        %add3A_1033 = vector.broadcast %add3A_1032 : i32 to vector<16xi32>
        %add3A_1034 = arith.addi %mul3A_5, %add3A_1033 : vector<16xi32>
        %lt3A_1035 = arith.constant 0 : i32
        %lt3A_1036 = vector.broadcast %lt3A_1035 : i32 to vector<16xi32>
        %lt3A_1037 = arith.cmpi slt, %add3A_1034, %lt3A_1036 : vector<16xi32>
        %add3A_1038 = arith.constant 16 : i32
        %add3A_1039 = vector.broadcast %add3A_1038 : i32 to vector<16xi32>
        %add3A_1040 = arith.addi %add3A_1034, %add3A_1039 : vector<16xi32>
        %select_n3A_1041 = arith.select %lt3A_1037, %add3A_1040, %add3A_1034 : vector<16xi1>, vector<16xi32>
        %broadcast_in_dim3A_1042 = vector.shape_cast %select_n3A_1041 : vector<16xi32> to vector<16x1xi32>
        %gather3A_1043 = vector.shape_cast %broadcast_in_dim3A_1042 : vector<16x1xi32> to vector<16xi32>
        %gather3A_1044 = tpu.dynamic_gather %get3A_500[%gather3A_1043] in [0] : vector<16xf32>, vector<16xi32> -> vector<16xf32>
        %get3A_1045 = arith.constant 1 : i32
        %get3A_1046 = arith.index_cast %get3A_1045 : i32 to index
        %get3A_1047 = arith.index_cast %add3A_1031 : i32 to index
        %get3A_1048 = arith.constant 0 : index
        %get3A_1049 = tpu.vector_load %arg9[%get3A_1046, %get3A_1047, %get3A_1048] {strides = array<i32>} : memref<4x128x32xf32, #tpu.memory_space<vmem>>, vector<1x1x16xf32>,
        %get3A_1050 = vector.shape_cast %get3A_1049 : vector<1x1x16xf32> to vector<16xf32>
        %get3A_1051 = arith.constant 1 : i32
        %get3A_1052 = arith.index_cast %get3A_1051 : i32 to index
        %get3A_1053 = arith.index_cast %add3A_1031 : i32 to index
        %get3A_1054 = arith.constant 16 : index
        %get3A_1055 = tpu.vector_load %arg9[%get3A_1052, %get3A_1053, %get3A_1054] {strides = array<i32>} : memref<4x128x32xf32, #tpu.memory_space<vmem>>, vector<1x1x16xf32>,
        %get3A_1056 = vector.shape_cast %get3A_1055 : vector<1x1x16xf32> to vector<16xf32>
        %get3A_1057 = arith.constant 1 : i32
        %get3A_1058 = arith.index_cast %get3A_1057 : i32 to index
        %get3A_1059 = arith.index_cast %add3A_1031 : i32 to index
        %get3A_1060 = arith.constant 0 : index
        %get3A_1061 = tpu.vector_load %arg10[%get3A_1058, %get3A_1059, %get3A_1060] {strides = array<i32>} : memref<4x128x32xf32, #tpu.memory_space<vmem>>, vector<1x1x16xf32>,
        %get3A_1062 = vector.shape_cast %get3A_1061 : vector<1x1x16xf32> to vector<16xf32>
        %get3A_1063 = arith.constant 1 : i32
        %get3A_1064 = arith.index_cast %get3A_1063 : i32 to index
        %get3A_1065 = arith.index_cast %add3A_1031 : i32 to index
        %get3A_1066 = arith.constant 16 : index
        %get3A_1067 = tpu.vector_load %arg10[%get3A_1064, %get3A_1065, %get3A_1066] {strides = array<i32>} : memref<4x128x32xf32, #tpu.memory_space<vmem>>, vector<1x1x16xf32>,
        %get3A_1068 = vector.shape_cast %get3A_1067 : vector<1x1x16xf32> to vector<16xf32>
        %mul3A_1069 = arith.mulf %get3A_1050, %gather3A_1044 : vector<16xf32>
        %add3A_1070 = arith.addf %mul3A_1069, %get3A_1062 : vector<16xf32>
        %swap3A_1071 = arith.constant 1 : i32
        %swap3A_1072 = arith.index_cast %swap3A_1071 : i32 to index
        %swap3A_1073 = arith.index_cast %add3A_1031 : i32 to index
        %swap3A_1074 = arith.constant 0 : index
        %swap3A_1075 = tpu.vector_load %arg11[%swap3A_1072, %swap3A_1073, %swap3A_1074] {strides = array<i32>} : memref<4x128x32xf32, #tpu.memory_space<vmem>>, vector<1x1x16xf32>,
        %swap3A_1076 = vector.shape_cast %swap3A_1075 : vector<1x1x16xf32> to vector<16xf32>
        %swap3A_1077 = vector.shape_cast %add3A_1070 : vector<16xf32> to vector<1x1x16xf32>
        tpu.vector_store %arg11[%swap3A_1072, %swap3A_1073, %swap3A_1074], %swap3A_1077 {strides = array<i32>} : memref<4x128x32xf32, #tpu.memory_space<vmem>>, vector<1x1x16xf32>,
        %mul3A_1078 = arith.mulf %get3A_1056, %gather3A_1044 : vector<16xf32>
        %add3A_1079 = arith.addf %mul3A_1078, %get3A_1068 : vector<16xf32>
        %swap3A_1080 = arith.constant 1 : i32
        %swap3A_1081 = arith.index_cast %swap3A_1080 : i32 to index
        %swap3A_1082 = arith.index_cast %add3A_1031 : i32 to index
        %swap3A_1083 = arith.constant 16 : index
        %swap3A_1084 = tpu.vector_load %arg11[%swap3A_1081, %swap3A_1082, %swap3A_1083] {strides = array<i32>} : memref<4x128x32xf32, #tpu.memory_space<vmem>>, vector<1x1x16xf32>,
        %swap3A_1085 = vector.shape_cast %swap3A_1084 : vector<1x1x16xf32> to vector<16xf32>
        %swap3A_1086 = vector.shape_cast %add3A_1079 : vector<16xf32> to vector<1x1x16xf32>
        tpu.vector_store %arg11[%swap3A_1081, %swap3A_1082, %swap3A_1083], %swap3A_1086 {strides = array<i32>} : memref<4x128x32xf32, #tpu.memory_space<vmem>>, vector<1x1x16xf32>,
        %mul3A_1087 = arith.constant 16 : i32
        %mul3A_1088 = arith.muli %scan3A_493, %mul3A_1087 : i32
        %add3A_1089 = arith.constant 10 : i32
        %add3A_1090 = arith.addi %mul3A_1088, %add3A_1089 : i32
        %add3A_1091 = arith.constant 10 : i32
        %add3A_1092 = vector.broadcast %add3A_1091 : i32 to vector<16xi32>
        %add3A_1093 = arith.addi %mul3A_5, %add3A_1092 : vector<16xi32>
        %lt3A_1094 = arith.constant 0 : i32
        %lt3A_1095 = vector.broadcast %lt3A_1094 : i32 to vector<16xi32>
        %lt3A_1096 = arith.cmpi slt, %add3A_1093, %lt3A_1095 : vector<16xi32>
        %add3A_1097 = arith.constant 16 : i32
        %add3A_1098 = vector.broadcast %add3A_1097 : i32 to vector<16xi32>
        %add3A_1099 = arith.addi %add3A_1093, %add3A_1098 : vector<16xi32>
        %select_n3A_1100 = arith.select %lt3A_1096, %add3A_1099, %add3A_1093 : vector<16xi1>, vector<16xi32>
        %broadcast_in_dim3A_1101 = vector.shape_cast %select_n3A_1100 : vector<16xi32> to vector<16x1xi32>
        %gather3A_1102 = vector.shape_cast %broadcast_in_dim3A_1101 : vector<16x1xi32> to vector<16xi32>
        %gather3A_1103 = tpu.dynamic_gather %get3A_500[%gather3A_1102] in [0] : vector<16xf32>, vector<16xi32> -> vector<16xf32>
        %get3A_1104 = arith.constant 1 : i32
        %get3A_1105 = arith.index_cast %get3A_1104 : i32 to index
        %get3A_1106 = arith.index_cast %add3A_1090 : i32 to index
        %get3A_1107 = arith.constant 0 : index
        %get3A_1108 = tpu.vector_load %arg9[%get3A_1105, %get3A_1106, %get3A_1107] {strides = array<i32>} : memref<4x128x32xf32, #tpu.memory_space<vmem>>, vector<1x1x16xf32>,
        %get3A_1109 = vector.shape_cast %get3A_1108 : vector<1x1x16xf32> to vector<16xf32>
        %get3A_1110 = arith.constant 1 : i32
        %get3A_1111 = arith.index_cast %get3A_1110 : i32 to index
        %get3A_1112 = arith.index_cast %add3A_1090 : i32 to index
        %get3A_1113 = arith.constant 16 : index
        %get3A_1114 = tpu.vector_load %arg9[%get3A_1111, %get3A_1112, %get3A_1113] {strides = array<i32>} : memref<4x128x32xf32, #tpu.memory_space<vmem>>, vector<1x1x16xf32>,
        %get3A_1115 = vector.shape_cast %get3A_1114 : vector<1x1x16xf32> to vector<16xf32>
        %get3A_1116 = arith.constant 1 : i32
        %get3A_1117 = arith.index_cast %get3A_1116 : i32 to index
        %get3A_1118 = arith.index_cast %add3A_1090 : i32 to index
        %get3A_1119 = arith.constant 0 : index
        %get3A_1120 = tpu.vector_load %arg10[%get3A_1117, %get3A_1118, %get3A_1119] {strides = array<i32>} : memref<4x128x32xf32, #tpu.memory_space<vmem>>, vector<1x1x16xf32>,
        %get3A_1121 = vector.shape_cast %get3A_1120 : vector<1x1x16xf32> to vector<16xf32>
        %get3A_1122 = arith.constant 1 : i32
        %get3A_1123 = arith.index_cast %get3A_1122 : i32 to index
        %get3A_1124 = arith.index_cast %add3A_1090 : i32 to index
        %get3A_1125 = arith.constant 16 : index
        %get3A_1126 = tpu.vector_load %arg10[%get3A_1123, %get3A_1124, %get3A_1125] {strides = array<i32>} : memref<4x128x32xf32, #tpu.memory_space<vmem>>, vector<1x1x16xf32>,
        %get3A_1127 = vector.shape_cast %get3A_1126 : vector<1x1x16xf32> to vector<16xf32>
        %mul3A_1128 = arith.mulf %get3A_1109, %gather3A_1103 : vector<16xf32>
        %add3A_1129 = arith.addf %mul3A_1128, %get3A_1121 : vector<16xf32>
        %swap3A_1130 = arith.constant 1 : i32
        %swap3A_1131 = arith.index_cast %swap3A_1130 : i32 to index
        %swap3A_1132 = arith.index_cast %add3A_1090 : i32 to index
        %swap3A_1133 = arith.constant 0 : index
        %swap3A_1134 = tpu.vector_load %arg11[%swap3A_1131, %swap3A_1132, %swap3A_1133] {strides = array<i32>} : memref<4x128x32xf32, #tpu.memory_space<vmem>>, vector<1x1x16xf32>,
        %swap3A_1135 = vector.shape_cast %swap3A_1134 : vector<1x1x16xf32> to vector<16xf32>
        %swap3A_1136 = vector.shape_cast %add3A_1129 : vector<16xf32> to vector<1x1x16xf32>
        tpu.vector_store %arg11[%swap3A_1131, %swap3A_1132, %swap3A_1133], %swap3A_1136 {strides = array<i32>} : memref<4x128x32xf32, #tpu.memory_space<vmem>>, vector<1x1x16xf32>,
        %mul3A_1137 = arith.mulf %get3A_1115, %gather3A_1103 : vector<16xf32>
        %add3A_1138 = arith.addf %mul3A_1137, %get3A_1127 : vector<16xf32>
        %swap3A_1139 = arith.constant 1 : i32
        %swap3A_1140 = arith.index_cast %swap3A_1139 : i32 to index
        %swap3A_1141 = arith.index_cast %add3A_1090 : i32 to index
        %swap3A_1142 = arith.constant 16 : index
        %swap3A_1143 = tpu.vector_load %arg11[%swap3A_1140, %swap3A_1141, %swap3A_1142] {strides = array<i32>} : memref<4x128x32xf32, #tpu.memory_space<vmem>>, vector<1x1x16xf32>,
        %swap3A_1144 = vector.shape_cast %swap3A_1143 : vector<1x1x16xf32> to vector<16xf32>
        %swap3A_1145 = vector.shape_cast %add3A_1138 : vector<16xf32> to vector<1x1x16xf32>
        tpu.vector_store %arg11[%swap3A_1140, %swap3A_1141, %swap3A_1142], %swap3A_1145 {strides = array<i32>} : memref<4x128x32xf32, #tpu.memory_space<vmem>>, vector<1x1x16xf32>,
        %mul3A_1146 = arith.constant 16 : i32
        %mul3A_1147 = arith.muli %scan3A_493, %mul3A_1146 : i32
        %add3A_1148 = arith.constant 11 : i32
        %add3A_1149 = arith.addi %mul3A_1147, %add3A_1148 : i32
        %add3A_1150 = arith.constant 11 : i32
        %add3A_1151 = vector.broadcast %add3A_1150 : i32 to vector<16xi32>
        %add3A_1152 = arith.addi %mul3A_5, %add3A_1151 : vector<16xi32>
        %lt3A_1153 = arith.constant 0 : i32
        %lt3A_1154 = vector.broadcast %lt3A_1153 : i32 to vector<16xi32>
        %lt3A_1155 = arith.cmpi slt, %add3A_1152, %lt3A_1154 : vector<16xi32>
        %add3A_1156 = arith.constant 16 : i32
        %add3A_1157 = vector.broadcast %add3A_1156 : i32 to vector<16xi32>
        %add3A_1158 = arith.addi %add3A_1152, %add3A_1157 : vector<16xi32>
        %select_n3A_1159 = arith.select %lt3A_1155, %add3A_1158, %add3A_1152 : vector<16xi1>, vector<16xi32>
        %broadcast_in_dim3A_1160 = vector.shape_cast %select_n3A_1159 : vector<16xi32> to vector<16x1xi32>
        %gather3A_1161 = vector.shape_cast %broadcast_in_dim3A_1160 : vector<16x1xi32> to vector<16xi32>
        %gather3A_1162 = tpu.dynamic_gather %get3A_500[%gather3A_1161] in [0] : vector<16xf32>, vector<16xi32> -> vector<16xf32>
        %get3A_1163 = arith.constant 1 : i32
        %get3A_1164 = arith.index_cast %get3A_1163 : i32 to index
        %get3A_1165 = arith.index_cast %add3A_1149 : i32 to index
        %get3A_1166 = arith.constant 0 : index
        %get3A_1167 = tpu.vector_load %arg9[%get3A_1164, %get3A_1165, %get3A_1166] {strides = array<i32>} : memref<4x128x32xf32, #tpu.memory_space<vmem>>, vector<1x1x16xf32>,
        %get3A_1168 = vector.shape_cast %get3A_1167 : vector<1x1x16xf32> to vector<16xf32>
        %get3A_1169 = arith.constant 1 : i32
        %get3A_1170 = arith.index_cast %get3A_1169 : i32 to index
        %get3A_1171 = arith.index_cast %add3A_1149 : i32 to index
        %get3A_1172 = arith.constant 16 : index
        %get3A_1173 = tpu.vector_load %arg9[%get3A_1170, %get3A_1171, %get3A_1172] {strides = array<i32>} : memref<4x128x32xf32, #tpu.memory_space<vmem>>, vector<1x1x16xf32>,
        %get3A_1174 = vector.shape_cast %get3A_1173 : vector<1x1x16xf32> to vector<16xf32>
        %get3A_1175 = arith.constant 1 : i32
        %get3A_1176 = arith.index_cast %get3A_1175 : i32 to index
        %get3A_1177 = arith.index_cast %add3A_1149 : i32 to index
        %get3A_1178 = arith.constant 0 : index
        %get3A_1179 = tpu.vector_load %arg10[%get3A_1176, %get3A_1177, %get3A_1178] {strides = array<i32>} : memref<4x128x32xf32, #tpu.memory_space<vmem>>, vector<1x1x16xf32>,
        %get3A_1180 = vector.shape_cast %get3A_1179 : vector<1x1x16xf32> to vector<16xf32>
        %get3A_1181 = arith.constant 1 : i32
        %get3A_1182 = arith.index_cast %get3A_1181 : i32 to index
        %get3A_1183 = arith.index_cast %add3A_1149 : i32 to index
        %get3A_1184 = arith.constant 16 : index
        %get3A_1185 = tpu.vector_load %arg10[%get3A_1182, %get3A_1183, %get3A_1184] {strides = array<i32>} : memref<4x128x32xf32, #tpu.memory_space<vmem>>, vector<1x1x16xf32>,
        %get3A_1186 = vector.shape_cast %get3A_1185 : vector<1x1x16xf32> to vector<16xf32>
        %mul3A_1187 = arith.mulf %get3A_1168, %gather3A_1162 : vector<16xf32>
        %add3A_1188 = arith.addf %mul3A_1187, %get3A_1180 : vector<16xf32>
        %swap3A_1189 = arith.constant 1 : i32
        %swap3A_1190 = arith.index_cast %swap3A_1189 : i32 to index
        %swap3A_1191 = arith.index_cast %add3A_1149 : i32 to index
        %swap3A_1192 = arith.constant 0 : index
        %swap3A_1193 = tpu.vector_load %arg11[%swap3A_1190, %swap3A_1191, %swap3A_1192] {strides = array<i32>} : memref<4x128x32xf32, #tpu.memory_space<vmem>>, vector<1x1x16xf32>,
        %swap3A_1194 = vector.shape_cast %swap3A_1193 : vector<1x1x16xf32> to vector<16xf32>
        %swap3A_1195 = vector.shape_cast %add3A_1188 : vector<16xf32> to vector<1x1x16xf32>
        tpu.vector_store %arg11[%swap3A_1190, %swap3A_1191, %swap3A_1192], %swap3A_1195 {strides = array<i32>} : memref<4x128x32xf32, #tpu.memory_space<vmem>>, vector<1x1x16xf32>,
        %mul3A_1196 = arith.mulf %get3A_1174, %gather3A_1162 : vector<16xf32>
        %add3A_1197 = arith.addf %mul3A_1196, %get3A_1186 : vector<16xf32>
        %swap3A_1198 = arith.constant 1 : i32
        %swap3A_1199 = arith.index_cast %swap3A_1198 : i32 to index
        %swap3A_1200 = arith.index_cast %add3A_1149 : i32 to index
        %swap3A_1201 = arith.constant 16 : index
        %swap3A_1202 = tpu.vector_load %arg11[%swap3A_1199, %swap3A_1200, %swap3A_1201] {strides = array<i32>} : memref<4x128x32xf32, #tpu.memory_space<vmem>>, vector<1x1x16xf32>,
        %swap3A_1203 = vector.shape_cast %swap3A_1202 : vector<1x1x16xf32> to vector<16xf32>
        %swap3A_1204 = vector.shape_cast %add3A_1197 : vector<16xf32> to vector<1x1x16xf32>
        tpu.vector_store %arg11[%swap3A_1199, %swap3A_1200, %swap3A_1201], %swap3A_1204 {strides = array<i32>} : memref<4x128x32xf32, #tpu.memory_space<vmem>>, vector<1x1x16xf32>,
        %mul3A_1205 = arith.constant 16 : i32
        %mul3A_1206 = arith.muli %scan3A_493, %mul3A_1205 : i32
        %add3A_1207 = arith.constant 12 : i32
        %add3A_1208 = arith.addi %mul3A_1206, %add3A_1207 : i32
        %add3A_1209 = arith.constant 12 : i32
        %add3A_1210 = vector.broadcast %add3A_1209 : i32 to vector<16xi32>
        %add3A_1211 = arith.addi %mul3A_5, %add3A_1210 : vector<16xi32>
        %lt3A_1212 = arith.constant 0 : i32
        %lt3A_1213 = vector.broadcast %lt3A_1212 : i32 to vector<16xi32>
        %lt3A_1214 = arith.cmpi slt, %add3A_1211, %lt3A_1213 : vector<16xi32>
        %add3A_1215 = arith.constant 16 : i32
        %add3A_1216 = vector.broadcast %add3A_1215 : i32 to vector<16xi32>
        %add3A_1217 = arith.addi %add3A_1211, %add3A_1216 : vector<16xi32>
        %select_n3A_1218 = arith.select %lt3A_1214, %add3A_1217, %add3A_1211 : vector<16xi1>, vector<16xi32>
        %broadcast_in_dim3A_1219 = vector.shape_cast %select_n3A_1218 : vector<16xi32> to vector<16x1xi32>
        %gather3A_1220 = vector.shape_cast %broadcast_in_dim3A_1219 : vector<16x1xi32> to vector<16xi32>
        %gather3A_1221 = tpu.dynamic_gather %get3A_500[%gather3A_1220] in [0] : vector<16xf32>, vector<16xi32> -> vector<16xf32>
        %get3A_1222 = arith.constant 1 : i32
        %get3A_1223 = arith.index_cast %get3A_1222 : i32 to index
        %get3A_1224 = arith.index_cast %add3A_1208 : i32 to index
        %get3A_1225 = arith.constant 0 : index
        %get3A_1226 = tpu.vector_load %arg9[%get3A_1223, %get3A_1224, %get3A_1225] {strides = array<i32>} : memref<4x128x32xf32, #tpu.memory_space<vmem>>, vector<1x1x16xf32>,
        %get3A_1227 = vector.shape_cast %get3A_1226 : vector<1x1x16xf32> to vector<16xf32>
        %get3A_1228 = arith.constant 1 : i32
        %get3A_1229 = arith.index_cast %get3A_1228 : i32 to index
        %get3A_1230 = arith.index_cast %add3A_1208 : i32 to index
        %get3A_1231 = arith.constant 16 : index
        %get3A_1232 = tpu.vector_load %arg9[%get3A_1229, %get3A_1230, %get3A_1231] {strides = array<i32>} : memref<4x128x32xf32, #tpu.memory_space<vmem>>, vector<1x1x16xf32>,
        %get3A_1233 = vector.shape_cast %get3A_1232 : vector<1x1x16xf32> to vector<16xf32>
        %get3A_1234 = arith.constant 1 : i32
        %get3A_1235 = arith.index_cast %get3A_1234 : i32 to index
        %get3A_1236 = arith.index_cast %add3A_1208 : i32 to index
        %get3A_1237 = arith.constant 0 : index
        %get3A_1238 = tpu.vector_load %arg10[%get3A_1235, %get3A_1236, %get3A_1237] {strides = array<i32>} : memref<4x128x32xf32, #tpu.memory_space<vmem>>, vector<1x1x16xf32>,
        %get3A_1239 = vector.shape_cast %get3A_1238 : vector<1x1x16xf32> to vector<16xf32>
        %get3A_1240 = arith.constant 1 : i32
        %get3A_1241 = arith.index_cast %get3A_1240 : i32 to index
        %get3A_1242 = arith.index_cast %add3A_1208 : i32 to index
        %get3A_1243 = arith.constant 16 : index
        %get3A_1244 = tpu.vector_load %arg10[%get3A_1241, %get3A_1242, %get3A_1243] {strides = array<i32>} : memref<4x128x32xf32, #tpu.memory_space<vmem>>, vector<1x1x16xf32>,
        %get3A_1245 = vector.shape_cast %get3A_1244 : vector<1x1x16xf32> to vector<16xf32>
        %mul3A_1246 = arith.mulf %get3A_1227, %gather3A_1221 : vector<16xf32>
        %add3A_1247 = arith.addf %mul3A_1246, %get3A_1239 : vector<16xf32>
        %swap3A_1248 = arith.constant 1 : i32
        %swap3A_1249 = arith.index_cast %swap3A_1248 : i32 to index
        %swap3A_1250 = arith.index_cast %add3A_1208 : i32 to index
        %swap3A_1251 = arith.constant 0 : index
        %swap3A_1252 = tpu.vector_load %arg11[%swap3A_1249, %swap3A_1250, %swap3A_1251] {strides = array<i32>} : memref<4x128x32xf32, #tpu.memory_space<vmem>>, vector<1x1x16xf32>,
        %swap3A_1253 = vector.shape_cast %swap3A_1252 : vector<1x1x16xf32> to vector<16xf32>
        %swap3A_1254 = vector.shape_cast %add3A_1247 : vector<16xf32> to vector<1x1x16xf32>
        tpu.vector_store %arg11[%swap3A_1249, %swap3A_1250, %swap3A_1251], %swap3A_1254 {strides = array<i32>} : memref<4x128x32xf32, #tpu.memory_space<vmem>>, vector<1x1x16xf32>,
        %mul3A_1255 = arith.mulf %get3A_1233, %gather3A_1221 : vector<16xf32>
        %add3A_1256 = arith.addf %mul3A_1255, %get3A_1245 : vector<16xf32>
        %swap3A_1257 = arith.constant 1 : i32
        %swap3A_1258 = arith.index_cast %swap3A_1257 : i32 to index
        %swap3A_1259 = arith.index_cast %add3A_1208 : i32 to index
        %swap3A_1260 = arith.constant 16 : index
        %swap3A_1261 = tpu.vector_load %arg11[%swap3A_1258, %swap3A_1259, %swap3A_1260] {strides = array<i32>} : memref<4x128x32xf32, #tpu.memory_space<vmem>>, vector<1x1x16xf32>,
        %swap3A_1262 = vector.shape_cast %swap3A_1261 : vector<1x1x16xf32> to vector<16xf32>
        %swap3A_1263 = vector.shape_cast %add3A_1256 : vector<16xf32> to vector<1x1x16xf32>
        tpu.vector_store %arg11[%swap3A_1258, %swap3A_1259, %swap3A_1260], %swap3A_1263 {strides = array<i32>} : memref<4x128x32xf32, #tpu.memory_space<vmem>>, vector<1x1x16xf32>,
        %mul3A_1264 = arith.constant 16 : i32
        %mul3A_1265 = arith.muli %scan3A_493, %mul3A_1264 : i32
        %add3A_1266 = arith.constant 13 : i32
        %add3A_1267 = arith.addi %mul3A_1265, %add3A_1266 : i32
        %add3A_1268 = arith.constant 13 : i32
        %add3A_1269 = vector.broadcast %add3A_1268 : i32 to vector<16xi32>
        %add3A_1270 = arith.addi %mul3A_5, %add3A_1269 : vector<16xi32>
        %lt3A_1271 = arith.constant 0 : i32
        %lt3A_1272 = vector.broadcast %lt3A_1271 : i32 to vector<16xi32>
        %lt3A_1273 = arith.cmpi slt, %add3A_1270, %lt3A_1272 : vector<16xi32>
        %add3A_1274 = arith.constant 16 : i32
        %add3A_1275 = vector.broadcast %add3A_1274 : i32 to vector<16xi32>
        %add3A_1276 = arith.addi %add3A_1270, %add3A_1275 : vector<16xi32>
        %select_n3A_1277 = arith.select %lt3A_1273, %add3A_1276, %add3A_1270 : vector<16xi1>, vector<16xi32>
        %broadcast_in_dim3A_1278 = vector.shape_cast %select_n3A_1277 : vector<16xi32> to vector<16x1xi32>
        %gather3A_1279 = vector.shape_cast %broadcast_in_dim3A_1278 : vector<16x1xi32> to vector<16xi32>
        %gather3A_1280 = tpu.dynamic_gather %get3A_500[%gather3A_1279] in [0] : vector<16xf32>, vector<16xi32> -> vector<16xf32>
        %get3A_1281 = arith.constant 1 : i32
        %get3A_1282 = arith.index_cast %get3A_1281 : i32 to index
        %get3A_1283 = arith.index_cast %add3A_1267 : i32 to index
        %get3A_1284 = arith.constant 0 : index
        %get3A_1285 = tpu.vector_load %arg9[%get3A_1282, %get3A_1283, %get3A_1284] {strides = array<i32>} : memref<4x128x32xf32, #tpu.memory_space<vmem>>, vector<1x1x16xf32>,
        %get3A_1286 = vector.shape_cast %get3A_1285 : vector<1x1x16xf32> to vector<16xf32>
        %get3A_1287 = arith.constant 1 : i32
        %get3A_1288 = arith.index_cast %get3A_1287 : i32 to index
        %get3A_1289 = arith.index_cast %add3A_1267 : i32 to index
        %get3A_1290 = arith.constant 16 : index
        %get3A_1291 = tpu.vector_load %arg9[%get3A_1288, %get3A_1289, %get3A_1290] {strides = array<i32>} : memref<4x128x32xf32, #tpu.memory_space<vmem>>, vector<1x1x16xf32>,
        %get3A_1292 = vector.shape_cast %get3A_1291 : vector<1x1x16xf32> to vector<16xf32>
        %get3A_1293 = arith.constant 1 : i32
        %get3A_1294 = arith.index_cast %get3A_1293 : i32 to index
        %get3A_1295 = arith.index_cast %add3A_1267 : i32 to index
        %get3A_1296 = arith.constant 0 : index
        %get3A_1297 = tpu.vector_load %arg10[%get3A_1294, %get3A_1295, %get3A_1296] {strides = array<i32>} : memref<4x128x32xf32, #tpu.memory_space<vmem>>, vector<1x1x16xf32>,
        %get3A_1298 = vector.shape_cast %get3A_1297 : vector<1x1x16xf32> to vector<16xf32>
        %get3A_1299 = arith.constant 1 : i32
        %get3A_1300 = arith.index_cast %get3A_1299 : i32 to index
        %get3A_1301 = arith.index_cast %add3A_1267 : i32 to index
        %get3A_1302 = arith.constant 16 : index
        %get3A_1303 = tpu.vector_load %arg10[%get3A_1300, %get3A_1301, %get3A_1302] {strides = array<i32>} : memref<4x128x32xf32, #tpu.memory_space<vmem>>, vector<1x1x16xf32>,
        %get3A_1304 = vector.shape_cast %get3A_1303 : vector<1x1x16xf32> to vector<16xf32>
        %mul3A_1305 = arith.mulf %get3A_1286, %gather3A_1280 : vector<16xf32>
        %add3A_1306 = arith.addf %mul3A_1305, %get3A_1298 : vector<16xf32>
        %swap3A_1307 = arith.constant 1 : i32
        %swap3A_1308 = arith.index_cast %swap3A_1307 : i32 to index
        %swap3A_1309 = arith.index_cast %add3A_1267 : i32 to index
        %swap3A_1310 = arith.constant 0 : index
        %swap3A_1311 = tpu.vector_load %arg11[%swap3A_1308, %swap3A_1309, %swap3A_1310] {strides = array<i32>} : memref<4x128x32xf32, #tpu.memory_space<vmem>>, vector<1x1x16xf32>,
        %swap3A_1312 = vector.shape_cast %swap3A_1311 : vector<1x1x16xf32> to vector<16xf32>
        %swap3A_1313 = vector.shape_cast %add3A_1306 : vector<16xf32> to vector<1x1x16xf32>
        tpu.vector_store %arg11[%swap3A_1308, %swap3A_1309, %swap3A_1310], %swap3A_1313 {strides = array<i32>} : memref<4x128x32xf32, #tpu.memory_space<vmem>>, vector<1x1x16xf32>,
        %mul3A_1314 = arith.mulf %get3A_1292, %gather3A_1280 : vector<16xf32>
        %add3A_1315 = arith.addf %mul3A_1314, %get3A_1304 : vector<16xf32>
        %swap3A_1316 = arith.constant 1 : i32
        %swap3A_1317 = arith.index_cast %swap3A_1316 : i32 to index
        %swap3A_1318 = arith.index_cast %add3A_1267 : i32 to index
        %swap3A_1319 = arith.constant 16 : index
        %swap3A_1320 = tpu.vector_load %arg11[%swap3A_1317, %swap3A_1318, %swap3A_1319] {strides = array<i32>} : memref<4x128x32xf32, #tpu.memory_space<vmem>>, vector<1x1x16xf32>,
        %swap3A_1321 = vector.shape_cast %swap3A_1320 : vector<1x1x16xf32> to vector<16xf32>
        %swap3A_1322 = vector.shape_cast %add3A_1315 : vector<16xf32> to vector<1x1x16xf32>
        tpu.vector_store %arg11[%swap3A_1317, %swap3A_1318, %swap3A_1319], %swap3A_1322 {strides = array<i32>} : memref<4x128x32xf32, #tpu.memory_space<vmem>>, vector<1x1x16xf32>,
        %mul3A_1323 = arith.constant 16 : i32
        %mul3A_1324 = arith.muli %scan3A_493, %mul3A_1323 : i32
        %add3A_1325 = arith.constant 14 : i32
        %add3A_1326 = arith.addi %mul3A_1324, %add3A_1325 : i32
        %add3A_1327 = arith.constant 14 : i32
        %add3A_1328 = vector.broadcast %add3A_1327 : i32 to vector<16xi32>
        %add3A_1329 = arith.addi %mul3A_5, %add3A_1328 : vector<16xi32>
        %lt3A_1330 = arith.constant 0 : i32
        %lt3A_1331 = vector.broadcast %lt3A_1330 : i32 to vector<16xi32>
        %lt3A_1332 = arith.cmpi slt, %add3A_1329, %lt3A_1331 : vector<16xi32>
        %add3A_1333 = arith.constant 16 : i32
        %add3A_1334 = vector.broadcast %add3A_1333 : i32 to vector<16xi32>
        %add3A_1335 = arith.addi %add3A_1329, %add3A_1334 : vector<16xi32>
        %select_n3A_1336 = arith.select %lt3A_1332, %add3A_1335, %add3A_1329 : vector<16xi1>, vector<16xi32>
        %broadcast_in_dim3A_1337 = vector.shape_cast %select_n3A_1336 : vector<16xi32> to vector<16x1xi32>
        %gather3A_1338 = vector.shape_cast %broadcast_in_dim3A_1337 : vector<16x1xi32> to vector<16xi32>
        %gather3A_1339 = tpu.dynamic_gather %get3A_500[%gather3A_1338] in [0] : vector<16xf32>, vector<16xi32> -> vector<16xf32>
        %get3A_1340 = arith.constant 1 : i32
        %get3A_1341 = arith.index_cast %get3A_1340 : i32 to index
        %get3A_1342 = arith.index_cast %add3A_1326 : i32 to index
        %get3A_1343 = arith.constant 0 : index
        %get3A_1344 = tpu.vector_load %arg9[%get3A_1341, %get3A_1342, %get3A_1343] {strides = array<i32>} : memref<4x128x32xf32, #tpu.memory_space<vmem>>, vector<1x1x16xf32>,
        %get3A_1345 = vector.shape_cast %get3A_1344 : vector<1x1x16xf32> to vector<16xf32>
        %get3A_1346 = arith.constant 1 : i32
        %get3A_1347 = arith.index_cast %get3A_1346 : i32 to index
        %get3A_1348 = arith.index_cast %add3A_1326 : i32 to index
        %get3A_1349 = arith.constant 16 : index
        %get3A_1350 = tpu.vector_load %arg9[%get3A_1347, %get3A_1348, %get3A_1349] {strides = array<i32>} : memref<4x128x32xf32, #tpu.memory_space<vmem>>, vector<1x1x16xf32>,
        %get3A_1351 = vector.shape_cast %get3A_1350 : vector<1x1x16xf32> to vector<16xf32>
        %get3A_1352 = arith.constant 1 : i32
        %get3A_1353 = arith.index_cast %get3A_1352 : i32 to index
        %get3A_1354 = arith.index_cast %add3A_1326 : i32 to index
        %get3A_1355 = arith.constant 0 : index
        %get3A_1356 = tpu.vector_load %arg10[%get3A_1353, %get3A_1354, %get3A_1355] {strides = array<i32>} : memref<4x128x32xf32, #tpu.memory_space<vmem>>, vector<1x1x16xf32>,
        %get3A_1357 = vector.shape_cast %get3A_1356 : vector<1x1x16xf32> to vector<16xf32>
        %get3A_1358 = arith.constant 1 : i32
        %get3A_1359 = arith.index_cast %get3A_1358 : i32 to index
        %get3A_1360 = arith.index_cast %add3A_1326 : i32 to index
        %get3A_1361 = arith.constant 16 : index
        %get3A_1362 = tpu.vector_load %arg10[%get3A_1359, %get3A_1360, %get3A_1361] {strides = array<i32>} : memref<4x128x32xf32, #tpu.memory_space<vmem>>, vector<1x1x16xf32>,
        %get3A_1363 = vector.shape_cast %get3A_1362 : vector<1x1x16xf32> to vector<16xf32>
        %mul3A_1364 = arith.mulf %get3A_1345, %gather3A_1339 : vector<16xf32>
        %add3A_1365 = arith.addf %mul3A_1364, %get3A_1357 : vector<16xf32>
        %swap3A_1366 = arith.constant 1 : i32
        %swap3A_1367 = arith.index_cast %swap3A_1366 : i32 to index
        %swap3A_1368 = arith.index_cast %add3A_1326 : i32 to index
        %swap3A_1369 = arith.constant 0 : index
        %swap3A_1370 = tpu.vector_load %arg11[%swap3A_1367, %swap3A_1368, %swap3A_1369] {strides = array<i32>} : memref<4x128x32xf32, #tpu.memory_space<vmem>>, vector<1x1x16xf32>,
        %swap3A_1371 = vector.shape_cast %swap3A_1370 : vector<1x1x16xf32> to vector<16xf32>
        %swap3A_1372 = vector.shape_cast %add3A_1365 : vector<16xf32> to vector<1x1x16xf32>
        tpu.vector_store %arg11[%swap3A_1367, %swap3A_1368, %swap3A_1369], %swap3A_1372 {strides = array<i32>} : memref<4x128x32xf32, #tpu.memory_space<vmem>>, vector<1x1x16xf32>,
        %mul3A_1373 = arith.mulf %get3A_1351, %gather3A_1339 : vector<16xf32>
        %add3A_1374 = arith.addf %mul3A_1373, %get3A_1363 : vector<16xf32>
        %swap3A_1375 = arith.constant 1 : i32
        %swap3A_1376 = arith.index_cast %swap3A_1375 : i32 to index
        %swap3A_1377 = arith.index_cast %add3A_1326 : i32 to index
        %swap3A_1378 = arith.constant 16 : index
        %swap3A_1379 = tpu.vector_load %arg11[%swap3A_1376, %swap3A_1377, %swap3A_1378] {strides = array<i32>} : memref<4x128x32xf32, #tpu.memory_space<vmem>>, vector<1x1x16xf32>,
        %swap3A_1380 = vector.shape_cast %swap3A_1379 : vector<1x1x16xf32> to vector<16xf32>
        %swap3A_1381 = vector.shape_cast %add3A_1374 : vector<16xf32> to vector<1x1x16xf32>
        tpu.vector_store %arg11[%swap3A_1376, %swap3A_1377, %swap3A_1378], %swap3A_1381 {strides = array<i32>} : memref<4x128x32xf32, #tpu.memory_space<vmem>>, vector<1x1x16xf32>,
        %mul3A_1382 = arith.constant 16 : i32
        %mul3A_1383 = arith.muli %scan3A_493, %mul3A_1382 : i32
        %add3A_1384 = arith.constant 15 : i32
        %add3A_1385 = arith.addi %mul3A_1383, %add3A_1384 : i32
        %add3A_1386 = arith.constant 15 : i32
        %add3A_1387 = vector.broadcast %add3A_1386 : i32 to vector<16xi32>
        %add3A_1388 = arith.addi %mul3A_5, %add3A_1387 : vector<16xi32>
        %lt3A_1389 = arith.constant 0 : i32
        %lt3A_1390 = vector.broadcast %lt3A_1389 : i32 to vector<16xi32>
        %lt3A_1391 = arith.cmpi slt, %add3A_1388, %lt3A_1390 : vector<16xi32>
        %add3A_1392 = arith.constant 16 : i32
        %add3A_1393 = vector.broadcast %add3A_1392 : i32 to vector<16xi32>
        %add3A_1394 = arith.addi %add3A_1388, %add3A_1393 : vector<16xi32>
        %select_n3A_1395 = arith.select %lt3A_1391, %add3A_1394, %add3A_1388 : vector<16xi1>, vector<16xi32>
        %broadcast_in_dim3A_1396 = vector.shape_cast %select_n3A_1395 : vector<16xi32> to vector<16x1xi32>
        %gather3A_1397 = vector.shape_cast %broadcast_in_dim3A_1396 : vector<16x1xi32> to vector<16xi32>
        %gather3A_1398 = tpu.dynamic_gather %get3A_500[%gather3A_1397] in [0] : vector<16xf32>, vector<16xi32> -> vector<16xf32>
        %get3A_1399 = arith.constant 1 : i32
        %get3A_1400 = arith.index_cast %get3A_1399 : i32 to index
        %get3A_1401 = arith.index_cast %add3A_1385 : i32 to index
        %get3A_1402 = arith.constant 0 : index
        %get3A_1403 = tpu.vector_load %arg9[%get3A_1400, %get3A_1401, %get3A_1402] {strides = array<i32>} : memref<4x128x32xf32, #tpu.memory_space<vmem>>, vector<1x1x16xf32>,
        %get3A_1404 = vector.shape_cast %get3A_1403 : vector<1x1x16xf32> to vector<16xf32>
        %get3A_1405 = arith.constant 1 : i32
        %get3A_1406 = arith.index_cast %get3A_1405 : i32 to index
        %get3A_1407 = arith.index_cast %add3A_1385 : i32 to index
        %get3A_1408 = arith.constant 16 : index
        %get3A_1409 = tpu.vector_load %arg9[%get3A_1406, %get3A_1407, %get3A_1408] {strides = array<i32>} : memref<4x128x32xf32, #tpu.memory_space<vmem>>, vector<1x1x16xf32>,
        %get3A_1410 = vector.shape_cast %get3A_1409 : vector<1x1x16xf32> to vector<16xf32>
        %get3A_1411 = arith.constant 1 : i32
        %get3A_1412 = arith.index_cast %get3A_1411 : i32 to index
        %get3A_1413 = arith.index_cast %add3A_1385 : i32 to index
        %get3A_1414 = arith.constant 0 : index
        %get3A_1415 = tpu.vector_load %arg10[%get3A_1412, %get3A_1413, %get3A_1414] {strides = array<i32>} : memref<4x128x32xf32, #tpu.memory_space<vmem>>, vector<1x1x16xf32>,
        %get3A_1416 = vector.shape_cast %get3A_1415 : vector<1x1x16xf32> to vector<16xf32>
        %get3A_1417 = arith.constant 1 : i32
        %get3A_1418 = arith.index_cast %get3A_1417 : i32 to index
        %get3A_1419 = arith.index_cast %add3A_1385 : i32 to index
        %get3A_1420 = arith.constant 16 : index
        %get3A_1421 = tpu.vector_load %arg10[%get3A_1418, %get3A_1419, %get3A_1420] {strides = array<i32>} : memref<4x128x32xf32, #tpu.memory_space<vmem>>, vector<1x1x16xf32>,
        %get3A_1422 = vector.shape_cast %get3A_1421 : vector<1x1x16xf32> to vector<16xf32>
        %mul3A_1423 = arith.mulf %get3A_1404, %gather3A_1398 : vector<16xf32>
        %add3A_1424 = arith.addf %mul3A_1423, %get3A_1416 : vector<16xf32>
        %swap3A_1425 = arith.constant 1 : i32
        %swap3A_1426 = arith.index_cast %swap3A_1425 : i32 to index
        %swap3A_1427 = arith.index_cast %add3A_1385 : i32 to index
        %swap3A_1428 = arith.constant 0 : index
        %swap3A_1429 = tpu.vector_load %arg11[%swap3A_1426, %swap3A_1427, %swap3A_1428] {strides = array<i32>} : memref<4x128x32xf32, #tpu.memory_space<vmem>>, vector<1x1x16xf32>,
        %swap3A_1430 = vector.shape_cast %swap3A_1429 : vector<1x1x16xf32> to vector<16xf32>
        %swap3A_1431 = vector.shape_cast %add3A_1424 : vector<16xf32> to vector<1x1x16xf32>
        tpu.vector_store %arg11[%swap3A_1426, %swap3A_1427, %swap3A_1428], %swap3A_1431 {strides = array<i32>} : memref<4x128x32xf32, #tpu.memory_space<vmem>>, vector<1x1x16xf32>,
        %mul3A_1432 = arith.mulf %get3A_1410, %gather3A_1398 : vector<16xf32>
        %add3A_1433 = arith.addf %mul3A_1432, %get3A_1422 : vector<16xf32>
        %swap3A_1434 = arith.constant 1 : i32
        %swap3A_1435 = arith.index_cast %swap3A_1434 : i32 to index
        %swap3A_1436 = arith.index_cast %add3A_1385 : i32 to index
        %swap3A_1437 = arith.constant 16 : index
        %swap3A_1438 = tpu.vector_load %arg11[%swap3A_1435, %swap3A_1436, %swap3A_1437] {strides = array<i32>} : memref<4x128x32xf32, #tpu.memory_space<vmem>>, vector<1x1x16xf32>,
        %swap3A_1439 = vector.shape_cast %swap3A_1438 : vector<1x1x16xf32> to vector<16xf32>
        %swap3A_1440 = vector.shape_cast %add3A_1433 : vector<16xf32> to vector<1x1x16xf32>
        tpu.vector_store %arg11[%swap3A_1435, %swap3A_1436, %swap3A_1437], %swap3A_1440 {strides = array<i32>} : memref<4x128x32xf32, #tpu.memory_space<vmem>>, vector<1x1x16xf32>,
      }
      %scan3A_326 = arith.constant 8 : i32
      %mul3A_327 = arith.constant 104 : i32
      %mul3A_328 = arith.muli %add3A, %mul3A_327 : i32
      %add3A_329 = arith.addi %mul3A_328, %add3A_287 : i32
      %mul3A_330 = arith.constant 128 : i32
      %mul3A_331 = arith.muli %add3A_329, %mul3A_330 : i32
      %dma_start3A_332 = arith.constant 1 : i32
      %dma_start3A_333 = arith.constant 1 : i32
      %dma_start3A_334 = arith.constant 0 : i32
      %dma_start3A_335 = arith.constant 0 : i32
      %dma_start3A_336 = tpu.memref_slice %arg11[%dma_start3A_332, %dma_start3A_334, %dma_start3A_335] : memref<4x128x32xf32, #tpu.memory_space<vmem>> -> memref<1x128x32xf32, #tpu.memory_space<vmem>>
      %dma_start3A_337 = tpu.memref_squeeze %dma_start3A_336 : memref<1x128x32xf32, #tpu.memory_space<vmem>> -> memref<128x32xf32, #tpu.memory_space<vmem>>
      %dma_start3A_338 = arith.constant 0 : i32
      %dma_start3A_339 = tpu.memref_slice %arg6[%mul3A_331, %dma_start3A_338] : memref<425984x32xf32, #tpu.memory_space<hbm>> -> memref<128x32xf32, #tpu.memory_space<hbm>>
      %dma_start3A_340 = tpu.memref_slice %arg14[%dma_start3A_333] : memref<4x!tpu.dma_semaphore, #tpu.memory_space<semaphore_mem>> -> memref<1x!tpu.dma_semaphore, #tpu.memory_space<semaphore_mem>>
      %dma_start3A_341 = tpu.memref_squeeze %dma_start3A_340 : memref<1x!tpu.dma_semaphore, #tpu.memory_space<semaphore_mem>> -> memref<!tpu.dma_semaphore, #tpu.memory_space<semaphore_mem>>
      %dma_start3A_342 = arith.constant 0 : i32
      %dma_start3A_343 = tpu.memref_slice %arg6[%mul3A_331, %dma_start3A_342] : memref<425984x32xf32, #tpu.memory_space<hbm>> -> memref<128x32xf32, #tpu.memory_space<hbm>>
      %dma_start3A_344 = arith.constant 0 : i32
      %dma_start3A_345 = arith.constant 0 : i32
      %dma_start3A_346 = tpu.memref_slice %arg11[%dma_start3A_332, %dma_start3A_344, %dma_start3A_345] : memref<4x128x32xf32, #tpu.memory_space<vmem>> -> memref<1x128x32xf32, #tpu.memory_space<vmem>>
      %dma_start3A_347 = tpu.memref_squeeze %dma_start3A_346 : memref<1x128x32xf32, #tpu.memory_space<vmem>> -> memref<128x32xf32, #tpu.memory_space<vmem>>
      tpu.enqueue_dma source(%dma_start3A_347 : memref<128x32xf32, #tpu.memory_space<vmem>>) target(%dma_start3A_343 : memref<128x32xf32, #tpu.memory_space<hbm>>) target_semaphore(%dma_start3A_341 : memref<!tpu.dma_semaphore, #tpu.memory_space<semaphore_mem>>)
      %add3A_348 = arith.constant 4 : i32
      %add3A_349 = arith.addi %add3A_287, %add3A_348 : i32
      %lt3A_350 = arith.constant 104 : i32
      %lt3A_351 = arith.cmpi slt, %add3A_349, %lt3A_350 : i32
      %convert_element_type3A_352 = arith.extui %lt3A_351 : i1 to i32
      %cond3A_353 = arith.constant 0 : i32
      %cond3A_354 = arith.cmpi ne, %convert_element_type3A_352, %cond3A_353 : i32
      scf.if %cond3A_354 {
        %add3A_493 = arith.constant 4 : i32
        %add3A_494 = arith.addi %add3A_287, %add3A_493 : i32
        %dma_start3A_495 = arith.constant 1 : i32
        %dma_start3A_496 = arith.constant 1 : i32
        %dma_start3A_497 = arith.constant 0 : i32
        %dma_start3A_498 = arith.constant 0 : i32
        %dma_start3A_499 = tpu.memref_slice %arg9[%dma_start3A_495, %dma_start3A_497, %dma_start3A_498] : memref<4x128x32xf32, #tpu.memory_space<vmem>> -> memref<1x128x32xf32, #tpu.memory_space<vmem>>
        %dma_start3A_500 = tpu.memref_squeeze %dma_start3A_499 : memref<1x128x32xf32, #tpu.memory_space<vmem>> -> memref<128x32xf32, #tpu.memory_space<vmem>>
        %dma_start3A_501 = arith.constant 0 : i32
        %dma_start3A_502 = tpu.memref_slice %arg7[%add3A_494, %dma_start3A_501] : memref<104x128xi32, #tpu.memory_space<vmem>> -> memref<1x128xi32, #tpu.memory_space<vmem>>
        %dma_start3A_503 = tpu.memref_squeeze %dma_start3A_502 : memref<1x128xi32, #tpu.memory_space<vmem>> -> memref<128xi32, #tpu.memory_space<vmem>>
        %dma_start3A_504 = arith.constant 0 : i32
        %dma_start3A_505 = arith.constant 0 : i32
        %dma_start3A_506 = tpu.memref_slice %arg4[%dma_start3A_504, %dma_start3A_505] : memref<1000001x32xf32, #tpu.memory_space<hbm>> -> memref<1000001x32xf32, #tpu.memory_space<hbm>>
        %dma_start3A_507 = tpu.memref_slice %arg12[%dma_start3A_496] : memref<4x!tpu.dma_semaphore, #tpu.memory_space<semaphore_mem>> -> memref<1x!tpu.dma_semaphore, #tpu.memory_space<semaphore_mem>>
        %dma_start3A_508 = tpu.memref_squeeze %dma_start3A_507 : memref<1x!tpu.dma_semaphore, #tpu.memory_space<semaphore_mem>> -> memref<!tpu.dma_semaphore, #tpu.memory_space<semaphore_mem>>
        tpu.enqueue_indirect_dma source(%dma_start3A_506 : memref<1000001x32xf32, #tpu.memory_space<hbm>>) target(%dma_start3A_500 : memref<128x32xf32, #tpu.memory_space<vmem>>) offsets(%dma_start3A_503 : memref<128xi32, #tpu.memory_space<vmem>>) semaphore(%dma_start3A_508 : memref<!tpu.dma_semaphore, #tpu.memory_space<semaphore_mem>>)
        %dma_start3A_509 = arith.constant 1 : i32
        %dma_start3A_510 = arith.constant 1 : i32
        %dma_start3A_511 = arith.constant 0 : i32
        %dma_start3A_512 = arith.constant 0 : i32
        %dma_start3A_513 = tpu.memref_slice %arg10[%dma_start3A_509, %dma_start3A_511, %dma_start3A_512] : memref<4x128x32xf32, #tpu.memory_space<vmem>> -> memref<1x128x32xf32, #tpu.memory_space<vmem>>
        %dma_start3A_514 = tpu.memref_squeeze %dma_start3A_513 : memref<1x128x32xf32, #tpu.memory_space<vmem>> -> memref<128x32xf32, #tpu.memory_space<vmem>>
        %dma_start3A_515 = arith.constant 0 : i32
        %dma_start3A_516 = tpu.memref_slice %arg7[%add3A_494, %dma_start3A_515] : memref<104x128xi32, #tpu.memory_space<vmem>> -> memref<1x128xi32, #tpu.memory_space<vmem>>
        %dma_start3A_517 = tpu.memref_squeeze %dma_start3A_516 : memref<1x128xi32, #tpu.memory_space<vmem>> -> memref<128xi32, #tpu.memory_space<vmem>>
        %dma_start3A_518 = arith.constant 0 : i32
        %dma_start3A_519 = arith.constant 0 : i32
        %dma_start3A_520 = tpu.memref_slice %arg5[%dma_start3A_518, %dma_start3A_519] : memref<1000001x32xf32, #tpu.memory_space<hbm>> -> memref<1000001x32xf32, #tpu.memory_space<hbm>>
        %dma_start3A_521 = tpu.memref_slice %arg13[%dma_start3A_510] : memref<4x!tpu.dma_semaphore, #tpu.memory_space<semaphore_mem>> -> memref<1x!tpu.dma_semaphore, #tpu.memory_space<semaphore_mem>>
        %dma_start3A_522 = tpu.memref_squeeze %dma_start3A_521 : memref<1x!tpu.dma_semaphore, #tpu.memory_space<semaphore_mem>> -> memref<!tpu.dma_semaphore, #tpu.memory_space<semaphore_mem>>
        tpu.enqueue_indirect_dma source(%dma_start3A_520 : memref<1000001x32xf32, #tpu.memory_space<hbm>>) target(%dma_start3A_514 : memref<128x32xf32, #tpu.memory_space<vmem>>) offsets(%dma_start3A_517 : memref<128xi32, #tpu.memory_space<vmem>>) semaphore(%dma_start3A_522 : memref<!tpu.dma_semaphore, #tpu.memory_space<semaphore_mem>>)
      } else {
      }
      %add3A_355 = arith.constant 2 : i32
      %add3A_356 = arith.addi %add3A_220, %add3A_355 : i32
      %ge3A_357 = arith.constant 4 : i32
      %ge3A_358 = arith.cmpi sge, %add3A_356, %ge3A_357 : i32
      %convert_element_type3A_359 = arith.extui %ge3A_358 : i1 to i32
      %cond3A_360 = arith.constant 0 : i32
      %cond3A_361 = arith.cmpi ne, %convert_element_type3A_359, %cond3A_360 : i32
      scf.if %cond3A_361 {
        %sub3A = arith.constant 4 : i32
        %sub3A_493 = arith.subi %add3A_356, %sub3A : i32
        %mul3A_494 = arith.constant 104 : i32
        %mul3A_495 = arith.muli %add3A, %mul3A_494 : i32
        %add3A_496 = arith.addi %mul3A_495, %sub3A_493 : i32
        %mul3A_497 = arith.constant 128 : i32
        %mul3A_498 = arith.muli %add3A_496, %mul3A_497 : i32
        %dma_wait3A_499 = arith.constant 2 : i32
        %dma_wait3A_500 = arith.constant 2 : i32
        %dma_wait3A_501 = arith.constant 0 : i32
        %dma_wait3A_502 = arith.constant 0 : i32
        %dma_wait3A_503 = tpu.memref_slice %arg11[%dma_wait3A_499, %dma_wait3A_501, %dma_wait3A_502] : memref<4x128x32xf32, #tpu.memory_space<vmem>> -> memref<1x128x32xf32, #tpu.memory_space<vmem>>
        %dma_wait3A_504 = tpu.memref_squeeze %dma_wait3A_503 : memref<1x128x32xf32, #tpu.memory_space<vmem>> -> memref<128x32xf32, #tpu.memory_space<vmem>>
        %dma_wait3A_505 = arith.constant 0 : i32
        %dma_wait3A_506 = tpu.memref_slice %arg6[%mul3A_498, %dma_wait3A_505] : memref<425984x32xf32, #tpu.memory_space<hbm>> -> memref<128x32xf32, #tpu.memory_space<hbm>>
        %dma_wait3A_507 = tpu.memref_slice %arg14[%dma_wait3A_500] : memref<4x!tpu.dma_semaphore, #tpu.memory_space<semaphore_mem>> -> memref<1x!tpu.dma_semaphore, #tpu.memory_space<semaphore_mem>>
        %dma_wait3A_508 = tpu.memref_squeeze %dma_wait3A_507 : memref<1x!tpu.dma_semaphore, #tpu.memory_space<semaphore_mem>> -> memref<!tpu.dma_semaphore, #tpu.memory_space<semaphore_mem>>
        %dma_wait3A_509 = arith.constant 0 : i32
        %dma_wait3A_510 = tpu.memref_slice %arg6[%mul3A_498, %dma_wait3A_509] : memref<425984x32xf32, #tpu.memory_space<hbm>> -> memref<128x32xf32, #tpu.memory_space<hbm>>
        %dma_wait3A_511 = arith.constant 0 : i32
        %dma_wait3A_512 = arith.constant 0 : i32
        %dma_wait3A_513 = tpu.memref_slice %arg11[%dma_wait3A_499, %dma_wait3A_511, %dma_wait3A_512] : memref<4x128x32xf32, #tpu.memory_space<vmem>> -> memref<1x128x32xf32, #tpu.memory_space<vmem>>
        %dma_wait3A_514 = tpu.memref_squeeze %dma_wait3A_513 : memref<1x128x32xf32, #tpu.memory_space<vmem>> -> memref<128x32xf32, #tpu.memory_space<vmem>>
        tpu.wait_dma2 semaphore(%dma_wait3A_508 : memref<!tpu.dma_semaphore, #tpu.memory_space<semaphore_mem>>) src(%dma_wait3A_514 : memref<128x32xf32, #tpu.memory_space<vmem>>) dst(%dma_wait3A_510 : memref<128x32xf32, #tpu.memory_space<hbm>>)
      } else {
      }
      %dma_wait3A_362 = arith.constant 2 : i32
      %dma_wait3A_363 = arith.constant 2 : i32
      %dma_wait3A_364 = arith.constant 0 : i32
      %dma_wait3A_365 = arith.constant 0 : i32
      %dma_wait3A_366 = tpu.memref_slice %arg9[%dma_wait3A_362, %dma_wait3A_364, %dma_wait3A_365] : memref<4x128x32xf32, #tpu.memory_space<vmem>> -> memref<1x128x32xf32, #tpu.memory_space<vmem>>
      %dma_wait3A_367 = tpu.memref_squeeze %dma_wait3A_366 : memref<1x128x32xf32, #tpu.memory_space<vmem>> -> memref<128x32xf32, #tpu.memory_space<vmem>>
      %dma_wait3A_368 = arith.constant 0 : i32
      %dma_wait3A_369 = tpu.memref_slice %arg7[%add3A_356, %dma_wait3A_368] : memref<104x128xi32, #tpu.memory_space<vmem>> -> memref<1x128xi32, #tpu.memory_space<vmem>>
      %dma_wait3A_370 = tpu.memref_squeeze %dma_wait3A_369 : memref<1x128xi32, #tpu.memory_space<vmem>> -> memref<128xi32, #tpu.memory_space<vmem>>
      %dma_wait3A_371 = arith.constant 0 : i32
      %dma_wait3A_372 = arith.constant 0 : i32
      %dma_wait3A_373 = tpu.memref_slice %arg4[%dma_wait3A_371, %dma_wait3A_372] : memref<1000001x32xf32, #tpu.memory_space<hbm>> -> memref<1000001x32xf32, #tpu.memory_space<hbm>>
      %dma_wait3A_374 = tpu.memref_slice %arg12[%dma_wait3A_363] : memref<4x!tpu.dma_semaphore, #tpu.memory_space<semaphore_mem>> -> memref<1x!tpu.dma_semaphore, #tpu.memory_space<semaphore_mem>>
      %dma_wait3A_375 = tpu.memref_squeeze %dma_wait3A_374 : memref<1x!tpu.dma_semaphore, #tpu.memory_space<semaphore_mem>> -> memref<!tpu.dma_semaphore, #tpu.memory_space<semaphore_mem>>
      tpu.wait_indirect_dma semaphore(%dma_wait3A_375 : memref<!tpu.dma_semaphore, #tpu.memory_space<semaphore_mem>>) src(%dma_wait3A_373 : memref<1000001x32xf32, #tpu.memory_space<hbm>>) dst(%dma_wait3A_367 : memref<128x32xf32, #tpu.memory_space<vmem>>)
      %dma_wait3A_376 = arith.constant 2 : i32
      %dma_wait3A_377 = arith.constant 2 : i32
      %dma_wait3A_378 = arith.constant 0 : i32
      %dma_wait3A_379 = arith.constant 0 : i32
      %dma_wait3A_380 = tpu.memref_slice %arg10[%dma_wait3A_376, %dma_wait3A_378, %dma_wait3A_379] : memref<4x128x32xf32, #tpu.memory_space<vmem>> -> memref<1x128x32xf32, #tpu.memory_space<vmem>>
      %dma_wait3A_381 = tpu.memref_squeeze %dma_wait3A_380 : memref<1x128x32xf32, #tpu.memory_space<vmem>> -> memref<128x32xf32, #tpu.memory_space<vmem>>
      %dma_wait3A_382 = arith.constant 0 : i32
      %dma_wait3A_383 = tpu.memref_slice %arg7[%add3A_356, %dma_wait3A_382] : memref<104x128xi32, #tpu.memory_space<vmem>> -> memref<1x128xi32, #tpu.memory_space<vmem>>
      %dma_wait3A_384 = tpu.memref_squeeze %dma_wait3A_383 : memref<1x128xi32, #tpu.memory_space<vmem>> -> memref<128xi32, #tpu.memory_space<vmem>>
      %dma_wait3A_385 = arith.constant 0 : i32
      %dma_wait3A_386 = arith.constant 0 : i32
      %dma_wait3A_387 = tpu.memref_slice %arg5[%dma_wait3A_385, %dma_wait3A_386] : memref<1000001x32xf32, #tpu.memory_space<hbm>> -> memref<1000001x32xf32, #tpu.memory_space<hbm>>
      %dma_wait3A_388 = tpu.memref_slice %arg13[%dma_wait3A_377] : memref<4x!tpu.dma_semaphore, #tpu.memory_space<semaphore_mem>> -> memref<1x!tpu.dma_semaphore, #tpu.memory_space<semaphore_mem>>
      %dma_wait3A_389 = tpu.memref_squeeze %dma_wait3A_388 : memref<1x!tpu.dma_semaphore, #tpu.memory_space<semaphore_mem>> -> memref<!tpu.dma_semaphore, #tpu.memory_space<semaphore_mem>>
      tpu.wait_indirect_dma semaphore(%dma_wait3A_389 : memref<!tpu.dma_semaphore, #tpu.memory_space<semaphore_mem>>) src(%dma_wait3A_387 : memref<1000001x32xf32, #tpu.memory_space<hbm>>) dst(%dma_wait3A_381 : memref<128x32xf32, #tpu.memory_space<vmem>>)
      %scan3A_390 = arith.constant 0 : i32
      %scan3A_391 = arith.constant 0 : i32
      %scan3A_392 = arith.constant 8 : i32
      %scan3A_393 = arith.addi %scan3A_391, %scan3A_392 : i32
      %scan3A_394 = arith.constant 1 : i32
      scf.for %scan3A_493 = %scan3A_391 to %scan3A_393 step %scan3A_394  : i32 {
        %mul3A_494 = arith.constant 128 : i32
        %mul3A_495 = arith.muli %add3A_356, %mul3A_494 : i32
        %mul3A_496 = arith.constant 16 : i32
        %mul3A_497 = arith.muli %scan3A_493, %mul3A_496 : i32
        %add3A_498 = arith.addi %mul3A_495, %mul3A_497 : i32
        %get3A = arith.index_cast %add3A_498 : i32 to index
        %get3A_499 = tpu.vector_load %arg8[%get3A] {strides = array<i32>} : memref<13312xf32, #tpu.memory_space<vmem>>, vector<16xf32>,
        %get3A_500 = vector.shape_cast %get3A_499 : vector<16xf32> to vector<16xf32>
        %mul3A_501 = arith.constant 16 : i32
        %mul3A_502 = arith.muli %scan3A_493, %mul3A_501 : i32
        %add3A_503 = arith.constant 0 : i32
        %add3A_504 = arith.addi %mul3A_502, %add3A_503 : i32
        %add3A_505 = arith.constant 0 : i32
        %add3A_506 = vector.broadcast %add3A_505 : i32 to vector<16xi32>
        %add3A_507 = arith.addi %mul3A_5, %add3A_506 : vector<16xi32>
        %lt3A_508 = arith.constant 0 : i32
        %lt3A_509 = vector.broadcast %lt3A_508 : i32 to vector<16xi32>
        %lt3A_510 = arith.cmpi slt, %add3A_507, %lt3A_509 : vector<16xi32>
        %add3A_511 = arith.constant 16 : i32
        %add3A_512 = vector.broadcast %add3A_511 : i32 to vector<16xi32>
        %add3A_513 = arith.addi %add3A_507, %add3A_512 : vector<16xi32>
        %select_n3A = arith.select %lt3A_510, %add3A_513, %add3A_507 : vector<16xi1>, vector<16xi32>
        %broadcast_in_dim3A = vector.shape_cast %select_n3A : vector<16xi32> to vector<16x1xi32>
        %gather3A = vector.shape_cast %broadcast_in_dim3A : vector<16x1xi32> to vector<16xi32>
        %gather3A_514 = tpu.dynamic_gather %get3A_500[%gather3A] in [0] : vector<16xf32>, vector<16xi32> -> vector<16xf32>
        %get3A_515 = arith.constant 2 : i32
        %get3A_516 = arith.index_cast %get3A_515 : i32 to index
        %get3A_517 = arith.index_cast %add3A_504 : i32 to index
        %get3A_518 = arith.constant 0 : index
        %get3A_519 = tpu.vector_load %arg9[%get3A_516, %get3A_517, %get3A_518] {strides = array<i32>} : memref<4x128x32xf32, #tpu.memory_space<vmem>>, vector<1x1x16xf32>,
        %get3A_520 = vector.shape_cast %get3A_519 : vector<1x1x16xf32> to vector<16xf32>
        %get3A_521 = arith.constant 2 : i32
        %get3A_522 = arith.index_cast %get3A_521 : i32 to index
        %get3A_523 = arith.index_cast %add3A_504 : i32 to index
        %get3A_524 = arith.constant 16 : index
        %get3A_525 = tpu.vector_load %arg9[%get3A_522, %get3A_523, %get3A_524] {strides = array<i32>} : memref<4x128x32xf32, #tpu.memory_space<vmem>>, vector<1x1x16xf32>,
        %get3A_526 = vector.shape_cast %get3A_525 : vector<1x1x16xf32> to vector<16xf32>
        %get3A_527 = arith.constant 2 : i32
        %get3A_528 = arith.index_cast %get3A_527 : i32 to index
        %get3A_529 = arith.index_cast %add3A_504 : i32 to index
        %get3A_530 = arith.constant 0 : index
        %get3A_531 = tpu.vector_load %arg10[%get3A_528, %get3A_529, %get3A_530] {strides = array<i32>} : memref<4x128x32xf32, #tpu.memory_space<vmem>>, vector<1x1x16xf32>,
        %get3A_532 = vector.shape_cast %get3A_531 : vector<1x1x16xf32> to vector<16xf32>
        %get3A_533 = arith.constant 2 : i32
        %get3A_534 = arith.index_cast %get3A_533 : i32 to index
        %get3A_535 = arith.index_cast %add3A_504 : i32 to index
        %get3A_536 = arith.constant 16 : index
        %get3A_537 = tpu.vector_load %arg10[%get3A_534, %get3A_535, %get3A_536] {strides = array<i32>} : memref<4x128x32xf32, #tpu.memory_space<vmem>>, vector<1x1x16xf32>,
        %get3A_538 = vector.shape_cast %get3A_537 : vector<1x1x16xf32> to vector<16xf32>
        %mul3A_539 = arith.mulf %get3A_520, %gather3A_514 : vector<16xf32>
        %add3A_540 = arith.addf %mul3A_539, %get3A_532 : vector<16xf32>
        %swap3A = arith.constant 2 : i32
        %swap3A_541 = arith.index_cast %swap3A : i32 to index
        %swap3A_542 = arith.index_cast %add3A_504 : i32 to index
        %swap3A_543 = arith.constant 0 : index
        %swap3A_544 = tpu.vector_load %arg11[%swap3A_541, %swap3A_542, %swap3A_543] {strides = array<i32>} : memref<4x128x32xf32, #tpu.memory_space<vmem>>, vector<1x1x16xf32>,
        %swap3A_545 = vector.shape_cast %swap3A_544 : vector<1x1x16xf32> to vector<16xf32>
        %swap3A_546 = vector.shape_cast %add3A_540 : vector<16xf32> to vector<1x1x16xf32>
        tpu.vector_store %arg11[%swap3A_541, %swap3A_542, %swap3A_543], %swap3A_546 {strides = array<i32>} : memref<4x128x32xf32, #tpu.memory_space<vmem>>, vector<1x1x16xf32>,
        %mul3A_547 = arith.mulf %get3A_526, %gather3A_514 : vector<16xf32>
        %add3A_548 = arith.addf %mul3A_547, %get3A_538 : vector<16xf32>
        %swap3A_549 = arith.constant 2 : i32
        %swap3A_550 = arith.index_cast %swap3A_549 : i32 to index
        %swap3A_551 = arith.index_cast %add3A_504 : i32 to index
        %swap3A_552 = arith.constant 16 : index
        %swap3A_553 = tpu.vector_load %arg11[%swap3A_550, %swap3A_551, %swap3A_552] {strides = array<i32>} : memref<4x128x32xf32, #tpu.memory_space<vmem>>, vector<1x1x16xf32>,
        %swap3A_554 = vector.shape_cast %swap3A_553 : vector<1x1x16xf32> to vector<16xf32>
        %swap3A_555 = vector.shape_cast %add3A_548 : vector<16xf32> to vector<1x1x16xf32>
        tpu.vector_store %arg11[%swap3A_550, %swap3A_551, %swap3A_552], %swap3A_555 {strides = array<i32>} : memref<4x128x32xf32, #tpu.memory_space<vmem>>, vector<1x1x16xf32>,
        %mul3A_556 = arith.constant 16 : i32
        %mul3A_557 = arith.muli %scan3A_493, %mul3A_556 : i32
        %add3A_558 = arith.constant 1 : i32
        %add3A_559 = arith.addi %mul3A_557, %add3A_558 : i32
        %add3A_560 = arith.constant 1 : i32
        %add3A_561 = vector.broadcast %add3A_560 : i32 to vector<16xi32>
        %add3A_562 = arith.addi %mul3A_5, %add3A_561 : vector<16xi32>
        %lt3A_563 = arith.constant 0 : i32
        %lt3A_564 = vector.broadcast %lt3A_563 : i32 to vector<16xi32>
        %lt3A_565 = arith.cmpi slt, %add3A_562, %lt3A_564 : vector<16xi32>
        %add3A_566 = arith.constant 16 : i32
        %add3A_567 = vector.broadcast %add3A_566 : i32 to vector<16xi32>
        %add3A_568 = arith.addi %add3A_562, %add3A_567 : vector<16xi32>
        %select_n3A_569 = arith.select %lt3A_565, %add3A_568, %add3A_562 : vector<16xi1>, vector<16xi32>
        %broadcast_in_dim3A_570 = vector.shape_cast %select_n3A_569 : vector<16xi32> to vector<16x1xi32>
        %gather3A_571 = vector.shape_cast %broadcast_in_dim3A_570 : vector<16x1xi32> to vector<16xi32>
        %gather3A_572 = tpu.dynamic_gather %get3A_500[%gather3A_571] in [0] : vector<16xf32>, vector<16xi32> -> vector<16xf32>
        %get3A_573 = arith.constant 2 : i32
        %get3A_574 = arith.index_cast %get3A_573 : i32 to index
        %get3A_575 = arith.index_cast %add3A_559 : i32 to index
        %get3A_576 = arith.constant 0 : index
        %get3A_577 = tpu.vector_load %arg9[%get3A_574, %get3A_575, %get3A_576] {strides = array<i32>} : memref<4x128x32xf32, #tpu.memory_space<vmem>>, vector<1x1x16xf32>,
        %get3A_578 = vector.shape_cast %get3A_577 : vector<1x1x16xf32> to vector<16xf32>
        %get3A_579 = arith.constant 2 : i32
        %get3A_580 = arith.index_cast %get3A_579 : i32 to index
        %get3A_581 = arith.index_cast %add3A_559 : i32 to index
        %get3A_582 = arith.constant 16 : index
        %get3A_583 = tpu.vector_load %arg9[%get3A_580, %get3A_581, %get3A_582] {strides = array<i32>} : memref<4x128x32xf32, #tpu.memory_space<vmem>>, vector<1x1x16xf32>,
        %get3A_584 = vector.shape_cast %get3A_583 : vector<1x1x16xf32> to vector<16xf32>
        %get3A_585 = arith.constant 2 : i32
        %get3A_586 = arith.index_cast %get3A_585 : i32 to index
        %get3A_587 = arith.index_cast %add3A_559 : i32 to index
        %get3A_588 = arith.constant 0 : index
        %get3A_589 = tpu.vector_load %arg10[%get3A_586, %get3A_587, %get3A_588] {strides = array<i32>} : memref<4x128x32xf32, #tpu.memory_space<vmem>>, vector<1x1x16xf32>,
        %get3A_590 = vector.shape_cast %get3A_589 : vector<1x1x16xf32> to vector<16xf32>
        %get3A_591 = arith.constant 2 : i32
        %get3A_592 = arith.index_cast %get3A_591 : i32 to index
        %get3A_593 = arith.index_cast %add3A_559 : i32 to index
        %get3A_594 = arith.constant 16 : index
        %get3A_595 = tpu.vector_load %arg10[%get3A_592, %get3A_593, %get3A_594] {strides = array<i32>} : memref<4x128x32xf32, #tpu.memory_space<vmem>>, vector<1x1x16xf32>,
        %get3A_596 = vector.shape_cast %get3A_595 : vector<1x1x16xf32> to vector<16xf32>
        %mul3A_597 = arith.mulf %get3A_578, %gather3A_572 : vector<16xf32>
        %add3A_598 = arith.addf %mul3A_597, %get3A_590 : vector<16xf32>
        %swap3A_599 = arith.constant 2 : i32
        %swap3A_600 = arith.index_cast %swap3A_599 : i32 to index
        %swap3A_601 = arith.index_cast %add3A_559 : i32 to index
        %swap3A_602 = arith.constant 0 : index
        %swap3A_603 = tpu.vector_load %arg11[%swap3A_600, %swap3A_601, %swap3A_602] {strides = array<i32>} : memref<4x128x32xf32, #tpu.memory_space<vmem>>, vector<1x1x16xf32>,
        %swap3A_604 = vector.shape_cast %swap3A_603 : vector<1x1x16xf32> to vector<16xf32>
        %swap3A_605 = vector.shape_cast %add3A_598 : vector<16xf32> to vector<1x1x16xf32>
        tpu.vector_store %arg11[%swap3A_600, %swap3A_601, %swap3A_602], %swap3A_605 {strides = array<i32>} : memref<4x128x32xf32, #tpu.memory_space<vmem>>, vector<1x1x16xf32>,
        %mul3A_606 = arith.mulf %get3A_584, %gather3A_572 : vector<16xf32>
        %add3A_607 = arith.addf %mul3A_606, %get3A_596 : vector<16xf32>
        %swap3A_608 = arith.constant 2 : i32
        %swap3A_609 = arith.index_cast %swap3A_608 : i32 to index
        %swap3A_610 = arith.index_cast %add3A_559 : i32 to index
        %swap3A_611 = arith.constant 16 : index
        %swap3A_612 = tpu.vector_load %arg11[%swap3A_609, %swap3A_610, %swap3A_611] {strides = array<i32>} : memref<4x128x32xf32, #tpu.memory_space<vmem>>, vector<1x1x16xf32>,
        %swap3A_613 = vector.shape_cast %swap3A_612 : vector<1x1x16xf32> to vector<16xf32>
        %swap3A_614 = vector.shape_cast %add3A_607 : vector<16xf32> to vector<1x1x16xf32>
        tpu.vector_store %arg11[%swap3A_609, %swap3A_610, %swap3A_611], %swap3A_614 {strides = array<i32>} : memref<4x128x32xf32, #tpu.memory_space<vmem>>, vector<1x1x16xf32>,
        %mul3A_615 = arith.constant 16 : i32
        %mul3A_616 = arith.muli %scan3A_493, %mul3A_615 : i32
        %add3A_617 = arith.constant 2 : i32
        %add3A_618 = arith.addi %mul3A_616, %add3A_617 : i32
        %add3A_619 = arith.constant 2 : i32
        %add3A_620 = vector.broadcast %add3A_619 : i32 to vector<16xi32>
        %add3A_621 = arith.addi %mul3A_5, %add3A_620 : vector<16xi32>
        %lt3A_622 = arith.constant 0 : i32
        %lt3A_623 = vector.broadcast %lt3A_622 : i32 to vector<16xi32>
        %lt3A_624 = arith.cmpi slt, %add3A_621, %lt3A_623 : vector<16xi32>
        %add3A_625 = arith.constant 16 : i32
        %add3A_626 = vector.broadcast %add3A_625 : i32 to vector<16xi32>
        %add3A_627 = arith.addi %add3A_621, %add3A_626 : vector<16xi32>
        %select_n3A_628 = arith.select %lt3A_624, %add3A_627, %add3A_621 : vector<16xi1>, vector<16xi32>
        %broadcast_in_dim3A_629 = vector.shape_cast %select_n3A_628 : vector<16xi32> to vector<16x1xi32>
        %gather3A_630 = vector.shape_cast %broadcast_in_dim3A_629 : vector<16x1xi32> to vector<16xi32>
        %gather3A_631 = tpu.dynamic_gather %get3A_500[%gather3A_630] in [0] : vector<16xf32>, vector<16xi32> -> vector<16xf32>
        %get3A_632 = arith.constant 2 : i32
        %get3A_633 = arith.index_cast %get3A_632 : i32 to index
        %get3A_634 = arith.index_cast %add3A_618 : i32 to index
        %get3A_635 = arith.constant 0 : index
        %get3A_636 = tpu.vector_load %arg9[%get3A_633, %get3A_634, %get3A_635] {strides = array<i32>} : memref<4x128x32xf32, #tpu.memory_space<vmem>>, vector<1x1x16xf32>,
        %get3A_637 = vector.shape_cast %get3A_636 : vector<1x1x16xf32> to vector<16xf32>
        %get3A_638 = arith.constant 2 : i32
        %get3A_639 = arith.index_cast %get3A_638 : i32 to index
        %get3A_640 = arith.index_cast %add3A_618 : i32 to index
        %get3A_641 = arith.constant 16 : index
        %get3A_642 = tpu.vector_load %arg9[%get3A_639, %get3A_640, %get3A_641] {strides = array<i32>} : memref<4x128x32xf32, #tpu.memory_space<vmem>>, vector<1x1x16xf32>,
        %get3A_643 = vector.shape_cast %get3A_642 : vector<1x1x16xf32> to vector<16xf32>
        %get3A_644 = arith.constant 2 : i32
        %get3A_645 = arith.index_cast %get3A_644 : i32 to index
        %get3A_646 = arith.index_cast %add3A_618 : i32 to index
        %get3A_647 = arith.constant 0 : index
        %get3A_648 = tpu.vector_load %arg10[%get3A_645, %get3A_646, %get3A_647] {strides = array<i32>} : memref<4x128x32xf32, #tpu.memory_space<vmem>>, vector<1x1x16xf32>,
        %get3A_649 = vector.shape_cast %get3A_648 : vector<1x1x16xf32> to vector<16xf32>
        %get3A_650 = arith.constant 2 : i32
        %get3A_651 = arith.index_cast %get3A_650 : i32 to index
        %get3A_652 = arith.index_cast %add3A_618 : i32 to index
        %get3A_653 = arith.constant 16 : index
        %get3A_654 = tpu.vector_load %arg10[%get3A_651, %get3A_652, %get3A_653] {strides = array<i32>} : memref<4x128x32xf32, #tpu.memory_space<vmem>>, vector<1x1x16xf32>,
        %get3A_655 = vector.shape_cast %get3A_654 : vector<1x1x16xf32> to vector<16xf32>
        %mul3A_656 = arith.mulf %get3A_637, %gather3A_631 : vector<16xf32>
        %add3A_657 = arith.addf %mul3A_656, %get3A_649 : vector<16xf32>
        %swap3A_658 = arith.constant 2 : i32
        %swap3A_659 = arith.index_cast %swap3A_658 : i32 to index
        %swap3A_660 = arith.index_cast %add3A_618 : i32 to index
        %swap3A_661 = arith.constant 0 : index
        %swap3A_662 = tpu.vector_load %arg11[%swap3A_659, %swap3A_660, %swap3A_661] {strides = array<i32>} : memref<4x128x32xf32, #tpu.memory_space<vmem>>, vector<1x1x16xf32>,
        %swap3A_663 = vector.shape_cast %swap3A_662 : vector<1x1x16xf32> to vector<16xf32>
        %swap3A_664 = vector.shape_cast %add3A_657 : vector<16xf32> to vector<1x1x16xf32>
        tpu.vector_store %arg11[%swap3A_659, %swap3A_660, %swap3A_661], %swap3A_664 {strides = array<i32>} : memref<4x128x32xf32, #tpu.memory_space<vmem>>, vector<1x1x16xf32>,
        %mul3A_665 = arith.mulf %get3A_643, %gather3A_631 : vector<16xf32>
        %add3A_666 = arith.addf %mul3A_665, %get3A_655 : vector<16xf32>
        %swap3A_667 = arith.constant 2 : i32
        %swap3A_668 = arith.index_cast %swap3A_667 : i32 to index
        %swap3A_669 = arith.index_cast %add3A_618 : i32 to index
        %swap3A_670 = arith.constant 16 : index
        %swap3A_671 = tpu.vector_load %arg11[%swap3A_668, %swap3A_669, %swap3A_670] {strides = array<i32>} : memref<4x128x32xf32, #tpu.memory_space<vmem>>, vector<1x1x16xf32>,
        %swap3A_672 = vector.shape_cast %swap3A_671 : vector<1x1x16xf32> to vector<16xf32>
        %swap3A_673 = vector.shape_cast %add3A_666 : vector<16xf32> to vector<1x1x16xf32>
        tpu.vector_store %arg11[%swap3A_668, %swap3A_669, %swap3A_670], %swap3A_673 {strides = array<i32>} : memref<4x128x32xf32, #tpu.memory_space<vmem>>, vector<1x1x16xf32>,
        %mul3A_674 = arith.constant 16 : i32
        %mul3A_675 = arith.muli %scan3A_493, %mul3A_674 : i32
        %add3A_676 = arith.constant 3 : i32
        %add3A_677 = arith.addi %mul3A_675, %add3A_676 : i32
        %add3A_678 = arith.constant 3 : i32
        %add3A_679 = vector.broadcast %add3A_678 : i32 to vector<16xi32>
        %add3A_680 = arith.addi %mul3A_5, %add3A_679 : vector<16xi32>
        %lt3A_681 = arith.constant 0 : i32
        %lt3A_682 = vector.broadcast %lt3A_681 : i32 to vector<16xi32>
        %lt3A_683 = arith.cmpi slt, %add3A_680, %lt3A_682 : vector<16xi32>
        %add3A_684 = arith.constant 16 : i32
        %add3A_685 = vector.broadcast %add3A_684 : i32 to vector<16xi32>
        %add3A_686 = arith.addi %add3A_680, %add3A_685 : vector<16xi32>
        %select_n3A_687 = arith.select %lt3A_683, %add3A_686, %add3A_680 : vector<16xi1>, vector<16xi32>
        %broadcast_in_dim3A_688 = vector.shape_cast %select_n3A_687 : vector<16xi32> to vector<16x1xi32>
        %gather3A_689 = vector.shape_cast %broadcast_in_dim3A_688 : vector<16x1xi32> to vector<16xi32>
        %gather3A_690 = tpu.dynamic_gather %get3A_500[%gather3A_689] in [0] : vector<16xf32>, vector<16xi32> -> vector<16xf32>
        %get3A_691 = arith.constant 2 : i32
        %get3A_692 = arith.index_cast %get3A_691 : i32 to index
        %get3A_693 = arith.index_cast %add3A_677 : i32 to index
        %get3A_694 = arith.constant 0 : index
        %get3A_695 = tpu.vector_load %arg9[%get3A_692, %get3A_693, %get3A_694] {strides = array<i32>} : memref<4x128x32xf32, #tpu.memory_space<vmem>>, vector<1x1x16xf32>,
        %get3A_696 = vector.shape_cast %get3A_695 : vector<1x1x16xf32> to vector<16xf32>
        %get3A_697 = arith.constant 2 : i32
        %get3A_698 = arith.index_cast %get3A_697 : i32 to index
        %get3A_699 = arith.index_cast %add3A_677 : i32 to index
        %get3A_700 = arith.constant 16 : index
        %get3A_701 = tpu.vector_load %arg9[%get3A_698, %get3A_699, %get3A_700] {strides = array<i32>} : memref<4x128x32xf32, #tpu.memory_space<vmem>>, vector<1x1x16xf32>,
        %get3A_702 = vector.shape_cast %get3A_701 : vector<1x1x16xf32> to vector<16xf32>
        %get3A_703 = arith.constant 2 : i32
        %get3A_704 = arith.index_cast %get3A_703 : i32 to index
        %get3A_705 = arith.index_cast %add3A_677 : i32 to index
        %get3A_706 = arith.constant 0 : index
        %get3A_707 = tpu.vector_load %arg10[%get3A_704, %get3A_705, %get3A_706] {strides = array<i32>} : memref<4x128x32xf32, #tpu.memory_space<vmem>>, vector<1x1x16xf32>,
        %get3A_708 = vector.shape_cast %get3A_707 : vector<1x1x16xf32> to vector<16xf32>
        %get3A_709 = arith.constant 2 : i32
        %get3A_710 = arith.index_cast %get3A_709 : i32 to index
        %get3A_711 = arith.index_cast %add3A_677 : i32 to index
        %get3A_712 = arith.constant 16 : index
        %get3A_713 = tpu.vector_load %arg10[%get3A_710, %get3A_711, %get3A_712] {strides = array<i32>} : memref<4x128x32xf32, #tpu.memory_space<vmem>>, vector<1x1x16xf32>,
        %get3A_714 = vector.shape_cast %get3A_713 : vector<1x1x16xf32> to vector<16xf32>
        %mul3A_715 = arith.mulf %get3A_696, %gather3A_690 : vector<16xf32>
        %add3A_716 = arith.addf %mul3A_715, %get3A_708 : vector<16xf32>
        %swap3A_717 = arith.constant 2 : i32
        %swap3A_718 = arith.index_cast %swap3A_717 : i32 to index
        %swap3A_719 = arith.index_cast %add3A_677 : i32 to index
        %swap3A_720 = arith.constant 0 : index
        %swap3A_721 = tpu.vector_load %arg11[%swap3A_718, %swap3A_719, %swap3A_720] {strides = array<i32>} : memref<4x128x32xf32, #tpu.memory_space<vmem>>, vector<1x1x16xf32>,
        %swap3A_722 = vector.shape_cast %swap3A_721 : vector<1x1x16xf32> to vector<16xf32>
        %swap3A_723 = vector.shape_cast %add3A_716 : vector<16xf32> to vector<1x1x16xf32>
        tpu.vector_store %arg11[%swap3A_718, %swap3A_719, %swap3A_720], %swap3A_723 {strides = array<i32>} : memref<4x128x32xf32, #tpu.memory_space<vmem>>, vector<1x1x16xf32>,
        %mul3A_724 = arith.mulf %get3A_702, %gather3A_690 : vector<16xf32>
        %add3A_725 = arith.addf %mul3A_724, %get3A_714 : vector<16xf32>
        %swap3A_726 = arith.constant 2 : i32
        %swap3A_727 = arith.index_cast %swap3A_726 : i32 to index
        %swap3A_728 = arith.index_cast %add3A_677 : i32 to index
        %swap3A_729 = arith.constant 16 : index
        %swap3A_730 = tpu.vector_load %arg11[%swap3A_727, %swap3A_728, %swap3A_729] {strides = array<i32>} : memref<4x128x32xf32, #tpu.memory_space<vmem>>, vector<1x1x16xf32>,
        %swap3A_731 = vector.shape_cast %swap3A_730 : vector<1x1x16xf32> to vector<16xf32>
        %swap3A_732 = vector.shape_cast %add3A_725 : vector<16xf32> to vector<1x1x16xf32>
        tpu.vector_store %arg11[%swap3A_727, %swap3A_728, %swap3A_729], %swap3A_732 {strides = array<i32>} : memref<4x128x32xf32, #tpu.memory_space<vmem>>, vector<1x1x16xf32>,
        %mul3A_733 = arith.constant 16 : i32
        %mul3A_734 = arith.muli %scan3A_493, %mul3A_733 : i32
        %add3A_735 = arith.constant 4 : i32
        %add3A_736 = arith.addi %mul3A_734, %add3A_735 : i32
        %add3A_737 = arith.constant 4 : i32
        %add3A_738 = vector.broadcast %add3A_737 : i32 to vector<16xi32>
        %add3A_739 = arith.addi %mul3A_5, %add3A_738 : vector<16xi32>
        %lt3A_740 = arith.constant 0 : i32
        %lt3A_741 = vector.broadcast %lt3A_740 : i32 to vector<16xi32>
        %lt3A_742 = arith.cmpi slt, %add3A_739, %lt3A_741 : vector<16xi32>
        %add3A_743 = arith.constant 16 : i32
        %add3A_744 = vector.broadcast %add3A_743 : i32 to vector<16xi32>
        %add3A_745 = arith.addi %add3A_739, %add3A_744 : vector<16xi32>
        %select_n3A_746 = arith.select %lt3A_742, %add3A_745, %add3A_739 : vector<16xi1>, vector<16xi32>
        %broadcast_in_dim3A_747 = vector.shape_cast %select_n3A_746 : vector<16xi32> to vector<16x1xi32>
        %gather3A_748 = vector.shape_cast %broadcast_in_dim3A_747 : vector<16x1xi32> to vector<16xi32>
        %gather3A_749 = tpu.dynamic_gather %get3A_500[%gather3A_748] in [0] : vector<16xf32>, vector<16xi32> -> vector<16xf32>
        %get3A_750 = arith.constant 2 : i32
        %get3A_751 = arith.index_cast %get3A_750 : i32 to index
        %get3A_752 = arith.index_cast %add3A_736 : i32 to index
        %get3A_753 = arith.constant 0 : index
        %get3A_754 = tpu.vector_load %arg9[%get3A_751, %get3A_752, %get3A_753] {strides = array<i32>} : memref<4x128x32xf32, #tpu.memory_space<vmem>>, vector<1x1x16xf32>,
        %get3A_755 = vector.shape_cast %get3A_754 : vector<1x1x16xf32> to vector<16xf32>
        %get3A_756 = arith.constant 2 : i32
        %get3A_757 = arith.index_cast %get3A_756 : i32 to index
        %get3A_758 = arith.index_cast %add3A_736 : i32 to index
        %get3A_759 = arith.constant 16 : index
        %get3A_760 = tpu.vector_load %arg9[%get3A_757, %get3A_758, %get3A_759] {strides = array<i32>} : memref<4x128x32xf32, #tpu.memory_space<vmem>>, vector<1x1x16xf32>,
        %get3A_761 = vector.shape_cast %get3A_760 : vector<1x1x16xf32> to vector<16xf32>
        %get3A_762 = arith.constant 2 : i32
        %get3A_763 = arith.index_cast %get3A_762 : i32 to index
        %get3A_764 = arith.index_cast %add3A_736 : i32 to index
        %get3A_765 = arith.constant 0 : index
        %get3A_766 = tpu.vector_load %arg10[%get3A_763, %get3A_764, %get3A_765] {strides = array<i32>} : memref<4x128x32xf32, #tpu.memory_space<vmem>>, vector<1x1x16xf32>,
        %get3A_767 = vector.shape_cast %get3A_766 : vector<1x1x16xf32> to vector<16xf32>
        %get3A_768 = arith.constant 2 : i32
        %get3A_769 = arith.index_cast %get3A_768 : i32 to index
        %get3A_770 = arith.index_cast %add3A_736 : i32 to index
        %get3A_771 = arith.constant 16 : index
        %get3A_772 = tpu.vector_load %arg10[%get3A_769, %get3A_770, %get3A_771] {strides = array<i32>} : memref<4x128x32xf32, #tpu.memory_space<vmem>>, vector<1x1x16xf32>,
        %get3A_773 = vector.shape_cast %get3A_772 : vector<1x1x16xf32> to vector<16xf32>
        %mul3A_774 = arith.mulf %get3A_755, %gather3A_749 : vector<16xf32>
        %add3A_775 = arith.addf %mul3A_774, %get3A_767 : vector<16xf32>
        %swap3A_776 = arith.constant 2 : i32
        %swap3A_777 = arith.index_cast %swap3A_776 : i32 to index
        %swap3A_778 = arith.index_cast %add3A_736 : i32 to index
        %swap3A_779 = arith.constant 0 : index
        %swap3A_780 = tpu.vector_load %arg11[%swap3A_777, %swap3A_778, %swap3A_779] {strides = array<i32>} : memref<4x128x32xf32, #tpu.memory_space<vmem>>, vector<1x1x16xf32>,
        %swap3A_781 = vector.shape_cast %swap3A_780 : vector<1x1x16xf32> to vector<16xf32>
        %swap3A_782 = vector.shape_cast %add3A_775 : vector<16xf32> to vector<1x1x16xf32>
        tpu.vector_store %arg11[%swap3A_777, %swap3A_778, %swap3A_779], %swap3A_782 {strides = array<i32>} : memref<4x128x32xf32, #tpu.memory_space<vmem>>, vector<1x1x16xf32>,
        %mul3A_783 = arith.mulf %get3A_761, %gather3A_749 : vector<16xf32>
        %add3A_784 = arith.addf %mul3A_783, %get3A_773 : vector<16xf32>
        %swap3A_785 = arith.constant 2 : i32
        %swap3A_786 = arith.index_cast %swap3A_785 : i32 to index
        %swap3A_787 = arith.index_cast %add3A_736 : i32 to index
        %swap3A_788 = arith.constant 16 : index
        %swap3A_789 = tpu.vector_load %arg11[%swap3A_786, %swap3A_787, %swap3A_788] {strides = array<i32>} : memref<4x128x32xf32, #tpu.memory_space<vmem>>, vector<1x1x16xf32>,
        %swap3A_790 = vector.shape_cast %swap3A_789 : vector<1x1x16xf32> to vector<16xf32>
        %swap3A_791 = vector.shape_cast %add3A_784 : vector<16xf32> to vector<1x1x16xf32>
        tpu.vector_store %arg11[%swap3A_786, %swap3A_787, %swap3A_788], %swap3A_791 {strides = array<i32>} : memref<4x128x32xf32, #tpu.memory_space<vmem>>, vector<1x1x16xf32>,
        %mul3A_792 = arith.constant 16 : i32
        %mul3A_793 = arith.muli %scan3A_493, %mul3A_792 : i32
        %add3A_794 = arith.constant 5 : i32
        %add3A_795 = arith.addi %mul3A_793, %add3A_794 : i32
        %add3A_796 = arith.constant 5 : i32
        %add3A_797 = vector.broadcast %add3A_796 : i32 to vector<16xi32>
        %add3A_798 = arith.addi %mul3A_5, %add3A_797 : vector<16xi32>
        %lt3A_799 = arith.constant 0 : i32
        %lt3A_800 = vector.broadcast %lt3A_799 : i32 to vector<16xi32>
        %lt3A_801 = arith.cmpi slt, %add3A_798, %lt3A_800 : vector<16xi32>
        %add3A_802 = arith.constant 16 : i32
        %add3A_803 = vector.broadcast %add3A_802 : i32 to vector<16xi32>
        %add3A_804 = arith.addi %add3A_798, %add3A_803 : vector<16xi32>
        %select_n3A_805 = arith.select %lt3A_801, %add3A_804, %add3A_798 : vector<16xi1>, vector<16xi32>
        %broadcast_in_dim3A_806 = vector.shape_cast %select_n3A_805 : vector<16xi32> to vector<16x1xi32>
        %gather3A_807 = vector.shape_cast %broadcast_in_dim3A_806 : vector<16x1xi32> to vector<16xi32>
        %gather3A_808 = tpu.dynamic_gather %get3A_500[%gather3A_807] in [0] : vector<16xf32>, vector<16xi32> -> vector<16xf32>
        %get3A_809 = arith.constant 2 : i32
        %get3A_810 = arith.index_cast %get3A_809 : i32 to index
        %get3A_811 = arith.index_cast %add3A_795 : i32 to index
        %get3A_812 = arith.constant 0 : index
        %get3A_813 = tpu.vector_load %arg9[%get3A_810, %get3A_811, %get3A_812] {strides = array<i32>} : memref<4x128x32xf32, #tpu.memory_space<vmem>>, vector<1x1x16xf32>,
        %get3A_814 = vector.shape_cast %get3A_813 : vector<1x1x16xf32> to vector<16xf32>
        %get3A_815 = arith.constant 2 : i32
        %get3A_816 = arith.index_cast %get3A_815 : i32 to index
        %get3A_817 = arith.index_cast %add3A_795 : i32 to index
        %get3A_818 = arith.constant 16 : index
        %get3A_819 = tpu.vector_load %arg9[%get3A_816, %get3A_817, %get3A_818] {strides = array<i32>} : memref<4x128x32xf32, #tpu.memory_space<vmem>>, vector<1x1x16xf32>,
        %get3A_820 = vector.shape_cast %get3A_819 : vector<1x1x16xf32> to vector<16xf32>
        %get3A_821 = arith.constant 2 : i32
        %get3A_822 = arith.index_cast %get3A_821 : i32 to index
        %get3A_823 = arith.index_cast %add3A_795 : i32 to index
        %get3A_824 = arith.constant 0 : index
        %get3A_825 = tpu.vector_load %arg10[%get3A_822, %get3A_823, %get3A_824] {strides = array<i32>} : memref<4x128x32xf32, #tpu.memory_space<vmem>>, vector<1x1x16xf32>,
        %get3A_826 = vector.shape_cast %get3A_825 : vector<1x1x16xf32> to vector<16xf32>
        %get3A_827 = arith.constant 2 : i32
        %get3A_828 = arith.index_cast %get3A_827 : i32 to index
        %get3A_829 = arith.index_cast %add3A_795 : i32 to index
        %get3A_830 = arith.constant 16 : index
        %get3A_831 = tpu.vector_load %arg10[%get3A_828, %get3A_829, %get3A_830] {strides = array<i32>} : memref<4x128x32xf32, #tpu.memory_space<vmem>>, vector<1x1x16xf32>,
        %get3A_832 = vector.shape_cast %get3A_831 : vector<1x1x16xf32> to vector<16xf32>
        %mul3A_833 = arith.mulf %get3A_814, %gather3A_808 : vector<16xf32>
        %add3A_834 = arith.addf %mul3A_833, %get3A_826 : vector<16xf32>
        %swap3A_835 = arith.constant 2 : i32
        %swap3A_836 = arith.index_cast %swap3A_835 : i32 to index
        %swap3A_837 = arith.index_cast %add3A_795 : i32 to index
        %swap3A_838 = arith.constant 0 : index
        %swap3A_839 = tpu.vector_load %arg11[%swap3A_836, %swap3A_837, %swap3A_838] {strides = array<i32>} : memref<4x128x32xf32, #tpu.memory_space<vmem>>, vector<1x1x16xf32>,
        %swap3A_840 = vector.shape_cast %swap3A_839 : vector<1x1x16xf32> to vector<16xf32>
        %swap3A_841 = vector.shape_cast %add3A_834 : vector<16xf32> to vector<1x1x16xf32>
        tpu.vector_store %arg11[%swap3A_836, %swap3A_837, %swap3A_838], %swap3A_841 {strides = array<i32>} : memref<4x128x32xf32, #tpu.memory_space<vmem>>, vector<1x1x16xf32>,
        %mul3A_842 = arith.mulf %get3A_820, %gather3A_808 : vector<16xf32>
        %add3A_843 = arith.addf %mul3A_842, %get3A_832 : vector<16xf32>
        %swap3A_844 = arith.constant 2 : i32
        %swap3A_845 = arith.index_cast %swap3A_844 : i32 to index
        %swap3A_846 = arith.index_cast %add3A_795 : i32 to index
        %swap3A_847 = arith.constant 16 : index
        %swap3A_848 = tpu.vector_load %arg11[%swap3A_845, %swap3A_846, %swap3A_847] {strides = array<i32>} : memref<4x128x32xf32, #tpu.memory_space<vmem>>, vector<1x1x16xf32>,
        %swap3A_849 = vector.shape_cast %swap3A_848 : vector<1x1x16xf32> to vector<16xf32>
        %swap3A_850 = vector.shape_cast %add3A_843 : vector<16xf32> to vector<1x1x16xf32>
        tpu.vector_store %arg11[%swap3A_845, %swap3A_846, %swap3A_847], %swap3A_850 {strides = array<i32>} : memref<4x128x32xf32, #tpu.memory_space<vmem>>, vector<1x1x16xf32>,
        %mul3A_851 = arith.constant 16 : i32
        %mul3A_852 = arith.muli %scan3A_493, %mul3A_851 : i32
        %add3A_853 = arith.constant 6 : i32
        %add3A_854 = arith.addi %mul3A_852, %add3A_853 : i32
        %add3A_855 = arith.constant 6 : i32
        %add3A_856 = vector.broadcast %add3A_855 : i32 to vector<16xi32>
        %add3A_857 = arith.addi %mul3A_5, %add3A_856 : vector<16xi32>
        %lt3A_858 = arith.constant 0 : i32
        %lt3A_859 = vector.broadcast %lt3A_858 : i32 to vector<16xi32>
        %lt3A_860 = arith.cmpi slt, %add3A_857, %lt3A_859 : vector<16xi32>
        %add3A_861 = arith.constant 16 : i32
        %add3A_862 = vector.broadcast %add3A_861 : i32 to vector<16xi32>
        %add3A_863 = arith.addi %add3A_857, %add3A_862 : vector<16xi32>
        %select_n3A_864 = arith.select %lt3A_860, %add3A_863, %add3A_857 : vector<16xi1>, vector<16xi32>
        %broadcast_in_dim3A_865 = vector.shape_cast %select_n3A_864 : vector<16xi32> to vector<16x1xi32>
        %gather3A_866 = vector.shape_cast %broadcast_in_dim3A_865 : vector<16x1xi32> to vector<16xi32>
        %gather3A_867 = tpu.dynamic_gather %get3A_500[%gather3A_866] in [0] : vector<16xf32>, vector<16xi32> -> vector<16xf32>
        %get3A_868 = arith.constant 2 : i32
        %get3A_869 = arith.index_cast %get3A_868 : i32 to index
        %get3A_870 = arith.index_cast %add3A_854 : i32 to index
        %get3A_871 = arith.constant 0 : index
        %get3A_872 = tpu.vector_load %arg9[%get3A_869, %get3A_870, %get3A_871] {strides = array<i32>} : memref<4x128x32xf32, #tpu.memory_space<vmem>>, vector<1x1x16xf32>,
        %get3A_873 = vector.shape_cast %get3A_872 : vector<1x1x16xf32> to vector<16xf32>
        %get3A_874 = arith.constant 2 : i32
        %get3A_875 = arith.index_cast %get3A_874 : i32 to index
        %get3A_876 = arith.index_cast %add3A_854 : i32 to index
        %get3A_877 = arith.constant 16 : index
        %get3A_878 = tpu.vector_load %arg9[%get3A_875, %get3A_876, %get3A_877] {strides = array<i32>} : memref<4x128x32xf32, #tpu.memory_space<vmem>>, vector<1x1x16xf32>,
        %get3A_879 = vector.shape_cast %get3A_878 : vector<1x1x16xf32> to vector<16xf32>
        %get3A_880 = arith.constant 2 : i32
        %get3A_881 = arith.index_cast %get3A_880 : i32 to index
        %get3A_882 = arith.index_cast %add3A_854 : i32 to index
        %get3A_883 = arith.constant 0 : index
        %get3A_884 = tpu.vector_load %arg10[%get3A_881, %get3A_882, %get3A_883] {strides = array<i32>} : memref<4x128x32xf32, #tpu.memory_space<vmem>>, vector<1x1x16xf32>,
        %get3A_885 = vector.shape_cast %get3A_884 : vector<1x1x16xf32> to vector<16xf32>
        %get3A_886 = arith.constant 2 : i32
        %get3A_887 = arith.index_cast %get3A_886 : i32 to index
        %get3A_888 = arith.index_cast %add3A_854 : i32 to index
        %get3A_889 = arith.constant 16 : index
        %get3A_890 = tpu.vector_load %arg10[%get3A_887, %get3A_888, %get3A_889] {strides = array<i32>} : memref<4x128x32xf32, #tpu.memory_space<vmem>>, vector<1x1x16xf32>,
        %get3A_891 = vector.shape_cast %get3A_890 : vector<1x1x16xf32> to vector<16xf32>
        %mul3A_892 = arith.mulf %get3A_873, %gather3A_867 : vector<16xf32>
        %add3A_893 = arith.addf %mul3A_892, %get3A_885 : vector<16xf32>
        %swap3A_894 = arith.constant 2 : i32
        %swap3A_895 = arith.index_cast %swap3A_894 : i32 to index
        %swap3A_896 = arith.index_cast %add3A_854 : i32 to index
        %swap3A_897 = arith.constant 0 : index
        %swap3A_898 = tpu.vector_load %arg11[%swap3A_895, %swap3A_896, %swap3A_897] {strides = array<i32>} : memref<4x128x32xf32, #tpu.memory_space<vmem>>, vector<1x1x16xf32>,
        %swap3A_899 = vector.shape_cast %swap3A_898 : vector<1x1x16xf32> to vector<16xf32>
        %swap3A_900 = vector.shape_cast %add3A_893 : vector<16xf32> to vector<1x1x16xf32>
        tpu.vector_store %arg11[%swap3A_895, %swap3A_896, %swap3A_897], %swap3A_900 {strides = array<i32>} : memref<4x128x32xf32, #tpu.memory_space<vmem>>, vector<1x1x16xf32>,
        %mul3A_901 = arith.mulf %get3A_879, %gather3A_867 : vector<16xf32>
        %add3A_902 = arith.addf %mul3A_901, %get3A_891 : vector<16xf32>
        %swap3A_903 = arith.constant 2 : i32
        %swap3A_904 = arith.index_cast %swap3A_903 : i32 to index
        %swap3A_905 = arith.index_cast %add3A_854 : i32 to index
        %swap3A_906 = arith.constant 16 : index
        %swap3A_907 = tpu.vector_load %arg11[%swap3A_904, %swap3A_905, %swap3A_906] {strides = array<i32>} : memref<4x128x32xf32, #tpu.memory_space<vmem>>, vector<1x1x16xf32>,
        %swap3A_908 = vector.shape_cast %swap3A_907 : vector<1x1x16xf32> to vector<16xf32>
        %swap3A_909 = vector.shape_cast %add3A_902 : vector<16xf32> to vector<1x1x16xf32>
        tpu.vector_store %arg11[%swap3A_904, %swap3A_905, %swap3A_906], %swap3A_909 {strides = array<i32>} : memref<4x128x32xf32, #tpu.memory_space<vmem>>, vector<1x1x16xf32>,
        %mul3A_910 = arith.constant 16 : i32
        %mul3A_911 = arith.muli %scan3A_493, %mul3A_910 : i32
        %add3A_912 = arith.constant 7 : i32
        %add3A_913 = arith.addi %mul3A_911, %add3A_912 : i32
        %add3A_914 = arith.constant 7 : i32
        %add3A_915 = vector.broadcast %add3A_914 : i32 to vector<16xi32>
        %add3A_916 = arith.addi %mul3A_5, %add3A_915 : vector<16xi32>
        %lt3A_917 = arith.constant 0 : i32
        %lt3A_918 = vector.broadcast %lt3A_917 : i32 to vector<16xi32>
        %lt3A_919 = arith.cmpi slt, %add3A_916, %lt3A_918 : vector<16xi32>
        %add3A_920 = arith.constant 16 : i32
        %add3A_921 = vector.broadcast %add3A_920 : i32 to vector<16xi32>
        %add3A_922 = arith.addi %add3A_916, %add3A_921 : vector<16xi32>
        %select_n3A_923 = arith.select %lt3A_919, %add3A_922, %add3A_916 : vector<16xi1>, vector<16xi32>
        %broadcast_in_dim3A_924 = vector.shape_cast %select_n3A_923 : vector<16xi32> to vector<16x1xi32>
        %gather3A_925 = vector.shape_cast %broadcast_in_dim3A_924 : vector<16x1xi32> to vector<16xi32>
        %gather3A_926 = tpu.dynamic_gather %get3A_500[%gather3A_925] in [0] : vector<16xf32>, vector<16xi32> -> vector<16xf32>
        %get3A_927 = arith.constant 2 : i32
        %get3A_928 = arith.index_cast %get3A_927 : i32 to index
        %get3A_929 = arith.index_cast %add3A_913 : i32 to index
        %get3A_930 = arith.constant 0 : index
        %get3A_931 = tpu.vector_load %arg9[%get3A_928, %get3A_929, %get3A_930] {strides = array<i32>} : memref<4x128x32xf32, #tpu.memory_space<vmem>>, vector<1x1x16xf32>,
        %get3A_932 = vector.shape_cast %get3A_931 : vector<1x1x16xf32> to vector<16xf32>
        %get3A_933 = arith.constant 2 : i32
        %get3A_934 = arith.index_cast %get3A_933 : i32 to index
        %get3A_935 = arith.index_cast %add3A_913 : i32 to index
        %get3A_936 = arith.constant 16 : index
        %get3A_937 = tpu.vector_load %arg9[%get3A_934, %get3A_935, %get3A_936] {strides = array<i32>} : memref<4x128x32xf32, #tpu.memory_space<vmem>>, vector<1x1x16xf32>,
        %get3A_938 = vector.shape_cast %get3A_937 : vector<1x1x16xf32> to vector<16xf32>
        %get3A_939 = arith.constant 2 : i32
        %get3A_940 = arith.index_cast %get3A_939 : i32 to index
        %get3A_941 = arith.index_cast %add3A_913 : i32 to index
        %get3A_942 = arith.constant 0 : index
        %get3A_943 = tpu.vector_load %arg10[%get3A_940, %get3A_941, %get3A_942] {strides = array<i32>} : memref<4x128x32xf32, #tpu.memory_space<vmem>>, vector<1x1x16xf32>,
        %get3A_944 = vector.shape_cast %get3A_943 : vector<1x1x16xf32> to vector<16xf32>
        %get3A_945 = arith.constant 2 : i32
        %get3A_946 = arith.index_cast %get3A_945 : i32 to index
        %get3A_947 = arith.index_cast %add3A_913 : i32 to index
        %get3A_948 = arith.constant 16 : index
        %get3A_949 = tpu.vector_load %arg10[%get3A_946, %get3A_947, %get3A_948] {strides = array<i32>} : memref<4x128x32xf32, #tpu.memory_space<vmem>>, vector<1x1x16xf32>,
        %get3A_950 = vector.shape_cast %get3A_949 : vector<1x1x16xf32> to vector<16xf32>
        %mul3A_951 = arith.mulf %get3A_932, %gather3A_926 : vector<16xf32>
        %add3A_952 = arith.addf %mul3A_951, %get3A_944 : vector<16xf32>
        %swap3A_953 = arith.constant 2 : i32
        %swap3A_954 = arith.index_cast %swap3A_953 : i32 to index
        %swap3A_955 = arith.index_cast %add3A_913 : i32 to index
        %swap3A_956 = arith.constant 0 : index
        %swap3A_957 = tpu.vector_load %arg11[%swap3A_954, %swap3A_955, %swap3A_956] {strides = array<i32>} : memref<4x128x32xf32, #tpu.memory_space<vmem>>, vector<1x1x16xf32>,
        %swap3A_958 = vector.shape_cast %swap3A_957 : vector<1x1x16xf32> to vector<16xf32>
        %swap3A_959 = vector.shape_cast %add3A_952 : vector<16xf32> to vector<1x1x16xf32>
        tpu.vector_store %arg11[%swap3A_954, %swap3A_955, %swap3A_956], %swap3A_959 {strides = array<i32>} : memref<4x128x32xf32, #tpu.memory_space<vmem>>, vector<1x1x16xf32>,
        %mul3A_960 = arith.mulf %get3A_938, %gather3A_926 : vector<16xf32>
        %add3A_961 = arith.addf %mul3A_960, %get3A_950 : vector<16xf32>
        %swap3A_962 = arith.constant 2 : i32
        %swap3A_963 = arith.index_cast %swap3A_962 : i32 to index
        %swap3A_964 = arith.index_cast %add3A_913 : i32 to index
        %swap3A_965 = arith.constant 16 : index
        %swap3A_966 = tpu.vector_load %arg11[%swap3A_963, %swap3A_964, %swap3A_965] {strides = array<i32>} : memref<4x128x32xf32, #tpu.memory_space<vmem>>, vector<1x1x16xf32>,
        %swap3A_967 = vector.shape_cast %swap3A_966 : vector<1x1x16xf32> to vector<16xf32>
        %swap3A_968 = vector.shape_cast %add3A_961 : vector<16xf32> to vector<1x1x16xf32>
        tpu.vector_store %arg11[%swap3A_963, %swap3A_964, %swap3A_965], %swap3A_968 {strides = array<i32>} : memref<4x128x32xf32, #tpu.memory_space<vmem>>, vector<1x1x16xf32>,
        %mul3A_969 = arith.constant 16 : i32
        %mul3A_970 = arith.muli %scan3A_493, %mul3A_969 : i32
        %add3A_971 = arith.constant 8 : i32
        %add3A_972 = arith.addi %mul3A_970, %add3A_971 : i32
        %add3A_973 = arith.constant 8 : i32
        %add3A_974 = vector.broadcast %add3A_973 : i32 to vector<16xi32>
        %add3A_975 = arith.addi %mul3A_5, %add3A_974 : vector<16xi32>
        %lt3A_976 = arith.constant 0 : i32
        %lt3A_977 = vector.broadcast %lt3A_976 : i32 to vector<16xi32>
        %lt3A_978 = arith.cmpi slt, %add3A_975, %lt3A_977 : vector<16xi32>
        %add3A_979 = arith.constant 16 : i32
        %add3A_980 = vector.broadcast %add3A_979 : i32 to vector<16xi32>
        %add3A_981 = arith.addi %add3A_975, %add3A_980 : vector<16xi32>
        %select_n3A_982 = arith.select %lt3A_978, %add3A_981, %add3A_975 : vector<16xi1>, vector<16xi32>
        %broadcast_in_dim3A_983 = vector.shape_cast %select_n3A_982 : vector<16xi32> to vector<16x1xi32>
        %gather3A_984 = vector.shape_cast %broadcast_in_dim3A_983 : vector<16x1xi32> to vector<16xi32>
        %gather3A_985 = tpu.dynamic_gather %get3A_500[%gather3A_984] in [0] : vector<16xf32>, vector<16xi32> -> vector<16xf32>
        %get3A_986 = arith.constant 2 : i32
        %get3A_987 = arith.index_cast %get3A_986 : i32 to index
        %get3A_988 = arith.index_cast %add3A_972 : i32 to index
        %get3A_989 = arith.constant 0 : index
        %get3A_990 = tpu.vector_load %arg9[%get3A_987, %get3A_988, %get3A_989] {strides = array<i32>} : memref<4x128x32xf32, #tpu.memory_space<vmem>>, vector<1x1x16xf32>,
        %get3A_991 = vector.shape_cast %get3A_990 : vector<1x1x16xf32> to vector<16xf32>
        %get3A_992 = arith.constant 2 : i32
        %get3A_993 = arith.index_cast %get3A_992 : i32 to index
        %get3A_994 = arith.index_cast %add3A_972 : i32 to index
        %get3A_995 = arith.constant 16 : index
        %get3A_996 = tpu.vector_load %arg9[%get3A_993, %get3A_994, %get3A_995] {strides = array<i32>} : memref<4x128x32xf32, #tpu.memory_space<vmem>>, vector<1x1x16xf32>,
        %get3A_997 = vector.shape_cast %get3A_996 : vector<1x1x16xf32> to vector<16xf32>
        %get3A_998 = arith.constant 2 : i32
        %get3A_999 = arith.index_cast %get3A_998 : i32 to index
        %get3A_1000 = arith.index_cast %add3A_972 : i32 to index
        %get3A_1001 = arith.constant 0 : index
        %get3A_1002 = tpu.vector_load %arg10[%get3A_999, %get3A_1000, %get3A_1001] {strides = array<i32>} : memref<4x128x32xf32, #tpu.memory_space<vmem>>, vector<1x1x16xf32>,
        %get3A_1003 = vector.shape_cast %get3A_1002 : vector<1x1x16xf32> to vector<16xf32>
        %get3A_1004 = arith.constant 2 : i32
        %get3A_1005 = arith.index_cast %get3A_1004 : i32 to index
        %get3A_1006 = arith.index_cast %add3A_972 : i32 to index
        %get3A_1007 = arith.constant 16 : index
        %get3A_1008 = tpu.vector_load %arg10[%get3A_1005, %get3A_1006, %get3A_1007] {strides = array<i32>} : memref<4x128x32xf32, #tpu.memory_space<vmem>>, vector<1x1x16xf32>,
        %get3A_1009 = vector.shape_cast %get3A_1008 : vector<1x1x16xf32> to vector<16xf32>
        %mul3A_1010 = arith.mulf %get3A_991, %gather3A_985 : vector<16xf32>
        %add3A_1011 = arith.addf %mul3A_1010, %get3A_1003 : vector<16xf32>
        %swap3A_1012 = arith.constant 2 : i32
        %swap3A_1013 = arith.index_cast %swap3A_1012 : i32 to index
        %swap3A_1014 = arith.index_cast %add3A_972 : i32 to index
        %swap3A_1015 = arith.constant 0 : index
        %swap3A_1016 = tpu.vector_load %arg11[%swap3A_1013, %swap3A_1014, %swap3A_1015] {strides = array<i32>} : memref<4x128x32xf32, #tpu.memory_space<vmem>>, vector<1x1x16xf32>,
        %swap3A_1017 = vector.shape_cast %swap3A_1016 : vector<1x1x16xf32> to vector<16xf32>
        %swap3A_1018 = vector.shape_cast %add3A_1011 : vector<16xf32> to vector<1x1x16xf32>
        tpu.vector_store %arg11[%swap3A_1013, %swap3A_1014, %swap3A_1015], %swap3A_1018 {strides = array<i32>} : memref<4x128x32xf32, #tpu.memory_space<vmem>>, vector<1x1x16xf32>,
        %mul3A_1019 = arith.mulf %get3A_997, %gather3A_985 : vector<16xf32>
        %add3A_1020 = arith.addf %mul3A_1019, %get3A_1009 : vector<16xf32>
        %swap3A_1021 = arith.constant 2 : i32
        %swap3A_1022 = arith.index_cast %swap3A_1021 : i32 to index
        %swap3A_1023 = arith.index_cast %add3A_972 : i32 to index
        %swap3A_1024 = arith.constant 16 : index
        %swap3A_1025 = tpu.vector_load %arg11[%swap3A_1022, %swap3A_1023, %swap3A_1024] {strides = array<i32>} : memref<4x128x32xf32, #tpu.memory_space<vmem>>, vector<1x1x16xf32>,
        %swap3A_1026 = vector.shape_cast %swap3A_1025 : vector<1x1x16xf32> to vector<16xf32>
        %swap3A_1027 = vector.shape_cast %add3A_1020 : vector<16xf32> to vector<1x1x16xf32>
        tpu.vector_store %arg11[%swap3A_1022, %swap3A_1023, %swap3A_1024], %swap3A_1027 {strides = array<i32>} : memref<4x128x32xf32, #tpu.memory_space<vmem>>, vector<1x1x16xf32>,
        %mul3A_1028 = arith.constant 16 : i32
        %mul3A_1029 = arith.muli %scan3A_493, %mul3A_1028 : i32
        %add3A_1030 = arith.constant 9 : i32
        %add3A_1031 = arith.addi %mul3A_1029, %add3A_1030 : i32
        %add3A_1032 = arith.constant 9 : i32
        %add3A_1033 = vector.broadcast %add3A_1032 : i32 to vector<16xi32>
        %add3A_1034 = arith.addi %mul3A_5, %add3A_1033 : vector<16xi32>
        %lt3A_1035 = arith.constant 0 : i32
        %lt3A_1036 = vector.broadcast %lt3A_1035 : i32 to vector<16xi32>
        %lt3A_1037 = arith.cmpi slt, %add3A_1034, %lt3A_1036 : vector<16xi32>
        %add3A_1038 = arith.constant 16 : i32
        %add3A_1039 = vector.broadcast %add3A_1038 : i32 to vector<16xi32>
        %add3A_1040 = arith.addi %add3A_1034, %add3A_1039 : vector<16xi32>
        %select_n3A_1041 = arith.select %lt3A_1037, %add3A_1040, %add3A_1034 : vector<16xi1>, vector<16xi32>
        %broadcast_in_dim3A_1042 = vector.shape_cast %select_n3A_1041 : vector<16xi32> to vector<16x1xi32>
        %gather3A_1043 = vector.shape_cast %broadcast_in_dim3A_1042 : vector<16x1xi32> to vector<16xi32>
        %gather3A_1044 = tpu.dynamic_gather %get3A_500[%gather3A_1043] in [0] : vector<16xf32>, vector<16xi32> -> vector<16xf32>
        %get3A_1045 = arith.constant 2 : i32
        %get3A_1046 = arith.index_cast %get3A_1045 : i32 to index
        %get3A_1047 = arith.index_cast %add3A_1031 : i32 to index
        %get3A_1048 = arith.constant 0 : index
        %get3A_1049 = tpu.vector_load %arg9[%get3A_1046, %get3A_1047, %get3A_1048] {strides = array<i32>} : memref<4x128x32xf32, #tpu.memory_space<vmem>>, vector<1x1x16xf32>,
        %get3A_1050 = vector.shape_cast %get3A_1049 : vector<1x1x16xf32> to vector<16xf32>
        %get3A_1051 = arith.constant 2 : i32
        %get3A_1052 = arith.index_cast %get3A_1051 : i32 to index
        %get3A_1053 = arith.index_cast %add3A_1031 : i32 to index
        %get3A_1054 = arith.constant 16 : index
        %get3A_1055 = tpu.vector_load %arg9[%get3A_1052, %get3A_1053, %get3A_1054] {strides = array<i32>} : memref<4x128x32xf32, #tpu.memory_space<vmem>>, vector<1x1x16xf32>,
        %get3A_1056 = vector.shape_cast %get3A_1055 : vector<1x1x16xf32> to vector<16xf32>
        %get3A_1057 = arith.constant 2 : i32
        %get3A_1058 = arith.index_cast %get3A_1057 : i32 to index
        %get3A_1059 = arith.index_cast %add3A_1031 : i32 to index
        %get3A_1060 = arith.constant 0 : index
        %get3A_1061 = tpu.vector_load %arg10[%get3A_1058, %get3A_1059, %get3A_1060] {strides = array<i32>} : memref<4x128x32xf32, #tpu.memory_space<vmem>>, vector<1x1x16xf32>,
        %get3A_1062 = vector.shape_cast %get3A_1061 : vector<1x1x16xf32> to vector<16xf32>
        %get3A_1063 = arith.constant 2 : i32
        %get3A_1064 = arith.index_cast %get3A_1063 : i32 to index
        %get3A_1065 = arith.index_cast %add3A_1031 : i32 to index
        %get3A_1066 = arith.constant 16 : index
        %get3A_1067 = tpu.vector_load %arg10[%get3A_1064, %get3A_1065, %get3A_1066] {strides = array<i32>} : memref<4x128x32xf32, #tpu.memory_space<vmem>>, vector<1x1x16xf32>,
        %get3A_1068 = vector.shape_cast %get3A_1067 : vector<1x1x16xf32> to vector<16xf32>
        %mul3A_1069 = arith.mulf %get3A_1050, %gather3A_1044 : vector<16xf32>
        %add3A_1070 = arith.addf %mul3A_1069, %get3A_1062 : vector<16xf32>
        %swap3A_1071 = arith.constant 2 : i32
        %swap3A_1072 = arith.index_cast %swap3A_1071 : i32 to index
        %swap3A_1073 = arith.index_cast %add3A_1031 : i32 to index
        %swap3A_1074 = arith.constant 0 : index
        %swap3A_1075 = tpu.vector_load %arg11[%swap3A_1072, %swap3A_1073, %swap3A_1074] {strides = array<i32>} : memref<4x128x32xf32, #tpu.memory_space<vmem>>, vector<1x1x16xf32>,
        %swap3A_1076 = vector.shape_cast %swap3A_1075 : vector<1x1x16xf32> to vector<16xf32>
        %swap3A_1077 = vector.shape_cast %add3A_1070 : vector<16xf32> to vector<1x1x16xf32>
        tpu.vector_store %arg11[%swap3A_1072, %swap3A_1073, %swap3A_1074], %swap3A_1077 {strides = array<i32>} : memref<4x128x32xf32, #tpu.memory_space<vmem>>, vector<1x1x16xf32>,
        %mul3A_1078 = arith.mulf %get3A_1056, %gather3A_1044 : vector<16xf32>
        %add3A_1079 = arith.addf %mul3A_1078, %get3A_1068 : vector<16xf32>
        %swap3A_1080 = arith.constant 2 : i32
        %swap3A_1081 = arith.index_cast %swap3A_1080 : i32 to index
        %swap3A_1082 = arith.index_cast %add3A_1031 : i32 to index
        %swap3A_1083 = arith.constant 16 : index
        %swap3A_1084 = tpu.vector_load %arg11[%swap3A_1081, %swap3A_1082, %swap3A_1083] {strides = array<i32>} : memref<4x128x32xf32, #tpu.memory_space<vmem>>, vector<1x1x16xf32>,
        %swap3A_1085 = vector.shape_cast %swap3A_1084 : vector<1x1x16xf32> to vector<16xf32>
        %swap3A_1086 = vector.shape_cast %add3A_1079 : vector<16xf32> to vector<1x1x16xf32>
        tpu.vector_store %arg11[%swap3A_1081, %swap3A_1082, %swap3A_1083], %swap3A_1086 {strides = array<i32>} : memref<4x128x32xf32, #tpu.memory_space<vmem>>, vector<1x1x16xf32>,
        %mul3A_1087 = arith.constant 16 : i32
        %mul3A_1088 = arith.muli %scan3A_493, %mul3A_1087 : i32
        %add3A_1089 = arith.constant 10 : i32
        %add3A_1090 = arith.addi %mul3A_1088, %add3A_1089 : i32
        %add3A_1091 = arith.constant 10 : i32
        %add3A_1092 = vector.broadcast %add3A_1091 : i32 to vector<16xi32>
        %add3A_1093 = arith.addi %mul3A_5, %add3A_1092 : vector<16xi32>
        %lt3A_1094 = arith.constant 0 : i32
        %lt3A_1095 = vector.broadcast %lt3A_1094 : i32 to vector<16xi32>
        %lt3A_1096 = arith.cmpi slt, %add3A_1093, %lt3A_1095 : vector<16xi32>
        %add3A_1097 = arith.constant 16 : i32
        %add3A_1098 = vector.broadcast %add3A_1097 : i32 to vector<16xi32>
        %add3A_1099 = arith.addi %add3A_1093, %add3A_1098 : vector<16xi32>
        %select_n3A_1100 = arith.select %lt3A_1096, %add3A_1099, %add3A_1093 : vector<16xi1>, vector<16xi32>
        %broadcast_in_dim3A_1101 = vector.shape_cast %select_n3A_1100 : vector<16xi32> to vector<16x1xi32>
        %gather3A_1102 = vector.shape_cast %broadcast_in_dim3A_1101 : vector<16x1xi32> to vector<16xi32>
        %gather3A_1103 = tpu.dynamic_gather %get3A_500[%gather3A_1102] in [0] : vector<16xf32>, vector<16xi32> -> vector<16xf32>
        %get3A_1104 = arith.constant 2 : i32
        %get3A_1105 = arith.index_cast %get3A_1104 : i32 to index
        %get3A_1106 = arith.index_cast %add3A_1090 : i32 to index
        %get3A_1107 = arith.constant 0 : index
        %get3A_1108 = tpu.vector_load %arg9[%get3A_1105, %get3A_1106, %get3A_1107] {strides = array<i32>} : memref<4x128x32xf32, #tpu.memory_space<vmem>>, vector<1x1x16xf32>,
        %get3A_1109 = vector.shape_cast %get3A_1108 : vector<1x1x16xf32> to vector<16xf32>
        %get3A_1110 = arith.constant 2 : i32
        %get3A_1111 = arith.index_cast %get3A_1110 : i32 to index
        %get3A_1112 = arith.index_cast %add3A_1090 : i32 to index
        %get3A_1113 = arith.constant 16 : index
        %get3A_1114 = tpu.vector_load %arg9[%get3A_1111, %get3A_1112, %get3A_1113] {strides = array<i32>} : memref<4x128x32xf32, #tpu.memory_space<vmem>>, vector<1x1x16xf32>,
        %get3A_1115 = vector.shape_cast %get3A_1114 : vector<1x1x16xf32> to vector<16xf32>
        %get3A_1116 = arith.constant 2 : i32
        %get3A_1117 = arith.index_cast %get3A_1116 : i32 to index
        %get3A_1118 = arith.index_cast %add3A_1090 : i32 to index
        %get3A_1119 = arith.constant 0 : index
        %get3A_1120 = tpu.vector_load %arg10[%get3A_1117, %get3A_1118, %get3A_1119] {strides = array<i32>} : memref<4x128x32xf32, #tpu.memory_space<vmem>>, vector<1x1x16xf32>,
        %get3A_1121 = vector.shape_cast %get3A_1120 : vector<1x1x16xf32> to vector<16xf32>
        %get3A_1122 = arith.constant 2 : i32
        %get3A_1123 = arith.index_cast %get3A_1122 : i32 to index
        %get3A_1124 = arith.index_cast %add3A_1090 : i32 to index
        %get3A_1125 = arith.constant 16 : index
        %get3A_1126 = tpu.vector_load %arg10[%get3A_1123, %get3A_1124, %get3A_1125] {strides = array<i32>} : memref<4x128x32xf32, #tpu.memory_space<vmem>>, vector<1x1x16xf32>,
        %get3A_1127 = vector.shape_cast %get3A_1126 : vector<1x1x16xf32> to vector<16xf32>
        %mul3A_1128 = arith.mulf %get3A_1109, %gather3A_1103 : vector<16xf32>
        %add3A_1129 = arith.addf %mul3A_1128, %get3A_1121 : vector<16xf32>
        %swap3A_1130 = arith.constant 2 : i32
        %swap3A_1131 = arith.index_cast %swap3A_1130 : i32 to index
        %swap3A_1132 = arith.index_cast %add3A_1090 : i32 to index
        %swap3A_1133 = arith.constant 0 : index
        %swap3A_1134 = tpu.vector_load %arg11[%swap3A_1131, %swap3A_1132, %swap3A_1133] {strides = array<i32>} : memref<4x128x32xf32, #tpu.memory_space<vmem>>, vector<1x1x16xf32>,
        %swap3A_1135 = vector.shape_cast %swap3A_1134 : vector<1x1x16xf32> to vector<16xf32>
        %swap3A_1136 = vector.shape_cast %add3A_1129 : vector<16xf32> to vector<1x1x16xf32>
        tpu.vector_store %arg11[%swap3A_1131, %swap3A_1132, %swap3A_1133], %swap3A_1136 {strides = array<i32>} : memref<4x128x32xf32, #tpu.memory_space<vmem>>, vector<1x1x16xf32>,
        %mul3A_1137 = arith.mulf %get3A_1115, %gather3A_1103 : vector<16xf32>
        %add3A_1138 = arith.addf %mul3A_1137, %get3A_1127 : vector<16xf32>
        %swap3A_1139 = arith.constant 2 : i32
        %swap3A_1140 = arith.index_cast %swap3A_1139 : i32 to index
        %swap3A_1141 = arith.index_cast %add3A_1090 : i32 to index
        %swap3A_1142 = arith.constant 16 : index
        %swap3A_1143 = tpu.vector_load %arg11[%swap3A_1140, %swap3A_1141, %swap3A_1142] {strides = array<i32>} : memref<4x128x32xf32, #tpu.memory_space<vmem>>, vector<1x1x16xf32>,
        %swap3A_1144 = vector.shape_cast %swap3A_1143 : vector<1x1x16xf32> to vector<16xf32>
        %swap3A_1145 = vector.shape_cast %add3A_1138 : vector<16xf32> to vector<1x1x16xf32>
        tpu.vector_store %arg11[%swap3A_1140, %swap3A_1141, %swap3A_1142], %swap3A_1145 {strides = array<i32>} : memref<4x128x32xf32, #tpu.memory_space<vmem>>, vector<1x1x16xf32>,
        %mul3A_1146 = arith.constant 16 : i32
        %mul3A_1147 = arith.muli %scan3A_493, %mul3A_1146 : i32
        %add3A_1148 = arith.constant 11 : i32
        %add3A_1149 = arith.addi %mul3A_1147, %add3A_1148 : i32
        %add3A_1150 = arith.constant 11 : i32
        %add3A_1151 = vector.broadcast %add3A_1150 : i32 to vector<16xi32>
        %add3A_1152 = arith.addi %mul3A_5, %add3A_1151 : vector<16xi32>
        %lt3A_1153 = arith.constant 0 : i32
        %lt3A_1154 = vector.broadcast %lt3A_1153 : i32 to vector<16xi32>
        %lt3A_1155 = arith.cmpi slt, %add3A_1152, %lt3A_1154 : vector<16xi32>
        %add3A_1156 = arith.constant 16 : i32
        %add3A_1157 = vector.broadcast %add3A_1156 : i32 to vector<16xi32>
        %add3A_1158 = arith.addi %add3A_1152, %add3A_1157 : vector<16xi32>
        %select_n3A_1159 = arith.select %lt3A_1155, %add3A_1158, %add3A_1152 : vector<16xi1>, vector<16xi32>
        %broadcast_in_dim3A_1160 = vector.shape_cast %select_n3A_1159 : vector<16xi32> to vector<16x1xi32>
        %gather3A_1161 = vector.shape_cast %broadcast_in_dim3A_1160 : vector<16x1xi32> to vector<16xi32>
        %gather3A_1162 = tpu.dynamic_gather %get3A_500[%gather3A_1161] in [0] : vector<16xf32>, vector<16xi32> -> vector<16xf32>
        %get3A_1163 = arith.constant 2 : i32
        %get3A_1164 = arith.index_cast %get3A_1163 : i32 to index
        %get3A_1165 = arith.index_cast %add3A_1149 : i32 to index
        %get3A_1166 = arith.constant 0 : index
        %get3A_1167 = tpu.vector_load %arg9[%get3A_1164, %get3A_1165, %get3A_1166] {strides = array<i32>} : memref<4x128x32xf32, #tpu.memory_space<vmem>>, vector<1x1x16xf32>,
        %get3A_1168 = vector.shape_cast %get3A_1167 : vector<1x1x16xf32> to vector<16xf32>
        %get3A_1169 = arith.constant 2 : i32
        %get3A_1170 = arith.index_cast %get3A_1169 : i32 to index
        %get3A_1171 = arith.index_cast %add3A_1149 : i32 to index
        %get3A_1172 = arith.constant 16 : index
        %get3A_1173 = tpu.vector_load %arg9[%get3A_1170, %get3A_1171, %get3A_1172] {strides = array<i32>} : memref<4x128x32xf32, #tpu.memory_space<vmem>>, vector<1x1x16xf32>,
        %get3A_1174 = vector.shape_cast %get3A_1173 : vector<1x1x16xf32> to vector<16xf32>
        %get3A_1175 = arith.constant 2 : i32
        %get3A_1176 = arith.index_cast %get3A_1175 : i32 to index
        %get3A_1177 = arith.index_cast %add3A_1149 : i32 to index
        %get3A_1178 = arith.constant 0 : index
        %get3A_1179 = tpu.vector_load %arg10[%get3A_1176, %get3A_1177, %get3A_1178] {strides = array<i32>} : memref<4x128x32xf32, #tpu.memory_space<vmem>>, vector<1x1x16xf32>,
        %get3A_1180 = vector.shape_cast %get3A_1179 : vector<1x1x16xf32> to vector<16xf32>
        %get3A_1181 = arith.constant 2 : i32
        %get3A_1182 = arith.index_cast %get3A_1181 : i32 to index
        %get3A_1183 = arith.index_cast %add3A_1149 : i32 to index
        %get3A_1184 = arith.constant 16 : index
        %get3A_1185 = tpu.vector_load %arg10[%get3A_1182, %get3A_1183, %get3A_1184] {strides = array<i32>} : memref<4x128x32xf32, #tpu.memory_space<vmem>>, vector<1x1x16xf32>,
        %get3A_1186 = vector.shape_cast %get3A_1185 : vector<1x1x16xf32> to vector<16xf32>
        %mul3A_1187 = arith.mulf %get3A_1168, %gather3A_1162 : vector<16xf32>
        %add3A_1188 = arith.addf %mul3A_1187, %get3A_1180 : vector<16xf32>
        %swap3A_1189 = arith.constant 2 : i32
        %swap3A_1190 = arith.index_cast %swap3A_1189 : i32 to index
        %swap3A_1191 = arith.index_cast %add3A_1149 : i32 to index
        %swap3A_1192 = arith.constant 0 : index
        %swap3A_1193 = tpu.vector_load %arg11[%swap3A_1190, %swap3A_1191, %swap3A_1192] {strides = array<i32>} : memref<4x128x32xf32, #tpu.memory_space<vmem>>, vector<1x1x16xf32>,
        %swap3A_1194 = vector.shape_cast %swap3A_1193 : vector<1x1x16xf32> to vector<16xf32>
        %swap3A_1195 = vector.shape_cast %add3A_1188 : vector<16xf32> to vector<1x1x16xf32>
        tpu.vector_store %arg11[%swap3A_1190, %swap3A_1191, %swap3A_1192], %swap3A_1195 {strides = array<i32>} : memref<4x128x32xf32, #tpu.memory_space<vmem>>, vector<1x1x16xf32>,
        %mul3A_1196 = arith.mulf %get3A_1174, %gather3A_1162 : vector<16xf32>
        %add3A_1197 = arith.addf %mul3A_1196, %get3A_1186 : vector<16xf32>
        %swap3A_1198 = arith.constant 2 : i32
        %swap3A_1199 = arith.index_cast %swap3A_1198 : i32 to index
        %swap3A_1200 = arith.index_cast %add3A_1149 : i32 to index
        %swap3A_1201 = arith.constant 16 : index
        %swap3A_1202 = tpu.vector_load %arg11[%swap3A_1199, %swap3A_1200, %swap3A_1201] {strides = array<i32>} : memref<4x128x32xf32, #tpu.memory_space<vmem>>, vector<1x1x16xf32>,
        %swap3A_1203 = vector.shape_cast %swap3A_1202 : vector<1x1x16xf32> to vector<16xf32>
        %swap3A_1204 = vector.shape_cast %add3A_1197 : vector<16xf32> to vector<1x1x16xf32>
        tpu.vector_store %arg11[%swap3A_1199, %swap3A_1200, %swap3A_1201], %swap3A_1204 {strides = array<i32>} : memref<4x128x32xf32, #tpu.memory_space<vmem>>, vector<1x1x16xf32>,
        %mul3A_1205 = arith.constant 16 : i32
        %mul3A_1206 = arith.muli %scan3A_493, %mul3A_1205 : i32
        %add3A_1207 = arith.constant 12 : i32
        %add3A_1208 = arith.addi %mul3A_1206, %add3A_1207 : i32
        %add3A_1209 = arith.constant 12 : i32
        %add3A_1210 = vector.broadcast %add3A_1209 : i32 to vector<16xi32>
        %add3A_1211 = arith.addi %mul3A_5, %add3A_1210 : vector<16xi32>
        %lt3A_1212 = arith.constant 0 : i32
        %lt3A_1213 = vector.broadcast %lt3A_1212 : i32 to vector<16xi32>
        %lt3A_1214 = arith.cmpi slt, %add3A_1211, %lt3A_1213 : vector<16xi32>
        %add3A_1215 = arith.constant 16 : i32
        %add3A_1216 = vector.broadcast %add3A_1215 : i32 to vector<16xi32>
        %add3A_1217 = arith.addi %add3A_1211, %add3A_1216 : vector<16xi32>
        %select_n3A_1218 = arith.select %lt3A_1214, %add3A_1217, %add3A_1211 : vector<16xi1>, vector<16xi32>
        %broadcast_in_dim3A_1219 = vector.shape_cast %select_n3A_1218 : vector<16xi32> to vector<16x1xi32>
        %gather3A_1220 = vector.shape_cast %broadcast_in_dim3A_1219 : vector<16x1xi32> to vector<16xi32>
        %gather3A_1221 = tpu.dynamic_gather %get3A_500[%gather3A_1220] in [0] : vector<16xf32>, vector<16xi32> -> vector<16xf32>
        %get3A_1222 = arith.constant 2 : i32
        %get3A_1223 = arith.index_cast %get3A_1222 : i32 to index
        %get3A_1224 = arith.index_cast %add3A_1208 : i32 to index
        %get3A_1225 = arith.constant 0 : index
        %get3A_1226 = tpu.vector_load %arg9[%get3A_1223, %get3A_1224, %get3A_1225] {strides = array<i32>} : memref<4x128x32xf32, #tpu.memory_space<vmem>>, vector<1x1x16xf32>,
        %get3A_1227 = vector.shape_cast %get3A_1226 : vector<1x1x16xf32> to vector<16xf32>
        %get3A_1228 = arith.constant 2 : i32
        %get3A_1229 = arith.index_cast %get3A_1228 : i32 to index
        %get3A_1230 = arith.index_cast %add3A_1208 : i32 to index
        %get3A_1231 = arith.constant 16 : index
        %get3A_1232 = tpu.vector_load %arg9[%get3A_1229, %get3A_1230, %get3A_1231] {strides = array<i32>} : memref<4x128x32xf32, #tpu.memory_space<vmem>>, vector<1x1x16xf32>,
        %get3A_1233 = vector.shape_cast %get3A_1232 : vector<1x1x16xf32> to vector<16xf32>
        %get3A_1234 = arith.constant 2 : i32
        %get3A_1235 = arith.index_cast %get3A_1234 : i32 to index
        %get3A_1236 = arith.index_cast %add3A_1208 : i32 to index
        %get3A_1237 = arith.constant 0 : index
        %get3A_1238 = tpu.vector_load %arg10[%get3A_1235, %get3A_1236, %get3A_1237] {strides = array<i32>} : memref<4x128x32xf32, #tpu.memory_space<vmem>>, vector<1x1x16xf32>,
        %get3A_1239 = vector.shape_cast %get3A_1238 : vector<1x1x16xf32> to vector<16xf32>
        %get3A_1240 = arith.constant 2 : i32
        %get3A_1241 = arith.index_cast %get3A_1240 : i32 to index
        %get3A_1242 = arith.index_cast %add3A_1208 : i32 to index
        %get3A_1243 = arith.constant 16 : index
        %get3A_1244 = tpu.vector_load %arg10[%get3A_1241, %get3A_1242, %get3A_1243] {strides = array<i32>} : memref<4x128x32xf32, #tpu.memory_space<vmem>>, vector<1x1x16xf32>,
        %get3A_1245 = vector.shape_cast %get3A_1244 : vector<1x1x16xf32> to vector<16xf32>
        %mul3A_1246 = arith.mulf %get3A_1227, %gather3A_1221 : vector<16xf32>
        %add3A_1247 = arith.addf %mul3A_1246, %get3A_1239 : vector<16xf32>
        %swap3A_1248 = arith.constant 2 : i32
        %swap3A_1249 = arith.index_cast %swap3A_1248 : i32 to index
        %swap3A_1250 = arith.index_cast %add3A_1208 : i32 to index
        %swap3A_1251 = arith.constant 0 : index
        %swap3A_1252 = tpu.vector_load %arg11[%swap3A_1249, %swap3A_1250, %swap3A_1251] {strides = array<i32>} : memref<4x128x32xf32, #tpu.memory_space<vmem>>, vector<1x1x16xf32>,
        %swap3A_1253 = vector.shape_cast %swap3A_1252 : vector<1x1x16xf32> to vector<16xf32>
        %swap3A_1254 = vector.shape_cast %add3A_1247 : vector<16xf32> to vector<1x1x16xf32>
        tpu.vector_store %arg11[%swap3A_1249, %swap3A_1250, %swap3A_1251], %swap3A_1254 {strides = array<i32>} : memref<4x128x32xf32, #tpu.memory_space<vmem>>, vector<1x1x16xf32>,
        %mul3A_1255 = arith.mulf %get3A_1233, %gather3A_1221 : vector<16xf32>
        %add3A_1256 = arith.addf %mul3A_1255, %get3A_1245 : vector<16xf32>
        %swap3A_1257 = arith.constant 2 : i32
        %swap3A_1258 = arith.index_cast %swap3A_1257 : i32 to index
        %swap3A_1259 = arith.index_cast %add3A_1208 : i32 to index
        %swap3A_1260 = arith.constant 16 : index
        %swap3A_1261 = tpu.vector_load %arg11[%swap3A_1258, %swap3A_1259, %swap3A_1260] {strides = array<i32>} : memref<4x128x32xf32, #tpu.memory_space<vmem>>, vector<1x1x16xf32>,
        %swap3A_1262 = vector.shape_cast %swap3A_1261 : vector<1x1x16xf32> to vector<16xf32>
        %swap3A_1263 = vector.shape_cast %add3A_1256 : vector<16xf32> to vector<1x1x16xf32>
        tpu.vector_store %arg11[%swap3A_1258, %swap3A_1259, %swap3A_1260], %swap3A_1263 {strides = array<i32>} : memref<4x128x32xf32, #tpu.memory_space<vmem>>, vector<1x1x16xf32>,
        %mul3A_1264 = arith.constant 16 : i32
        %mul3A_1265 = arith.muli %scan3A_493, %mul3A_1264 : i32
        %add3A_1266 = arith.constant 13 : i32
        %add3A_1267 = arith.addi %mul3A_1265, %add3A_1266 : i32
        %add3A_1268 = arith.constant 13 : i32
        %add3A_1269 = vector.broadcast %add3A_1268 : i32 to vector<16xi32>
        %add3A_1270 = arith.addi %mul3A_5, %add3A_1269 : vector<16xi32>
        %lt3A_1271 = arith.constant 0 : i32
        %lt3A_1272 = vector.broadcast %lt3A_1271 : i32 to vector<16xi32>
        %lt3A_1273 = arith.cmpi slt, %add3A_1270, %lt3A_1272 : vector<16xi32>
        %add3A_1274 = arith.constant 16 : i32
        %add3A_1275 = vector.broadcast %add3A_1274 : i32 to vector<16xi32>
        %add3A_1276 = arith.addi %add3A_1270, %add3A_1275 : vector<16xi32>
        %select_n3A_1277 = arith.select %lt3A_1273, %add3A_1276, %add3A_1270 : vector<16xi1>, vector<16xi32>
        %broadcast_in_dim3A_1278 = vector.shape_cast %select_n3A_1277 : vector<16xi32> to vector<16x1xi32>
        %gather3A_1279 = vector.shape_cast %broadcast_in_dim3A_1278 : vector<16x1xi32> to vector<16xi32>
        %gather3A_1280 = tpu.dynamic_gather %get3A_500[%gather3A_1279] in [0] : vector<16xf32>, vector<16xi32> -> vector<16xf32>
        %get3A_1281 = arith.constant 2 : i32
        %get3A_1282 = arith.index_cast %get3A_1281 : i32 to index
        %get3A_1283 = arith.index_cast %add3A_1267 : i32 to index
        %get3A_1284 = arith.constant 0 : index
        %get3A_1285 = tpu.vector_load %arg9[%get3A_1282, %get3A_1283, %get3A_1284] {strides = array<i32>} : memref<4x128x32xf32, #tpu.memory_space<vmem>>, vector<1x1x16xf32>,
        %get3A_1286 = vector.shape_cast %get3A_1285 : vector<1x1x16xf32> to vector<16xf32>
        %get3A_1287 = arith.constant 2 : i32
        %get3A_1288 = arith.index_cast %get3A_1287 : i32 to index
        %get3A_1289 = arith.index_cast %add3A_1267 : i32 to index
        %get3A_1290 = arith.constant 16 : index
        %get3A_1291 = tpu.vector_load %arg9[%get3A_1288, %get3A_1289, %get3A_1290] {strides = array<i32>} : memref<4x128x32xf32, #tpu.memory_space<vmem>>, vector<1x1x16xf32>,
        %get3A_1292 = vector.shape_cast %get3A_1291 : vector<1x1x16xf32> to vector<16xf32>
        %get3A_1293 = arith.constant 2 : i32
        %get3A_1294 = arith.index_cast %get3A_1293 : i32 to index
        %get3A_1295 = arith.index_cast %add3A_1267 : i32 to index
        %get3A_1296 = arith.constant 0 : index
        %get3A_1297 = tpu.vector_load %arg10[%get3A_1294, %get3A_1295, %get3A_1296] {strides = array<i32>} : memref<4x128x32xf32, #tpu.memory_space<vmem>>, vector<1x1x16xf32>,
        %get3A_1298 = vector.shape_cast %get3A_1297 : vector<1x1x16xf32> to vector<16xf32>
        %get3A_1299 = arith.constant 2 : i32
        %get3A_1300 = arith.index_cast %get3A_1299 : i32 to index
        %get3A_1301 = arith.index_cast %add3A_1267 : i32 to index
        %get3A_1302 = arith.constant 16 : index
        %get3A_1303 = tpu.vector_load %arg10[%get3A_1300, %get3A_1301, %get3A_1302] {strides = array<i32>} : memref<4x128x32xf32, #tpu.memory_space<vmem>>, vector<1x1x16xf32>,
        %get3A_1304 = vector.shape_cast %get3A_1303 : vector<1x1x16xf32> to vector<16xf32>
        %mul3A_1305 = arith.mulf %get3A_1286, %gather3A_1280 : vector<16xf32>
        %add3A_1306 = arith.addf %mul3A_1305, %get3A_1298 : vector<16xf32>
        %swap3A_1307 = arith.constant 2 : i32
        %swap3A_1308 = arith.index_cast %swap3A_1307 : i32 to index
        %swap3A_1309 = arith.index_cast %add3A_1267 : i32 to index
        %swap3A_1310 = arith.constant 0 : index
        %swap3A_1311 = tpu.vector_load %arg11[%swap3A_1308, %swap3A_1309, %swap3A_1310] {strides = array<i32>} : memref<4x128x32xf32, #tpu.memory_space<vmem>>, vector<1x1x16xf32>,
        %swap3A_1312 = vector.shape_cast %swap3A_1311 : vector<1x1x16xf32> to vector<16xf32>
        %swap3A_1313 = vector.shape_cast %add3A_1306 : vector<16xf32> to vector<1x1x16xf32>
        tpu.vector_store %arg11[%swap3A_1308, %swap3A_1309, %swap3A_1310], %swap3A_1313 {strides = array<i32>} : memref<4x128x32xf32, #tpu.memory_space<vmem>>, vector<1x1x16xf32>,
        %mul3A_1314 = arith.mulf %get3A_1292, %gather3A_1280 : vector<16xf32>
        %add3A_1315 = arith.addf %mul3A_1314, %get3A_1304 : vector<16xf32>
        %swap3A_1316 = arith.constant 2 : i32
        %swap3A_1317 = arith.index_cast %swap3A_1316 : i32 to index
        %swap3A_1318 = arith.index_cast %add3A_1267 : i32 to index
        %swap3A_1319 = arith.constant 16 : index
        %swap3A_1320 = tpu.vector_load %arg11[%swap3A_1317, %swap3A_1318, %swap3A_1319] {strides = array<i32>} : memref<4x128x32xf32, #tpu.memory_space<vmem>>, vector<1x1x16xf32>,
        %swap3A_1321 = vector.shape_cast %swap3A_1320 : vector<1x1x16xf32> to vector<16xf32>
        %swap3A_1322 = vector.shape_cast %add3A_1315 : vector<16xf32> to vector<1x1x16xf32>
        tpu.vector_store %arg11[%swap3A_1317, %swap3A_1318, %swap3A_1319], %swap3A_1322 {strides = array<i32>} : memref<4x128x32xf32, #tpu.memory_space<vmem>>, vector<1x1x16xf32>,
        %mul3A_1323 = arith.constant 16 : i32
        %mul3A_1324 = arith.muli %scan3A_493, %mul3A_1323 : i32
        %add3A_1325 = arith.constant 14 : i32
        %add3A_1326 = arith.addi %mul3A_1324, %add3A_1325 : i32
        %add3A_1327 = arith.constant 14 : i32
        %add3A_1328 = vector.broadcast %add3A_1327 : i32 to vector<16xi32>
        %add3A_1329 = arith.addi %mul3A_5, %add3A_1328 : vector<16xi32>
        %lt3A_1330 = arith.constant 0 : i32
        %lt3A_1331 = vector.broadcast %lt3A_1330 : i32 to vector<16xi32>
        %lt3A_1332 = arith.cmpi slt, %add3A_1329, %lt3A_1331 : vector<16xi32>
        %add3A_1333 = arith.constant 16 : i32
        %add3A_1334 = vector.broadcast %add3A_1333 : i32 to vector<16xi32>
        %add3A_1335 = arith.addi %add3A_1329, %add3A_1334 : vector<16xi32>
        %select_n3A_1336 = arith.select %lt3A_1332, %add3A_1335, %add3A_1329 : vector<16xi1>, vector<16xi32>
        %broadcast_in_dim3A_1337 = vector.shape_cast %select_n3A_1336 : vector<16xi32> to vector<16x1xi32>
        %gather3A_1338 = vector.shape_cast %broadcast_in_dim3A_1337 : vector<16x1xi32> to vector<16xi32>
        %gather3A_1339 = tpu.dynamic_gather %get3A_500[%gather3A_1338] in [0] : vector<16xf32>, vector<16xi32> -> vector<16xf32>
        %get3A_1340 = arith.constant 2 : i32
        %get3A_1341 = arith.index_cast %get3A_1340 : i32 to index
        %get3A_1342 = arith.index_cast %add3A_1326 : i32 to index
        %get3A_1343 = arith.constant 0 : index
        %get3A_1344 = tpu.vector_load %arg9[%get3A_1341, %get3A_1342, %get3A_1343] {strides = array<i32>} : memref<4x128x32xf32, #tpu.memory_space<vmem>>, vector<1x1x16xf32>,
        %get3A_1345 = vector.shape_cast %get3A_1344 : vector<1x1x16xf32> to vector<16xf32>
        %get3A_1346 = arith.constant 2 : i32
        %get3A_1347 = arith.index_cast %get3A_1346 : i32 to index
        %get3A_1348 = arith.index_cast %add3A_1326 : i32 to index
        %get3A_1349 = arith.constant 16 : index
        %get3A_1350 = tpu.vector_load %arg9[%get3A_1347, %get3A_1348, %get3A_1349] {strides = array<i32>} : memref<4x128x32xf32, #tpu.memory_space<vmem>>, vector<1x1x16xf32>,
        %get3A_1351 = vector.shape_cast %get3A_1350 : vector<1x1x16xf32> to vector<16xf32>
        %get3A_1352 = arith.constant 2 : i32
        %get3A_1353 = arith.index_cast %get3A_1352 : i32 to index
        %get3A_1354 = arith.index_cast %add3A_1326 : i32 to index
        %get3A_1355 = arith.constant 0 : index
        %get3A_1356 = tpu.vector_load %arg10[%get3A_1353, %get3A_1354, %get3A_1355] {strides = array<i32>} : memref<4x128x32xf32, #tpu.memory_space<vmem>>, vector<1x1x16xf32>,
        %get3A_1357 = vector.shape_cast %get3A_1356 : vector<1x1x16xf32> to vector<16xf32>
        %get3A_1358 = arith.constant 2 : i32
        %get3A_1359 = arith.index_cast %get3A_1358 : i32 to index
        %get3A_1360 = arith.index_cast %add3A_1326 : i32 to index
        %get3A_1361 = arith.constant 16 : index
        %get3A_1362 = tpu.vector_load %arg10[%get3A_1359, %get3A_1360, %get3A_1361] {strides = array<i32>} : memref<4x128x32xf32, #tpu.memory_space<vmem>>, vector<1x1x16xf32>,
        %get3A_1363 = vector.shape_cast %get3A_1362 : vector<1x1x16xf32> to vector<16xf32>
        %mul3A_1364 = arith.mulf %get3A_1345, %gather3A_1339 : vector<16xf32>
        %add3A_1365 = arith.addf %mul3A_1364, %get3A_1357 : vector<16xf32>
        %swap3A_1366 = arith.constant 2 : i32
        %swap3A_1367 = arith.index_cast %swap3A_1366 : i32 to index
        %swap3A_1368 = arith.index_cast %add3A_1326 : i32 to index
        %swap3A_1369 = arith.constant 0 : index
        %swap3A_1370 = tpu.vector_load %arg11[%swap3A_1367, %swap3A_1368, %swap3A_1369] {strides = array<i32>} : memref<4x128x32xf32, #tpu.memory_space<vmem>>, vector<1x1x16xf32>,
        %swap3A_1371 = vector.shape_cast %swap3A_1370 : vector<1x1x16xf32> to vector<16xf32>
        %swap3A_1372 = vector.shape_cast %add3A_1365 : vector<16xf32> to vector<1x1x16xf32>
        tpu.vector_store %arg11[%swap3A_1367, %swap3A_1368, %swap3A_1369], %swap3A_1372 {strides = array<i32>} : memref<4x128x32xf32, #tpu.memory_space<vmem>>, vector<1x1x16xf32>,
        %mul3A_1373 = arith.mulf %get3A_1351, %gather3A_1339 : vector<16xf32>
        %add3A_1374 = arith.addf %mul3A_1373, %get3A_1363 : vector<16xf32>
        %swap3A_1375 = arith.constant 2 : i32
        %swap3A_1376 = arith.index_cast %swap3A_1375 : i32 to index
        %swap3A_1377 = arith.index_cast %add3A_1326 : i32 to index
        %swap3A_1378 = arith.constant 16 : index
        %swap3A_1379 = tpu.vector_load %arg11[%swap3A_1376, %swap3A_1377, %swap3A_1378] {strides = array<i32>} : memref<4x128x32xf32, #tpu.memory_space<vmem>>, vector<1x1x16xf32>,
        %swap3A_1380 = vector.shape_cast %swap3A_1379 : vector<1x1x16xf32> to vector<16xf32>
        %swap3A_1381 = vector.shape_cast %add3A_1374 : vector<16xf32> to vector<1x1x16xf32>
        tpu.vector_store %arg11[%swap3A_1376, %swap3A_1377, %swap3A_1378], %swap3A_1381 {strides = array<i32>} : memref<4x128x32xf32, #tpu.memory_space<vmem>>, vector<1x1x16xf32>,
        %mul3A_1382 = arith.constant 16 : i32
        %mul3A_1383 = arith.muli %scan3A_493, %mul3A_1382 : i32
        %add3A_1384 = arith.constant 15 : i32
        %add3A_1385 = arith.addi %mul3A_1383, %add3A_1384 : i32
        %add3A_1386 = arith.constant 15 : i32
        %add3A_1387 = vector.broadcast %add3A_1386 : i32 to vector<16xi32>
        %add3A_1388 = arith.addi %mul3A_5, %add3A_1387 : vector<16xi32>
        %lt3A_1389 = arith.constant 0 : i32
        %lt3A_1390 = vector.broadcast %lt3A_1389 : i32 to vector<16xi32>
        %lt3A_1391 = arith.cmpi slt, %add3A_1388, %lt3A_1390 : vector<16xi32>
        %add3A_1392 = arith.constant 16 : i32
        %add3A_1393 = vector.broadcast %add3A_1392 : i32 to vector<16xi32>
        %add3A_1394 = arith.addi %add3A_1388, %add3A_1393 : vector<16xi32>
        %select_n3A_1395 = arith.select %lt3A_1391, %add3A_1394, %add3A_1388 : vector<16xi1>, vector<16xi32>
        %broadcast_in_dim3A_1396 = vector.shape_cast %select_n3A_1395 : vector<16xi32> to vector<16x1xi32>
        %gather3A_1397 = vector.shape_cast %broadcast_in_dim3A_1396 : vector<16x1xi32> to vector<16xi32>
        %gather3A_1398 = tpu.dynamic_gather %get3A_500[%gather3A_1397] in [0] : vector<16xf32>, vector<16xi32> -> vector<16xf32>
        %get3A_1399 = arith.constant 2 : i32
        %get3A_1400 = arith.index_cast %get3A_1399 : i32 to index
        %get3A_1401 = arith.index_cast %add3A_1385 : i32 to index
        %get3A_1402 = arith.constant 0 : index
        %get3A_1403 = tpu.vector_load %arg9[%get3A_1400, %get3A_1401, %get3A_1402] {strides = array<i32>} : memref<4x128x32xf32, #tpu.memory_space<vmem>>, vector<1x1x16xf32>,
        %get3A_1404 = vector.shape_cast %get3A_1403 : vector<1x1x16xf32> to vector<16xf32>
        %get3A_1405 = arith.constant 2 : i32
        %get3A_1406 = arith.index_cast %get3A_1405 : i32 to index
        %get3A_1407 = arith.index_cast %add3A_1385 : i32 to index
        %get3A_1408 = arith.constant 16 : index
        %get3A_1409 = tpu.vector_load %arg9[%get3A_1406, %get3A_1407, %get3A_1408] {strides = array<i32>} : memref<4x128x32xf32, #tpu.memory_space<vmem>>, vector<1x1x16xf32>,
        %get3A_1410 = vector.shape_cast %get3A_1409 : vector<1x1x16xf32> to vector<16xf32>
        %get3A_1411 = arith.constant 2 : i32
        %get3A_1412 = arith.index_cast %get3A_1411 : i32 to index
        %get3A_1413 = arith.index_cast %add3A_1385 : i32 to index
        %get3A_1414 = arith.constant 0 : index
        %get3A_1415 = tpu.vector_load %arg10[%get3A_1412, %get3A_1413, %get3A_1414] {strides = array<i32>} : memref<4x128x32xf32, #tpu.memory_space<vmem>>, vector<1x1x16xf32>,
        %get3A_1416 = vector.shape_cast %get3A_1415 : vector<1x1x16xf32> to vector<16xf32>
        %get3A_1417 = arith.constant 2 : i32
        %get3A_1418 = arith.index_cast %get3A_1417 : i32 to index
        %get3A_1419 = arith.index_cast %add3A_1385 : i32 to index
        %get3A_1420 = arith.constant 16 : index
        %get3A_1421 = tpu.vector_load %arg10[%get3A_1418, %get3A_1419, %get3A_1420] {strides = array<i32>} : memref<4x128x32xf32, #tpu.memory_space<vmem>>, vector<1x1x16xf32>,
        %get3A_1422 = vector.shape_cast %get3A_1421 : vector<1x1x16xf32> to vector<16xf32>
        %mul3A_1423 = arith.mulf %get3A_1404, %gather3A_1398 : vector<16xf32>
        %add3A_1424 = arith.addf %mul3A_1423, %get3A_1416 : vector<16xf32>
        %swap3A_1425 = arith.constant 2 : i32
        %swap3A_1426 = arith.index_cast %swap3A_1425 : i32 to index
        %swap3A_1427 = arith.index_cast %add3A_1385 : i32 to index
        %swap3A_1428 = arith.constant 0 : index
        %swap3A_1429 = tpu.vector_load %arg11[%swap3A_1426, %swap3A_1427, %swap3A_1428] {strides = array<i32>} : memref<4x128x32xf32, #tpu.memory_space<vmem>>, vector<1x1x16xf32>,
        %swap3A_1430 = vector.shape_cast %swap3A_1429 : vector<1x1x16xf32> to vector<16xf32>
        %swap3A_1431 = vector.shape_cast %add3A_1424 : vector<16xf32> to vector<1x1x16xf32>
        tpu.vector_store %arg11[%swap3A_1426, %swap3A_1427, %swap3A_1428], %swap3A_1431 {strides = array<i32>} : memref<4x128x32xf32, #tpu.memory_space<vmem>>, vector<1x1x16xf32>,
        %mul3A_1432 = arith.mulf %get3A_1410, %gather3A_1398 : vector<16xf32>
        %add3A_1433 = arith.addf %mul3A_1432, %get3A_1422 : vector<16xf32>
        %swap3A_1434 = arith.constant 2 : i32
        %swap3A_1435 = arith.index_cast %swap3A_1434 : i32 to index
        %swap3A_1436 = arith.index_cast %add3A_1385 : i32 to index
        %swap3A_1437 = arith.constant 16 : index
        %swap3A_1438 = tpu.vector_load %arg11[%swap3A_1435, %swap3A_1436, %swap3A_1437] {strides = array<i32>} : memref<4x128x32xf32, #tpu.memory_space<vmem>>, vector<1x1x16xf32>,
        %swap3A_1439 = vector.shape_cast %swap3A_1438 : vector<1x1x16xf32> to vector<16xf32>
        %swap3A_1440 = vector.shape_cast %add3A_1433 : vector<16xf32> to vector<1x1x16xf32>
        tpu.vector_store %arg11[%swap3A_1435, %swap3A_1436, %swap3A_1437], %swap3A_1440 {strides = array<i32>} : memref<4x128x32xf32, #tpu.memory_space<vmem>>, vector<1x1x16xf32>,
      }
      %scan3A_395 = arith.constant 8 : i32
      %mul3A_396 = arith.constant 104 : i32
      %mul3A_397 = arith.muli %add3A, %mul3A_396 : i32
      %add3A_398 = arith.addi %mul3A_397, %add3A_356 : i32
      %mul3A_399 = arith.constant 128 : i32
      %mul3A_400 = arith.muli %add3A_398, %mul3A_399 : i32
      %dma_start3A_401 = arith.constant 2 : i32
      %dma_start3A_402 = arith.constant 2 : i32
      %dma_start3A_403 = arith.constant 0 : i32
      %dma_start3A_404 = arith.constant 0 : i32
      %dma_start3A_405 = tpu.memref_slice %arg11[%dma_start3A_401, %dma_start3A_403, %dma_start3A_404] : memref<4x128x32xf32, #tpu.memory_space<vmem>> -> memref<1x128x32xf32, #tpu.memory_space<vmem>>
      %dma_start3A_406 = tpu.memref_squeeze %dma_start3A_405 : memref<1x128x32xf32, #tpu.memory_space<vmem>> -> memref<128x32xf32, #tpu.memory_space<vmem>>
      %dma_start3A_407 = arith.constant 0 : i32
      %dma_start3A_408 = tpu.memref_slice %arg6[%mul3A_400, %dma_start3A_407] : memref<425984x32xf32, #tpu.memory_space<hbm>> -> memref<128x32xf32, #tpu.memory_space<hbm>>
      %dma_start3A_409 = tpu.memref_slice %arg14[%dma_start3A_402] : memref<4x!tpu.dma_semaphore, #tpu.memory_space<semaphore_mem>> -> memref<1x!tpu.dma_semaphore, #tpu.memory_space<semaphore_mem>>
      %dma_start3A_410 = tpu.memref_squeeze %dma_start3A_409 : memref<1x!tpu.dma_semaphore, #tpu.memory_space<semaphore_mem>> -> memref<!tpu.dma_semaphore, #tpu.memory_space<semaphore_mem>>
      %dma_start3A_411 = arith.constant 0 : i32
      %dma_start3A_412 = tpu.memref_slice %arg6[%mul3A_400, %dma_start3A_411] : memref<425984x32xf32, #tpu.memory_space<hbm>> -> memref<128x32xf32, #tpu.memory_space<hbm>>
      %dma_start3A_413 = arith.constant 0 : i32
      %dma_start3A_414 = arith.constant 0 : i32
      %dma_start3A_415 = tpu.memref_slice %arg11[%dma_start3A_401, %dma_start3A_413, %dma_start3A_414] : memref<4x128x32xf32, #tpu.memory_space<vmem>> -> memref<1x128x32xf32, #tpu.memory_space<vmem>>
      %dma_start3A_416 = tpu.memref_squeeze %dma_start3A_415 : memref<1x128x32xf32, #tpu.memory_space<vmem>> -> memref<128x32xf32, #tpu.memory_space<vmem>>
      tpu.enqueue_dma source(%dma_start3A_416 : memref<128x32xf32, #tpu.memory_space<vmem>>) target(%dma_start3A_412 : memref<128x32xf32, #tpu.memory_space<hbm>>) target_semaphore(%dma_start3A_410 : memref<!tpu.dma_semaphore, #tpu.memory_space<semaphore_mem>>)
      %add3A_417 = arith.constant 4 : i32
      %add3A_418 = arith.addi %add3A_356, %add3A_417 : i32
      %lt3A_419 = arith.constant 104 : i32
      %lt3A_420 = arith.cmpi slt, %add3A_418, %lt3A_419 : i32
      %convert_element_type3A_421 = arith.extui %lt3A_420 : i1 to i32
      %cond3A_422 = arith.constant 0 : i32
      %cond3A_423 = arith.cmpi ne, %convert_element_type3A_421, %cond3A_422 : i32
      scf.if %cond3A_423 {
        %add3A_493 = arith.constant 4 : i32
        %add3A_494 = arith.addi %add3A_356, %add3A_493 : i32
        %dma_start3A_495 = arith.constant 2 : i32
        %dma_start3A_496 = arith.constant 2 : i32
        %dma_start3A_497 = arith.constant 0 : i32
        %dma_start3A_498 = arith.constant 0 : i32
        %dma_start3A_499 = tpu.memref_slice %arg9[%dma_start3A_495, %dma_start3A_497, %dma_start3A_498] : memref<4x128x32xf32, #tpu.memory_space<vmem>> -> memref<1x128x32xf32, #tpu.memory_space<vmem>>
        %dma_start3A_500 = tpu.memref_squeeze %dma_start3A_499 : memref<1x128x32xf32, #tpu.memory_space<vmem>> -> memref<128x32xf32, #tpu.memory_space<vmem>>
        %dma_start3A_501 = arith.constant 0 : i32
        %dma_start3A_502 = tpu.memref_slice %arg7[%add3A_494, %dma_start3A_501] : memref<104x128xi32, #tpu.memory_space<vmem>> -> memref<1x128xi32, #tpu.memory_space<vmem>>
        %dma_start3A_503 = tpu.memref_squeeze %dma_start3A_502 : memref<1x128xi32, #tpu.memory_space<vmem>> -> memref<128xi32, #tpu.memory_space<vmem>>
        %dma_start3A_504 = arith.constant 0 : i32
        %dma_start3A_505 = arith.constant 0 : i32
        %dma_start3A_506 = tpu.memref_slice %arg4[%dma_start3A_504, %dma_start3A_505] : memref<1000001x32xf32, #tpu.memory_space<hbm>> -> memref<1000001x32xf32, #tpu.memory_space<hbm>>
        %dma_start3A_507 = tpu.memref_slice %arg12[%dma_start3A_496] : memref<4x!tpu.dma_semaphore, #tpu.memory_space<semaphore_mem>> -> memref<1x!tpu.dma_semaphore, #tpu.memory_space<semaphore_mem>>
        %dma_start3A_508 = tpu.memref_squeeze %dma_start3A_507 : memref<1x!tpu.dma_semaphore, #tpu.memory_space<semaphore_mem>> -> memref<!tpu.dma_semaphore, #tpu.memory_space<semaphore_mem>>
        tpu.enqueue_indirect_dma source(%dma_start3A_506 : memref<1000001x32xf32, #tpu.memory_space<hbm>>) target(%dma_start3A_500 : memref<128x32xf32, #tpu.memory_space<vmem>>) offsets(%dma_start3A_503 : memref<128xi32, #tpu.memory_space<vmem>>) semaphore(%dma_start3A_508 : memref<!tpu.dma_semaphore, #tpu.memory_space<semaphore_mem>>)
        %dma_start3A_509 = arith.constant 2 : i32
        %dma_start3A_510 = arith.constant 2 : i32
        %dma_start3A_511 = arith.constant 0 : i32
        %dma_start3A_512 = arith.constant 0 : i32
        %dma_start3A_513 = tpu.memref_slice %arg10[%dma_start3A_509, %dma_start3A_511, %dma_start3A_512] : memref<4x128x32xf32, #tpu.memory_space<vmem>> -> memref<1x128x32xf32, #tpu.memory_space<vmem>>
        %dma_start3A_514 = tpu.memref_squeeze %dma_start3A_513 : memref<1x128x32xf32, #tpu.memory_space<vmem>> -> memref<128x32xf32, #tpu.memory_space<vmem>>
        %dma_start3A_515 = arith.constant 0 : i32
        %dma_start3A_516 = tpu.memref_slice %arg7[%add3A_494, %dma_start3A_515] : memref<104x128xi32, #tpu.memory_space<vmem>> -> memref<1x128xi32, #tpu.memory_space<vmem>>
        %dma_start3A_517 = tpu.memref_squeeze %dma_start3A_516 : memref<1x128xi32, #tpu.memory_space<vmem>> -> memref<128xi32, #tpu.memory_space<vmem>>
        %dma_start3A_518 = arith.constant 0 : i32
        %dma_start3A_519 = arith.constant 0 : i32
        %dma_start3A_520 = tpu.memref_slice %arg5[%dma_start3A_518, %dma_start3A_519] : memref<1000001x32xf32, #tpu.memory_space<hbm>> -> memref<1000001x32xf32, #tpu.memory_space<hbm>>
        %dma_start3A_521 = tpu.memref_slice %arg13[%dma_start3A_510] : memref<4x!tpu.dma_semaphore, #tpu.memory_space<semaphore_mem>> -> memref<1x!tpu.dma_semaphore, #tpu.memory_space<semaphore_mem>>
        %dma_start3A_522 = tpu.memref_squeeze %dma_start3A_521 : memref<1x!tpu.dma_semaphore, #tpu.memory_space<semaphore_mem>> -> memref<!tpu.dma_semaphore, #tpu.memory_space<semaphore_mem>>
        tpu.enqueue_indirect_dma source(%dma_start3A_520 : memref<1000001x32xf32, #tpu.memory_space<hbm>>) target(%dma_start3A_514 : memref<128x32xf32, #tpu.memory_space<vmem>>) offsets(%dma_start3A_517 : memref<128xi32, #tpu.memory_space<vmem>>) semaphore(%dma_start3A_522 : memref<!tpu.dma_semaphore, #tpu.memory_space<semaphore_mem>>)
      } else {
      }
      %add3A_424 = arith.constant 3 : i32
      %add3A_425 = arith.addi %add3A_220, %add3A_424 : i32
      %ge3A_426 = arith.constant 4 : i32
      %ge3A_427 = arith.cmpi sge, %add3A_425, %ge3A_426 : i32
      %convert_element_type3A_428 = arith.extui %ge3A_427 : i1 to i32
      %cond3A_429 = arith.constant 0 : i32
      %cond3A_430 = arith.cmpi ne, %convert_element_type3A_428, %cond3A_429 : i32
      scf.if %cond3A_430 {
        %sub3A = arith.constant 4 : i32
        %sub3A_493 = arith.subi %add3A_425, %sub3A : i32
        %mul3A_494 = arith.constant 104 : i32
        %mul3A_495 = arith.muli %add3A, %mul3A_494 : i32
        %add3A_496 = arith.addi %mul3A_495, %sub3A_493 : i32
        %mul3A_497 = arith.constant 128 : i32
        %mul3A_498 = arith.muli %add3A_496, %mul3A_497 : i32
        %dma_wait3A_499 = arith.constant 3 : i32
        %dma_wait3A_500 = arith.constant 3 : i32
        %dma_wait3A_501 = arith.constant 0 : i32
        %dma_wait3A_502 = arith.constant 0 : i32
        %dma_wait3A_503 = tpu.memref_slice %arg11[%dma_wait3A_499, %dma_wait3A_501, %dma_wait3A_502] : memref<4x128x32xf32, #tpu.memory_space<vmem>> -> memref<1x128x32xf32, #tpu.memory_space<vmem>>
        %dma_wait3A_504 = tpu.memref_squeeze %dma_wait3A_503 : memref<1x128x32xf32, #tpu.memory_space<vmem>> -> memref<128x32xf32, #tpu.memory_space<vmem>>
        %dma_wait3A_505 = arith.constant 0 : i32
        %dma_wait3A_506 = tpu.memref_slice %arg6[%mul3A_498, %dma_wait3A_505] : memref<425984x32xf32, #tpu.memory_space<hbm>> -> memref<128x32xf32, #tpu.memory_space<hbm>>
        %dma_wait3A_507 = tpu.memref_slice %arg14[%dma_wait3A_500] : memref<4x!tpu.dma_semaphore, #tpu.memory_space<semaphore_mem>> -> memref<1x!tpu.dma_semaphore, #tpu.memory_space<semaphore_mem>>
        %dma_wait3A_508 = tpu.memref_squeeze %dma_wait3A_507 : memref<1x!tpu.dma_semaphore, #tpu.memory_space<semaphore_mem>> -> memref<!tpu.dma_semaphore, #tpu.memory_space<semaphore_mem>>
        %dma_wait3A_509 = arith.constant 0 : i32
        %dma_wait3A_510 = tpu.memref_slice %arg6[%mul3A_498, %dma_wait3A_509] : memref<425984x32xf32, #tpu.memory_space<hbm>> -> memref<128x32xf32, #tpu.memory_space<hbm>>
        %dma_wait3A_511 = arith.constant 0 : i32
        %dma_wait3A_512 = arith.constant 0 : i32
        %dma_wait3A_513 = tpu.memref_slice %arg11[%dma_wait3A_499, %dma_wait3A_511, %dma_wait3A_512] : memref<4x128x32xf32, #tpu.memory_space<vmem>> -> memref<1x128x32xf32, #tpu.memory_space<vmem>>
        %dma_wait3A_514 = tpu.memref_squeeze %dma_wait3A_513 : memref<1x128x32xf32, #tpu.memory_space<vmem>> -> memref<128x32xf32, #tpu.memory_space<vmem>>
        tpu.wait_dma2 semaphore(%dma_wait3A_508 : memref<!tpu.dma_semaphore, #tpu.memory_space<semaphore_mem>>) src(%dma_wait3A_514 : memref<128x32xf32, #tpu.memory_space<vmem>>) dst(%dma_wait3A_510 : memref<128x32xf32, #tpu.memory_space<hbm>>)
      } else {
      }
      %dma_wait3A_431 = arith.constant 3 : i32
      %dma_wait3A_432 = arith.constant 3 : i32
      %dma_wait3A_433 = arith.constant 0 : i32
      %dma_wait3A_434 = arith.constant 0 : i32
      %dma_wait3A_435 = tpu.memref_slice %arg9[%dma_wait3A_431, %dma_wait3A_433, %dma_wait3A_434] : memref<4x128x32xf32, #tpu.memory_space<vmem>> -> memref<1x128x32xf32, #tpu.memory_space<vmem>>
      %dma_wait3A_436 = tpu.memref_squeeze %dma_wait3A_435 : memref<1x128x32xf32, #tpu.memory_space<vmem>> -> memref<128x32xf32, #tpu.memory_space<vmem>>
      %dma_wait3A_437 = arith.constant 0 : i32
      %dma_wait3A_438 = tpu.memref_slice %arg7[%add3A_425, %dma_wait3A_437] : memref<104x128xi32, #tpu.memory_space<vmem>> -> memref<1x128xi32, #tpu.memory_space<vmem>>
      %dma_wait3A_439 = tpu.memref_squeeze %dma_wait3A_438 : memref<1x128xi32, #tpu.memory_space<vmem>> -> memref<128xi32, #tpu.memory_space<vmem>>
      %dma_wait3A_440 = arith.constant 0 : i32
      %dma_wait3A_441 = arith.constant 0 : i32
      %dma_wait3A_442 = tpu.memref_slice %arg4[%dma_wait3A_440, %dma_wait3A_441] : memref<1000001x32xf32, #tpu.memory_space<hbm>> -> memref<1000001x32xf32, #tpu.memory_space<hbm>>
      %dma_wait3A_443 = tpu.memref_slice %arg12[%dma_wait3A_432] : memref<4x!tpu.dma_semaphore, #tpu.memory_space<semaphore_mem>> -> memref<1x!tpu.dma_semaphore, #tpu.memory_space<semaphore_mem>>
      %dma_wait3A_444 = tpu.memref_squeeze %dma_wait3A_443 : memref<1x!tpu.dma_semaphore, #tpu.memory_space<semaphore_mem>> -> memref<!tpu.dma_semaphore, #tpu.memory_space<semaphore_mem>>
      tpu.wait_indirect_dma semaphore(%dma_wait3A_444 : memref<!tpu.dma_semaphore, #tpu.memory_space<semaphore_mem>>) src(%dma_wait3A_442 : memref<1000001x32xf32, #tpu.memory_space<hbm>>) dst(%dma_wait3A_436 : memref<128x32xf32, #tpu.memory_space<vmem>>)
      %dma_wait3A_445 = arith.constant 3 : i32
      %dma_wait3A_446 = arith.constant 3 : i32
      %dma_wait3A_447 = arith.constant 0 : i32
      %dma_wait3A_448 = arith.constant 0 : i32
      %dma_wait3A_449 = tpu.memref_slice %arg10[%dma_wait3A_445, %dma_wait3A_447, %dma_wait3A_448] : memref<4x128x32xf32, #tpu.memory_space<vmem>> -> memref<1x128x32xf32, #tpu.memory_space<vmem>>
      %dma_wait3A_450 = tpu.memref_squeeze %dma_wait3A_449 : memref<1x128x32xf32, #tpu.memory_space<vmem>> -> memref<128x32xf32, #tpu.memory_space<vmem>>
      %dma_wait3A_451 = arith.constant 0 : i32
      %dma_wait3A_452 = tpu.memref_slice %arg7[%add3A_425, %dma_wait3A_451] : memref<104x128xi32, #tpu.memory_space<vmem>> -> memref<1x128xi32, #tpu.memory_space<vmem>>
      %dma_wait3A_453 = tpu.memref_squeeze %dma_wait3A_452 : memref<1x128xi32, #tpu.memory_space<vmem>> -> memref<128xi32, #tpu.memory_space<vmem>>
      %dma_wait3A_454 = arith.constant 0 : i32
      %dma_wait3A_455 = arith.constant 0 : i32
      %dma_wait3A_456 = tpu.memref_slice %arg5[%dma_wait3A_454, %dma_wait3A_455] : memref<1000001x32xf32, #tpu.memory_space<hbm>> -> memref<1000001x32xf32, #tpu.memory_space<hbm>>
      %dma_wait3A_457 = tpu.memref_slice %arg13[%dma_wait3A_446] : memref<4x!tpu.dma_semaphore, #tpu.memory_space<semaphore_mem>> -> memref<1x!tpu.dma_semaphore, #tpu.memory_space<semaphore_mem>>
      %dma_wait3A_458 = tpu.memref_squeeze %dma_wait3A_457 : memref<1x!tpu.dma_semaphore, #tpu.memory_space<semaphore_mem>> -> memref<!tpu.dma_semaphore, #tpu.memory_space<semaphore_mem>>
      tpu.wait_indirect_dma semaphore(%dma_wait3A_458 : memref<!tpu.dma_semaphore, #tpu.memory_space<semaphore_mem>>) src(%dma_wait3A_456 : memref<1000001x32xf32, #tpu.memory_space<hbm>>) dst(%dma_wait3A_450 : memref<128x32xf32, #tpu.memory_space<vmem>>)
      %scan3A_459 = arith.constant 0 : i32
      %scan3A_460 = arith.constant 0 : i32
      %scan3A_461 = arith.constant 8 : i32
      %scan3A_462 = arith.addi %scan3A_460, %scan3A_461 : i32
      %scan3A_463 = arith.constant 1 : i32
      scf.for %scan3A_493 = %scan3A_460 to %scan3A_462 step %scan3A_463  : i32 {
        %mul3A_494 = arith.constant 128 : i32
        %mul3A_495 = arith.muli %add3A_425, %mul3A_494 : i32
        %mul3A_496 = arith.constant 16 : i32
        %mul3A_497 = arith.muli %scan3A_493, %mul3A_496 : i32
        %add3A_498 = arith.addi %mul3A_495, %mul3A_497 : i32
        %get3A = arith.index_cast %add3A_498 : i32 to index
        %get3A_499 = tpu.vector_load %arg8[%get3A] {strides = array<i32>} : memref<13312xf32, #tpu.memory_space<vmem>>, vector<16xf32>,
        %get3A_500 = vector.shape_cast %get3A_499 : vector<16xf32> to vector<16xf32>
        %mul3A_501 = arith.constant 16 : i32
        %mul3A_502 = arith.muli %scan3A_493, %mul3A_501 : i32
        %add3A_503 = arith.constant 0 : i32
        %add3A_504 = arith.addi %mul3A_502, %add3A_503 : i32
        %add3A_505 = arith.constant 0 : i32
        %add3A_506 = vector.broadcast %add3A_505 : i32 to vector<16xi32>
        %add3A_507 = arith.addi %mul3A_5, %add3A_506 : vector<16xi32>
        %lt3A_508 = arith.constant 0 : i32
        %lt3A_509 = vector.broadcast %lt3A_508 : i32 to vector<16xi32>
        %lt3A_510 = arith.cmpi slt, %add3A_507, %lt3A_509 : vector<16xi32>
        %add3A_511 = arith.constant 16 : i32
        %add3A_512 = vector.broadcast %add3A_511 : i32 to vector<16xi32>
        %add3A_513 = arith.addi %add3A_507, %add3A_512 : vector<16xi32>
        %select_n3A = arith.select %lt3A_510, %add3A_513, %add3A_507 : vector<16xi1>, vector<16xi32>
        %broadcast_in_dim3A = vector.shape_cast %select_n3A : vector<16xi32> to vector<16x1xi32>
        %gather3A = vector.shape_cast %broadcast_in_dim3A : vector<16x1xi32> to vector<16xi32>
        %gather3A_514 = tpu.dynamic_gather %get3A_500[%gather3A] in [0] : vector<16xf32>, vector<16xi32> -> vector<16xf32>
        %get3A_515 = arith.constant 3 : i32
        %get3A_516 = arith.index_cast %get3A_515 : i32 to index
        %get3A_517 = arith.index_cast %add3A_504 : i32 to index
        %get3A_518 = arith.constant 0 : index
        %get3A_519 = tpu.vector_load %arg9[%get3A_516, %get3A_517, %get3A_518] {strides = array<i32>} : memref<4x128x32xf32, #tpu.memory_space<vmem>>, vector<1x1x16xf32>,
        %get3A_520 = vector.shape_cast %get3A_519 : vector<1x1x16xf32> to vector<16xf32>
        %get3A_521 = arith.constant 3 : i32
        %get3A_522 = arith.index_cast %get3A_521 : i32 to index
        %get3A_523 = arith.index_cast %add3A_504 : i32 to index
        %get3A_524 = arith.constant 16 : index
        %get3A_525 = tpu.vector_load %arg9[%get3A_522, %get3A_523, %get3A_524] {strides = array<i32>} : memref<4x128x32xf32, #tpu.memory_space<vmem>>, vector<1x1x16xf32>,
        %get3A_526 = vector.shape_cast %get3A_525 : vector<1x1x16xf32> to vector<16xf32>
        %get3A_527 = arith.constant 3 : i32
        %get3A_528 = arith.index_cast %get3A_527 : i32 to index
        %get3A_529 = arith.index_cast %add3A_504 : i32 to index
        %get3A_530 = arith.constant 0 : index
        %get3A_531 = tpu.vector_load %arg10[%get3A_528, %get3A_529, %get3A_530] {strides = array<i32>} : memref<4x128x32xf32, #tpu.memory_space<vmem>>, vector<1x1x16xf32>,
        %get3A_532 = vector.shape_cast %get3A_531 : vector<1x1x16xf32> to vector<16xf32>
        %get3A_533 = arith.constant 3 : i32
        %get3A_534 = arith.index_cast %get3A_533 : i32 to index
        %get3A_535 = arith.index_cast %add3A_504 : i32 to index
        %get3A_536 = arith.constant 16 : index
        %get3A_537 = tpu.vector_load %arg10[%get3A_534, %get3A_535, %get3A_536] {strides = array<i32>} : memref<4x128x32xf32, #tpu.memory_space<vmem>>, vector<1x1x16xf32>,
        %get3A_538 = vector.shape_cast %get3A_537 : vector<1x1x16xf32> to vector<16xf32>
        %mul3A_539 = arith.mulf %get3A_520, %gather3A_514 : vector<16xf32>
        %add3A_540 = arith.addf %mul3A_539, %get3A_532 : vector<16xf32>
        %swap3A = arith.constant 3 : i32
        %swap3A_541 = arith.index_cast %swap3A : i32 to index
        %swap3A_542 = arith.index_cast %add3A_504 : i32 to index
        %swap3A_543 = arith.constant 0 : index
        %swap3A_544 = tpu.vector_load %arg11[%swap3A_541, %swap3A_542, %swap3A_543] {strides = array<i32>} : memref<4x128x32xf32, #tpu.memory_space<vmem>>, vector<1x1x16xf32>,
        %swap3A_545 = vector.shape_cast %swap3A_544 : vector<1x1x16xf32> to vector<16xf32>
        %swap3A_546 = vector.shape_cast %add3A_540 : vector<16xf32> to vector<1x1x16xf32>
        tpu.vector_store %arg11[%swap3A_541, %swap3A_542, %swap3A_543], %swap3A_546 {strides = array<i32>} : memref<4x128x32xf32, #tpu.memory_space<vmem>>, vector<1x1x16xf32>,
        %mul3A_547 = arith.mulf %get3A_526, %gather3A_514 : vector<16xf32>
        %add3A_548 = arith.addf %mul3A_547, %get3A_538 : vector<16xf32>
        %swap3A_549 = arith.constant 3 : i32
        %swap3A_550 = arith.index_cast %swap3A_549 : i32 to index
        %swap3A_551 = arith.index_cast %add3A_504 : i32 to index
        %swap3A_552 = arith.constant 16 : index
        %swap3A_553 = tpu.vector_load %arg11[%swap3A_550, %swap3A_551, %swap3A_552] {strides = array<i32>} : memref<4x128x32xf32, #tpu.memory_space<vmem>>, vector<1x1x16xf32>,
        %swap3A_554 = vector.shape_cast %swap3A_553 : vector<1x1x16xf32> to vector<16xf32>
        %swap3A_555 = vector.shape_cast %add3A_548 : vector<16xf32> to vector<1x1x16xf32>
        tpu.vector_store %arg11[%swap3A_550, %swap3A_551, %swap3A_552], %swap3A_555 {strides = array<i32>} : memref<4x128x32xf32, #tpu.memory_space<vmem>>, vector<1x1x16xf32>,
        %mul3A_556 = arith.constant 16 : i32
        %mul3A_557 = arith.muli %scan3A_493, %mul3A_556 : i32
        %add3A_558 = arith.constant 1 : i32
        %add3A_559 = arith.addi %mul3A_557, %add3A_558 : i32
        %add3A_560 = arith.constant 1 : i32
        %add3A_561 = vector.broadcast %add3A_560 : i32 to vector<16xi32>
        %add3A_562 = arith.addi %mul3A_5, %add3A_561 : vector<16xi32>
        %lt3A_563 = arith.constant 0 : i32
        %lt3A_564 = vector.broadcast %lt3A_563 : i32 to vector<16xi32>
        %lt3A_565 = arith.cmpi slt, %add3A_562, %lt3A_564 : vector<16xi32>
        %add3A_566 = arith.constant 16 : i32
        %add3A_567 = vector.broadcast %add3A_566 : i32 to vector<16xi32>
        %add3A_568 = arith.addi %add3A_562, %add3A_567 : vector<16xi32>
        %select_n3A_569 = arith.select %lt3A_565, %add3A_568, %add3A_562 : vector<16xi1>, vector<16xi32>
        %broadcast_in_dim3A_570 = vector.shape_cast %select_n3A_569 : vector<16xi32> to vector<16x1xi32>
        %gather3A_571 = vector.shape_cast %broadcast_in_dim3A_570 : vector<16x1xi32> to vector<16xi32>
        %gather3A_572 = tpu.dynamic_gather %get3A_500[%gather3A_571] in [0] : vector<16xf32>, vector<16xi32> -> vector<16xf32>
        %get3A_573 = arith.constant 3 : i32
        %get3A_574 = arith.index_cast %get3A_573 : i32 to index
        %get3A_575 = arith.index_cast %add3A_559 : i32 to index
        %get3A_576 = arith.constant 0 : index
        %get3A_577 = tpu.vector_load %arg9[%get3A_574, %get3A_575, %get3A_576] {strides = array<i32>} : memref<4x128x32xf32, #tpu.memory_space<vmem>>, vector<1x1x16xf32>,
        %get3A_578 = vector.shape_cast %get3A_577 : vector<1x1x16xf32> to vector<16xf32>
        %get3A_579 = arith.constant 3 : i32
        %get3A_580 = arith.index_cast %get3A_579 : i32 to index
        %get3A_581 = arith.index_cast %add3A_559 : i32 to index
        %get3A_582 = arith.constant 16 : index
        %get3A_583 = tpu.vector_load %arg9[%get3A_580, %get3A_581, %get3A_582] {strides = array<i32>} : memref<4x128x32xf32, #tpu.memory_space<vmem>>, vector<1x1x16xf32>,
        %get3A_584 = vector.shape_cast %get3A_583 : vector<1x1x16xf32> to vector<16xf32>
        %get3A_585 = arith.constant 3 : i32
        %get3A_586 = arith.index_cast %get3A_585 : i32 to index
        %get3A_587 = arith.index_cast %add3A_559 : i32 to index
        %get3A_588 = arith.constant 0 : index
        %get3A_589 = tpu.vector_load %arg10[%get3A_586, %get3A_587, %get3A_588] {strides = array<i32>} : memref<4x128x32xf32, #tpu.memory_space<vmem>>, vector<1x1x16xf32>,
        %get3A_590 = vector.shape_cast %get3A_589 : vector<1x1x16xf32> to vector<16xf32>
        %get3A_591 = arith.constant 3 : i32
        %get3A_592 = arith.index_cast %get3A_591 : i32 to index
        %get3A_593 = arith.index_cast %add3A_559 : i32 to index
        %get3A_594 = arith.constant 16 : index
        %get3A_595 = tpu.vector_load %arg10[%get3A_592, %get3A_593, %get3A_594] {strides = array<i32>} : memref<4x128x32xf32, #tpu.memory_space<vmem>>, vector<1x1x16xf32>,
        %get3A_596 = vector.shape_cast %get3A_595 : vector<1x1x16xf32> to vector<16xf32>
        %mul3A_597 = arith.mulf %get3A_578, %gather3A_572 : vector<16xf32>
        %add3A_598 = arith.addf %mul3A_597, %get3A_590 : vector<16xf32>
        %swap3A_599 = arith.constant 3 : i32
        %swap3A_600 = arith.index_cast %swap3A_599 : i32 to index
        %swap3A_601 = arith.index_cast %add3A_559 : i32 to index
        %swap3A_602 = arith.constant 0 : index
        %swap3A_603 = tpu.vector_load %arg11[%swap3A_600, %swap3A_601, %swap3A_602] {strides = array<i32>} : memref<4x128x32xf32, #tpu.memory_space<vmem>>, vector<1x1x16xf32>,
        %swap3A_604 = vector.shape_cast %swap3A_603 : vector<1x1x16xf32> to vector<16xf32>
        %swap3A_605 = vector.shape_cast %add3A_598 : vector<16xf32> to vector<1x1x16xf32>
        tpu.vector_store %arg11[%swap3A_600, %swap3A_601, %swap3A_602], %swap3A_605 {strides = array<i32>} : memref<4x128x32xf32, #tpu.memory_space<vmem>>, vector<1x1x16xf32>,
        %mul3A_606 = arith.mulf %get3A_584, %gather3A_572 : vector<16xf32>
        %add3A_607 = arith.addf %mul3A_606, %get3A_596 : vector<16xf32>
        %swap3A_608 = arith.constant 3 : i32
        %swap3A_609 = arith.index_cast %swap3A_608 : i32 to index
        %swap3A_610 = arith.index_cast %add3A_559 : i32 to index
        %swap3A_611 = arith.constant 16 : index
        %swap3A_612 = tpu.vector_load %arg11[%swap3A_609, %swap3A_610, %swap3A_611] {strides = array<i32>} : memref<4x128x32xf32, #tpu.memory_space<vmem>>, vector<1x1x16xf32>,
        %swap3A_613 = vector.shape_cast %swap3A_612 : vector<1x1x16xf32> to vector<16xf32>
        %swap3A_614 = vector.shape_cast %add3A_607 : vector<16xf32> to vector<1x1x16xf32>
        tpu.vector_store %arg11[%swap3A_609, %swap3A_610, %swap3A_611], %swap3A_614 {strides = array<i32>} : memref<4x128x32xf32, #tpu.memory_space<vmem>>, vector<1x1x16xf32>,
        %mul3A_615 = arith.constant 16 : i32
        %mul3A_616 = arith.muli %scan3A_493, %mul3A_615 : i32
        %add3A_617 = arith.constant 2 : i32
        %add3A_618 = arith.addi %mul3A_616, %add3A_617 : i32
        %add3A_619 = arith.constant 2 : i32
        %add3A_620 = vector.broadcast %add3A_619 : i32 to vector<16xi32>
        %add3A_621 = arith.addi %mul3A_5, %add3A_620 : vector<16xi32>
        %lt3A_622 = arith.constant 0 : i32
        %lt3A_623 = vector.broadcast %lt3A_622 : i32 to vector<16xi32>
        %lt3A_624 = arith.cmpi slt, %add3A_621, %lt3A_623 : vector<16xi32>
        %add3A_625 = arith.constant 16 : i32
        %add3A_626 = vector.broadcast %add3A_625 : i32 to vector<16xi32>
        %add3A_627 = arith.addi %add3A_621, %add3A_626 : vector<16xi32>
        %select_n3A_628 = arith.select %lt3A_624, %add3A_627, %add3A_621 : vector<16xi1>, vector<16xi32>
        %broadcast_in_dim3A_629 = vector.shape_cast %select_n3A_628 : vector<16xi32> to vector<16x1xi32>
        %gather3A_630 = vector.shape_cast %broadcast_in_dim3A_629 : vector<16x1xi32> to vector<16xi32>
        %gather3A_631 = tpu.dynamic_gather %get3A_500[%gather3A_630] in [0] : vector<16xf32>, vector<16xi32> -> vector<16xf32>
        %get3A_632 = arith.constant 3 : i32
        %get3A_633 = arith.index_cast %get3A_632 : i32 to index
        %get3A_634 = arith.index_cast %add3A_618 : i32 to index
        %get3A_635 = arith.constant 0 : index
        %get3A_636 = tpu.vector_load %arg9[%get3A_633, %get3A_634, %get3A_635] {strides = array<i32>} : memref<4x128x32xf32, #tpu.memory_space<vmem>>, vector<1x1x16xf32>,
        %get3A_637 = vector.shape_cast %get3A_636 : vector<1x1x16xf32> to vector<16xf32>
        %get3A_638 = arith.constant 3 : i32
        %get3A_639 = arith.index_cast %get3A_638 : i32 to index
        %get3A_640 = arith.index_cast %add3A_618 : i32 to index
        %get3A_641 = arith.constant 16 : index
        %get3A_642 = tpu.vector_load %arg9[%get3A_639, %get3A_640, %get3A_641] {strides = array<i32>} : memref<4x128x32xf32, #tpu.memory_space<vmem>>, vector<1x1x16xf32>,
        %get3A_643 = vector.shape_cast %get3A_642 : vector<1x1x16xf32> to vector<16xf32>
        %get3A_644 = arith.constant 3 : i32
        %get3A_645 = arith.index_cast %get3A_644 : i32 to index
        %get3A_646 = arith.index_cast %add3A_618 : i32 to index
        %get3A_647 = arith.constant 0 : index
        %get3A_648 = tpu.vector_load %arg10[%get3A_645, %get3A_646, %get3A_647] {strides = array<i32>} : memref<4x128x32xf32, #tpu.memory_space<vmem>>, vector<1x1x16xf32>,
        %get3A_649 = vector.shape_cast %get3A_648 : vector<1x1x16xf32> to vector<16xf32>
        %get3A_650 = arith.constant 3 : i32
        %get3A_651 = arith.index_cast %get3A_650 : i32 to index
        %get3A_652 = arith.index_cast %add3A_618 : i32 to index
        %get3A_653 = arith.constant 16 : index
        %get3A_654 = tpu.vector_load %arg10[%get3A_651, %get3A_652, %get3A_653] {strides = array<i32>} : memref<4x128x32xf32, #tpu.memory_space<vmem>>, vector<1x1x16xf32>,
        %get3A_655 = vector.shape_cast %get3A_654 : vector<1x1x16xf32> to vector<16xf32>
        %mul3A_656 = arith.mulf %get3A_637, %gather3A_631 : vector<16xf32>
        %add3A_657 = arith.addf %mul3A_656, %get3A_649 : vector<16xf32>
        %swap3A_658 = arith.constant 3 : i32
        %swap3A_659 = arith.index_cast %swap3A_658 : i32 to index
        %swap3A_660 = arith.index_cast %add3A_618 : i32 to index
        %swap3A_661 = arith.constant 0 : index
        %swap3A_662 = tpu.vector_load %arg11[%swap3A_659, %swap3A_660, %swap3A_661] {strides = array<i32>} : memref<4x128x32xf32, #tpu.memory_space<vmem>>, vector<1x1x16xf32>,
        %swap3A_663 = vector.shape_cast %swap3A_662 : vector<1x1x16xf32> to vector<16xf32>
        %swap3A_664 = vector.shape_cast %add3A_657 : vector<16xf32> to vector<1x1x16xf32>
        tpu.vector_store %arg11[%swap3A_659, %swap3A_660, %swap3A_661], %swap3A_664 {strides = array<i32>} : memref<4x128x32xf32, #tpu.memory_space<vmem>>, vector<1x1x16xf32>,
        %mul3A_665 = arith.mulf %get3A_643, %gather3A_631 : vector<16xf32>
        %add3A_666 = arith.addf %mul3A_665, %get3A_655 : vector<16xf32>
        %swap3A_667 = arith.constant 3 : i32
        %swap3A_668 = arith.index_cast %swap3A_667 : i32 to index
        %swap3A_669 = arith.index_cast %add3A_618 : i32 to index
        %swap3A_670 = arith.constant 16 : index
        %swap3A_671 = tpu.vector_load %arg11[%swap3A_668, %swap3A_669, %swap3A_670] {strides = array<i32>} : memref<4x128x32xf32, #tpu.memory_space<vmem>>, vector<1x1x16xf32>,
        %swap3A_672 = vector.shape_cast %swap3A_671 : vector<1x1x16xf32> to vector<16xf32>
        %swap3A_673 = vector.shape_cast %add3A_666 : vector<16xf32> to vector<1x1x16xf32>
        tpu.vector_store %arg11[%swap3A_668, %swap3A_669, %swap3A_670], %swap3A_673 {strides = array<i32>} : memref<4x128x32xf32, #tpu.memory_space<vmem>>, vector<1x1x16xf32>,
        %mul3A_674 = arith.constant 16 : i32
        %mul3A_675 = arith.muli %scan3A_493, %mul3A_674 : i32
        %add3A_676 = arith.constant 3 : i32
        %add3A_677 = arith.addi %mul3A_675, %add3A_676 : i32
        %add3A_678 = arith.constant 3 : i32
        %add3A_679 = vector.broadcast %add3A_678 : i32 to vector<16xi32>
        %add3A_680 = arith.addi %mul3A_5, %add3A_679 : vector<16xi32>
        %lt3A_681 = arith.constant 0 : i32
        %lt3A_682 = vector.broadcast %lt3A_681 : i32 to vector<16xi32>
        %lt3A_683 = arith.cmpi slt, %add3A_680, %lt3A_682 : vector<16xi32>
        %add3A_684 = arith.constant 16 : i32
        %add3A_685 = vector.broadcast %add3A_684 : i32 to vector<16xi32>
        %add3A_686 = arith.addi %add3A_680, %add3A_685 : vector<16xi32>
        %select_n3A_687 = arith.select %lt3A_683, %add3A_686, %add3A_680 : vector<16xi1>, vector<16xi32>
        %broadcast_in_dim3A_688 = vector.shape_cast %select_n3A_687 : vector<16xi32> to vector<16x1xi32>
        %gather3A_689 = vector.shape_cast %broadcast_in_dim3A_688 : vector<16x1xi32> to vector<16xi32>
        %gather3A_690 = tpu.dynamic_gather %get3A_500[%gather3A_689] in [0] : vector<16xf32>, vector<16xi32> -> vector<16xf32>
        %get3A_691 = arith.constant 3 : i32
        %get3A_692 = arith.index_cast %get3A_691 : i32 to index
        %get3A_693 = arith.index_cast %add3A_677 : i32 to index
        %get3A_694 = arith.constant 0 : index
        %get3A_695 = tpu.vector_load %arg9[%get3A_692, %get3A_693, %get3A_694] {strides = array<i32>} : memref<4x128x32xf32, #tpu.memory_space<vmem>>, vector<1x1x16xf32>,
        %get3A_696 = vector.shape_cast %get3A_695 : vector<1x1x16xf32> to vector<16xf32>
        %get3A_697 = arith.constant 3 : i32
        %get3A_698 = arith.index_cast %get3A_697 : i32 to index
        %get3A_699 = arith.index_cast %add3A_677 : i32 to index
        %get3A_700 = arith.constant 16 : index
        %get3A_701 = tpu.vector_load %arg9[%get3A_698, %get3A_699, %get3A_700] {strides = array<i32>} : memref<4x128x32xf32, #tpu.memory_space<vmem>>, vector<1x1x16xf32>,
        %get3A_702 = vector.shape_cast %get3A_701 : vector<1x1x16xf32> to vector<16xf32>
        %get3A_703 = arith.constant 3 : i32
        %get3A_704 = arith.index_cast %get3A_703 : i32 to index
        %get3A_705 = arith.index_cast %add3A_677 : i32 to index
        %get3A_706 = arith.constant 0 : index
        %get3A_707 = tpu.vector_load %arg10[%get3A_704, %get3A_705, %get3A_706] {strides = array<i32>} : memref<4x128x32xf32, #tpu.memory_space<vmem>>, vector<1x1x16xf32>,
        %get3A_708 = vector.shape_cast %get3A_707 : vector<1x1x16xf32> to vector<16xf32>
        %get3A_709 = arith.constant 3 : i32
        %get3A_710 = arith.index_cast %get3A_709 : i32 to index
        %get3A_711 = arith.index_cast %add3A_677 : i32 to index
        %get3A_712 = arith.constant 16 : index
        %get3A_713 = tpu.vector_load %arg10[%get3A_710, %get3A_711, %get3A_712] {strides = array<i32>} : memref<4x128x32xf32, #tpu.memory_space<vmem>>, vector<1x1x16xf32>,
        %get3A_714 = vector.shape_cast %get3A_713 : vector<1x1x16xf32> to vector<16xf32>
        %mul3A_715 = arith.mulf %get3A_696, %gather3A_690 : vector<16xf32>
        %add3A_716 = arith.addf %mul3A_715, %get3A_708 : vector<16xf32>
        %swap3A_717 = arith.constant 3 : i32
        %swap3A_718 = arith.index_cast %swap3A_717 : i32 to index
        %swap3A_719 = arith.index_cast %add3A_677 : i32 to index
        %swap3A_720 = arith.constant 0 : index
        %swap3A_721 = tpu.vector_load %arg11[%swap3A_718, %swap3A_719, %swap3A_720] {strides = array<i32>} : memref<4x128x32xf32, #tpu.memory_space<vmem>>, vector<1x1x16xf32>,
        %swap3A_722 = vector.shape_cast %swap3A_721 : vector<1x1x16xf32> to vector<16xf32>
        %swap3A_723 = vector.shape_cast %add3A_716 : vector<16xf32> to vector<1x1x16xf32>
        tpu.vector_store %arg11[%swap3A_718, %swap3A_719, %swap3A_720], %swap3A_723 {strides = array<i32>} : memref<4x128x32xf32, #tpu.memory_space<vmem>>, vector<1x1x16xf32>,
        %mul3A_724 = arith.mulf %get3A_702, %gather3A_690 : vector<16xf32>
        %add3A_725 = arith.addf %mul3A_724, %get3A_714 : vector<16xf32>
        %swap3A_726 = arith.constant 3 : i32
        %swap3A_727 = arith.index_cast %swap3A_726 : i32 to index
        %swap3A_728 = arith.index_cast %add3A_677 : i32 to index
        %swap3A_729 = arith.constant 16 : index
        %swap3A_730 = tpu.vector_load %arg11[%swap3A_727, %swap3A_728, %swap3A_729] {strides = array<i32>} : memref<4x128x32xf32, #tpu.memory_space<vmem>>, vector<1x1x16xf32>,
        %swap3A_731 = vector.shape_cast %swap3A_730 : vector<1x1x16xf32> to vector<16xf32>
        %swap3A_732 = vector.shape_cast %add3A_725 : vector<16xf32> to vector<1x1x16xf32>
        tpu.vector_store %arg11[%swap3A_727, %swap3A_728, %swap3A_729], %swap3A_732 {strides = array<i32>} : memref<4x128x32xf32, #tpu.memory_space<vmem>>, vector<1x1x16xf32>,
        %mul3A_733 = arith.constant 16 : i32
        %mul3A_734 = arith.muli %scan3A_493, %mul3A_733 : i32
        %add3A_735 = arith.constant 4 : i32
        %add3A_736 = arith.addi %mul3A_734, %add3A_735 : i32
        %add3A_737 = arith.constant 4 : i32
        %add3A_738 = vector.broadcast %add3A_737 : i32 to vector<16xi32>
        %add3A_739 = arith.addi %mul3A_5, %add3A_738 : vector<16xi32>
        %lt3A_740 = arith.constant 0 : i32
        %lt3A_741 = vector.broadcast %lt3A_740 : i32 to vector<16xi32>
        %lt3A_742 = arith.cmpi slt, %add3A_739, %lt3A_741 : vector<16xi32>
        %add3A_743 = arith.constant 16 : i32
        %add3A_744 = vector.broadcast %add3A_743 : i32 to vector<16xi32>
        %add3A_745 = arith.addi %add3A_739, %add3A_744 : vector<16xi32>
        %select_n3A_746 = arith.select %lt3A_742, %add3A_745, %add3A_739 : vector<16xi1>, vector<16xi32>
        %broadcast_in_dim3A_747 = vector.shape_cast %select_n3A_746 : vector<16xi32> to vector<16x1xi32>
        %gather3A_748 = vector.shape_cast %broadcast_in_dim3A_747 : vector<16x1xi32> to vector<16xi32>
        %gather3A_749 = tpu.dynamic_gather %get3A_500[%gather3A_748] in [0] : vector<16xf32>, vector<16xi32> -> vector<16xf32>
        %get3A_750 = arith.constant 3 : i32
        %get3A_751 = arith.index_cast %get3A_750 : i32 to index
        %get3A_752 = arith.index_cast %add3A_736 : i32 to index
        %get3A_753 = arith.constant 0 : index
        %get3A_754 = tpu.vector_load %arg9[%get3A_751, %get3A_752, %get3A_753] {strides = array<i32>} : memref<4x128x32xf32, #tpu.memory_space<vmem>>, vector<1x1x16xf32>,
        %get3A_755 = vector.shape_cast %get3A_754 : vector<1x1x16xf32> to vector<16xf32>
        %get3A_756 = arith.constant 3 : i32
        %get3A_757 = arith.index_cast %get3A_756 : i32 to index
        %get3A_758 = arith.index_cast %add3A_736 : i32 to index
        %get3A_759 = arith.constant 16 : index
        %get3A_760 = tpu.vector_load %arg9[%get3A_757, %get3A_758, %get3A_759] {strides = array<i32>} : memref<4x128x32xf32, #tpu.memory_space<vmem>>, vector<1x1x16xf32>,
        %get3A_761 = vector.shape_cast %get3A_760 : vector<1x1x16xf32> to vector<16xf32>
        %get3A_762 = arith.constant 3 : i32
        %get3A_763 = arith.index_cast %get3A_762 : i32 to index
        %get3A_764 = arith.index_cast %add3A_736 : i32 to index
        %get3A_765 = arith.constant 0 : index
        %get3A_766 = tpu.vector_load %arg10[%get3A_763, %get3A_764, %get3A_765] {strides = array<i32>} : memref<4x128x32xf32, #tpu.memory_space<vmem>>, vector<1x1x16xf32>,
        %get3A_767 = vector.shape_cast %get3A_766 : vector<1x1x16xf32> to vector<16xf32>
        %get3A_768 = arith.constant 3 : i32
        %get3A_769 = arith.index_cast %get3A_768 : i32 to index
        %get3A_770 = arith.index_cast %add3A_736 : i32 to index
        %get3A_771 = arith.constant 16 : index
        %get3A_772 = tpu.vector_load %arg10[%get3A_769, %get3A_770, %get3A_771] {strides = array<i32>} : memref<4x128x32xf32, #tpu.memory_space<vmem>>, vector<1x1x16xf32>,
        %get3A_773 = vector.shape_cast %get3A_772 : vector<1x1x16xf32> to vector<16xf32>
        %mul3A_774 = arith.mulf %get3A_755, %gather3A_749 : vector<16xf32>
        %add3A_775 = arith.addf %mul3A_774, %get3A_767 : vector<16xf32>
        %swap3A_776 = arith.constant 3 : i32
        %swap3A_777 = arith.index_cast %swap3A_776 : i32 to index
        %swap3A_778 = arith.index_cast %add3A_736 : i32 to index
        %swap3A_779 = arith.constant 0 : index
        %swap3A_780 = tpu.vector_load %arg11[%swap3A_777, %swap3A_778, %swap3A_779] {strides = array<i32>} : memref<4x128x32xf32, #tpu.memory_space<vmem>>, vector<1x1x16xf32>,
        %swap3A_781 = vector.shape_cast %swap3A_780 : vector<1x1x16xf32> to vector<16xf32>
        %swap3A_782 = vector.shape_cast %add3A_775 : vector<16xf32> to vector<1x1x16xf32>
        tpu.vector_store %arg11[%swap3A_777, %swap3A_778, %swap3A_779], %swap3A_782 {strides = array<i32>} : memref<4x128x32xf32, #tpu.memory_space<vmem>>, vector<1x1x16xf32>,
        %mul3A_783 = arith.mulf %get3A_761, %gather3A_749 : vector<16xf32>
        %add3A_784 = arith.addf %mul3A_783, %get3A_773 : vector<16xf32>
        %swap3A_785 = arith.constant 3 : i32
        %swap3A_786 = arith.index_cast %swap3A_785 : i32 to index
        %swap3A_787 = arith.index_cast %add3A_736 : i32 to index
        %swap3A_788 = arith.constant 16 : index
        %swap3A_789 = tpu.vector_load %arg11[%swap3A_786, %swap3A_787, %swap3A_788] {strides = array<i32>} : memref<4x128x32xf32, #tpu.memory_space<vmem>>, vector<1x1x16xf32>,
        %swap3A_790 = vector.shape_cast %swap3A_789 : vector<1x1x16xf32> to vector<16xf32>
        %swap3A_791 = vector.shape_cast %add3A_784 : vector<16xf32> to vector<1x1x16xf32>
        tpu.vector_store %arg11[%swap3A_786, %swap3A_787, %swap3A_788], %swap3A_791 {strides = array<i32>} : memref<4x128x32xf32, #tpu.memory_space<vmem>>, vector<1x1x16xf32>,
        %mul3A_792 = arith.constant 16 : i32
        %mul3A_793 = arith.muli %scan3A_493, %mul3A_792 : i32
        %add3A_794 = arith.constant 5 : i32
        %add3A_795 = arith.addi %mul3A_793, %add3A_794 : i32
        %add3A_796 = arith.constant 5 : i32
        %add3A_797 = vector.broadcast %add3A_796 : i32 to vector<16xi32>
        %add3A_798 = arith.addi %mul3A_5, %add3A_797 : vector<16xi32>
        %lt3A_799 = arith.constant 0 : i32
        %lt3A_800 = vector.broadcast %lt3A_799 : i32 to vector<16xi32>
        %lt3A_801 = arith.cmpi slt, %add3A_798, %lt3A_800 : vector<16xi32>
        %add3A_802 = arith.constant 16 : i32
        %add3A_803 = vector.broadcast %add3A_802 : i32 to vector<16xi32>
        %add3A_804 = arith.addi %add3A_798, %add3A_803 : vector<16xi32>
        %select_n3A_805 = arith.select %lt3A_801, %add3A_804, %add3A_798 : vector<16xi1>, vector<16xi32>
        %broadcast_in_dim3A_806 = vector.shape_cast %select_n3A_805 : vector<16xi32> to vector<16x1xi32>
        %gather3A_807 = vector.shape_cast %broadcast_in_dim3A_806 : vector<16x1xi32> to vector<16xi32>
        %gather3A_808 = tpu.dynamic_gather %get3A_500[%gather3A_807] in [0] : vector<16xf32>, vector<16xi32> -> vector<16xf32>
        %get3A_809 = arith.constant 3 : i32
        %get3A_810 = arith.index_cast %get3A_809 : i32 to index
        %get3A_811 = arith.index_cast %add3A_795 : i32 to index
        %get3A_812 = arith.constant 0 : index
        %get3A_813 = tpu.vector_load %arg9[%get3A_810, %get3A_811, %get3A_812] {strides = array<i32>} : memref<4x128x32xf32, #tpu.memory_space<vmem>>, vector<1x1x16xf32>,
        %get3A_814 = vector.shape_cast %get3A_813 : vector<1x1x16xf32> to vector<16xf32>
        %get3A_815 = arith.constant 3 : i32
        %get3A_816 = arith.index_cast %get3A_815 : i32 to index
        %get3A_817 = arith.index_cast %add3A_795 : i32 to index
        %get3A_818 = arith.constant 16 : index
        %get3A_819 = tpu.vector_load %arg9[%get3A_816, %get3A_817, %get3A_818] {strides = array<i32>} : memref<4x128x32xf32, #tpu.memory_space<vmem>>, vector<1x1x16xf32>,
        %get3A_820 = vector.shape_cast %get3A_819 : vector<1x1x16xf32> to vector<16xf32>
        %get3A_821 = arith.constant 3 : i32
        %get3A_822 = arith.index_cast %get3A_821 : i32 to index
        %get3A_823 = arith.index_cast %add3A_795 : i32 to index
        %get3A_824 = arith.constant 0 : index
        %get3A_825 = tpu.vector_load %arg10[%get3A_822, %get3A_823, %get3A_824] {strides = array<i32>} : memref<4x128x32xf32, #tpu.memory_space<vmem>>, vector<1x1x16xf32>,
        %get3A_826 = vector.shape_cast %get3A_825 : vector<1x1x16xf32> to vector<16xf32>
        %get3A_827 = arith.constant 3 : i32
        %get3A_828 = arith.index_cast %get3A_827 : i32 to index
        %get3A_829 = arith.index_cast %add3A_795 : i32 to index
        %get3A_830 = arith.constant 16 : index
        %get3A_831 = tpu.vector_load %arg10[%get3A_828, %get3A_829, %get3A_830] {strides = array<i32>} : memref<4x128x32xf32, #tpu.memory_space<vmem>>, vector<1x1x16xf32>,
        %get3A_832 = vector.shape_cast %get3A_831 : vector<1x1x16xf32> to vector<16xf32>
        %mul3A_833 = arith.mulf %get3A_814, %gather3A_808 : vector<16xf32>
        %add3A_834 = arith.addf %mul3A_833, %get3A_826 : vector<16xf32>
        %swap3A_835 = arith.constant 3 : i32
        %swap3A_836 = arith.index_cast %swap3A_835 : i32 to index
        %swap3A_837 = arith.index_cast %add3A_795 : i32 to index
        %swap3A_838 = arith.constant 0 : index
        %swap3A_839 = tpu.vector_load %arg11[%swap3A_836, %swap3A_837, %swap3A_838] {strides = array<i32>} : memref<4x128x32xf32, #tpu.memory_space<vmem>>, vector<1x1x16xf32>,
        %swap3A_840 = vector.shape_cast %swap3A_839 : vector<1x1x16xf32> to vector<16xf32>
        %swap3A_841 = vector.shape_cast %add3A_834 : vector<16xf32> to vector<1x1x16xf32>
        tpu.vector_store %arg11[%swap3A_836, %swap3A_837, %swap3A_838], %swap3A_841 {strides = array<i32>} : memref<4x128x32xf32, #tpu.memory_space<vmem>>, vector<1x1x16xf32>,
        %mul3A_842 = arith.mulf %get3A_820, %gather3A_808 : vector<16xf32>
        %add3A_843 = arith.addf %mul3A_842, %get3A_832 : vector<16xf32>
        %swap3A_844 = arith.constant 3 : i32
        %swap3A_845 = arith.index_cast %swap3A_844 : i32 to index
        %swap3A_846 = arith.index_cast %add3A_795 : i32 to index
        %swap3A_847 = arith.constant 16 : index
        %swap3A_848 = tpu.vector_load %arg11[%swap3A_845, %swap3A_846, %swap3A_847] {strides = array<i32>} : memref<4x128x32xf32, #tpu.memory_space<vmem>>, vector<1x1x16xf32>,
        %swap3A_849 = vector.shape_cast %swap3A_848 : vector<1x1x16xf32> to vector<16xf32>
        %swap3A_850 = vector.shape_cast %add3A_843 : vector<16xf32> to vector<1x1x16xf32>
        tpu.vector_store %arg11[%swap3A_845, %swap3A_846, %swap3A_847], %swap3A_850 {strides = array<i32>} : memref<4x128x32xf32, #tpu.memory_space<vmem>>, vector<1x1x16xf32>,
        %mul3A_851 = arith.constant 16 : i32
        %mul3A_852 = arith.muli %scan3A_493, %mul3A_851 : i32
        %add3A_853 = arith.constant 6 : i32
        %add3A_854 = arith.addi %mul3A_852, %add3A_853 : i32
        %add3A_855 = arith.constant 6 : i32
        %add3A_856 = vector.broadcast %add3A_855 : i32 to vector<16xi32>
        %add3A_857 = arith.addi %mul3A_5, %add3A_856 : vector<16xi32>
        %lt3A_858 = arith.constant 0 : i32
        %lt3A_859 = vector.broadcast %lt3A_858 : i32 to vector<16xi32>
        %lt3A_860 = arith.cmpi slt, %add3A_857, %lt3A_859 : vector<16xi32>
        %add3A_861 = arith.constant 16 : i32
        %add3A_862 = vector.broadcast %add3A_861 : i32 to vector<16xi32>
        %add3A_863 = arith.addi %add3A_857, %add3A_862 : vector<16xi32>
        %select_n3A_864 = arith.select %lt3A_860, %add3A_863, %add3A_857 : vector<16xi1>, vector<16xi32>
        %broadcast_in_dim3A_865 = vector.shape_cast %select_n3A_864 : vector<16xi32> to vector<16x1xi32>
        %gather3A_866 = vector.shape_cast %broadcast_in_dim3A_865 : vector<16x1xi32> to vector<16xi32>
        %gather3A_867 = tpu.dynamic_gather %get3A_500[%gather3A_866] in [0] : vector<16xf32>, vector<16xi32> -> vector<16xf32>
        %get3A_868 = arith.constant 3 : i32
        %get3A_869 = arith.index_cast %get3A_868 : i32 to index
        %get3A_870 = arith.index_cast %add3A_854 : i32 to index
        %get3A_871 = arith.constant 0 : index
        %get3A_872 = tpu.vector_load %arg9[%get3A_869, %get3A_870, %get3A_871] {strides = array<i32>} : memref<4x128x32xf32, #tpu.memory_space<vmem>>, vector<1x1x16xf32>,
        %get3A_873 = vector.shape_cast %get3A_872 : vector<1x1x16xf32> to vector<16xf32>
        %get3A_874 = arith.constant 3 : i32
        %get3A_875 = arith.index_cast %get3A_874 : i32 to index
        %get3A_876 = arith.index_cast %add3A_854 : i32 to index
        %get3A_877 = arith.constant 16 : index
        %get3A_878 = tpu.vector_load %arg9[%get3A_875, %get3A_876, %get3A_877] {strides = array<i32>} : memref<4x128x32xf32, #tpu.memory_space<vmem>>, vector<1x1x16xf32>,
        %get3A_879 = vector.shape_cast %get3A_878 : vector<1x1x16xf32> to vector<16xf32>
        %get3A_880 = arith.constant 3 : i32
        %get3A_881 = arith.index_cast %get3A_880 : i32 to index
        %get3A_882 = arith.index_cast %add3A_854 : i32 to index
        %get3A_883 = arith.constant 0 : index
        %get3A_884 = tpu.vector_load %arg10[%get3A_881, %get3A_882, %get3A_883] {strides = array<i32>} : memref<4x128x32xf32, #tpu.memory_space<vmem>>, vector<1x1x16xf32>,
        %get3A_885 = vector.shape_cast %get3A_884 : vector<1x1x16xf32> to vector<16xf32>
        %get3A_886 = arith.constant 3 : i32
        %get3A_887 = arith.index_cast %get3A_886 : i32 to index
        %get3A_888 = arith.index_cast %add3A_854 : i32 to index
        %get3A_889 = arith.constant 16 : index
        %get3A_890 = tpu.vector_load %arg10[%get3A_887, %get3A_888, %get3A_889] {strides = array<i32>} : memref<4x128x32xf32, #tpu.memory_space<vmem>>, vector<1x1x16xf32>,
        %get3A_891 = vector.shape_cast %get3A_890 : vector<1x1x16xf32> to vector<16xf32>
        %mul3A_892 = arith.mulf %get3A_873, %gather3A_867 : vector<16xf32>
        %add3A_893 = arith.addf %mul3A_892, %get3A_885 : vector<16xf32>
        %swap3A_894 = arith.constant 3 : i32
        %swap3A_895 = arith.index_cast %swap3A_894 : i32 to index
        %swap3A_896 = arith.index_cast %add3A_854 : i32 to index
        %swap3A_897 = arith.constant 0 : index
        %swap3A_898 = tpu.vector_load %arg11[%swap3A_895, %swap3A_896, %swap3A_897] {strides = array<i32>} : memref<4x128x32xf32, #tpu.memory_space<vmem>>, vector<1x1x16xf32>,
        %swap3A_899 = vector.shape_cast %swap3A_898 : vector<1x1x16xf32> to vector<16xf32>
        %swap3A_900 = vector.shape_cast %add3A_893 : vector<16xf32> to vector<1x1x16xf32>
        tpu.vector_store %arg11[%swap3A_895, %swap3A_896, %swap3A_897], %swap3A_900 {strides = array<i32>} : memref<4x128x32xf32, #tpu.memory_space<vmem>>, vector<1x1x16xf32>,
        %mul3A_901 = arith.mulf %get3A_879, %gather3A_867 : vector<16xf32>
        %add3A_902 = arith.addf %mul3A_901, %get3A_891 : vector<16xf32>
        %swap3A_903 = arith.constant 3 : i32
        %swap3A_904 = arith.index_cast %swap3A_903 : i32 to index
        %swap3A_905 = arith.index_cast %add3A_854 : i32 to index
        %swap3A_906 = arith.constant 16 : index
        %swap3A_907 = tpu.vector_load %arg11[%swap3A_904, %swap3A_905, %swap3A_906] {strides = array<i32>} : memref<4x128x32xf32, #tpu.memory_space<vmem>>, vector<1x1x16xf32>,
        %swap3A_908 = vector.shape_cast %swap3A_907 : vector<1x1x16xf32> to vector<16xf32>
        %swap3A_909 = vector.shape_cast %add3A_902 : vector<16xf32> to vector<1x1x16xf32>
        tpu.vector_store %arg11[%swap3A_904, %swap3A_905, %swap3A_906], %swap3A_909 {strides = array<i32>} : memref<4x128x32xf32, #tpu.memory_space<vmem>>, vector<1x1x16xf32>,
        %mul3A_910 = arith.constant 16 : i32
        %mul3A_911 = arith.muli %scan3A_493, %mul3A_910 : i32
        %add3A_912 = arith.constant 7 : i32
        %add3A_913 = arith.addi %mul3A_911, %add3A_912 : i32
        %add3A_914 = arith.constant 7 : i32
        %add3A_915 = vector.broadcast %add3A_914 : i32 to vector<16xi32>
        %add3A_916 = arith.addi %mul3A_5, %add3A_915 : vector<16xi32>
        %lt3A_917 = arith.constant 0 : i32
        %lt3A_918 = vector.broadcast %lt3A_917 : i32 to vector<16xi32>
        %lt3A_919 = arith.cmpi slt, %add3A_916, %lt3A_918 : vector<16xi32>
        %add3A_920 = arith.constant 16 : i32
        %add3A_921 = vector.broadcast %add3A_920 : i32 to vector<16xi32>
        %add3A_922 = arith.addi %add3A_916, %add3A_921 : vector<16xi32>
        %select_n3A_923 = arith.select %lt3A_919, %add3A_922, %add3A_916 : vector<16xi1>, vector<16xi32>
        %broadcast_in_dim3A_924 = vector.shape_cast %select_n3A_923 : vector<16xi32> to vector<16x1xi32>
        %gather3A_925 = vector.shape_cast %broadcast_in_dim3A_924 : vector<16x1xi32> to vector<16xi32>
        %gather3A_926 = tpu.dynamic_gather %get3A_500[%gather3A_925] in [0] : vector<16xf32>, vector<16xi32> -> vector<16xf32>
        %get3A_927 = arith.constant 3 : i32
        %get3A_928 = arith.index_cast %get3A_927 : i32 to index
        %get3A_929 = arith.index_cast %add3A_913 : i32 to index
        %get3A_930 = arith.constant 0 : index
        %get3A_931 = tpu.vector_load %arg9[%get3A_928, %get3A_929, %get3A_930] {strides = array<i32>} : memref<4x128x32xf32, #tpu.memory_space<vmem>>, vector<1x1x16xf32>,
        %get3A_932 = vector.shape_cast %get3A_931 : vector<1x1x16xf32> to vector<16xf32>
        %get3A_933 = arith.constant 3 : i32
        %get3A_934 = arith.index_cast %get3A_933 : i32 to index
        %get3A_935 = arith.index_cast %add3A_913 : i32 to index
        %get3A_936 = arith.constant 16 : index
        %get3A_937 = tpu.vector_load %arg9[%get3A_934, %get3A_935, %get3A_936] {strides = array<i32>} : memref<4x128x32xf32, #tpu.memory_space<vmem>>, vector<1x1x16xf32>,
        %get3A_938 = vector.shape_cast %get3A_937 : vector<1x1x16xf32> to vector<16xf32>
        %get3A_939 = arith.constant 3 : i32
        %get3A_940 = arith.index_cast %get3A_939 : i32 to index
        %get3A_941 = arith.index_cast %add3A_913 : i32 to index
        %get3A_942 = arith.constant 0 : index
        %get3A_943 = tpu.vector_load %arg10[%get3A_940, %get3A_941, %get3A_942] {strides = array<i32>} : memref<4x128x32xf32, #tpu.memory_space<vmem>>, vector<1x1x16xf32>,
        %get3A_944 = vector.shape_cast %get3A_943 : vector<1x1x16xf32> to vector<16xf32>
        %get3A_945 = arith.constant 3 : i32
        %get3A_946 = arith.index_cast %get3A_945 : i32 to index
        %get3A_947 = arith.index_cast %add3A_913 : i32 to index
        %get3A_948 = arith.constant 16 : index
        %get3A_949 = tpu.vector_load %arg10[%get3A_946, %get3A_947, %get3A_948] {strides = array<i32>} : memref<4x128x32xf32, #tpu.memory_space<vmem>>, vector<1x1x16xf32>,
        %get3A_950 = vector.shape_cast %get3A_949 : vector<1x1x16xf32> to vector<16xf32>
        %mul3A_951 = arith.mulf %get3A_932, %gather3A_926 : vector<16xf32>
        %add3A_952 = arith.addf %mul3A_951, %get3A_944 : vector<16xf32>
        %swap3A_953 = arith.constant 3 : i32
        %swap3A_954 = arith.index_cast %swap3A_953 : i32 to index
        %swap3A_955 = arith.index_cast %add3A_913 : i32 to index
        %swap3A_956 = arith.constant 0 : index
        %swap3A_957 = tpu.vector_load %arg11[%swap3A_954, %swap3A_955, %swap3A_956] {strides = array<i32>} : memref<4x128x32xf32, #tpu.memory_space<vmem>>, vector<1x1x16xf32>,
        %swap3A_958 = vector.shape_cast %swap3A_957 : vector<1x1x16xf32> to vector<16xf32>
        %swap3A_959 = vector.shape_cast %add3A_952 : vector<16xf32> to vector<1x1x16xf32>
        tpu.vector_store %arg11[%swap3A_954, %swap3A_955, %swap3A_956], %swap3A_959 {strides = array<i32>} : memref<4x128x32xf32, #tpu.memory_space<vmem>>, vector<1x1x16xf32>,
        %mul3A_960 = arith.mulf %get3A_938, %gather3A_926 : vector<16xf32>
        %add3A_961 = arith.addf %mul3A_960, %get3A_950 : vector<16xf32>
        %swap3A_962 = arith.constant 3 : i32
        %swap3A_963 = arith.index_cast %swap3A_962 : i32 to index
        %swap3A_964 = arith.index_cast %add3A_913 : i32 to index
        %swap3A_965 = arith.constant 16 : index
        %swap3A_966 = tpu.vector_load %arg11[%swap3A_963, %swap3A_964, %swap3A_965] {strides = array<i32>} : memref<4x128x32xf32, #tpu.memory_space<vmem>>, vector<1x1x16xf32>,
        %swap3A_967 = vector.shape_cast %swap3A_966 : vector<1x1x16xf32> to vector<16xf32>
        %swap3A_968 = vector.shape_cast %add3A_961 : vector<16xf32> to vector<1x1x16xf32>
        tpu.vector_store %arg11[%swap3A_963, %swap3A_964, %swap3A_965], %swap3A_968 {strides = array<i32>} : memref<4x128x32xf32, #tpu.memory_space<vmem>>, vector<1x1x16xf32>,
        %mul3A_969 = arith.constant 16 : i32
        %mul3A_970 = arith.muli %scan3A_493, %mul3A_969 : i32
        %add3A_971 = arith.constant 8 : i32
        %add3A_972 = arith.addi %mul3A_970, %add3A_971 : i32
        %add3A_973 = arith.constant 8 : i32
        %add3A_974 = vector.broadcast %add3A_973 : i32 to vector<16xi32>
        %add3A_975 = arith.addi %mul3A_5, %add3A_974 : vector<16xi32>
        %lt3A_976 = arith.constant 0 : i32
        %lt3A_977 = vector.broadcast %lt3A_976 : i32 to vector<16xi32>
        %lt3A_978 = arith.cmpi slt, %add3A_975, %lt3A_977 : vector<16xi32>
        %add3A_979 = arith.constant 16 : i32
        %add3A_980 = vector.broadcast %add3A_979 : i32 to vector<16xi32>
        %add3A_981 = arith.addi %add3A_975, %add3A_980 : vector<16xi32>
        %select_n3A_982 = arith.select %lt3A_978, %add3A_981, %add3A_975 : vector<16xi1>, vector<16xi32>
        %broadcast_in_dim3A_983 = vector.shape_cast %select_n3A_982 : vector<16xi32> to vector<16x1xi32>
        %gather3A_984 = vector.shape_cast %broadcast_in_dim3A_983 : vector<16x1xi32> to vector<16xi32>
        %gather3A_985 = tpu.dynamic_gather %get3A_500[%gather3A_984] in [0] : vector<16xf32>, vector<16xi32> -> vector<16xf32>
        %get3A_986 = arith.constant 3 : i32
        %get3A_987 = arith.index_cast %get3A_986 : i32 to index
        %get3A_988 = arith.index_cast %add3A_972 : i32 to index
        %get3A_989 = arith.constant 0 : index
        %get3A_990 = tpu.vector_load %arg9[%get3A_987, %get3A_988, %get3A_989] {strides = array<i32>} : memref<4x128x32xf32, #tpu.memory_space<vmem>>, vector<1x1x16xf32>,
        %get3A_991 = vector.shape_cast %get3A_990 : vector<1x1x16xf32> to vector<16xf32>
        %get3A_992 = arith.constant 3 : i32
        %get3A_993 = arith.index_cast %get3A_992 : i32 to index
        %get3A_994 = arith.index_cast %add3A_972 : i32 to index
        %get3A_995 = arith.constant 16 : index
        %get3A_996 = tpu.vector_load %arg9[%get3A_993, %get3A_994, %get3A_995] {strides = array<i32>} : memref<4x128x32xf32, #tpu.memory_space<vmem>>, vector<1x1x16xf32>,
        %get3A_997 = vector.shape_cast %get3A_996 : vector<1x1x16xf32> to vector<16xf32>
        %get3A_998 = arith.constant 3 : i32
        %get3A_999 = arith.index_cast %get3A_998 : i32 to index
        %get3A_1000 = arith.index_cast %add3A_972 : i32 to index
        %get3A_1001 = arith.constant 0 : index
        %get3A_1002 = tpu.vector_load %arg10[%get3A_999, %get3A_1000, %get3A_1001] {strides = array<i32>} : memref<4x128x32xf32, #tpu.memory_space<vmem>>, vector<1x1x16xf32>,
        %get3A_1003 = vector.shape_cast %get3A_1002 : vector<1x1x16xf32> to vector<16xf32>
        %get3A_1004 = arith.constant 3 : i32
        %get3A_1005 = arith.index_cast %get3A_1004 : i32 to index
        %get3A_1006 = arith.index_cast %add3A_972 : i32 to index
        %get3A_1007 = arith.constant 16 : index
        %get3A_1008 = tpu.vector_load %arg10[%get3A_1005, %get3A_1006, %get3A_1007] {strides = array<i32>} : memref<4x128x32xf32, #tpu.memory_space<vmem>>, vector<1x1x16xf32>,
        %get3A_1009 = vector.shape_cast %get3A_1008 : vector<1x1x16xf32> to vector<16xf32>
        %mul3A_1010 = arith.mulf %get3A_991, %gather3A_985 : vector<16xf32>
        %add3A_1011 = arith.addf %mul3A_1010, %get3A_1003 : vector<16xf32>
        %swap3A_1012 = arith.constant 3 : i32
        %swap3A_1013 = arith.index_cast %swap3A_1012 : i32 to index
        %swap3A_1014 = arith.index_cast %add3A_972 : i32 to index
        %swap3A_1015 = arith.constant 0 : index
        %swap3A_1016 = tpu.vector_load %arg11[%swap3A_1013, %swap3A_1014, %swap3A_1015] {strides = array<i32>} : memref<4x128x32xf32, #tpu.memory_space<vmem>>, vector<1x1x16xf32>,
        %swap3A_1017 = vector.shape_cast %swap3A_1016 : vector<1x1x16xf32> to vector<16xf32>
        %swap3A_1018 = vector.shape_cast %add3A_1011 : vector<16xf32> to vector<1x1x16xf32>
        tpu.vector_store %arg11[%swap3A_1013, %swap3A_1014, %swap3A_1015], %swap3A_1018 {strides = array<i32>} : memref<4x128x32xf32, #tpu.memory_space<vmem>>, vector<1x1x16xf32>,
        %mul3A_1019 = arith.mulf %get3A_997, %gather3A_985 : vector<16xf32>
        %add3A_1020 = arith.addf %mul3A_1019, %get3A_1009 : vector<16xf32>
        %swap3A_1021 = arith.constant 3 : i32
        %swap3A_1022 = arith.index_cast %swap3A_1021 : i32 to index
        %swap3A_1023 = arith.index_cast %add3A_972 : i32 to index
        %swap3A_1024 = arith.constant 16 : index
        %swap3A_1025 = tpu.vector_load %arg11[%swap3A_1022, %swap3A_1023, %swap3A_1024] {strides = array<i32>} : memref<4x128x32xf32, #tpu.memory_space<vmem>>, vector<1x1x16xf32>,
        %swap3A_1026 = vector.shape_cast %swap3A_1025 : vector<1x1x16xf32> to vector<16xf32>
        %swap3A_1027 = vector.shape_cast %add3A_1020 : vector<16xf32> to vector<1x1x16xf32>
        tpu.vector_store %arg11[%swap3A_1022, %swap3A_1023, %swap3A_1024], %swap3A_1027 {strides = array<i32>} : memref<4x128x32xf32, #tpu.memory_space<vmem>>, vector<1x1x16xf32>,
        %mul3A_1028 = arith.constant 16 : i32
        %mul3A_1029 = arith.muli %scan3A_493, %mul3A_1028 : i32
        %add3A_1030 = arith.constant 9 : i32
        %add3A_1031 = arith.addi %mul3A_1029, %add3A_1030 : i32
        %add3A_1032 = arith.constant 9 : i32
        %add3A_1033 = vector.broadcast %add3A_1032 : i32 to vector<16xi32>
        %add3A_1034 = arith.addi %mul3A_5, %add3A_1033 : vector<16xi32>
        %lt3A_1035 = arith.constant 0 : i32
        %lt3A_1036 = vector.broadcast %lt3A_1035 : i32 to vector<16xi32>
        %lt3A_1037 = arith.cmpi slt, %add3A_1034, %lt3A_1036 : vector<16xi32>
        %add3A_1038 = arith.constant 16 : i32
        %add3A_1039 = vector.broadcast %add3A_1038 : i32 to vector<16xi32>
        %add3A_1040 = arith.addi %add3A_1034, %add3A_1039 : vector<16xi32>
        %select_n3A_1041 = arith.select %lt3A_1037, %add3A_1040, %add3A_1034 : vector<16xi1>, vector<16xi32>
        %broadcast_in_dim3A_1042 = vector.shape_cast %select_n3A_1041 : vector<16xi32> to vector<16x1xi32>
        %gather3A_1043 = vector.shape_cast %broadcast_in_dim3A_1042 : vector<16x1xi32> to vector<16xi32>
        %gather3A_1044 = tpu.dynamic_gather %get3A_500[%gather3A_1043] in [0] : vector<16xf32>, vector<16xi32> -> vector<16xf32>
        %get3A_1045 = arith.constant 3 : i32
        %get3A_1046 = arith.index_cast %get3A_1045 : i32 to index
        %get3A_1047 = arith.index_cast %add3A_1031 : i32 to index
        %get3A_1048 = arith.constant 0 : index
        %get3A_1049 = tpu.vector_load %arg9[%get3A_1046, %get3A_1047, %get3A_1048] {strides = array<i32>} : memref<4x128x32xf32, #tpu.memory_space<vmem>>, vector<1x1x16xf32>,
        %get3A_1050 = vector.shape_cast %get3A_1049 : vector<1x1x16xf32> to vector<16xf32>
        %get3A_1051 = arith.constant 3 : i32
        %get3A_1052 = arith.index_cast %get3A_1051 : i32 to index
        %get3A_1053 = arith.index_cast %add3A_1031 : i32 to index
        %get3A_1054 = arith.constant 16 : index
        %get3A_1055 = tpu.vector_load %arg9[%get3A_1052, %get3A_1053, %get3A_1054] {strides = array<i32>} : memref<4x128x32xf32, #tpu.memory_space<vmem>>, vector<1x1x16xf32>,
        %get3A_1056 = vector.shape_cast %get3A_1055 : vector<1x1x16xf32> to vector<16xf32>
        %get3A_1057 = arith.constant 3 : i32
        %get3A_1058 = arith.index_cast %get3A_1057 : i32 to index
        %get3A_1059 = arith.index_cast %add3A_1031 : i32 to index
        %get3A_1060 = arith.constant 0 : index
        %get3A_1061 = tpu.vector_load %arg10[%get3A_1058, %get3A_1059, %get3A_1060] {strides = array<i32>} : memref<4x128x32xf32, #tpu.memory_space<vmem>>, vector<1x1x16xf32>,
        %get3A_1062 = vector.shape_cast %get3A_1061 : vector<1x1x16xf32> to vector<16xf32>
        %get3A_1063 = arith.constant 3 : i32
        %get3A_1064 = arith.index_cast %get3A_1063 : i32 to index
        %get3A_1065 = arith.index_cast %add3A_1031 : i32 to index
        %get3A_1066 = arith.constant 16 : index
        %get3A_1067 = tpu.vector_load %arg10[%get3A_1064, %get3A_1065, %get3A_1066] {strides = array<i32>} : memref<4x128x32xf32, #tpu.memory_space<vmem>>, vector<1x1x16xf32>,
        %get3A_1068 = vector.shape_cast %get3A_1067 : vector<1x1x16xf32> to vector<16xf32>
        %mul3A_1069 = arith.mulf %get3A_1050, %gather3A_1044 : vector<16xf32>
        %add3A_1070 = arith.addf %mul3A_1069, %get3A_1062 : vector<16xf32>
        %swap3A_1071 = arith.constant 3 : i32
        %swap3A_1072 = arith.index_cast %swap3A_1071 : i32 to index
        %swap3A_1073 = arith.index_cast %add3A_1031 : i32 to index
        %swap3A_1074 = arith.constant 0 : index
        %swap3A_1075 = tpu.vector_load %arg11[%swap3A_1072, %swap3A_1073, %swap3A_1074] {strides = array<i32>} : memref<4x128x32xf32, #tpu.memory_space<vmem>>, vector<1x1x16xf32>,
        %swap3A_1076 = vector.shape_cast %swap3A_1075 : vector<1x1x16xf32> to vector<16xf32>
        %swap3A_1077 = vector.shape_cast %add3A_1070 : vector<16xf32> to vector<1x1x16xf32>
        tpu.vector_store %arg11[%swap3A_1072, %swap3A_1073, %swap3A_1074], %swap3A_1077 {strides = array<i32>} : memref<4x128x32xf32, #tpu.memory_space<vmem>>, vector<1x1x16xf32>,
        %mul3A_1078 = arith.mulf %get3A_1056, %gather3A_1044 : vector<16xf32>
        %add3A_1079 = arith.addf %mul3A_1078, %get3A_1068 : vector<16xf32>
        %swap3A_1080 = arith.constant 3 : i32
        %swap3A_1081 = arith.index_cast %swap3A_1080 : i32 to index
        %swap3A_1082 = arith.index_cast %add3A_1031 : i32 to index
        %swap3A_1083 = arith.constant 16 : index
        %swap3A_1084 = tpu.vector_load %arg11[%swap3A_1081, %swap3A_1082, %swap3A_1083] {strides = array<i32>} : memref<4x128x32xf32, #tpu.memory_space<vmem>>, vector<1x1x16xf32>,
        %swap3A_1085 = vector.shape_cast %swap3A_1084 : vector<1x1x16xf32> to vector<16xf32>
        %swap3A_1086 = vector.shape_cast %add3A_1079 : vector<16xf32> to vector<1x1x16xf32>
        tpu.vector_store %arg11[%swap3A_1081, %swap3A_1082, %swap3A_1083], %swap3A_1086 {strides = array<i32>} : memref<4x128x32xf32, #tpu.memory_space<vmem>>, vector<1x1x16xf32>,
        %mul3A_1087 = arith.constant 16 : i32
        %mul3A_1088 = arith.muli %scan3A_493, %mul3A_1087 : i32
        %add3A_1089 = arith.constant 10 : i32
        %add3A_1090 = arith.addi %mul3A_1088, %add3A_1089 : i32
        %add3A_1091 = arith.constant 10 : i32
        %add3A_1092 = vector.broadcast %add3A_1091 : i32 to vector<16xi32>
        %add3A_1093 = arith.addi %mul3A_5, %add3A_1092 : vector<16xi32>
        %lt3A_1094 = arith.constant 0 : i32
        %lt3A_1095 = vector.broadcast %lt3A_1094 : i32 to vector<16xi32>
        %lt3A_1096 = arith.cmpi slt, %add3A_1093, %lt3A_1095 : vector<16xi32>
        %add3A_1097 = arith.constant 16 : i32
        %add3A_1098 = vector.broadcast %add3A_1097 : i32 to vector<16xi32>
        %add3A_1099 = arith.addi %add3A_1093, %add3A_1098 : vector<16xi32>
        %select_n3A_1100 = arith.select %lt3A_1096, %add3A_1099, %add3A_1093 : vector<16xi1>, vector<16xi32>
        %broadcast_in_dim3A_1101 = vector.shape_cast %select_n3A_1100 : vector<16xi32> to vector<16x1xi32>
        %gather3A_1102 = vector.shape_cast %broadcast_in_dim3A_1101 : vector<16x1xi32> to vector<16xi32>
        %gather3A_1103 = tpu.dynamic_gather %get3A_500[%gather3A_1102] in [0] : vector<16xf32>, vector<16xi32> -> vector<16xf32>
        %get3A_1104 = arith.constant 3 : i32
        %get3A_1105 = arith.index_cast %get3A_1104 : i32 to index
        %get3A_1106 = arith.index_cast %add3A_1090 : i32 to index
        %get3A_1107 = arith.constant 0 : index
        %get3A_1108 = tpu.vector_load %arg9[%get3A_1105, %get3A_1106, %get3A_1107] {strides = array<i32>} : memref<4x128x32xf32, #tpu.memory_space<vmem>>, vector<1x1x16xf32>,
        %get3A_1109 = vector.shape_cast %get3A_1108 : vector<1x1x16xf32> to vector<16xf32>
        %get3A_1110 = arith.constant 3 : i32
        %get3A_1111 = arith.index_cast %get3A_1110 : i32 to index
        %get3A_1112 = arith.index_cast %add3A_1090 : i32 to index
        %get3A_1113 = arith.constant 16 : index
        %get3A_1114 = tpu.vector_load %arg9[%get3A_1111, %get3A_1112, %get3A_1113] {strides = array<i32>} : memref<4x128x32xf32, #tpu.memory_space<vmem>>, vector<1x1x16xf32>,
        %get3A_1115 = vector.shape_cast %get3A_1114 : vector<1x1x16xf32> to vector<16xf32>
        %get3A_1116 = arith.constant 3 : i32
        %get3A_1117 = arith.index_cast %get3A_1116 : i32 to index
        %get3A_1118 = arith.index_cast %add3A_1090 : i32 to index
        %get3A_1119 = arith.constant 0 : index
        %get3A_1120 = tpu.vector_load %arg10[%get3A_1117, %get3A_1118, %get3A_1119] {strides = array<i32>} : memref<4x128x32xf32, #tpu.memory_space<vmem>>, vector<1x1x16xf32>,
        %get3A_1121 = vector.shape_cast %get3A_1120 : vector<1x1x16xf32> to vector<16xf32>
        %get3A_1122 = arith.constant 3 : i32
        %get3A_1123 = arith.index_cast %get3A_1122 : i32 to index
        %get3A_1124 = arith.index_cast %add3A_1090 : i32 to index
        %get3A_1125 = arith.constant 16 : index
        %get3A_1126 = tpu.vector_load %arg10[%get3A_1123, %get3A_1124, %get3A_1125] {strides = array<i32>} : memref<4x128x32xf32, #tpu.memory_space<vmem>>, vector<1x1x16xf32>,
        %get3A_1127 = vector.shape_cast %get3A_1126 : vector<1x1x16xf32> to vector<16xf32>
        %mul3A_1128 = arith.mulf %get3A_1109, %gather3A_1103 : vector<16xf32>
        %add3A_1129 = arith.addf %mul3A_1128, %get3A_1121 : vector<16xf32>
        %swap3A_1130 = arith.constant 3 : i32
        %swap3A_1131 = arith.index_cast %swap3A_1130 : i32 to index
        %swap3A_1132 = arith.index_cast %add3A_1090 : i32 to index
        %swap3A_1133 = arith.constant 0 : index
        %swap3A_1134 = tpu.vector_load %arg11[%swap3A_1131, %swap3A_1132, %swap3A_1133] {strides = array<i32>} : memref<4x128x32xf32, #tpu.memory_space<vmem>>, vector<1x1x16xf32>,
        %swap3A_1135 = vector.shape_cast %swap3A_1134 : vector<1x1x16xf32> to vector<16xf32>
        %swap3A_1136 = vector.shape_cast %add3A_1129 : vector<16xf32> to vector<1x1x16xf32>
        tpu.vector_store %arg11[%swap3A_1131, %swap3A_1132, %swap3A_1133], %swap3A_1136 {strides = array<i32>} : memref<4x128x32xf32, #tpu.memory_space<vmem>>, vector<1x1x16xf32>,
        %mul3A_1137 = arith.mulf %get3A_1115, %gather3A_1103 : vector<16xf32>
        %add3A_1138 = arith.addf %mul3A_1137, %get3A_1127 : vector<16xf32>
        %swap3A_1139 = arith.constant 3 : i32
        %swap3A_1140 = arith.index_cast %swap3A_1139 : i32 to index
        %swap3A_1141 = arith.index_cast %add3A_1090 : i32 to index
        %swap3A_1142 = arith.constant 16 : index
        %swap3A_1143 = tpu.vector_load %arg11[%swap3A_1140, %swap3A_1141, %swap3A_1142] {strides = array<i32>} : memref<4x128x32xf32, #tpu.memory_space<vmem>>, vector<1x1x16xf32>,
        %swap3A_1144 = vector.shape_cast %swap3A_1143 : vector<1x1x16xf32> to vector<16xf32>
        %swap3A_1145 = vector.shape_cast %add3A_1138 : vector<16xf32> to vector<1x1x16xf32>
        tpu.vector_store %arg11[%swap3A_1140, %swap3A_1141, %swap3A_1142], %swap3A_1145 {strides = array<i32>} : memref<4x128x32xf32, #tpu.memory_space<vmem>>, vector<1x1x16xf32>,
        %mul3A_1146 = arith.constant 16 : i32
        %mul3A_1147 = arith.muli %scan3A_493, %mul3A_1146 : i32
        %add3A_1148 = arith.constant 11 : i32
        %add3A_1149 = arith.addi %mul3A_1147, %add3A_1148 : i32
        %add3A_1150 = arith.constant 11 : i32
        %add3A_1151 = vector.broadcast %add3A_1150 : i32 to vector<16xi32>
        %add3A_1152 = arith.addi %mul3A_5, %add3A_1151 : vector<16xi32>
        %lt3A_1153 = arith.constant 0 : i32
        %lt3A_1154 = vector.broadcast %lt3A_1153 : i32 to vector<16xi32>
        %lt3A_1155 = arith.cmpi slt, %add3A_1152, %lt3A_1154 : vector<16xi32>
        %add3A_1156 = arith.constant 16 : i32
        %add3A_1157 = vector.broadcast %add3A_1156 : i32 to vector<16xi32>
        %add3A_1158 = arith.addi %add3A_1152, %add3A_1157 : vector<16xi32>
        %select_n3A_1159 = arith.select %lt3A_1155, %add3A_1158, %add3A_1152 : vector<16xi1>, vector<16xi32>
        %broadcast_in_dim3A_1160 = vector.shape_cast %select_n3A_1159 : vector<16xi32> to vector<16x1xi32>
        %gather3A_1161 = vector.shape_cast %broadcast_in_dim3A_1160 : vector<16x1xi32> to vector<16xi32>
        %gather3A_1162 = tpu.dynamic_gather %get3A_500[%gather3A_1161] in [0] : vector<16xf32>, vector<16xi32> -> vector<16xf32>
        %get3A_1163 = arith.constant 3 : i32
        %get3A_1164 = arith.index_cast %get3A_1163 : i32 to index
        %get3A_1165 = arith.index_cast %add3A_1149 : i32 to index
        %get3A_1166 = arith.constant 0 : index
        %get3A_1167 = tpu.vector_load %arg9[%get3A_1164, %get3A_1165, %get3A_1166] {strides = array<i32>} : memref<4x128x32xf32, #tpu.memory_space<vmem>>, vector<1x1x16xf32>,
        %get3A_1168 = vector.shape_cast %get3A_1167 : vector<1x1x16xf32> to vector<16xf32>
        %get3A_1169 = arith.constant 3 : i32
        %get3A_1170 = arith.index_cast %get3A_1169 : i32 to index
        %get3A_1171 = arith.index_cast %add3A_1149 : i32 to index
        %get3A_1172 = arith.constant 16 : index
        %get3A_1173 = tpu.vector_load %arg9[%get3A_1170, %get3A_1171, %get3A_1172] {strides = array<i32>} : memref<4x128x32xf32, #tpu.memory_space<vmem>>, vector<1x1x16xf32>,
        %get3A_1174 = vector.shape_cast %get3A_1173 : vector<1x1x16xf32> to vector<16xf32>
        %get3A_1175 = arith.constant 3 : i32
        %get3A_1176 = arith.index_cast %get3A_1175 : i32 to index
        %get3A_1177 = arith.index_cast %add3A_1149 : i32 to index
        %get3A_1178 = arith.constant 0 : index
        %get3A_1179 = tpu.vector_load %arg10[%get3A_1176, %get3A_1177, %get3A_1178] {strides = array<i32>} : memref<4x128x32xf32, #tpu.memory_space<vmem>>, vector<1x1x16xf32>,
        %get3A_1180 = vector.shape_cast %get3A_1179 : vector<1x1x16xf32> to vector<16xf32>
        %get3A_1181 = arith.constant 3 : i32
        %get3A_1182 = arith.index_cast %get3A_1181 : i32 to index
        %get3A_1183 = arith.index_cast %add3A_1149 : i32 to index
        %get3A_1184 = arith.constant 16 : index
        %get3A_1185 = tpu.vector_load %arg10[%get3A_1182, %get3A_1183, %get3A_1184] {strides = array<i32>} : memref<4x128x32xf32, #tpu.memory_space<vmem>>, vector<1x1x16xf32>,
        %get3A_1186 = vector.shape_cast %get3A_1185 : vector<1x1x16xf32> to vector<16xf32>
        %mul3A_1187 = arith.mulf %get3A_1168, %gather3A_1162 : vector<16xf32>
        %add3A_1188 = arith.addf %mul3A_1187, %get3A_1180 : vector<16xf32>
        %swap3A_1189 = arith.constant 3 : i32
        %swap3A_1190 = arith.index_cast %swap3A_1189 : i32 to index
        %swap3A_1191 = arith.index_cast %add3A_1149 : i32 to index
        %swap3A_1192 = arith.constant 0 : index
        %swap3A_1193 = tpu.vector_load %arg11[%swap3A_1190, %swap3A_1191, %swap3A_1192] {strides = array<i32>} : memref<4x128x32xf32, #tpu.memory_space<vmem>>, vector<1x1x16xf32>,
        %swap3A_1194 = vector.shape_cast %swap3A_1193 : vector<1x1x16xf32> to vector<16xf32>
        %swap3A_1195 = vector.shape_cast %add3A_1188 : vector<16xf32> to vector<1x1x16xf32>
        tpu.vector_store %arg11[%swap3A_1190, %swap3A_1191, %swap3A_1192], %swap3A_1195 {strides = array<i32>} : memref<4x128x32xf32, #tpu.memory_space<vmem>>, vector<1x1x16xf32>,
        %mul3A_1196 = arith.mulf %get3A_1174, %gather3A_1162 : vector<16xf32>
        %add3A_1197 = arith.addf %mul3A_1196, %get3A_1186 : vector<16xf32>
        %swap3A_1198 = arith.constant 3 : i32
        %swap3A_1199 = arith.index_cast %swap3A_1198 : i32 to index
        %swap3A_1200 = arith.index_cast %add3A_1149 : i32 to index
        %swap3A_1201 = arith.constant 16 : index
        %swap3A_1202 = tpu.vector_load %arg11[%swap3A_1199, %swap3A_1200, %swap3A_1201] {strides = array<i32>} : memref<4x128x32xf32, #tpu.memory_space<vmem>>, vector<1x1x16xf32>,
        %swap3A_1203 = vector.shape_cast %swap3A_1202 : vector<1x1x16xf32> to vector<16xf32>
        %swap3A_1204 = vector.shape_cast %add3A_1197 : vector<16xf32> to vector<1x1x16xf32>
        tpu.vector_store %arg11[%swap3A_1199, %swap3A_1200, %swap3A_1201], %swap3A_1204 {strides = array<i32>} : memref<4x128x32xf32, #tpu.memory_space<vmem>>, vector<1x1x16xf32>,
        %mul3A_1205 = arith.constant 16 : i32
        %mul3A_1206 = arith.muli %scan3A_493, %mul3A_1205 : i32
        %add3A_1207 = arith.constant 12 : i32
        %add3A_1208 = arith.addi %mul3A_1206, %add3A_1207 : i32
        %add3A_1209 = arith.constant 12 : i32
        %add3A_1210 = vector.broadcast %add3A_1209 : i32 to vector<16xi32>
        %add3A_1211 = arith.addi %mul3A_5, %add3A_1210 : vector<16xi32>
        %lt3A_1212 = arith.constant 0 : i32
        %lt3A_1213 = vector.broadcast %lt3A_1212 : i32 to vector<16xi32>
        %lt3A_1214 = arith.cmpi slt, %add3A_1211, %lt3A_1213 : vector<16xi32>
        %add3A_1215 = arith.constant 16 : i32
        %add3A_1216 = vector.broadcast %add3A_1215 : i32 to vector<16xi32>
        %add3A_1217 = arith.addi %add3A_1211, %add3A_1216 : vector<16xi32>
        %select_n3A_1218 = arith.select %lt3A_1214, %add3A_1217, %add3A_1211 : vector<16xi1>, vector<16xi32>
        %broadcast_in_dim3A_1219 = vector.shape_cast %select_n3A_1218 : vector<16xi32> to vector<16x1xi32>
        %gather3A_1220 = vector.shape_cast %broadcast_in_dim3A_1219 : vector<16x1xi32> to vector<16xi32>
        %gather3A_1221 = tpu.dynamic_gather %get3A_500[%gather3A_1220] in [0] : vector<16xf32>, vector<16xi32> -> vector<16xf32>
        %get3A_1222 = arith.constant 3 : i32
        %get3A_1223 = arith.index_cast %get3A_1222 : i32 to index
        %get3A_1224 = arith.index_cast %add3A_1208 : i32 to index
        %get3A_1225 = arith.constant 0 : index
        %get3A_1226 = tpu.vector_load %arg9[%get3A_1223, %get3A_1224, %get3A_1225] {strides = array<i32>} : memref<4x128x32xf32, #tpu.memory_space<vmem>>, vector<1x1x16xf32>,
        %get3A_1227 = vector.shape_cast %get3A_1226 : vector<1x1x16xf32> to vector<16xf32>
        %get3A_1228 = arith.constant 3 : i32
        %get3A_1229 = arith.index_cast %get3A_1228 : i32 to index
        %get3A_1230 = arith.index_cast %add3A_1208 : i32 to index
        %get3A_1231 = arith.constant 16 : index
        %get3A_1232 = tpu.vector_load %arg9[%get3A_1229, %get3A_1230, %get3A_1231] {strides = array<i32>} : memref<4x128x32xf32, #tpu.memory_space<vmem>>, vector<1x1x16xf32>,
        %get3A_1233 = vector.shape_cast %get3A_1232 : vector<1x1x16xf32> to vector<16xf32>
        %get3A_1234 = arith.constant 3 : i32
        %get3A_1235 = arith.index_cast %get3A_1234 : i32 to index
        %get3A_1236 = arith.index_cast %add3A_1208 : i32 to index
        %get3A_1237 = arith.constant 0 : index
        %get3A_1238 = tpu.vector_load %arg10[%get3A_1235, %get3A_1236, %get3A_1237] {strides = array<i32>} : memref<4x128x32xf32, #tpu.memory_space<vmem>>, vector<1x1x16xf32>,
        %get3A_1239 = vector.shape_cast %get3A_1238 : vector<1x1x16xf32> to vector<16xf32>
        %get3A_1240 = arith.constant 3 : i32
        %get3A_1241 = arith.index_cast %get3A_1240 : i32 to index
        %get3A_1242 = arith.index_cast %add3A_1208 : i32 to index
        %get3A_1243 = arith.constant 16 : index
        %get3A_1244 = tpu.vector_load %arg10[%get3A_1241, %get3A_1242, %get3A_1243] {strides = array<i32>} : memref<4x128x32xf32, #tpu.memory_space<vmem>>, vector<1x1x16xf32>,
        %get3A_1245 = vector.shape_cast %get3A_1244 : vector<1x1x16xf32> to vector<16xf32>
        %mul3A_1246 = arith.mulf %get3A_1227, %gather3A_1221 : vector<16xf32>
        %add3A_1247 = arith.addf %mul3A_1246, %get3A_1239 : vector<16xf32>
        %swap3A_1248 = arith.constant 3 : i32
        %swap3A_1249 = arith.index_cast %swap3A_1248 : i32 to index
        %swap3A_1250 = arith.index_cast %add3A_1208 : i32 to index
        %swap3A_1251 = arith.constant 0 : index
        %swap3A_1252 = tpu.vector_load %arg11[%swap3A_1249, %swap3A_1250, %swap3A_1251] {strides = array<i32>} : memref<4x128x32xf32, #tpu.memory_space<vmem>>, vector<1x1x16xf32>,
        %swap3A_1253 = vector.shape_cast %swap3A_1252 : vector<1x1x16xf32> to vector<16xf32>
        %swap3A_1254 = vector.shape_cast %add3A_1247 : vector<16xf32> to vector<1x1x16xf32>
        tpu.vector_store %arg11[%swap3A_1249, %swap3A_1250, %swap3A_1251], %swap3A_1254 {strides = array<i32>} : memref<4x128x32xf32, #tpu.memory_space<vmem>>, vector<1x1x16xf32>,
        %mul3A_1255 = arith.mulf %get3A_1233, %gather3A_1221 : vector<16xf32>
        %add3A_1256 = arith.addf %mul3A_1255, %get3A_1245 : vector<16xf32>
        %swap3A_1257 = arith.constant 3 : i32
        %swap3A_1258 = arith.index_cast %swap3A_1257 : i32 to index
        %swap3A_1259 = arith.index_cast %add3A_1208 : i32 to index
        %swap3A_1260 = arith.constant 16 : index
        %swap3A_1261 = tpu.vector_load %arg11[%swap3A_1258, %swap3A_1259, %swap3A_1260] {strides = array<i32>} : memref<4x128x32xf32, #tpu.memory_space<vmem>>, vector<1x1x16xf32>,
        %swap3A_1262 = vector.shape_cast %swap3A_1261 : vector<1x1x16xf32> to vector<16xf32>
        %swap3A_1263 = vector.shape_cast %add3A_1256 : vector<16xf32> to vector<1x1x16xf32>
        tpu.vector_store %arg11[%swap3A_1258, %swap3A_1259, %swap3A_1260], %swap3A_1263 {strides = array<i32>} : memref<4x128x32xf32, #tpu.memory_space<vmem>>, vector<1x1x16xf32>,
        %mul3A_1264 = arith.constant 16 : i32
        %mul3A_1265 = arith.muli %scan3A_493, %mul3A_1264 : i32
        %add3A_1266 = arith.constant 13 : i32
        %add3A_1267 = arith.addi %mul3A_1265, %add3A_1266 : i32
        %add3A_1268 = arith.constant 13 : i32
        %add3A_1269 = vector.broadcast %add3A_1268 : i32 to vector<16xi32>
        %add3A_1270 = arith.addi %mul3A_5, %add3A_1269 : vector<16xi32>
        %lt3A_1271 = arith.constant 0 : i32
        %lt3A_1272 = vector.broadcast %lt3A_1271 : i32 to vector<16xi32>
        %lt3A_1273 = arith.cmpi slt, %add3A_1270, %lt3A_1272 : vector<16xi32>
        %add3A_1274 = arith.constant 16 : i32
        %add3A_1275 = vector.broadcast %add3A_1274 : i32 to vector<16xi32>
        %add3A_1276 = arith.addi %add3A_1270, %add3A_1275 : vector<16xi32>
        %select_n3A_1277 = arith.select %lt3A_1273, %add3A_1276, %add3A_1270 : vector<16xi1>, vector<16xi32>
        %broadcast_in_dim3A_1278 = vector.shape_cast %select_n3A_1277 : vector<16xi32> to vector<16x1xi32>
        %gather3A_1279 = vector.shape_cast %broadcast_in_dim3A_1278 : vector<16x1xi32> to vector<16xi32>
        %gather3A_1280 = tpu.dynamic_gather %get3A_500[%gather3A_1279] in [0] : vector<16xf32>, vector<16xi32> -> vector<16xf32>
        %get3A_1281 = arith.constant 3 : i32
        %get3A_1282 = arith.index_cast %get3A_1281 : i32 to index
        %get3A_1283 = arith.index_cast %add3A_1267 : i32 to index
        %get3A_1284 = arith.constant 0 : index
        %get3A_1285 = tpu.vector_load %arg9[%get3A_1282, %get3A_1283, %get3A_1284] {strides = array<i32>} : memref<4x128x32xf32, #tpu.memory_space<vmem>>, vector<1x1x16xf32>,
        %get3A_1286 = vector.shape_cast %get3A_1285 : vector<1x1x16xf32> to vector<16xf32>
        %get3A_1287 = arith.constant 3 : i32
        %get3A_1288 = arith.index_cast %get3A_1287 : i32 to index
        %get3A_1289 = arith.index_cast %add3A_1267 : i32 to index
        %get3A_1290 = arith.constant 16 : index
        %get3A_1291 = tpu.vector_load %arg9[%get3A_1288, %get3A_1289, %get3A_1290] {strides = array<i32>} : memref<4x128x32xf32, #tpu.memory_space<vmem>>, vector<1x1x16xf32>,
        %get3A_1292 = vector.shape_cast %get3A_1291 : vector<1x1x16xf32> to vector<16xf32>
        %get3A_1293 = arith.constant 3 : i32
        %get3A_1294 = arith.index_cast %get3A_1293 : i32 to index
        %get3A_1295 = arith.index_cast %add3A_1267 : i32 to index
        %get3A_1296 = arith.constant 0 : index
        %get3A_1297 = tpu.vector_load %arg10[%get3A_1294, %get3A_1295, %get3A_1296] {strides = array<i32>} : memref<4x128x32xf32, #tpu.memory_space<vmem>>, vector<1x1x16xf32>,
        %get3A_1298 = vector.shape_cast %get3A_1297 : vector<1x1x16xf32> to vector<16xf32>
        %get3A_1299 = arith.constant 3 : i32
        %get3A_1300 = arith.index_cast %get3A_1299 : i32 to index
        %get3A_1301 = arith.index_cast %add3A_1267 : i32 to index
        %get3A_1302 = arith.constant 16 : index
        %get3A_1303 = tpu.vector_load %arg10[%get3A_1300, %get3A_1301, %get3A_1302] {strides = array<i32>} : memref<4x128x32xf32, #tpu.memory_space<vmem>>, vector<1x1x16xf32>,
        %get3A_1304 = vector.shape_cast %get3A_1303 : vector<1x1x16xf32> to vector<16xf32>
        %mul3A_1305 = arith.mulf %get3A_1286, %gather3A_1280 : vector<16xf32>
        %add3A_1306 = arith.addf %mul3A_1305, %get3A_1298 : vector<16xf32>
        %swap3A_1307 = arith.constant 3 : i32
        %swap3A_1308 = arith.index_cast %swap3A_1307 : i32 to index
        %swap3A_1309 = arith.index_cast %add3A_1267 : i32 to index
        %swap3A_1310 = arith.constant 0 : index
        %swap3A_1311 = tpu.vector_load %arg11[%swap3A_1308, %swap3A_1309, %swap3A_1310] {strides = array<i32>} : memref<4x128x32xf32, #tpu.memory_space<vmem>>, vector<1x1x16xf32>,
        %swap3A_1312 = vector.shape_cast %swap3A_1311 : vector<1x1x16xf32> to vector<16xf32>
        %swap3A_1313 = vector.shape_cast %add3A_1306 : vector<16xf32> to vector<1x1x16xf32>
        tpu.vector_store %arg11[%swap3A_1308, %swap3A_1309, %swap3A_1310], %swap3A_1313 {strides = array<i32>} : memref<4x128x32xf32, #tpu.memory_space<vmem>>, vector<1x1x16xf32>,
        %mul3A_1314 = arith.mulf %get3A_1292, %gather3A_1280 : vector<16xf32>
        %add3A_1315 = arith.addf %mul3A_1314, %get3A_1304 : vector<16xf32>
        %swap3A_1316 = arith.constant 3 : i32
        %swap3A_1317 = arith.index_cast %swap3A_1316 : i32 to index
        %swap3A_1318 = arith.index_cast %add3A_1267 : i32 to index
        %swap3A_1319 = arith.constant 16 : index
        %swap3A_1320 = tpu.vector_load %arg11[%swap3A_1317, %swap3A_1318, %swap3A_1319] {strides = array<i32>} : memref<4x128x32xf32, #tpu.memory_space<vmem>>, vector<1x1x16xf32>,
        %swap3A_1321 = vector.shape_cast %swap3A_1320 : vector<1x1x16xf32> to vector<16xf32>
        %swap3A_1322 = vector.shape_cast %add3A_1315 : vector<16xf32> to vector<1x1x16xf32>
        tpu.vector_store %arg11[%swap3A_1317, %swap3A_1318, %swap3A_1319], %swap3A_1322 {strides = array<i32>} : memref<4x128x32xf32, #tpu.memory_space<vmem>>, vector<1x1x16xf32>,
        %mul3A_1323 = arith.constant 16 : i32
        %mul3A_1324 = arith.muli %scan3A_493, %mul3A_1323 : i32
        %add3A_1325 = arith.constant 14 : i32
        %add3A_1326 = arith.addi %mul3A_1324, %add3A_1325 : i32
        %add3A_1327 = arith.constant 14 : i32
        %add3A_1328 = vector.broadcast %add3A_1327 : i32 to vector<16xi32>
        %add3A_1329 = arith.addi %mul3A_5, %add3A_1328 : vector<16xi32>
        %lt3A_1330 = arith.constant 0 : i32
        %lt3A_1331 = vector.broadcast %lt3A_1330 : i32 to vector<16xi32>
        %lt3A_1332 = arith.cmpi slt, %add3A_1329, %lt3A_1331 : vector<16xi32>
        %add3A_1333 = arith.constant 16 : i32
        %add3A_1334 = vector.broadcast %add3A_1333 : i32 to vector<16xi32>
        %add3A_1335 = arith.addi %add3A_1329, %add3A_1334 : vector<16xi32>
        %select_n3A_1336 = arith.select %lt3A_1332, %add3A_1335, %add3A_1329 : vector<16xi1>, vector<16xi32>
        %broadcast_in_dim3A_1337 = vector.shape_cast %select_n3A_1336 : vector<16xi32> to vector<16x1xi32>
        %gather3A_1338 = vector.shape_cast %broadcast_in_dim3A_1337 : vector<16x1xi32> to vector<16xi32>
        %gather3A_1339 = tpu.dynamic_gather %get3A_500[%gather3A_1338] in [0] : vector<16xf32>, vector<16xi32> -> vector<16xf32>
        %get3A_1340 = arith.constant 3 : i32
        %get3A_1341 = arith.index_cast %get3A_1340 : i32 to index
        %get3A_1342 = arith.index_cast %add3A_1326 : i32 to index
        %get3A_1343 = arith.constant 0 : index
        %get3A_1344 = tpu.vector_load %arg9[%get3A_1341, %get3A_1342, %get3A_1343] {strides = array<i32>} : memref<4x128x32xf32, #tpu.memory_space<vmem>>, vector<1x1x16xf32>,
        %get3A_1345 = vector.shape_cast %get3A_1344 : vector<1x1x16xf32> to vector<16xf32>
        %get3A_1346 = arith.constant 3 : i32
        %get3A_1347 = arith.index_cast %get3A_1346 : i32 to index
        %get3A_1348 = arith.index_cast %add3A_1326 : i32 to index
        %get3A_1349 = arith.constant 16 : index
        %get3A_1350 = tpu.vector_load %arg9[%get3A_1347, %get3A_1348, %get3A_1349] {strides = array<i32>} : memref<4x128x32xf32, #tpu.memory_space<vmem>>, vector<1x1x16xf32>,
        %get3A_1351 = vector.shape_cast %get3A_1350 : vector<1x1x16xf32> to vector<16xf32>
        %get3A_1352 = arith.constant 3 : i32
        %get3A_1353 = arith.index_cast %get3A_1352 : i32 to index
        %get3A_1354 = arith.index_cast %add3A_1326 : i32 to index
        %get3A_1355 = arith.constant 0 : index
        %get3A_1356 = tpu.vector_load %arg10[%get3A_1353, %get3A_1354, %get3A_1355] {strides = array<i32>} : memref<4x128x32xf32, #tpu.memory_space<vmem>>, vector<1x1x16xf32>,
        %get3A_1357 = vector.shape_cast %get3A_1356 : vector<1x1x16xf32> to vector<16xf32>
        %get3A_1358 = arith.constant 3 : i32
        %get3A_1359 = arith.index_cast %get3A_1358 : i32 to index
        %get3A_1360 = arith.index_cast %add3A_1326 : i32 to index
        %get3A_1361 = arith.constant 16 : index
        %get3A_1362 = tpu.vector_load %arg10[%get3A_1359, %get3A_1360, %get3A_1361] {strides = array<i32>} : memref<4x128x32xf32, #tpu.memory_space<vmem>>, vector<1x1x16xf32>,
        %get3A_1363 = vector.shape_cast %get3A_1362 : vector<1x1x16xf32> to vector<16xf32>
        %mul3A_1364 = arith.mulf %get3A_1345, %gather3A_1339 : vector<16xf32>
        %add3A_1365 = arith.addf %mul3A_1364, %get3A_1357 : vector<16xf32>
        %swap3A_1366 = arith.constant 3 : i32
        %swap3A_1367 = arith.index_cast %swap3A_1366 : i32 to index
        %swap3A_1368 = arith.index_cast %add3A_1326 : i32 to index
        %swap3A_1369 = arith.constant 0 : index
        %swap3A_1370 = tpu.vector_load %arg11[%swap3A_1367, %swap3A_1368, %swap3A_1369] {strides = array<i32>} : memref<4x128x32xf32, #tpu.memory_space<vmem>>, vector<1x1x16xf32>,
        %swap3A_1371 = vector.shape_cast %swap3A_1370 : vector<1x1x16xf32> to vector<16xf32>
        %swap3A_1372 = vector.shape_cast %add3A_1365 : vector<16xf32> to vector<1x1x16xf32>
        tpu.vector_store %arg11[%swap3A_1367, %swap3A_1368, %swap3A_1369], %swap3A_1372 {strides = array<i32>} : memref<4x128x32xf32, #tpu.memory_space<vmem>>, vector<1x1x16xf32>,
        %mul3A_1373 = arith.mulf %get3A_1351, %gather3A_1339 : vector<16xf32>
        %add3A_1374 = arith.addf %mul3A_1373, %get3A_1363 : vector<16xf32>
        %swap3A_1375 = arith.constant 3 : i32
        %swap3A_1376 = arith.index_cast %swap3A_1375 : i32 to index
        %swap3A_1377 = arith.index_cast %add3A_1326 : i32 to index
        %swap3A_1378 = arith.constant 16 : index
        %swap3A_1379 = tpu.vector_load %arg11[%swap3A_1376, %swap3A_1377, %swap3A_1378] {strides = array<i32>} : memref<4x128x32xf32, #tpu.memory_space<vmem>>, vector<1x1x16xf32>,
        %swap3A_1380 = vector.shape_cast %swap3A_1379 : vector<1x1x16xf32> to vector<16xf32>
        %swap3A_1381 = vector.shape_cast %add3A_1374 : vector<16xf32> to vector<1x1x16xf32>
        tpu.vector_store %arg11[%swap3A_1376, %swap3A_1377, %swap3A_1378], %swap3A_1381 {strides = array<i32>} : memref<4x128x32xf32, #tpu.memory_space<vmem>>, vector<1x1x16xf32>,
        %mul3A_1382 = arith.constant 16 : i32
        %mul3A_1383 = arith.muli %scan3A_493, %mul3A_1382 : i32
        %add3A_1384 = arith.constant 15 : i32
        %add3A_1385 = arith.addi %mul3A_1383, %add3A_1384 : i32
        %add3A_1386 = arith.constant 15 : i32
        %add3A_1387 = vector.broadcast %add3A_1386 : i32 to vector<16xi32>
        %add3A_1388 = arith.addi %mul3A_5, %add3A_1387 : vector<16xi32>
        %lt3A_1389 = arith.constant 0 : i32
        %lt3A_1390 = vector.broadcast %lt3A_1389 : i32 to vector<16xi32>
        %lt3A_1391 = arith.cmpi slt, %add3A_1388, %lt3A_1390 : vector<16xi32>
        %add3A_1392 = arith.constant 16 : i32
        %add3A_1393 = vector.broadcast %add3A_1392 : i32 to vector<16xi32>
        %add3A_1394 = arith.addi %add3A_1388, %add3A_1393 : vector<16xi32>
        %select_n3A_1395 = arith.select %lt3A_1391, %add3A_1394, %add3A_1388 : vector<16xi1>, vector<16xi32>
        %broadcast_in_dim3A_1396 = vector.shape_cast %select_n3A_1395 : vector<16xi32> to vector<16x1xi32>
        %gather3A_1397 = vector.shape_cast %broadcast_in_dim3A_1396 : vector<16x1xi32> to vector<16xi32>
        %gather3A_1398 = tpu.dynamic_gather %get3A_500[%gather3A_1397] in [0] : vector<16xf32>, vector<16xi32> -> vector<16xf32>
        %get3A_1399 = arith.constant 3 : i32
        %get3A_1400 = arith.index_cast %get3A_1399 : i32 to index
        %get3A_1401 = arith.index_cast %add3A_1385 : i32 to index
        %get3A_1402 = arith.constant 0 : index
        %get3A_1403 = tpu.vector_load %arg9[%get3A_1400, %get3A_1401, %get3A_1402] {strides = array<i32>} : memref<4x128x32xf32, #tpu.memory_space<vmem>>, vector<1x1x16xf32>,
        %get3A_1404 = vector.shape_cast %get3A_1403 : vector<1x1x16xf32> to vector<16xf32>
        %get3A_1405 = arith.constant 3 : i32
        %get3A_1406 = arith.index_cast %get3A_1405 : i32 to index
        %get3A_1407 = arith.index_cast %add3A_1385 : i32 to index
        %get3A_1408 = arith.constant 16 : index
        %get3A_1409 = tpu.vector_load %arg9[%get3A_1406, %get3A_1407, %get3A_1408] {strides = array<i32>} : memref<4x128x32xf32, #tpu.memory_space<vmem>>, vector<1x1x16xf32>,
        %get3A_1410 = vector.shape_cast %get3A_1409 : vector<1x1x16xf32> to vector<16xf32>
        %get3A_1411 = arith.constant 3 : i32
        %get3A_1412 = arith.index_cast %get3A_1411 : i32 to index
        %get3A_1413 = arith.index_cast %add3A_1385 : i32 to index
        %get3A_1414 = arith.constant 0 : index
        %get3A_1415 = tpu.vector_load %arg10[%get3A_1412, %get3A_1413, %get3A_1414] {strides = array<i32>} : memref<4x128x32xf32, #tpu.memory_space<vmem>>, vector<1x1x16xf32>,
        %get3A_1416 = vector.shape_cast %get3A_1415 : vector<1x1x16xf32> to vector<16xf32>
        %get3A_1417 = arith.constant 3 : i32
        %get3A_1418 = arith.index_cast %get3A_1417 : i32 to index
        %get3A_1419 = arith.index_cast %add3A_1385 : i32 to index
        %get3A_1420 = arith.constant 16 : index
        %get3A_1421 = tpu.vector_load %arg10[%get3A_1418, %get3A_1419, %get3A_1420] {strides = array<i32>} : memref<4x128x32xf32, #tpu.memory_space<vmem>>, vector<1x1x16xf32>,
        %get3A_1422 = vector.shape_cast %get3A_1421 : vector<1x1x16xf32> to vector<16xf32>
        %mul3A_1423 = arith.mulf %get3A_1404, %gather3A_1398 : vector<16xf32>
        %add3A_1424 = arith.addf %mul3A_1423, %get3A_1416 : vector<16xf32>
        %swap3A_1425 = arith.constant 3 : i32
        %swap3A_1426 = arith.index_cast %swap3A_1425 : i32 to index
        %swap3A_1427 = arith.index_cast %add3A_1385 : i32 to index
        %swap3A_1428 = arith.constant 0 : index
        %swap3A_1429 = tpu.vector_load %arg11[%swap3A_1426, %swap3A_1427, %swap3A_1428] {strides = array<i32>} : memref<4x128x32xf32, #tpu.memory_space<vmem>>, vector<1x1x16xf32>,
        %swap3A_1430 = vector.shape_cast %swap3A_1429 : vector<1x1x16xf32> to vector<16xf32>
        %swap3A_1431 = vector.shape_cast %add3A_1424 : vector<16xf32> to vector<1x1x16xf32>
        tpu.vector_store %arg11[%swap3A_1426, %swap3A_1427, %swap3A_1428], %swap3A_1431 {strides = array<i32>} : memref<4x128x32xf32, #tpu.memory_space<vmem>>, vector<1x1x16xf32>,
        %mul3A_1432 = arith.mulf %get3A_1410, %gather3A_1398 : vector<16xf32>
        %add3A_1433 = arith.addf %mul3A_1432, %get3A_1422 : vector<16xf32>
        %swap3A_1434 = arith.constant 3 : i32
        %swap3A_1435 = arith.index_cast %swap3A_1434 : i32 to index
        %swap3A_1436 = arith.index_cast %add3A_1385 : i32 to index
        %swap3A_1437 = arith.constant 16 : index
        %swap3A_1438 = tpu.vector_load %arg11[%swap3A_1435, %swap3A_1436, %swap3A_1437] {strides = array<i32>} : memref<4x128x32xf32, #tpu.memory_space<vmem>>, vector<1x1x16xf32>,
        %swap3A_1439 = vector.shape_cast %swap3A_1438 : vector<1x1x16xf32> to vector<16xf32>
        %swap3A_1440 = vector.shape_cast %add3A_1433 : vector<16xf32> to vector<1x1x16xf32>
        tpu.vector_store %arg11[%swap3A_1435, %swap3A_1436, %swap3A_1437], %swap3A_1440 {strides = array<i32>} : memref<4x128x32xf32, #tpu.memory_space<vmem>>, vector<1x1x16xf32>,
      }
      %scan3A_464 = arith.constant 8 : i32
      %mul3A_465 = arith.constant 104 : i32
      %mul3A_466 = arith.muli %add3A, %mul3A_465 : i32
      %add3A_467 = arith.addi %mul3A_466, %add3A_425 : i32
      %mul3A_468 = arith.constant 128 : i32
      %mul3A_469 = arith.muli %add3A_467, %mul3A_468 : i32
      %dma_start3A_470 = arith.constant 3 : i32
      %dma_start3A_471 = arith.constant 3 : i32
      %dma_start3A_472 = arith.constant 0 : i32
      %dma_start3A_473 = arith.constant 0 : i32
      %dma_start3A_474 = tpu.memref_slice %arg11[%dma_start3A_470, %dma_start3A_472, %dma_start3A_473] : memref<4x128x32xf32, #tpu.memory_space<vmem>> -> memref<1x128x32xf32, #tpu.memory_space<vmem>>
      %dma_start3A_475 = tpu.memref_squeeze %dma_start3A_474 : memref<1x128x32xf32, #tpu.memory_space<vmem>> -> memref<128x32xf32, #tpu.memory_space<vmem>>
      %dma_start3A_476 = arith.constant 0 : i32
      %dma_start3A_477 = tpu.memref_slice %arg6[%mul3A_469, %dma_start3A_476] : memref<425984x32xf32, #tpu.memory_space<hbm>> -> memref<128x32xf32, #tpu.memory_space<hbm>>
      %dma_start3A_478 = tpu.memref_slice %arg14[%dma_start3A_471] : memref<4x!tpu.dma_semaphore, #tpu.memory_space<semaphore_mem>> -> memref<1x!tpu.dma_semaphore, #tpu.memory_space<semaphore_mem>>
      %dma_start3A_479 = tpu.memref_squeeze %dma_start3A_478 : memref<1x!tpu.dma_semaphore, #tpu.memory_space<semaphore_mem>> -> memref<!tpu.dma_semaphore, #tpu.memory_space<semaphore_mem>>
      %dma_start3A_480 = arith.constant 0 : i32
      %dma_start3A_481 = tpu.memref_slice %arg6[%mul3A_469, %dma_start3A_480] : memref<425984x32xf32, #tpu.memory_space<hbm>> -> memref<128x32xf32, #tpu.memory_space<hbm>>
      %dma_start3A_482 = arith.constant 0 : i32
      %dma_start3A_483 = arith.constant 0 : i32
      %dma_start3A_484 = tpu.memref_slice %arg11[%dma_start3A_470, %dma_start3A_482, %dma_start3A_483] : memref<4x128x32xf32, #tpu.memory_space<vmem>> -> memref<1x128x32xf32, #tpu.memory_space<vmem>>
      %dma_start3A_485 = tpu.memref_squeeze %dma_start3A_484 : memref<1x128x32xf32, #tpu.memory_space<vmem>> -> memref<128x32xf32, #tpu.memory_space<vmem>>
      tpu.enqueue_dma source(%dma_start3A_485 : memref<128x32xf32, #tpu.memory_space<vmem>>) target(%dma_start3A_481 : memref<128x32xf32, #tpu.memory_space<hbm>>) target_semaphore(%dma_start3A_479 : memref<!tpu.dma_semaphore, #tpu.memory_space<semaphore_mem>>)
      %add3A_486 = arith.constant 4 : i32
      %add3A_487 = arith.addi %add3A_425, %add3A_486 : i32
      %lt3A_488 = arith.constant 104 : i32
      %lt3A_489 = arith.cmpi slt, %add3A_487, %lt3A_488 : i32
      %convert_element_type3A_490 = arith.extui %lt3A_489 : i1 to i32
      %cond3A_491 = arith.constant 0 : i32
      %cond3A_492 = arith.cmpi ne, %convert_element_type3A_490, %cond3A_491 : i32
      scf.if %cond3A_492 {
        %add3A_493 = arith.constant 4 : i32
        %add3A_494 = arith.addi %add3A_425, %add3A_493 : i32
        %dma_start3A_495 = arith.constant 3 : i32
        %dma_start3A_496 = arith.constant 3 : i32
        %dma_start3A_497 = arith.constant 0 : i32
        %dma_start3A_498 = arith.constant 0 : i32
        %dma_start3A_499 = tpu.memref_slice %arg9[%dma_start3A_495, %dma_start3A_497, %dma_start3A_498] : memref<4x128x32xf32, #tpu.memory_space<vmem>> -> memref<1x128x32xf32, #tpu.memory_space<vmem>>
        %dma_start3A_500 = tpu.memref_squeeze %dma_start3A_499 : memref<1x128x32xf32, #tpu.memory_space<vmem>> -> memref<128x32xf32, #tpu.memory_space<vmem>>
        %dma_start3A_501 = arith.constant 0 : i32
        %dma_start3A_502 = tpu.memref_slice %arg7[%add3A_494, %dma_start3A_501] : memref<104x128xi32, #tpu.memory_space<vmem>> -> memref<1x128xi32, #tpu.memory_space<vmem>>
        %dma_start3A_503 = tpu.memref_squeeze %dma_start3A_502 : memref<1x128xi32, #tpu.memory_space<vmem>> -> memref<128xi32, #tpu.memory_space<vmem>>
        %dma_start3A_504 = arith.constant 0 : i32
        %dma_start3A_505 = arith.constant 0 : i32
        %dma_start3A_506 = tpu.memref_slice %arg4[%dma_start3A_504, %dma_start3A_505] : memref<1000001x32xf32, #tpu.memory_space<hbm>> -> memref<1000001x32xf32, #tpu.memory_space<hbm>>
        %dma_start3A_507 = tpu.memref_slice %arg12[%dma_start3A_496] : memref<4x!tpu.dma_semaphore, #tpu.memory_space<semaphore_mem>> -> memref<1x!tpu.dma_semaphore, #tpu.memory_space<semaphore_mem>>
        %dma_start3A_508 = tpu.memref_squeeze %dma_start3A_507 : memref<1x!tpu.dma_semaphore, #tpu.memory_space<semaphore_mem>> -> memref<!tpu.dma_semaphore, #tpu.memory_space<semaphore_mem>>
        tpu.enqueue_indirect_dma source(%dma_start3A_506 : memref<1000001x32xf32, #tpu.memory_space<hbm>>) target(%dma_start3A_500 : memref<128x32xf32, #tpu.memory_space<vmem>>) offsets(%dma_start3A_503 : memref<128xi32, #tpu.memory_space<vmem>>) semaphore(%dma_start3A_508 : memref<!tpu.dma_semaphore, #tpu.memory_space<semaphore_mem>>)
        %dma_start3A_509 = arith.constant 3 : i32
        %dma_start3A_510 = arith.constant 3 : i32
        %dma_start3A_511 = arith.constant 0 : i32
        %dma_start3A_512 = arith.constant 0 : i32
        %dma_start3A_513 = tpu.memref_slice %arg10[%dma_start3A_509, %dma_start3A_511, %dma_start3A_512] : memref<4x128x32xf32, #tpu.memory_space<vmem>> -> memref<1x128x32xf32, #tpu.memory_space<vmem>>
        %dma_start3A_514 = tpu.memref_squeeze %dma_start3A_513 : memref<1x128x32xf32, #tpu.memory_space<vmem>> -> memref<128x32xf32, #tpu.memory_space<vmem>>
        %dma_start3A_515 = arith.constant 0 : i32
        %dma_start3A_516 = tpu.memref_slice %arg7[%add3A_494, %dma_start3A_515] : memref<104x128xi32, #tpu.memory_space<vmem>> -> memref<1x128xi32, #tpu.memory_space<vmem>>
        %dma_start3A_517 = tpu.memref_squeeze %dma_start3A_516 : memref<1x128xi32, #tpu.memory_space<vmem>> -> memref<128xi32, #tpu.memory_space<vmem>>
        %dma_start3A_518 = arith.constant 0 : i32
        %dma_start3A_519 = arith.constant 0 : i32
        %dma_start3A_520 = tpu.memref_slice %arg5[%dma_start3A_518, %dma_start3A_519] : memref<1000001x32xf32, #tpu.memory_space<hbm>> -> memref<1000001x32xf32, #tpu.memory_space<hbm>>
        %dma_start3A_521 = tpu.memref_slice %arg13[%dma_start3A_510] : memref<4x!tpu.dma_semaphore, #tpu.memory_space<semaphore_mem>> -> memref<1x!tpu.dma_semaphore, #tpu.memory_space<semaphore_mem>>
        %dma_start3A_522 = tpu.memref_squeeze %dma_start3A_521 : memref<1x!tpu.dma_semaphore, #tpu.memory_space<semaphore_mem>> -> memref<!tpu.dma_semaphore, #tpu.memory_space<semaphore_mem>>
        tpu.enqueue_indirect_dma source(%dma_start3A_520 : memref<1000001x32xf32, #tpu.memory_space<hbm>>) target(%dma_start3A_514 : memref<128x32xf32, #tpu.memory_space<vmem>>) offsets(%dma_start3A_517 : memref<128xi32, #tpu.memory_space<vmem>>) semaphore(%dma_start3A_522 : memref<!tpu.dma_semaphore, #tpu.memory_space<semaphore_mem>>)
      } else {
      }
    }
    %scan3A_128 = arith.constant 26 : i32
    %mul3A_129 = arith.constant 104 : i32
    %mul3A_130 = arith.muli %add3A, %mul3A_129 : i32
    %add3A_131 = arith.constant 100 : i32
    %add3A_132 = arith.addi %mul3A_130, %add3A_131 : i32
    %mul3A_133 = arith.constant 128 : i32
    %mul3A_134 = arith.muli %add3A_132, %mul3A_133 : i32
    %dma_wait3A = arith.constant 0 : i32
    %dma_wait3A_135 = arith.constant 0 : i32
    %dma_wait3A_136 = arith.constant 0 : i32
    %dma_wait3A_137 = arith.constant 0 : i32
    %dma_wait3A_138 = tpu.memref_slice %arg11[%dma_wait3A, %dma_wait3A_136, %dma_wait3A_137] : memref<4x128x32xf32, #tpu.memory_space<vmem>> -> memref<1x128x32xf32, #tpu.memory_space<vmem>>
    %dma_wait3A_139 = tpu.memref_squeeze %dma_wait3A_138 : memref<1x128x32xf32, #tpu.memory_space<vmem>> -> memref<128x32xf32, #tpu.memory_space<vmem>>
    %dma_wait3A_140 = arith.constant 0 : i32
    %dma_wait3A_141 = tpu.memref_slice %arg6[%mul3A_134, %dma_wait3A_140] : memref<425984x32xf32, #tpu.memory_space<hbm>> -> memref<128x32xf32, #tpu.memory_space<hbm>>
    %dma_wait3A_142 = tpu.memref_slice %arg14[%dma_wait3A_135] : memref<4x!tpu.dma_semaphore, #tpu.memory_space<semaphore_mem>> -> memref<1x!tpu.dma_semaphore, #tpu.memory_space<semaphore_mem>>
    %dma_wait3A_143 = tpu.memref_squeeze %dma_wait3A_142 : memref<1x!tpu.dma_semaphore, #tpu.memory_space<semaphore_mem>> -> memref<!tpu.dma_semaphore, #tpu.memory_space<semaphore_mem>>
    %dma_wait3A_144 = arith.constant 0 : i32
    %dma_wait3A_145 = tpu.memref_slice %arg6[%mul3A_134, %dma_wait3A_144] : memref<425984x32xf32, #tpu.memory_space<hbm>> -> memref<128x32xf32, #tpu.memory_space<hbm>>
    %dma_wait3A_146 = arith.constant 0 : i32
    %dma_wait3A_147 = arith.constant 0 : i32
    %dma_wait3A_148 = tpu.memref_slice %arg11[%dma_wait3A, %dma_wait3A_146, %dma_wait3A_147] : memref<4x128x32xf32, #tpu.memory_space<vmem>> -> memref<1x128x32xf32, #tpu.memory_space<vmem>>
    %dma_wait3A_149 = tpu.memref_squeeze %dma_wait3A_148 : memref<1x128x32xf32, #tpu.memory_space<vmem>> -> memref<128x32xf32, #tpu.memory_space<vmem>>
    tpu.wait_dma2 semaphore(%dma_wait3A_143 : memref<!tpu.dma_semaphore, #tpu.memory_space<semaphore_mem>>) src(%dma_wait3A_149 : memref<128x32xf32, #tpu.memory_space<vmem>>) dst(%dma_wait3A_145 : memref<128x32xf32, #tpu.memory_space<hbm>>)
    %mul3A_150 = arith.constant 104 : i32
    %mul3A_151 = arith.muli %add3A, %mul3A_150 : i32
    %add3A_152 = arith.constant 101 : i32
    %add3A_153 = arith.addi %mul3A_151, %add3A_152 : i32
    %mul3A_154 = arith.constant 128 : i32
    %mul3A_155 = arith.muli %add3A_153, %mul3A_154 : i32
    %dma_wait3A_156 = arith.constant 1 : i32
    %dma_wait3A_157 = arith.constant 1 : i32
    %dma_wait3A_158 = arith.constant 0 : i32
    %dma_wait3A_159 = arith.constant 0 : i32
    %dma_wait3A_160 = tpu.memref_slice %arg11[%dma_wait3A_156, %dma_wait3A_158, %dma_wait3A_159] : memref<4x128x32xf32, #tpu.memory_space<vmem>> -> memref<1x128x32xf32, #tpu.memory_space<vmem>>
    %dma_wait3A_161 = tpu.memref_squeeze %dma_wait3A_160 : memref<1x128x32xf32, #tpu.memory_space<vmem>> -> memref<128x32xf32, #tpu.memory_space<vmem>>
    %dma_wait3A_162 = arith.constant 0 : i32
    %dma_wait3A_163 = tpu.memref_slice %arg6[%mul3A_155, %dma_wait3A_162] : memref<425984x32xf32, #tpu.memory_space<hbm>> -> memref<128x32xf32, #tpu.memory_space<hbm>>
    %dma_wait3A_164 = tpu.memref_slice %arg14[%dma_wait3A_157] : memref<4x!tpu.dma_semaphore, #tpu.memory_space<semaphore_mem>> -> memref<1x!tpu.dma_semaphore, #tpu.memory_space<semaphore_mem>>
    %dma_wait3A_165 = tpu.memref_squeeze %dma_wait3A_164 : memref<1x!tpu.dma_semaphore, #tpu.memory_space<semaphore_mem>> -> memref<!tpu.dma_semaphore, #tpu.memory_space<semaphore_mem>>
    %dma_wait3A_166 = arith.constant 0 : i32
    %dma_wait3A_167 = tpu.memref_slice %arg6[%mul3A_155, %dma_wait3A_166] : memref<425984x32xf32, #tpu.memory_space<hbm>> -> memref<128x32xf32, #tpu.memory_space<hbm>>
    %dma_wait3A_168 = arith.constant 0 : i32
    %dma_wait3A_169 = arith.constant 0 : i32
    %dma_wait3A_170 = tpu.memref_slice %arg11[%dma_wait3A_156, %dma_wait3A_168, %dma_wait3A_169] : memref<4x128x32xf32, #tpu.memory_space<vmem>> -> memref<1x128x32xf32, #tpu.memory_space<vmem>>
    %dma_wait3A_171 = tpu.memref_squeeze %dma_wait3A_170 : memref<1x128x32xf32, #tpu.memory_space<vmem>> -> memref<128x32xf32, #tpu.memory_space<vmem>>
    tpu.wait_dma2 semaphore(%dma_wait3A_165 : memref<!tpu.dma_semaphore, #tpu.memory_space<semaphore_mem>>) src(%dma_wait3A_171 : memref<128x32xf32, #tpu.memory_space<vmem>>) dst(%dma_wait3A_167 : memref<128x32xf32, #tpu.memory_space<hbm>>)
    %mul3A_172 = arith.constant 104 : i32
    %mul3A_173 = arith.muli %add3A, %mul3A_172 : i32
    %add3A_174 = arith.constant 102 : i32
    %add3A_175 = arith.addi %mul3A_173, %add3A_174 : i32
    %mul3A_176 = arith.constant 128 : i32
    %mul3A_177 = arith.muli %add3A_175, %mul3A_176 : i32
    %dma_wait3A_178 = arith.constant 2 : i32
    %dma_wait3A_179 = arith.constant 2 : i32
    %dma_wait3A_180 = arith.constant 0 : i32
    %dma_wait3A_181 = arith.constant 0 : i32
    %dma_wait3A_182 = tpu.memref_slice %arg11[%dma_wait3A_178, %dma_wait3A_180, %dma_wait3A_181] : memref<4x128x32xf32, #tpu.memory_space<vmem>> -> memref<1x128x32xf32, #tpu.memory_space<vmem>>
    %dma_wait3A_183 = tpu.memref_squeeze %dma_wait3A_182 : memref<1x128x32xf32, #tpu.memory_space<vmem>> -> memref<128x32xf32, #tpu.memory_space<vmem>>
    %dma_wait3A_184 = arith.constant 0 : i32
    %dma_wait3A_185 = tpu.memref_slice %arg6[%mul3A_177, %dma_wait3A_184] : memref<425984x32xf32, #tpu.memory_space<hbm>> -> memref<128x32xf32, #tpu.memory_space<hbm>>
    %dma_wait3A_186 = tpu.memref_slice %arg14[%dma_wait3A_179] : memref<4x!tpu.dma_semaphore, #tpu.memory_space<semaphore_mem>> -> memref<1x!tpu.dma_semaphore, #tpu.memory_space<semaphore_mem>>
    %dma_wait3A_187 = tpu.memref_squeeze %dma_wait3A_186 : memref<1x!tpu.dma_semaphore, #tpu.memory_space<semaphore_mem>> -> memref<!tpu.dma_semaphore, #tpu.memory_space<semaphore_mem>>
    %dma_wait3A_188 = arith.constant 0 : i32
    %dma_wait3A_189 = tpu.memref_slice %arg6[%mul3A_177, %dma_wait3A_188] : memref<425984x32xf32, #tpu.memory_space<hbm>> -> memref<128x32xf32, #tpu.memory_space<hbm>>
    %dma_wait3A_190 = arith.constant 0 : i32
    %dma_wait3A_191 = arith.constant 0 : i32
    %dma_wait3A_192 = tpu.memref_slice %arg11[%dma_wait3A_178, %dma_wait3A_190, %dma_wait3A_191] : memref<4x128x32xf32, #tpu.memory_space<vmem>> -> memref<1x128x32xf32, #tpu.memory_space<vmem>>
    %dma_wait3A_193 = tpu.memref_squeeze %dma_wait3A_192 : memref<1x128x32xf32, #tpu.memory_space<vmem>> -> memref<128x32xf32, #tpu.memory_space<vmem>>
    tpu.wait_dma2 semaphore(%dma_wait3A_187 : memref<!tpu.dma_semaphore, #tpu.memory_space<semaphore_mem>>) src(%dma_wait3A_193 : memref<128x32xf32, #tpu.memory_space<vmem>>) dst(%dma_wait3A_189 : memref<128x32xf32, #tpu.memory_space<hbm>>)
    %mul3A_194 = arith.constant 104 : i32
    %mul3A_195 = arith.muli %add3A, %mul3A_194 : i32
    %add3A_196 = arith.constant 103 : i32
    %add3A_197 = arith.addi %mul3A_195, %add3A_196 : i32
    %mul3A_198 = arith.constant 128 : i32
    %mul3A_199 = arith.muli %add3A_197, %mul3A_198 : i32
    %dma_wait3A_200 = arith.constant 3 : i32
    %dma_wait3A_201 = arith.constant 3 : i32
    %dma_wait3A_202 = arith.constant 0 : i32
    %dma_wait3A_203 = arith.constant 0 : i32
    %dma_wait3A_204 = tpu.memref_slice %arg11[%dma_wait3A_200, %dma_wait3A_202, %dma_wait3A_203] : memref<4x128x32xf32, #tpu.memory_space<vmem>> -> memref<1x128x32xf32, #tpu.memory_space<vmem>>
    %dma_wait3A_205 = tpu.memref_squeeze %dma_wait3A_204 : memref<1x128x32xf32, #tpu.memory_space<vmem>> -> memref<128x32xf32, #tpu.memory_space<vmem>>
    %dma_wait3A_206 = arith.constant 0 : i32
    %dma_wait3A_207 = tpu.memref_slice %arg6[%mul3A_199, %dma_wait3A_206] : memref<425984x32xf32, #tpu.memory_space<hbm>> -> memref<128x32xf32, #tpu.memory_space<hbm>>
    %dma_wait3A_208 = tpu.memref_slice %arg14[%dma_wait3A_201] : memref<4x!tpu.dma_semaphore, #tpu.memory_space<semaphore_mem>> -> memref<1x!tpu.dma_semaphore, #tpu.memory_space<semaphore_mem>>
    %dma_wait3A_209 = tpu.memref_squeeze %dma_wait3A_208 : memref<1x!tpu.dma_semaphore, #tpu.memory_space<semaphore_mem>> -> memref<!tpu.dma_semaphore, #tpu.memory_space<semaphore_mem>>
    %dma_wait3A_210 = arith.constant 0 : i32
    %dma_wait3A_211 = tpu.memref_slice %arg6[%mul3A_199, %dma_wait3A_210] : memref<425984x32xf32, #tpu.memory_space<hbm>> -> memref<128x32xf32, #tpu.memory_space<hbm>>
    %dma_wait3A_212 = arith.constant 0 : i32
    %dma_wait3A_213 = arith.constant 0 : i32
    %dma_wait3A_214 = tpu.memref_slice %arg11[%dma_wait3A_200, %dma_wait3A_212, %dma_wait3A_213] : memref<4x128x32xf32, #tpu.memory_space<vmem>> -> memref<1x128x32xf32, #tpu.memory_space<vmem>>
    %dma_wait3A_215 = tpu.memref_squeeze %dma_wait3A_214 : memref<1x128x32xf32, #tpu.memory_space<vmem>> -> memref<128x32xf32, #tpu.memory_space<vmem>>
    tpu.wait_dma2 semaphore(%dma_wait3A_209 : memref<!tpu.dma_semaphore, #tpu.memory_space<semaphore_mem>>) src(%dma_wait3A_215 : memref<128x32xf32, #tpu.memory_space<vmem>>) dst(%dma_wait3A_211 : memref<128x32xf32, #tpu.memory_space<hbm>>)
    return
  }
}

</mosaic_0001>

<sc_bundles>
// kernel: _emb.3.cloned.1.call-start
scs
__scs_entry_jumppad:
0x0: {  	(pc) =	sbr.rel $0x88, $3  }
0x1: {  	(tag) =	ssettag $0x0;
	lr =	simm.s32 $0x1  }
0x2: {  	[smem:$0x3F9D] =	sst lr;
	_ =	strace $0xD0000000  }
0x3: {  	_ = 	snop  }
0x4: {  	_ = 	snop  }
0x5: {  	_ = 	snop  }
0x6: {  	_ = 	snop  }
0x7: {  	_ = 	snop  }
__scs_overlays_trampoline_lowered:
0x8: {  	[smem:$0x3FAC] =	sst s0  }
0x9: {  	[smem:$0x3FAD] =	sst s1  }
0xa: {  	[smem:$0x3FAE] =	sst s2  }
0xb: {  	[smem:$0x3FAF] =	sst s3  }
0xc: {  	[smem:$0x3FB0] =	sst s4  }
0xd: {  	[smem:$0x3FB1] =	sst s5  }
0xe: {  	[smem:$0x3FB2] =	sst s6  }
0xf: {  	[smem:$0x3FB3] =	sst s7  }
0x10: {  	[smem:$0x3FB4] =	sst s8  }
0x11: {  	[smem:$0x3FB5] =	sst s9;
	s0 =	simm.s32 @!p0 $0x0  }
0x12: {  	s1 =	sld [smem:$0x3F9B];
	s0 =	simm.s32 @p0 $0x1  }
0x13: {  	[smem:$0x3FB6] =	sst s0;
	s0 =	simm.s32 @!p1 $0x0  }
0x14: {  	s2 =	sld [smem:$0x3F9A];
	s0 =	simm.s32 @p1 $0x1  }
0x15: {  	[smem:$0x3FB7] =	sst s0;
	s0 =	simm.s32 @!p2 $0x0  }
0x16: {  	s3 =	sld [smem:$0x3FDB];
	s0 =	simm.s32 @p2 $0x1  }
0x17: {  	s4 =	simm.s32 $0x1BF5;
	[smem:$0x3FB9] =	sst s0  }
0x18: {  	s0 =	sld [smem:$0x3F9C];
	_ =	swait.ge [sflag:s4], $0x0  }
0x19: {  	s7 =	sld [smem:$0x3F9D]  }
0x1a: {  	s8 =	sadd.s32 $0xFFFFE003, lr  }
0x1b: {  	s9 =	sadd.s32 $0xFFFFFEF7, lr;
	s5 =	simm.s32 $0xFFFFFFFF;
	p2 =	slt.u32 s8, $0xFFFFF086  }
0x1c: {  	p1 =	slt.u32 s9, $0xF7A;
	s5 =	simm.s32 @!p2 $0x0  }
0x1d: {  	s5 =	simm.s32 @p1 $0x1;
	p0 =	seq.s32 s7, s2  }
0x1e: {  	s7 =	smul.u32 @!p0 $0xF7A, s2;
	p2 =	seq.s32 @!p0 s5, $0x0  }
0x1f: {  	s9 =	smul.u32 $0xF7A, s1;
	s8 =	simm.s32 @!p0 $0x1BF5;
	p2 =	por !p2, p0  }
0x20: {  	[sflag:s8] =	ssyncset.s32 @!p0 $0xFFFFF086;
	s6 =	sadd.s32 @!p0 s3, s7;
	s7 =	simm.s32 @!p0 $0x108  }
0x21: {  	s3 =	sadd.s32 s3, s9;
	s6 =	sadd.s32 @!p0 $0x88, s6;
	s7 =	simm.s32 @p2 $0x1082  }
0x22: {  	[simem:s7], [sflag:s8] =	dma.local @!p0 [hbm:s6], $0xF7A  }
0x23: {  	s9 =	sor.u32 $0xD0000000, s2;
	s6 =	simm.s32 $0x108;
	_ =	swait.ge @!p0 [sflag:s8], $0x0  }
0x24: {  	s3 =	sadd.s32 $0x88, s3;
	s6 =	simm.s32 @!p1 $0x1082;
	[sflag:s4] =	ssyncset.s32 $0xFFFFF086  }
0x25: {  	[simem:s6], [sflag:s4] =	dma.local [hbm:s3], $0xF7A  }
0x26: {  	[smem:$0x3F9D] =	sst s1;
	(tag) =	ssettag s2;
	_ =	strace s9  }
0x27: {  	s1 =	sld [smem:$0x3FAD]  }
0x28: {  	s2 =	sld [smem:$0x3FAE]  }
0x29: {  	s4 =	sld [smem:$0x3FB0]  }
0x2a: {  	p0 =	seq.s32 s5, $0x0;
	s5 =	sld [smem:$0x3FB1]  }
0x2b: {  	s6 =	sld [smem:$0x3FB2]  }
0x2c: {  	s7 =	sld [smem:$0x3FB3]  }
0x2d: {  	s3 =	simm.s32 $0x108;
	s8 =	sld [smem:$0x3FB4]  }
0x2e: {  	s3 =	simm.s32 @!p0 $0x1082;
	s9 =	sld [smem:$0x3FB5]  }
0x2f: {  	lr =	sadd.s32 s0, s3;
	s0 =	sld [smem:$0x3FAC]  }
0x30: {  	s3 =	sld [smem:$0x3FAF]  }
0x31: {  	[smem:$0x3FB8] =	sst s10  }
0x32: {  	s10 =	sld [smem:$0x3FB6];
	_ =	sdelay $0x3  }
0x33: {  	p0 =	seq.s32 s10, $0x1;
	s10 =	sld [smem:$0x3FB8];
	_ =	sdelay $0x3  }
0x34: {  	[smem:$0x3FB8] =	sst s10  }
0x35: {  	s10 =	sld [smem:$0x3FB7];
	_ =	sdelay $0x3  }
0x36: {  	p1 =	seq.s32 s10, $0x1;
	s10 =	sld [smem:$0x3FB8];
	_ =	sdelay $0x3  }
0x37: {  	[smem:$0x3FB8] =	sst s10  }
0x38: {  	s10 =	sld [smem:$0x3FB9]  }
0x39: {  	_ = 	snop;
	(pc) =	sbr.ind lr, $3  }
0x3a: {  	_ = 	snop  }
0x3b: {  	_ = 	snop  }
0x3c: {  	p2 =	seq.s32 s10, $0x1;
	s10 =	sld [smem:$0x3FB8]  }
0x3d: {  	_ =	shalt  }
0x3e: {  	_ =	shalt  }
0x3f: {  	_ =	shalt  }
0x40: {  	_ =	shalt  }
0x41: {  	_ =	shalt  }
0x42: {  	_ =	shalt  }
0x43: {  	_ =	shalt  }
0x44: {  	_ =	shalt  }
0x45: {  	_ =	shalt  }
0x46: {  	_ =	shalt  }
0x47: {  	_ =	shalt  }
0x48: {  	_ =	shalt  }
0x49: {  	_ =	shalt  }
0x4a: {  	_ =	shalt  }
0x4b: {  	_ =	shalt  }
0x4c: {  	_ =	shalt  }
0x4d: {  	_ =	shalt  }
0x4e: {  	_ =	shalt  }
0x4f: {  	_ =	shalt  }
0x50: {  	_ =	shalt  }
0x51: {  	_ =	shalt  }
0x52: {  	_ =	shalt  }
0x53: {  	_ =	shalt  }
0x54: {  	_ =	shalt  }
0x55: {  	_ =	shalt  }
0x56: {  	_ =	shalt  }
0x57: {  	_ =	shalt  }
0x58: {  	_ =	shalt  }
0x59: {  	_ =	shalt  }
0x5a: {  	_ =	shalt  }
0x5b: {  	_ =	shalt  }
0x5c: {  	_ =	shalt  }
0x5d: {  	_ =	shalt  }
0x5e: {  	_ =	shalt  }
0x5f: {  	_ =	shalt  }
0x60: {  	_ =	shalt  }
0x61: {  	_ =	shalt  }
0x62: {  	_ =	shalt  }
0x63: {  	_ =	shalt  }
0x64: {  	_ =	shalt  }
0x65: {  	_ =	shalt  }
0x66: {  	_ =	shalt  }
0x67: {  	_ =	shalt  }
0x68: {  	_ =	shalt  }
0x69: {  	_ =	shalt  }
0x6a: {  	_ =	shalt  }
0x6b: {  	_ =	shalt  }
0x6c: {  	_ =	shalt  }
0x6d: {  	_ =	shalt  }
0x6e: {  	_ =	shalt  }
0x6f: {  	_ =	shalt  }
0x70: {  	_ =	shalt  }
0x71: {  	_ =	shalt  }
0x72: {  	_ =	shalt  }
0x73: {  	_ =	shalt  }
0x74: {  	_ =	shalt  }
0x75: {  	_ =	shalt  }
0x76: {  	_ =	shalt  }
0x77: {  	_ =	shalt  }
0x78: {  	_ =	shalt  }
0x79: {  	_ =	shalt  }
0x7a: {  	_ =	shalt  }
0x7b: {  	_ =	shalt  }
0x7c: {  	_ =	shalt  }
0x7d: {  	_ =	shalt  }
0x7e: {  	_ =	shalt  }
0x7f: {  	_ =	shalt  }
0x80: {  	_ =	shalt  }
0x81: {  	_ =	shalt  }
0x82: {  	_ =	shalt  }
0x83: {  	_ =	shalt  }
0x84: {  	_ =	shalt  }
0x85: {  	_ =	shalt  }
0x86: {  	_ =	shalt  }
0x87: {  	_ =	shalt  }
.Lfunc_end0:
.L_simem_size_0:
called_computation.1_lowered:
.L_overlay_start_0:
0x88: {  	s2 =	sld [smem:$0x3FD9]  }
0x89: {  	s3 =	sld [smem:$0x3FFE];
	_ =	sdelay $0x1  }
0x8a: {  	s1 =	srdreg.scid  }
0x8b: {  	s0 =	sand.u32 $0x1, s1  }
0x8c: {  	s17 =	sshll.u32 s0, $0xA;
	s2 =	sadd.s32 s3, s2  }
0x8d: {  	s2 =	sadd.s32 s2, s17  }
0x8e: {  	[smem:$0x3FC4] =	sst s2  }
0x8f: {  	_ = 	snop  }
0x90: {  	s2 =	sld [smem:$0x3FC9]  }
0x91: {  	s18 =	sld [smem:$0x3FC8]  }
0x92: {  	s4 =	sld [smem:$0x3FD0];
	(tm) =	ssettm $0x1  }
0x93: {  	s5 =	sld [smem:$0x3FFB];
	_ =	sdelay $0x3  }
0x94: {  	_ =	strace s5  }
0x95: {  	s5 =	sld [smem:$0x3FFC];
	_ =	sdelay $0x3  }
0x96: {  	_ =	strace s5  }
0x97: {  	s5 =	sld [smem:$0x3FFD];
	_ =	sdelay $0x3  }
0x98: {  	_ =	strace s5  }
0x99: {  	_ =	strace $0x8FFFFFFF  }
0x9a: {  	s19 =	sld [smem:$0x3FDB];
	_ =	sdelay $0x1  }
0x9b: {  	s6 =	simm.s32 $_scs_section_size  }
0x9c: {  	s7 =	simm.s32 $_size__tile_overlayer_lowered;
	s8 =	simm.s32 $_tile_overlayer_lowered  }
0x9d: {  	s22 =	simm.s32 $0x1BFF;
	s21 =	sshll.u32 s8, $0x1;
	s5 =	sadd.s32 s6, s19  }
0x9e: {  	s9 =	simm.s32 $0x0;
	s20 =	sshll.u32 s7, $0x1;
	s7 =	sadd.s32 s21, s5  }
0x9f: {  	[timem:s9], [sflag:s22] =	dma.local [hbm:s7], s20  }
0xa0: {  	_ =	swait.ge [sflag:s22], s20  }
0xa1: {  	s6 =	ssub.s32 $0x0, s20;
	[sflag:s22] =	ssyncset.done $0x0  }
0xa2: {  	[sflag:s22] =	ssyncadd.s32 s6;
	_ =	sdelay $0x1  }
0xa3: {  	s23 =	simm.s32 $0x1B8B  }
0xa4: {  	_ =	swait.ge [sflag:s23], $0x1  }
0xa5: {  	[sflag:s23] =	ssyncset.done $0x0  }
0xa6: {  	s25 =	simm.s32 $0x1B8E;
	s24 =	sld [smem:$0x3FFE];
	[sflag:s23] =	ssyncadd.s32 $0xFFFFFFFF  }
0xa7: {  	s26 =	simm.s32 $execute0_lowered;
	[smem:$0x3FD2] =	sst s25  }
0xa8: {  	s7 =	sshll.u32 s26, $0x1;
	_ =	strace $0x80000046;
	[dreg:$0x1] =	wrdreg $0xFFFFFFFF  }
0xa9: {  	s28 =	simm.s32 $_size_execute0_lowered;
	s5 =	sadd.s32 s5, s7;
	[dreg:$0x0] =	wrdreg $0x0  }
0xaa: {  	s7 =	sshll.u32 s28, $0x1;
	[dreg:$0x2] =	wrdreg s5  }
0xab: {  	[dreg:$0x3] =	wrdreg s7  }
0xac: {  	[dreg:$0x4] =	wrdreg $0xC0  }
0xad: {  	_ =	task [dreg:s9], $0x5FFFF  }
0xae: {  	[dreg:$0x1] =	wrdreg $0xFFFFFFFF  }
0xaf: {  	[dreg:$0x0] =	wrdreg $0x60  }
0xb0: {  	[dreg:$0x2] =	wrdreg s2  }
0xb1: {  	[dreg:$0x3] =	wrdreg s18  }
0xb2: {  	[dreg:$0x4] =	wrdreg s24  }
0xb3: {  	[dreg:$0x5] =	wrdreg s4  }
0xb4: {  	[dreg:$0x6] =	wrdreg $0x9  }
0xb5: {  	_ =	task.clear_ibuf [dreg:s9], $0x7FFFF;
	_ =	strace $0x90000046  }
0xb6: {  	s29 =	simm.s32 $0x9;
	_ =	strace $0x80000048  }
0xb7: {  	_ =	swait.ge [sflag:s29], $0x1  }
0xb8: {  	[sflag:s29] =	ssyncadd.s32 $0xFFFFFFFF  }
0xb9: {  	_ =	strace $0x90000048  }
0xba: {  	_ =	sfence  }
0xbb: {  	s30 =	sld [smem:$0x0];
	_ =	sdelay $0x2  }
0xbc: {  	s31 =	sshll.u32 s1, $0xD;
	s1 =	sshrl.u32 s1, $0x2  }
0xbd: {  	s3 =	sand.u32 $0x4000, s31;
	s1 =	sadd.s32 s1, s30  }
0xbe: {  	s0 =	sor.u32 s3, s0;
	s1 =	sshll.u32 s1, $0x11  }
0xbf: {  	s0 =	sor.u32 s1, s0  }
0xc0: {  	s0 =	sadd.s32 $0x8F2B, s0  }
0xc1: {  	[sflag:s0] =	ssyncadd.remote.s32 $0x1  }
0xc2: {  	_ =	sfence.sel $0xFFFF  }
0xc3: {  	[dreg:$0x0] =	wrdreg $0xFFFFFFFF;
	(pc) =	sbr.abs _section_cstart, $3  }
0xc4: {  	[dreg:$0x1] =	wrdreg $0xFFFFFFFF  }
0xc5: {  	_ =	task.clear_ibuf [dreg:s9], $0x2FFFF;
	_ =	strace $0x9FFFFFFF  }
0xc6: {  	(tm) =	ssettm $0x7FFFFFFF  }
0xc7: {  	_ =	shalt  }
tec
execute0_lowered:
.L_overlay_start_1:
0x0: {  	(tag) =	ssettag $0x1  }
0x1: {  	s0 =	rddreg [dreg:$0x0]  }
0x2: {  	s1 =	rddreg [dreg:$0x1]  }
0x3: {  	s5 =	rddreg [dreg:$0x2]  }
0x4: {  	s2 =	rddreg [dreg:$0x3]  }
0x5: {  	s4 =	srdreg.scid;
	s6 =	stileid.u32;
	s3 =	simm.s32 $0x0  }
0x6: {  	s11 =	simm.s32 $0x80;
	s22 =	simm.s32 $0x1;
	s23 =	simm.s32 $0x5  }
0x7: {  	s24 =	simm.s32 $0xE800;
	s28 =	simm.s32 $0xF800;
	s29 =	simm.s32 $0x3  }
0x8: {  	s30 =	simm.s32 $0x7;
	s31 =	simm.s32 $0x10800;
	s12 =	simm.s32 $0x11800  }
0x9: {  	s14 =	simm.s32 $0xA;
	s4 =	sand.u32 $0x1, s4;
	s6 =	sshll.u32 s6, $0x1  }
0xa: {  	s15 =	simm.s32 $0xB;
	[smem:$0x7FF] =	sst s3;
	s6 =	sor.u32 s4, s6  }
0xb: {  	s17 =	simm.s32 $0xC;
	_ =	strace $0x80000047;
	s9 =	smul.u32 $0x680, s6  }
0xc: {  	v0 =	vimm.s32 $0x0;
	s7 =	ssub.s32 $0x2, s4;
	s4 =	sadd.s32 $0xF42E00, s5;
	s5 =	sadd.s32 $0x1313800, s5  }
.Ltmp0:
0xd: {  	v1 =	vimm.s32 $0x1;
	v2 =	vimm.s32 $0x2;
	v3 =	vimm.s32 $0x3;
	s8 =	sshrl.u32 s7, $0x1;
	s0 =	sadd.s32 s0, s9;
	(pc) =	sbr.rel .LBB2_1-.Ltmp0, $4  }
0xe: {  	v4 =	vimm.s32 $0x4;
	v5 =	vimm.s32 $0x5;
	v6 =	vimm.s32 $0x6;
	s7 =	ssub.s32 s7, s8;
	s25 =	sadd.s32 s1, s9;
	[dreg:$0x5] =	wrdreg s0  }
0xf: {  	v7 =	vimm.s32 $0x7;
	v8 =	vimm.s32 $0x8;
	v9 =	vimm.s32 $0x9;
	s8 =	smul.u32 $0x68, s6;
	s26 =	smax.u32 s7, $0x1;
	[dreg:$0x6] =	wrdreg s25  }
0x10: {  	v10 =	vimm.s32 $0xA;
	v11 =	vimm.s32 $0xB;
	v12 =	vimm.s32 $0xC;
	s1 =	simm.s32 $0x8;
	s7 =	simm.s32 $0x0;
	[dreg:$0x7] =	wrdreg s26  }
0x11: {  	v13 =	vimm.s32 $0xD;
	v14 =	vimm.s32 $0xE;
	v15 =	vimm.s32 $0xF;
	s25 =	simm.s32 $0x2;
	s26 =	simm.s32 $0x6;
	s0 =	simm.s32 $0x4  }
.LBB2_18:
0x12: {  	s6 =	simm.s32 $0x9  }
0x13: {  	_ =	swait.ge [sflag:s6], $0x1000  }
0x14: {  	[sflag:s6] =	ssyncset.done $0x0  }
0x15: {  	[sflag:s6] =	ssyncadd.s32 $0xFFFFF000  }
0x16: {  	_ =	swait.ge [sflag:s14], $0x1000  }
0x17: {  	[sflag:s14] =	ssyncset.done $0x0  }
0x18: {  	[sflag:s14] =	ssyncadd.s32 $0xFFFFF000  }
0x19: {  	_ =	swait.ge [sflag:s15], $0x1000  }
0x1a: {  	[sflag:s15] =	ssyncset.done $0x0  }
0x1b: {  	[sflag:s15] =	ssyncadd.s32 $0xFFFFF000  }
0x1c: {  	_ =	swait.ge [sflag:s17], $0x1000  }
0x1d: {  	s7 =	rddreg [dreg:$0x8]  }
0x1e: {  	s21 =	rddreg [dreg:$0x7];
	s7 =	sadd.s32 $0x1, s7  }
0x1f: {  	p0 =	sne.s32 s7, s21  }
.Ltmp1:
0x20: {  	_ = 	snop;
	(pc) =	sbr.rel @!p0 .LBB2_19-.Ltmp1, $3  }
0x21: {  	_ =	sdelay $0x1  }
0x22: {  	[sflag:s17] =	ssyncset.done $0x0  }
0x23: {  	[sflag:s17] =	ssyncadd.s32 $0xFFFFF000  }
.LBB2_1:
0x24: {  	[dreg:$0x8] =	wrdreg s7  }
0x25: {  	s6 =	rddreg [dreg:$0x5];
	s18 =	simm.s32 $0xD  }
0x26: {  	[tilespmem:s3], [sflag:$0xD] =	stream.linear.gather [hbm4b:s6+s3], $0x3400, $0x38;
	[tilespmem:$0x12800] =	vst v63  }
0x27: {  	_ =	swait.ge [sflag:s18], $0x3400  }
0x28: {  	[sflag:s18] =	ssyncset.done $0x0  }
0x29: {  	s16 =	simm.s32 $0x3400;
	s19 =	rddreg [dreg:$0x6];
	[sflag:s18] =	ssyncadd.s32 $0xFFFFCC00  }
0x2a: {  	[tilespmem:s16], [sflag:$0xD] =	stream.linear.gather [hbm4b:s19+s3], $0x3400, $0x38;
	[tilespmem:$0x12800] =	vst v63  }
0x2b: {  	_ =	swait.ge [sflag:s18], $0x3400  }
0x2c: {  	[sflag:s18] =	ssyncset.done $0x0  }
0x2d: {  	s20 =	simm.s32 $0x6800;
	[sflag:s18] =	ssyncadd.s32 $0xFFFFCC00  }
0x2e: {  	[tilespmem:s20], [sflag:$0x1] =	stream.indirect.gather [hbm4b:s4+s11], $0x20, s3, s11, $0xb8;
	[tilespmem:$0x12800] =	vst v63  }
0x2f: {  	s21 =	simm.s32 $0xA800  }
0x30: {  	[tilespmem:s21], [sflag:$0x5] =	stream.indirect.gather [hbm4b:s5+s11], $0x20, s3, s11, $0xb8;
	[tilespmem:$0x12800] =	vst v63  }
0x31: {  	s7 =	simm.s32 $0x7800  }
0x32: {  	[tilespmem:s7], [sflag:$0x2] =	stream.indirect.gather [hbm4b:s4+s11], $0x20, s11, s11, $0xb8;
	[tilespmem:$0x12800] =	vst v63  }
0x33: {  	s9 =	simm.s32 $0xB800  }
0x34: {  	[tilespmem:s9], [sflag:$0x6] =	stream.indirect.gather [hbm4b:s5+s11], $0x20, s11, s11, $0xb8;
	[tilespmem:$0x12800] =	vst v63  }
0x35: {  	s10 =	simm.s32 $0x100;
	s13 =	simm.s32 $0x8800  }
0x36: {  	[tilespmem:s13], [sflag:$0x3] =	stream.indirect.gather [hbm4b:s4+s11], $0x20, s10, s11, $0xb8;
	[tilespmem:$0x12800] =	vst v63  }
0x37: {  	s18 =	simm.s32 $0xC800  }
0x38: {  	[tilespmem:s18], [sflag:$0x7] =	stream.indirect.gather [hbm4b:s5+s11], $0x20, s10, s11, $0xb8;
	[tilespmem:$0x12800] =	vst v63  }
0x39: {  	s19 =	simm.s32 $0x180;
	s20 =	simm.s32 $0x9800  }
0x3a: {  	[tilespmem:s20], [sflag:$0x4] =	stream.indirect.gather [hbm4b:s4+s11], $0x20, s19, s11, $0xb8;
	[tilespmem:$0x12800] =	vst v63  }
0x3b: {  	s21 =	simm.s32 $0xD800  }
0x3c: {  	[tilespmem:s21], [sflag:$0x8] =	stream.indirect.gather [hbm4b:s5+s11], $0x20, s19, s11, $0xb8;
	[tilespmem:$0x12800] =	vst v63  }
0x3d: {  	s19 =	simm.s32 $0x0  }
.LBB2_2:
0x3e: {  	p0 =	seq.s32 s19, $0x0  }
0x3f: {  	s6 =	simm.s32 @!p0 $0x9  }
0x40: {  	_ =	swait.ge @!p0 [sflag:s6], $0x1000  }
0x41: {  	[sflag:s6] =	ssyncset.done @!p0 $0x0  }
0x42: {  	[sflag:s6] =	ssyncadd.s32 @!p0 $0xFFFFF000  }
0x43: {  	_ =	swait.ge [sflag:s22], $0x1000  }
0x44: {  	[sflag:s22] =	ssyncset.done $0x0  }
0x45: {  	[sflag:s22] =	ssyncadd.s32 $0xFFFFF000  }
0x46: {  	_ =	swait.ge [sflag:s23], $0x1000  }
0x47: {  	[sflag:s23] =	ssyncset.done $0x0  }
0x48: {  	s9 =	simm.s32 $0x0;
	[sflag:s23] =	ssyncadd.s32 $0xFFFFF000  }
0x49: {  	v45 =	vld [tilespmem:s9+$0xA800]  }
0x4a: {  	v46 =	vld [tilespmem:s9+$0xA810]  }
0x4b: {  	v43 =	vld [tilespmem:s9+$0xA820]  }
0x4c: {  	v44 =	vld [tilespmem:s9+$0xA830]  }
0x4d: {  	v42 =	vld [tilespmem:s9+$0xA840]  }
0x4e: {  	v41 =	vld [tilespmem:s9+$0xA850]  }
0x4f: {  	v39 =	vld [tilespmem:s9+$0xA860]  }
0x50: {  	v40 =	vld [tilespmem:s9+$0xA870]  }
0x51: {  	v38 =	vld [tilespmem:s9+$0xA880]  }
0x52: {  	v37 =	vld [tilespmem:s9+$0xA890]  }
0x53: {  	v35 =	vld [tilespmem:s9+$0xA8A0]  }
0x54: {  	v36 =	vld [tilespmem:s9+$0xA8B0]  }
0x55: {  	v34 =	vld [tilespmem:s9+$0xA8C0]  }
0x56: {  	v33 =	vld [tilespmem:s9+$0xA8D0]  }
0x57: {  	v32 =	vld [tilespmem:s9+$0xA8E0]  }
0x58: {  	v31 =	vld [tilespmem:s9+$0xA8F0]  }
0x59: {  	v30 =	vld [tilespmem:s9+$0xA900]  }
0x5a: {  	v29 =	vld [tilespmem:s9+$0xA910]  }
0x5b: {  	v28 =	vld [tilespmem:s9+$0xA920]  }
0x5c: {  	v27 =	vld [tilespmem:s9+$0xA930]  }
0x5d: {  	v26 =	vld [tilespmem:s9+$0xA940]  }
0x5e: {  	v25 =	vld [tilespmem:s9+$0xA950]  }
0x5f: {  	v23 =	vld [tilespmem:s9+$0xA960]  }
0x60: {  	v22 =	vld [tilespmem:s9+$0xA970]  }
0x61: {  	v21 =	vld [tilespmem:s9+$0xA980]  }
0x62: {  	v20 =	vld [tilespmem:s9+$0xA990]  }
0x63: {  	v19 =	vld [tilespmem:s9+$0xA9A0]  }
0x64: {  	v18 =	vld [tilespmem:s9+$0xA9B0]  }
0x65: {  	v17 =	vld [tilespmem:s9+$0xA9C0]  }
0x66: {  	v16 =	vld [tilespmem:s9+$0xA9D0]  }
0x67: {  	v49 =	vld [tilespmem:s9+$0x6800]  }
0x68: {  	v48 =	vld [tilespmem:s9+$0x6810]  }
0x69: {  	s7 =	sshll.u32 s19, $0x2;
	v47 =	vld [tilespmem:s9+$0x6820]  }
0x6a: {  	s10 =	simm.s32 $0x800;
	s13 =	smov.u32 s16;
	s6 =	sshll.u32 s19, $0xB;
	v24 =	vld [tilespmem:s16+$0x0]  }
.LBB2_3:
0x6b: {  	p0 =	sne.s32 s10, $0x3800;
	v50 =	vld [tilespmem:s9+$0x6830]  }
0x6c: {  	v51 =	vld [tilespmem:s9+$0x6840]  }
0x6d: {  	v52 =	vld [tilespmem:s9+$0x6850]  }
0x6e: {  	v53 =	vld [tilespmem:s9+$0x6860]  }
0x6f: {  	v54 =	vperm.xlane v24, v0;
	v55 =	vperm.xlane v24, v1;
	v56 =	vld [tilespmem:s9+$0x6870]  }
0x70: {  	v57 =	vperm.xlane v24, v2;
	v58 =	vperm.xlane v24, v3;
	v59 =	vld [tilespmem:s9+$0x6880]  }
0x71: {  	v49 =	vmul.f32 v49, v54;
	v48 =	vmul.f32 v48, v54;
	v54 =	vld [tilespmem:s9+$0x6890]  }
0x72: {  	v47 =	vmul.f32 v47, v55;
	v50 =	vmul.f32 v50, v55;
	v55 =	vld [tilespmem:s9+$0x68A0]  }
0x73: {  	v45 =	vadd.f32 v45, v49;
	v46 =	vadd.f32 v46, v48;
	v48 =	vmul.f32 v51, v57;
	v49 =	vld [tilespmem:s9+$0x68B0]  }
0x74: {  	v43 =	vadd.f32 v43, v47;
	v44 =	vadd.f32 v44, v50;
	v47 =	vmul.f32 v52, v57;
	v50 =	vld [tilespmem:s9+$0x68C0]  }
0x75: {  	[tilespmem:s9+$0xE800] =	vst v45;
	v42 =	vadd.f32 v42, v48;
	v45 =	vmul.f32 v53, v58;
	v48 =	vmul.f32 v56, v58;
	v51 =	vld [tilespmem:s9+$0x68D0]  }
0x76: {  	v41 =	vadd.f32 v41, v47;
	v47 =	vperm.xlane v24, v5;
	[tilespmem:s9+$0xE810] =	vst v46;
	v46 =	vperm.xlane v24, v4;
	v52 =	vld [tilespmem:s9+$0x68E0]  }
0x77: {  	[tilespmem:s9+$0xE820] =	vst v43;
	v39 =	vadd.f32 v39, v45;
	v40 =	vadd.f32 v40, v48;
	v43 =	vperm.xlane v24, v6;
	v45 =	vld [tilespmem:s9+$0x68F0]  }
0x78: {  	[tilespmem:s9+$0xE830] =	vst v44;
	v44 =	vmul.f32 v59, v46;
	v46 =	vmul.f32 v54, v46;
	v48 =	vld [tilespmem:s9+$0x6900]  }
0x79: {  	[tilespmem:s9+$0xE840] =	vst v42;
	v42 =	vmul.f32 v55, v47;
	v47 =	vmul.f32 v49, v47;
	v49 =	vld [tilespmem:s9+$0x6910]  }
0x7a: {  	[tilespmem:s9+$0xE850] =	vst v41;
	v38 =	vadd.f32 v38, v44;
	v37 =	vadd.f32 v37, v46;
	v41 =	vmul.f32 v50, v43;
	v44 =	vld [tilespmem:s9+$0x6920]  }
0x7b: {  	[tilespmem:s9+$0xE860] =	vst v39;
	v35 =	vadd.f32 v35, v42;
	v36 =	vadd.f32 v36, v47;
	v39 =	vmul.f32 v51, v43;
	v42 =	vld [tilespmem:s9+$0x6930]  }
0x7c: {  	[tilespmem:s9+$0xE870] =	vst v40;
	v34 =	vadd.f32 v34, v41;
	v40 =	vperm.xlane v24, v7;
	v41 =	vperm.xlane v24, v8;
	v43 =	vld [tilespmem:s9+$0x6940]  }
0x7d: {  	[tilespmem:s9+$0xE880] =	vst v38;
	v33 =	vadd.f32 v33, v39;
	v38 =	vperm.xlane v24, v9;
	v39 =	vperm.xlane v24, v10;
	v46 =	vld [tilespmem:s9+$0x6950]  }
0x7e: {  	[tilespmem:s9+$0xE890] =	vst v37;
	v37 =	vmul.f32 v52, v40;
	v40 =	vmul.f32 v45, v40;
	v45 =	vld [tilespmem:s9+$0x6960]  }
0x7f: {  	[tilespmem:s9+$0xE8A0] =	vst v35;
	v35 =	vmul.f32 v48, v41;
	v41 =	vmul.f32 v49, v41;
	v47 =	vld [tilespmem:s9+$0x6970]  }
0x80: {  	[tilespmem:s9+$0xE8B0] =	vst v36;
	v32 =	vadd.f32 v32, v37;
	v31 =	vadd.f32 v31, v40;
	v36 =	vmul.f32 v44, v38;
	v37 =	vld [tilespmem:s9+$0x6980]  }
0x81: {  	[tilespmem:s9+$0xE8C0] =	vst v34;
	v30 =	vadd.f32 v30, v35;
	v29 =	vadd.f32 v29, v41;
	v34 =	vmul.f32 v42, v38;
	v35 =	vld [tilespmem:s9+$0x6990]  }
0x82: {  	[tilespmem:s9+$0xE8D0] =	vst v33;
	v28 =	vadd.f32 v28, v36;
	v33 =	vmul.f32 v43, v39;
	v36 =	vmul.f32 v46, v39;
	v38 =	vld [tilespmem:s9+$0x69A0]  }
0x83: {  	[tilespmem:s9+$0xE8E0] =	vst v32;
	v27 =	vadd.f32 v27, v34;
	v32 =	vperm.xlane v24, v11;
	v34 =	vperm.xlane v24, v12;
	v39 =	vld [tilespmem:s9+$0x69B0]  }
0x84: {  	[tilespmem:s9+$0xE8F0] =	vst v31;
	v26 =	vadd.f32 v26, v33;
	v25 =	vadd.f32 v25, v36;
	v31 =	vperm.xlane v24, v13;
	v33 =	vld [tilespmem:s9+$0x69C0]  }
0x85: {  	[tilespmem:s9+$0xE900] =	vst v30;
	v30 =	vmul.f32 v45, v32;
	v32 =	vmul.f32 v47, v32;
	v36 =	vld [tilespmem:s9+$0x69D0]  }
0x86: {  	[tilespmem:s9+$0xE910] =	vst v29;
	v29 =	vmul.f32 v37, v34;
	v34 =	vmul.f32 v35, v34;
	v35 =	vld [tilespmem:s9+$0x69E0]  }
0x87: {  	[tilespmem:s9+$0xE920] =	vst v28;
	v23 =	vadd.f32 v23, v30;
	v22 =	vadd.f32 v22, v32;
	v28 =	vmul.f32 v38, v31;
	v30 =	vld [tilespmem:s9+$0x69F0]  }
0x88: {  	[tilespmem:s9+$0xE930] =	vst v27;
	v21 =	vadd.f32 v21, v29;
	v20 =	vadd.f32 v20, v34;
	v27 =	vmul.f32 v39, v31;
	v29 =	vld [tilespmem:s9+$0xA9E0]  }
0x89: {  	s18 =	sshra.s32 s10, $0x2;
	[tilespmem:s9+$0xE940] =	vst v26;
	v19 =	vadd.f32 v19, v28;
	v26 =	vperm.xlane v24, v14;
	v24 =	vperm.xlane v24, v15;
	v28 =	vld [tilespmem:s9+$0xA9F0]  }
0x8a: {  	v45 =	vld [tilespmem:s18+$0xA800];
	[tilespmem:s9+$0xE950] =	vst v25;
	v18 =	vadd.f32 v18, v27  }
0x8b: {  	v46 =	vld [tilespmem:s18+$0xA810];
	[tilespmem:s9+$0xE960] =	vst v23;
	v23 =	vmul.f32 v33, v26;
	v25 =	vmul.f32 v36, v26  }
0x8c: {  	v43 =	vld [tilespmem:s18+$0xA820];
	[tilespmem:s9+$0xE970] =	vst v22;
	v22 =	vmul.f32 v35, v24;
	v24 =	vmul.f32 v30, v24  }
0x8d: {  	v44 =	vld [tilespmem:s18+$0xA830];
	[tilespmem:s9+$0xE980] =	vst v21;
	v17 =	vadd.f32 v17, v23;
	v16 =	vadd.f32 v16, v25  }
0x8e: {  	v42 =	vld [tilespmem:s18+$0xA840];
	[tilespmem:s9+$0xE990] =	vst v20;
	v20 =	vadd.f32 v29, v22;
	v21 =	vadd.f32 v28, v24  }
0x8f: {  	v41 =	vld [tilespmem:s18+$0xA850];
	[tilespmem:s9+$0xE9A0] =	vst v19  }
0x90: {  	v39 =	vld [tilespmem:s18+$0xA860];
	[tilespmem:s9+$0xE9B0] =	vst v18  }
0x91: {  	v40 =	vld [tilespmem:s18+$0xA870];
	[tilespmem:s9+$0xE9C0] =	vst v17  }
0x92: {  	v38 =	vld [tilespmem:s18+$0xA880];
	[tilespmem:s9+$0xE9D0] =	vst v16  }
0x93: {  	v37 =	vld [tilespmem:s18+$0xA890];
	[tilespmem:s9+$0xE9E0] =	vst v20  }
0x94: {  	v35 =	vld [tilespmem:s18+$0xA8A0];
	[tilespmem:s9+$0xE9F0] =	vst v21;
	s9 =	smov.u32 s18  }
0x95: {  	v36 =	vld [tilespmem:s9+$0xA8B0]  }
0x96: {  	v34 =	vld [tilespmem:s9+$0xA8C0]  }
0x97: {  	v33 =	vld [tilespmem:s9+$0xA8D0]  }
0x98: {  	v32 =	vld [tilespmem:s9+$0xA8E0]  }
0x99: {  	v31 =	vld [tilespmem:s9+$0xA8F0]  }
0x9a: {  	v30 =	vld [tilespmem:s9+$0xA900]  }
0x9b: {  	v29 =	vld [tilespmem:s9+$0xA910]  }
0x9c: {  	v28 =	vld [tilespmem:s9+$0xA920]  }
0x9d: {  	v27 =	vld [tilespmem:s9+$0xA930]  }
0x9e: {  	v26 =	vld [tilespmem:s9+$0xA940]  }
0x9f: {  	v25 =	vld [tilespmem:s9+$0xA950]  }
0xa0: {  	v23 =	vld [tilespmem:s9+$0xA960]  }
0xa1: {  	v22 =	vld [tilespmem:s9+$0xA970]  }
0xa2: {  	v21 =	vld [tilespmem:s9+$0xA980]  }
0xa3: {  	v20 =	vld [tilespmem:s9+$0xA990]  }
0xa4: {  	v19 =	vld [tilespmem:s9+$0xA9A0]  }
0xa5: {  	v18 =	vld [tilespmem:s9+$0xA9B0]  }
0xa6: {  	v17 =	vld [tilespmem:s9+$0xA9C0]  }
.Ltmp2:
0xa7: {  	v16 =	vld [tilespmem:s9+$0xA9D0];
	(pc) =	sbr.rel @p0 .LBB2_3-.Ltmp2, $4  }
0xa8: {  	v49 =	vld [tilespmem:s9+$0x6800]  }
0xa9: {  	v48 =	vld [tilespmem:s9+$0x6810]  }
0xaa: {  	s13 =	sadd.s32 $0x10, s13;
	v47 =	vld [tilespmem:s9+$0x6820]  }
0xab: {  	s10 =	sadd.s32 $0x800, s10;
	v24 =	vld [tilespmem:s13+$0x0]  }
0xac: {  	_ =	sdelay $0x2  }
0xad: {  	v50 =	vld [tilespmem:s9+$0x6830]  }
0xae: {  	v51 =	vld [tilespmem:s9+$0x6840];
	v54 =	vperm.xlane v24, v0  }
0xaf: {  	v52 =	vld [tilespmem:s9+$0x6850]  }
0xb0: {  	v53 =	vld [tilespmem:s9+$0x6860];
	v59 =	vperm.xlane v24, v1;
	v49 =	vmul.f32 v49, v54  }
0xb1: {  	v55 =	vld [tilespmem:s9+$0x6870];
	v48 =	vmul.f32 v48, v54  }
0xb2: {  	v56 =	vld [tilespmem:s9+$0x6880];
	v61 =	vperm.xlane v24, v2;
	v47 =	vmul.f32 v47, v59;
	v45 =	vadd.f32 v45, v49  }
0xb3: {  	v57 =	vld [tilespmem:s9+$0x6890];
	v63 =	vperm.xlane v24, v3;
	v50 =	vmul.f32 v50, v59;
	v46 =	vadd.f32 v46, v48  }
0xb4: {  	v58 =	vld [tilespmem:s9+$0x68A0];
	v62 =	vmul.f32 v51, v61;
	v43 =	vadd.f32 v43, v47;
	[tilespmem:s9+$0xE800] =	vst v45  }
0xb5: {  	v54 =	vld [tilespmem:s9+$0x68C0];
	v53 =	vmul.f32 v53, v63;
	v44 =	vadd.f32 v44, v50;
	[tilespmem:s9+$0xE810] =	vst v46  }
0xb6: {  	v55 =	vmul.f32 v55, v63;
	v59 =	vperm.xlane v24, v4;
	v51 =	vld [tilespmem:s9+$0xA9E0];
	v42 =	vadd.f32 v42, v62;
	[tilespmem:s9+$0xE820] =	vst v43  }
0xb7: {  	v49 =	vld [tilespmem:s9+$0x68B0];
	v48 =	vmul.f32 v52, v61;
	v39 =	vadd.f32 v39, v53;
	[tilespmem:s9+$0xE830] =	vst v44  }
0xb8: {  	v40 =	vadd.f32 v40, v55;
	v60 =	vmul.f32 v56, v59;
	v61 =	vperm.xlane v24, v5;
	v56 =	vld [tilespmem:s9+$0x6980];
	[tilespmem:s9+$0xE840] =	vst v42  }
0xb9: {  	v63 =	vperm.xlane v24, v6;
	v50 =	vmul.f32 v57, v59;
	v45 =	vld [tilespmem:s9+$0x68D0];
	v41 =	vadd.f32 v41, v48;
	[tilespmem:s9+$0xE860] =	vst v39  }
0xba: {  	v46 =	vld [tilespmem:s9+$0x68E0];
	v38 =	vadd.f32 v38, v60;
	[tilespmem:s9+$0xE870] =	vst v40;
	v62 =	vmul.f32 v58, v61  }
0xbb: {  	v43 =	vld [tilespmem:s9+$0x68F0];
	v37 =	vadd.f32 v37, v50;
	v50 =	vperm.xlane v24, v12;
	v53 =	vmul.f32 v54, v63;
	[tilespmem:s9+$0xE850] =	vst v41  }
0xbc: {  	v44 =	vld [tilespmem:s9+$0x6900];
	[tilespmem:s9+$0xE880] =	vst v38;
	v35 =	vadd.f32 v35, v62;
	v48 =	vmul.f32 v49, v61  }
0xbd: {  	v55 =	vperm.xlane v24, v7;
	v42 =	vld [tilespmem:s9+$0x6910];
	[tilespmem:s9+$0xE890] =	vst v37;
	v34 =	vadd.f32 v34, v53;
	v53 =	vmul.f32 v56, v50  }
0xbe: {  	v39 =	vld [tilespmem:s9+$0x6930];
	[tilespmem:s9+$0xE8A0] =	vst v35;
	v36 =	vadd.f32 v36, v48;
	v45 =	vmul.f32 v45, v63  }
0xbf: {  	v59 =	vperm.xlane v24, v8;
	v41 =	vld [tilespmem:s9+$0x6920];
	v57 =	vmul.f32 v46, v55;
	[tilespmem:s9+$0xE8C0] =	vst v34;
	v21 =	vadd.f32 v21, v53  }
0xc0: {  	v40 =	vld [tilespmem:s9+$0x6940];
	v43 =	vmul.f32 v43, v55;
	[tilespmem:s9+$0xE8B0] =	vst v36;
	v33 =	vadd.f32 v33, v45  }
0xc1: {  	v38 =	vld [tilespmem:s9+$0x6950];
	v62 =	vperm.xlane v24, v9;
	v44 =	vmul.f32 v44, v59;
	v32 =	vadd.f32 v32, v57;
	[tilespmem:s9+$0xE980] =	vst v21  }
0xc2: {  	v52 =	vld [tilespmem:s9+$0x6960];
	v42 =	vmul.f32 v42, v59;
	v31 =	vadd.f32 v31, v43;
	[tilespmem:s9+$0xE8D0] =	vst v33  }
0xc3: {  	v58 =	vld [tilespmem:s9+$0x6990];
	v46 =	vperm.xlane v24, v10;
	v39 =	vmul.f32 v39, v62;
	v30 =	vadd.f32 v30, v44;
	[tilespmem:s9+$0xE8E0] =	vst v32  }
0xc4: {  	v60 =	vld [tilespmem:s9+$0x69A0];
	v41 =	vmul.f32 v41, v62;
	v29 =	vadd.f32 v29, v42;
	[tilespmem:s9+$0xE8F0] =	vst v31  }
0xc5: {  	v61 =	vld [tilespmem:s9+$0x69B0];
	v48 =	vperm.xlane v24, v11;
	v40 =	vmul.f32 v40, v46;
	v27 =	vadd.f32 v27, v39;
	[tilespmem:s9+$0xE900] =	vst v30  }
0xc6: {  	v63 =	vld [tilespmem:s9+$0x69C0];
	v38 =	vmul.f32 v38, v46;
	v28 =	vadd.f32 v28, v41;
	[tilespmem:s9+$0xE910] =	vst v29  }
0xc7: {  	v54 =	vld [tilespmem:s9+$0x6970];
	v37 =	vmul.f32 v52, v48;
	v52 =	vperm.xlane v24, v13;
	v26 =	vadd.f32 v26, v40;
	[tilespmem:s9+$0xE930] =	vst v27  }
0xc8: {  	v47 =	vld [tilespmem:s9+$0x69E0];
	v25 =	vadd.f32 v25, v38;
	v27 =	vmul.f32 v58, v50;
	[tilespmem:s9+$0xE920] =	vst v28  }
0xc9: {  	v56 =	vperm.xlane v24, v14;
	v45 =	vld [tilespmem:s9+$0x69D0];
	v23 =	vadd.f32 v23, v37;
	v55 =	vmul.f32 v60, v52;
	[tilespmem:s9+$0xE940] =	vst v26  }
0xca: {  	v49 =	vld [tilespmem:s9+$0x69F0];
	v57 =	vmul.f32 v61, v52;
	[tilespmem:s9+$0xE950] =	vst v25;
	v20 =	vadd.f32 v20, v27  }
0xcb: {  	v58 =	vperm.xlane v24, v15;
	v59 =	vmul.f32 v63, v56;
	[tilespmem:s9+$0xE960] =	vst v23;
	v19 =	vadd.f32 v19, v55  }
0xcc: {  	v28 =	vmul.f32 v54, v48;
	v54 =	vld [tilespmem:s9+$0xA9F0];
	v18 =	vadd.f32 v18, v57;
	[tilespmem:s9+$0xE990] =	vst v20  }
0xcd: {  	v61 =	vmul.f32 v47, v58;
	v17 =	vadd.f32 v17, v59;
	[tilespmem:s9+$0xE9A0] =	vst v19  }
0xce: {  	v60 =	vmul.f32 v45, v56;
	v22 =	vadd.f32 v22, v28;
	[tilespmem:s9+$0xE9B0] =	vst v18  }
0xcf: {  	v62 =	vmul.f32 v49, v58;
	v63 =	vadd.f32 v51, v61;
	[tilespmem:s9+$0xE9C0] =	vst v17  }
0xd0: {  	v16 =	vadd.f32 v16, v60;
	[tilespmem:s9+$0xE970] =	vst v22  }
0xd1: {  	s10 =	sadd.s32 s8, s7;
	p0 =	seq.s32 s19, $0x19;
	[tilespmem:s9+$0xE9E0] =	vst v63;
	v17 =	vadd.f32 v54, v62  }
0xd2: {  	s10 =	sshll.u32 s10, $0x9;
	s13 =	simm.s32 @!p0 $0x80;
	p1 =	seq.s32 @!p0 s19, $0x0;
	[tilespmem:s9+$0xE9D0] =	vst v16  }
0xd3: {  	s21 =	sadd.s32 s2, s10;
	p1 =	por p0, !p1;
	[tilespmem:s9+$0xE9F0] =	vst v17;
	s9 =	sshrl.u32 @!p0 s6, $0x2  }
0xd4: {  	[hbm4b:s21+s3] =	stream.linear.scatter [tilespmem:s24], [sflag:$0x9], $0x1000, $0x38;
	[tilespmem:$0x12800] =	vst v63  }
.Ltmp3:
0xd5: {  	s18 =	simm.s32 @!p0 $0x6800;
	s10 =	sadd.s32 @!p0 $0x200, s9;
	(pc) =	sbr.rel @!p1 .LBB2_6-.Ltmp3, $4  }
0xd6: {  	[tilespmem:s18], [sflag:$0x1] =	stream.indirect.gather @!p0 [hbm4b:s4+s13], $0x20, s10, s13, $0xb8;
	[tilespmem:$0x12800] =	vst v63  }
0xd7: {  	s18 =	simm.s32 @!p0 $0xA800  }
0xd8: {  	[tilespmem:s18], [sflag:$0x5] =	stream.indirect.gather @!p0 [hbm4b:s5+s13], $0x20, s10, s13, $0xb8;
	[tilespmem:$0x12800] =	vst v63  }
0xd9: {  	s13 =	sor.u32 @!p0 $0x1, s7  }
0xda: {  	_ =	swait.ge [sflag:s14], $0x1000  }
0xdb: {  	[sflag:s14] =	ssyncset.done $0x0  }
0xdc: {  	s13 =	simm.s32 @p0 $0x65;
	[sflag:s14] =	ssyncadd.s32 $0xFFFFF000  }
.LBB2_6:
0xdd: {  	_ =	swait.ge [sflag:s25], $0x1000  }
0xde: {  	[sflag:s25] =	ssyncset.done $0x0  }
0xdf: {  	[sflag:s25] =	ssyncadd.s32 $0xFFFFF000  }
0xe0: {  	_ =	swait.ge [sflag:s26], $0x1000  }
0xe1: {  	[sflag:s26] =	ssyncset.done $0x0  }
0xe2: {  	s10 =	simm.s32 $0x0;
	[sflag:s26] =	ssyncadd.s32 $0xFFFFF000  }
0xe3: {  	v45 =	vld [tilespmem:s10+$0xB800]  }
0xe4: {  	v46 =	vld [tilespmem:s10+$0xB810]  }
0xe5: {  	v43 =	vld [tilespmem:s10+$0xB820]  }
0xe6: {  	v44 =	vld [tilespmem:s10+$0xB830]  }
0xe7: {  	v42 =	vld [tilespmem:s10+$0xB840]  }
0xe8: {  	v41 =	vld [tilespmem:s10+$0xB850]  }
0xe9: {  	v39 =	vld [tilespmem:s10+$0xB860]  }
0xea: {  	v40 =	vld [tilespmem:s10+$0xB870]  }
0xeb: {  	v38 =	vld [tilespmem:s10+$0xB880]  }
0xec: {  	v37 =	vld [tilespmem:s10+$0xB890]  }
0xed: {  	v35 =	vld [tilespmem:s10+$0xB8A0]  }
0xee: {  	v36 =	vld [tilespmem:s10+$0xB8B0]  }
0xef: {  	v34 =	vld [tilespmem:s10+$0xB8C0]  }
0xf0: {  	v33 =	vld [tilespmem:s10+$0xB8D0]  }
0xf1: {  	v32 =	vld [tilespmem:s10+$0xB8E0]  }
0xf2: {  	v31 =	vld [tilespmem:s10+$0xB8F0]  }
0xf3: {  	v30 =	vld [tilespmem:s10+$0xB900]  }
0xf4: {  	v29 =	vld [tilespmem:s10+$0xB910]  }
0xf5: {  	v28 =	vld [tilespmem:s10+$0xB920]  }
0xf6: {  	v27 =	vld [tilespmem:s10+$0xB930]  }
0xf7: {  	v26 =	vld [tilespmem:s10+$0xB940]  }
0xf8: {  	v25 =	vld [tilespmem:s10+$0xB950]  }
0xf9: {  	v23 =	vld [tilespmem:s10+$0xB960]  }
0xfa: {  	v22 =	vld [tilespmem:s10+$0xB970]  }
0xfb: {  	v21 =	vld [tilespmem:s10+$0xB980]  }
0xfc: {  	v20 =	vld [tilespmem:s10+$0xB990]  }
0xfd: {  	v19 =	vld [tilespmem:s10+$0xB9A0]  }
0xfe: {  	v18 =	vld [tilespmem:s10+$0xB9B0]  }
0xff: {  	v17 =	vld [tilespmem:s10+$0xB9C0]  }
0x100: {  	v16 =	vld [tilespmem:s10+$0xB9D0]  }
0x101: {  	s18 =	sshll.u32 s13, $0x7;
	v49 =	vld [tilespmem:s10+$0x7800]  }
0x102: {  	s18 =	sand.u32 $0x3FFFFF80, s18;
	v48 =	vld [tilespmem:s10+$0x7810]  }
0x103: {  	s18 =	sadd.s32 $0x3400, s18;
	v47 =	vld [tilespmem:s10+$0x7820]  }
0x104: {  	s20 =	simm.s32 $0x800;
	v24 =	vld [tilespmem:s18+$0x0]  }
.LBB2_7:
0x105: {  	p2 =	sne.s32 s20, $0x3800;
	v50 =	vld [tilespmem:s10+$0x7830]  }
0x106: {  	v51 =	vld [tilespmem:s10+$0x7840]  }
0x107: {  	v52 =	vld [tilespmem:s10+$0x7850]  }
0x108: {  	v53 =	vld [tilespmem:s10+$0x7860]  }
0x109: {  	v54 =	vperm.xlane v24, v0;
	v55 =	vperm.xlane v24, v1;
	v56 =	vld [tilespmem:s10+$0x7870]  }
0x10a: {  	v57 =	vperm.xlane v24, v2;
	v58 =	vperm.xlane v24, v3;
	v59 =	vld [tilespmem:s10+$0x7880]  }
0x10b: {  	v49 =	vmul.f32 v49, v54;
	v48 =	vmul.f32 v48, v54;
	v54 =	vld [tilespmem:s10+$0x7890]  }
0x10c: {  	v47 =	vmul.f32 v47, v55;
	v50 =	vmul.f32 v50, v55;
	v55 =	vld [tilespmem:s10+$0x78A0]  }
0x10d: {  	v45 =	vadd.f32 v45, v49;
	v46 =	vadd.f32 v46, v48;
	v48 =	vmul.f32 v51, v57;
	v49 =	vld [tilespmem:s10+$0x78B0]  }
0x10e: {  	v43 =	vadd.f32 v43, v47;
	v44 =	vadd.f32 v44, v50;
	v47 =	vmul.f32 v52, v57;
	v50 =	vld [tilespmem:s10+$0x78C0]  }
0x10f: {  	[tilespmem:s10+$0xF800] =	vst v45;
	v42 =	vadd.f32 v42, v48;
	v45 =	vmul.f32 v53, v58;
	v48 =	vmul.f32 v56, v58;
	v51 =	vld [tilespmem:s10+$0x78D0]  }
0x110: {  	v41 =	vadd.f32 v41, v47;
	v47 =	vperm.xlane v24, v5;
	[tilespmem:s10+$0xF810] =	vst v46;
	v46 =	vperm.xlane v24, v4;
	v52 =	vld [tilespmem:s10+$0x78E0]  }
0x111: {  	[tilespmem:s10+$0xF820] =	vst v43;
	v39 =	vadd.f32 v39, v45;
	v40 =	vadd.f32 v40, v48;
	v43 =	vperm.xlane v24, v6;
	v45 =	vld [tilespmem:s10+$0x78F0]  }
0x112: {  	[tilespmem:s10+$0xF830] =	vst v44;
	v44 =	vmul.f32 v59, v46;
	v46 =	vmul.f32 v54, v46;
	v48 =	vld [tilespmem:s10+$0x7900]  }
0x113: {  	[tilespmem:s10+$0xF840] =	vst v42;
	v42 =	vmul.f32 v55, v47;
	v47 =	vmul.f32 v49, v47;
	v49 =	vld [tilespmem:s10+$0x7910]  }
0x114: {  	[tilespmem:s10+$0xF850] =	vst v41;
	v38 =	vadd.f32 v38, v44;
	v37 =	vadd.f32 v37, v46;
	v41 =	vmul.f32 v50, v43;
	v44 =	vld [tilespmem:s10+$0x7920]  }
0x115: {  	[tilespmem:s10+$0xF860] =	vst v39;
	v35 =	vadd.f32 v35, v42;
	v36 =	vadd.f32 v36, v47;
	v39 =	vmul.f32 v51, v43;
	v42 =	vld [tilespmem:s10+$0x7930]  }
0x116: {  	[tilespmem:s10+$0xF870] =	vst v40;
	v34 =	vadd.f32 v34, v41;
	v40 =	vperm.xlane v24, v7;
	v41 =	vperm.xlane v24, v8;
	v43 =	vld [tilespmem:s10+$0x7940]  }
0x117: {  	[tilespmem:s10+$0xF880] =	vst v38;
	v33 =	vadd.f32 v33, v39;
	v38 =	vperm.xlane v24, v9;
	v39 =	vperm.xlane v24, v10;
	v46 =	vld [tilespmem:s10+$0x7950]  }
0x118: {  	[tilespmem:s10+$0xF890] =	vst v37;
	v37 =	vmul.f32 v52, v40;
	v40 =	vmul.f32 v45, v40;
	v45 =	vld [tilespmem:s10+$0x7960]  }
0x119: {  	[tilespmem:s10+$0xF8A0] =	vst v35;
	v35 =	vmul.f32 v48, v41;
	v41 =	vmul.f32 v49, v41;
	v47 =	vld [tilespmem:s10+$0x7970]  }
0x11a: {  	[tilespmem:s10+$0xF8B0] =	vst v36;
	v32 =	vadd.f32 v32, v37;
	v31 =	vadd.f32 v31, v40;
	v36 =	vmul.f32 v44, v38;
	v37 =	vld [tilespmem:s10+$0x7980]  }
0x11b: {  	[tilespmem:s10+$0xF8C0] =	vst v34;
	v30 =	vadd.f32 v30, v35;
	v29 =	vadd.f32 v29, v41;
	v34 =	vmul.f32 v42, v38;
	v35 =	vld [tilespmem:s10+$0x7990]  }
0x11c: {  	[tilespmem:s10+$0xF8D0] =	vst v33;
	v28 =	vadd.f32 v28, v36;
	v33 =	vmul.f32 v43, v39;
	v36 =	vmul.f32 v46, v39;
	v38 =	vld [tilespmem:s10+$0x79A0]  }
0x11d: {  	[tilespmem:s10+$0xF8E0] =	vst v32;
	v27 =	vadd.f32 v27, v34;
	v32 =	vperm.xlane v24, v11;
	v34 =	vperm.xlane v24, v12;
	v39 =	vld [tilespmem:s10+$0x79B0]  }
0x11e: {  	[tilespmem:s10+$0xF8F0] =	vst v31;
	v26 =	vadd.f32 v26, v33;
	v25 =	vadd.f32 v25, v36;
	v31 =	vperm.xlane v24, v13;
	v33 =	vld [tilespmem:s10+$0x79C0]  }
0x11f: {  	[tilespmem:s10+$0xF900] =	vst v30;
	v30 =	vmul.f32 v45, v32;
	v32 =	vmul.f32 v47, v32;
	v36 =	vld [tilespmem:s10+$0x79D0]  }
0x120: {  	[tilespmem:s10+$0xF910] =	vst v29;
	v29 =	vmul.f32 v37, v34;
	v34 =	vmul.f32 v35, v34;
	v35 =	vld [tilespmem:s10+$0x79E0]  }
0x121: {  	[tilespmem:s10+$0xF920] =	vst v28;
	v23 =	vadd.f32 v23, v30;
	v22 =	vadd.f32 v22, v32;
	v28 =	vmul.f32 v38, v31;
	v30 =	vld [tilespmem:s10+$0x79F0]  }
0x122: {  	[tilespmem:s10+$0xF930] =	vst v27;
	v21 =	vadd.f32 v21, v29;
	v20 =	vadd.f32 v20, v34;
	v27 =	vmul.f32 v39, v31;
	v29 =	vld [tilespmem:s10+$0xB9E0]  }
0x123: {  	s21 =	sshra.s32 s20, $0x2;
	[tilespmem:s10+$0xF940] =	vst v26;
	v19 =	vadd.f32 v19, v28;
	v26 =	vperm.xlane v24, v14;
	v24 =	vperm.xlane v24, v15;
	v28 =	vld [tilespmem:s10+$0xB9F0]  }
0x124: {  	v45 =	vld [tilespmem:s21+$0xB800];
	[tilespmem:s10+$0xF950] =	vst v25;
	v18 =	vadd.f32 v18, v27  }
0x125: {  	v46 =	vld [tilespmem:s21+$0xB810];
	[tilespmem:s10+$0xF960] =	vst v23;
	v23 =	vmul.f32 v33, v26;
	v25 =	vmul.f32 v36, v26  }
0x126: {  	v43 =	vld [tilespmem:s21+$0xB820];
	[tilespmem:s10+$0xF970] =	vst v22;
	v22 =	vmul.f32 v35, v24;
	v24 =	vmul.f32 v30, v24  }
0x127: {  	v44 =	vld [tilespmem:s21+$0xB830];
	[tilespmem:s10+$0xF980] =	vst v21;
	v17 =	vadd.f32 v17, v23;
	v16 =	vadd.f32 v16, v25  }
0x128: {  	v42 =	vld [tilespmem:s21+$0xB840];
	[tilespmem:s10+$0xF990] =	vst v20;
	v20 =	vadd.f32 v29, v22;
	v21 =	vadd.f32 v28, v24  }
0x129: {  	v41 =	vld [tilespmem:s21+$0xB850];
	[tilespmem:s10+$0xF9A0] =	vst v19  }
0x12a: {  	v39 =	vld [tilespmem:s21+$0xB860];
	[tilespmem:s10+$0xF9B0] =	vst v18  }
0x12b: {  	v40 =	vld [tilespmem:s21+$0xB870];
	[tilespmem:s10+$0xF9C0] =	vst v17  }
0x12c: {  	v38 =	vld [tilespmem:s21+$0xB880];
	[tilespmem:s10+$0xF9D0] =	vst v16  }
0x12d: {  	v37 =	vld [tilespmem:s21+$0xB890];
	[tilespmem:s10+$0xF9E0] =	vst v20  }
0x12e: {  	v35 =	vld [tilespmem:s21+$0xB8A0];
	[tilespmem:s10+$0xF9F0] =	vst v21;
	s10 =	smov.u32 s21  }
0x12f: {  	v36 =	vld [tilespmem:s10+$0xB8B0]  }
0x130: {  	v34 =	vld [tilespmem:s10+$0xB8C0]  }
0x131: {  	v33 =	vld [tilespmem:s10+$0xB8D0]  }
0x132: {  	v32 =	vld [tilespmem:s10+$0xB8E0]  }
0x133: {  	v31 =	vld [tilespmem:s10+$0xB8F0]  }
0x134: {  	v30 =	vld [tilespmem:s10+$0xB900]  }
0x135: {  	v29 =	vld [tilespmem:s10+$0xB910]  }
0x136: {  	v28 =	vld [tilespmem:s10+$0xB920]  }
0x137: {  	v27 =	vld [tilespmem:s10+$0xB930]  }
0x138: {  	v26 =	vld [tilespmem:s10+$0xB940]  }
0x139: {  	v25 =	vld [tilespmem:s10+$0xB950]  }
0x13a: {  	v23 =	vld [tilespmem:s10+$0xB960]  }
0x13b: {  	v22 =	vld [tilespmem:s10+$0xB970]  }
0x13c: {  	v21 =	vld [tilespmem:s10+$0xB980]  }
0x13d: {  	v20 =	vld [tilespmem:s10+$0xB990]  }
0x13e: {  	v19 =	vld [tilespmem:s10+$0xB9A0]  }
0x13f: {  	v18 =	vld [tilespmem:s10+$0xB9B0]  }
0x140: {  	v17 =	vld [tilespmem:s10+$0xB9C0]  }
.Ltmp4:
0x141: {  	v16 =	vld [tilespmem:s10+$0xB9D0];
	(pc) =	sbr.rel @p2 .LBB2_7-.Ltmp4, $4  }
0x142: {  	v49 =	vld [tilespmem:s10+$0x7800]  }
0x143: {  	v48 =	vld [tilespmem:s10+$0x7810]  }
0x144: {  	s18 =	sadd.s32 $0x10, s18;
	v47 =	vld [tilespmem:s10+$0x7820]  }
0x145: {  	s20 =	sadd.s32 $0x800, s20;
	v24 =	vld [tilespmem:s18+$0x0]  }
0x146: {  	_ =	sdelay $0x2  }
0x147: {  	v50 =	vld [tilespmem:s10+$0x7830]  }
0x148: {  	v51 =	vld [tilespmem:s10+$0x7840];
	v54 =	vperm.xlane v24, v0  }
0x149: {  	v52 =	vld [tilespmem:s10+$0x7850]  }
0x14a: {  	v53 =	vld [tilespmem:s10+$0x7860];
	v59 =	vperm.xlane v24, v1;
	v49 =	vmul.f32 v49, v54  }
0x14b: {  	v55 =	vld [tilespmem:s10+$0x7870];
	v48 =	vmul.f32 v48, v54  }
0x14c: {  	v56 =	vld [tilespmem:s10+$0x7880];
	v61 =	vperm.xlane v24, v2;
	v47 =	vmul.f32 v47, v59;
	v45 =	vadd.f32 v45, v49  }
0x14d: {  	v57 =	vld [tilespmem:s10+$0x7890];
	v63 =	vperm.xlane v24, v3;
	v50 =	vmul.f32 v50, v59;
	v46 =	vadd.f32 v46, v48  }
0x14e: {  	v58 =	vld [tilespmem:s10+$0x78A0];
	v62 =	vmul.f32 v51, v61;
	v43 =	vadd.f32 v43, v47;
	[tilespmem:s10+$0xF800] =	vst v45  }
0x14f: {  	v54 =	vld [tilespmem:s10+$0x78C0];
	v53 =	vmul.f32 v53, v63;
	v44 =	vadd.f32 v44, v50;
	[tilespmem:s10+$0xF810] =	vst v46  }
0x150: {  	v55 =	vmul.f32 v55, v63;
	v59 =	vperm.xlane v24, v4;
	v51 =	vld [tilespmem:s10+$0xB9E0];
	v42 =	vadd.f32 v42, v62;
	[tilespmem:s10+$0xF820] =	vst v43  }
0x151: {  	v49 =	vld [tilespmem:s10+$0x78B0];
	v48 =	vmul.f32 v52, v61;
	v39 =	vadd.f32 v39, v53;
	[tilespmem:s10+$0xF830] =	vst v44  }
0x152: {  	v40 =	vadd.f32 v40, v55;
	v60 =	vmul.f32 v56, v59;
	v61 =	vperm.xlane v24, v5;
	v56 =	vld [tilespmem:s10+$0x7980];
	[tilespmem:s10+$0xF840] =	vst v42  }
0x153: {  	v63 =	vperm.xlane v24, v6;
	v50 =	vmul.f32 v57, v59;
	v45 =	vld [tilespmem:s10+$0x78D0];
	v41 =	vadd.f32 v41, v48;
	[tilespmem:s10+$0xF860] =	vst v39  }
0x154: {  	v46 =	vld [tilespmem:s10+$0x78E0];
	v38 =	vadd.f32 v38, v60;
	[tilespmem:s10+$0xF870] =	vst v40;
	v62 =	vmul.f32 v58, v61  }
0x155: {  	v43 =	vld [tilespmem:s10+$0x78F0];
	v37 =	vadd.f32 v37, v50;
	v50 =	vperm.xlane v24, v12;
	v53 =	vmul.f32 v54, v63;
	[tilespmem:s10+$0xF850] =	vst v41  }
0x156: {  	v44 =	vld [tilespmem:s10+$0x7900];
	[tilespmem:s10+$0xF880] =	vst v38;
	v35 =	vadd.f32 v35, v62;
	v48 =	vmul.f32 v49, v61  }
0x157: {  	v55 =	vperm.xlane v24, v7;
	v42 =	vld [tilespmem:s10+$0x7910];
	[tilespmem:s10+$0xF890] =	vst v37;
	v34 =	vadd.f32 v34, v53;
	v53 =	vmul.f32 v56, v50  }
0x158: {  	v39 =	vld [tilespmem:s10+$0x7930];
	[tilespmem:s10+$0xF8A0] =	vst v35;
	v36 =	vadd.f32 v36, v48;
	v45 =	vmul.f32 v45, v63  }
0x159: {  	v59 =	vperm.xlane v24, v8;
	v41 =	vld [tilespmem:s10+$0x7920];
	v57 =	vmul.f32 v46, v55;
	[tilespmem:s10+$0xF8C0] =	vst v34;
	v21 =	vadd.f32 v21, v53  }
0x15a: {  	v40 =	vld [tilespmem:s10+$0x7940];
	v43 =	vmul.f32 v43, v55;
	[tilespmem:s10+$0xF8B0] =	vst v36;
	v33 =	vadd.f32 v33, v45  }
0x15b: {  	v38 =	vld [tilespmem:s10+$0x7950];
	v62 =	vperm.xlane v24, v9;
	v44 =	vmul.f32 v44, v59;
	v32 =	vadd.f32 v32, v57;
	[tilespmem:s10+$0xF980] =	vst v21  }
0x15c: {  	v52 =	vld [tilespmem:s10+$0x7960];
	v42 =	vmul.f32 v42, v59;
	v31 =	vadd.f32 v31, v43;
	[tilespmem:s10+$0xF8D0] =	vst v33  }
0x15d: {  	v58 =	vld [tilespmem:s10+$0x7990];
	v46 =	vperm.xlane v24, v10;
	v39 =	vmul.f32 v39, v62;
	v30 =	vadd.f32 v30, v44;
	[tilespmem:s10+$0xF8E0] =	vst v32  }
0x15e: {  	v60 =	vld [tilespmem:s10+$0x79A0];
	v41 =	vmul.f32 v41, v62;
	v29 =	vadd.f32 v29, v42;
	[tilespmem:s10+$0xF8F0] =	vst v31  }
0x15f: {  	v61 =	vld [tilespmem:s10+$0x79B0];
	v48 =	vperm.xlane v24, v11;
	v40 =	vmul.f32 v40, v46;
	v27 =	vadd.f32 v27, v39;
	[tilespmem:s10+$0xF900] =	vst v30  }
0x160: {  	v63 =	vld [tilespmem:s10+$0x79C0];
	v38 =	vmul.f32 v38, v46;
	v28 =	vadd.f32 v28, v41;
	[tilespmem:s10+$0xF910] =	vst v29  }
0x161: {  	v54 =	vld [tilespmem:s10+$0x7970];
	v37 =	vmul.f32 v52, v48;
	v52 =	vperm.xlane v24, v13;
	v26 =	vadd.f32 v26, v40;
	[tilespmem:s10+$0xF930] =	vst v27  }
0x162: {  	v47 =	vld [tilespmem:s10+$0x79E0];
	v25 =	vadd.f32 v25, v38;
	v27 =	vmul.f32 v58, v50;
	[tilespmem:s10+$0xF920] =	vst v28  }
0x163: {  	v56 =	vperm.xlane v24, v14;
	v45 =	vld [tilespmem:s10+$0x79D0];
	v23 =	vadd.f32 v23, v37;
	v55 =	vmul.f32 v60, v52;
	[tilespmem:s10+$0xF940] =	vst v26  }
0x164: {  	v49 =	vld [tilespmem:s10+$0x79F0];
	v57 =	vmul.f32 v61, v52;
	[tilespmem:s10+$0xF950] =	vst v25;
	v20 =	vadd.f32 v20, v27  }
0x165: {  	v58 =	vperm.xlane v24, v15;
	v59 =	vmul.f32 v63, v56;
	[tilespmem:s10+$0xF960] =	vst v23;
	v19 =	vadd.f32 v19, v55  }
0x166: {  	v28 =	vmul.f32 v54, v48;
	v54 =	vld [tilespmem:s10+$0xB9F0];
	v18 =	vadd.f32 v18, v57;
	[tilespmem:s10+$0xF990] =	vst v20  }
0x167: {  	v61 =	vmul.f32 v47, v58;
	v17 =	vadd.f32 v17, v59;
	[tilespmem:s10+$0xF9A0] =	vst v19  }
0x168: {  	v60 =	vmul.f32 v45, v56;
	v22 =	vadd.f32 v22, v28;
	[tilespmem:s10+$0xF9B0] =	vst v18  }
0x169: {  	v62 =	vmul.f32 v49, v58;
	v63 =	vadd.f32 v51, v61;
	[tilespmem:s10+$0xF9C0] =	vst v17  }
0x16a: {  	s13 =	sadd.s32 s8, s13;
	v16 =	vadd.f32 v16, v60;
	[tilespmem:s10+$0xF970] =	vst v22  }
0x16b: {  	s13 =	sshll.u32 s13, $0x9;
	[tilespmem:s10+$0xF9E0] =	vst v63;
	v17 =	vadd.f32 v54, v62  }
0x16c: {  	s13 =	sand.u32 $0x1FFFFA00, s13;
	[tilespmem:s10+$0xF9D0] =	vst v16  }
0x16d: {  	s18 =	simm.s32 @!p0 $0x7800;
	s21 =	sadd.s32 s2, s13;
	[tilespmem:s10+$0xF9F0] =	vst v17  }
0x16e: {  	[hbm4b:s21+s3] =	stream.linear.scatter [tilespmem:s28], [sflag:$0xA], $0x1000, $0x38;
	[tilespmem:$0x12800] =	vst v63  }
.Ltmp5:
0x16f: {  	s13 =	simm.s32 @!p0 $0x80;
	s10 =	sadd.s32 @!p0 $0x280, s9;
	(pc) =	sbr.rel @!p1 .LBB2_10-.Ltmp5, $4  }
0x170: {  	[tilespmem:s18], [sflag:$0x2] =	stream.indirect.gather @!p0 [hbm4b:s4+s13], $0x20, s10, s13, $0xb8;
	[tilespmem:$0x12800] =	vst v63  }
0x171: {  	s18 =	simm.s32 @!p0 $0xB800  }
0x172: {  	[tilespmem:s18], [sflag:$0x6] =	stream.indirect.gather @!p0 [hbm4b:s5+s13], $0x20, s10, s13, $0xb8;
	[tilespmem:$0x12800] =	vst v63  }
0x173: {  	s13 =	sor.u32 @!p0 $0x2, s7  }
0x174: {  	_ =	swait.ge [sflag:s15], $0x1000  }
0x175: {  	[sflag:s15] =	ssyncset.done $0x0  }
0x176: {  	s13 =	simm.s32 @p0 $0x66;
	[sflag:s15] =	ssyncadd.s32 $0xFFFFF000  }
.LBB2_10:
0x177: {  	_ =	swait.ge [sflag:s29], $0x1000  }
0x178: {  	[sflag:s29] =	ssyncset.done $0x0  }
0x179: {  	[sflag:s29] =	ssyncadd.s32 $0xFFFFF000  }
0x17a: {  	_ =	swait.ge [sflag:s30], $0x1000  }
0x17b: {  	[sflag:s30] =	ssyncset.done $0x0  }
0x17c: {  	s10 =	simm.s32 $0x0;
	[sflag:s30] =	ssyncadd.s32 $0xFFFFF000  }
0x17d: {  	v45 =	vld [tilespmem:s10+$0xC800]  }
0x17e: {  	v46 =	vld [tilespmem:s10+$0xC810]  }
0x17f: {  	v43 =	vld [tilespmem:s10+$0xC820]  }
0x180: {  	v44 =	vld [tilespmem:s10+$0xC830]  }
0x181: {  	v42 =	vld [tilespmem:s10+$0xC840]  }
0x182: {  	v41 =	vld [tilespmem:s10+$0xC850]  }
0x183: {  	v39 =	vld [tilespmem:s10+$0xC860]  }
0x184: {  	v40 =	vld [tilespmem:s10+$0xC870]  }
0x185: {  	v38 =	vld [tilespmem:s10+$0xC880]  }
0x186: {  	v37 =	vld [tilespmem:s10+$0xC890]  }
0x187: {  	v35 =	vld [tilespmem:s10+$0xC8A0]  }
0x188: {  	v36 =	vld [tilespmem:s10+$0xC8B0]  }
0x189: {  	v34 =	vld [tilespmem:s10+$0xC8C0]  }
0x18a: {  	v33 =	vld [tilespmem:s10+$0xC8D0]  }
0x18b: {  	v32 =	vld [tilespmem:s10+$0xC8E0]  }
0x18c: {  	v31 =	vld [tilespmem:s10+$0xC8F0]  }
0x18d: {  	v30 =	vld [tilespmem:s10+$0xC900]  }
0x18e: {  	v29 =	vld [tilespmem:s10+$0xC910]  }
0x18f: {  	v28 =	vld [tilespmem:s10+$0xC920]  }
0x190: {  	v27 =	vld [tilespmem:s10+$0xC930]  }
0x191: {  	v26 =	vld [tilespmem:s10+$0xC940]  }
0x192: {  	v25 =	vld [tilespmem:s10+$0xC950]  }
0x193: {  	v23 =	vld [tilespmem:s10+$0xC960]  }
0x194: {  	v22 =	vld [tilespmem:s10+$0xC970]  }
0x195: {  	v21 =	vld [tilespmem:s10+$0xC980]  }
0x196: {  	v20 =	vld [tilespmem:s10+$0xC990]  }
0x197: {  	v19 =	vld [tilespmem:s10+$0xC9A0]  }
0x198: {  	v18 =	vld [tilespmem:s10+$0xC9B0]  }
0x199: {  	v17 =	vld [tilespmem:s10+$0xC9C0]  }
0x19a: {  	v16 =	vld [tilespmem:s10+$0xC9D0]  }
0x19b: {  	s18 =	sshll.u32 s13, $0x7;
	v49 =	vld [tilespmem:s10+$0x8800]  }
0x19c: {  	s18 =	sand.u32 $0x3FFFFF80, s18;
	v48 =	vld [tilespmem:s10+$0x8810]  }
0x19d: {  	s18 =	sadd.s32 $0x3400, s18;
	v47 =	vld [tilespmem:s10+$0x8820]  }
0x19e: {  	s20 =	simm.s32 $0x800;
	v24 =	vld [tilespmem:s18+$0x0]  }
.LBB2_11:
0x19f: {  	p2 =	sne.s32 s20, $0x3800;
	v50 =	vld [tilespmem:s10+$0x8830]  }
0x1a0: {  	v51 =	vld [tilespmem:s10+$0x8840]  }
0x1a1: {  	v52 =	vld [tilespmem:s10+$0x8850]  }
0x1a2: {  	v53 =	vld [tilespmem:s10+$0x8860]  }
0x1a3: {  	v54 =	vperm.xlane v24, v0;
	v55 =	vperm.xlane v24, v1;
	v56 =	vld [tilespmem:s10+$0x8870]  }
0x1a4: {  	v57 =	vperm.xlane v24, v2;
	v58 =	vperm.xlane v24, v3;
	v59 =	vld [tilespmem:s10+$0x8880]  }
0x1a5: {  	v49 =	vmul.f32 v49, v54;
	v48 =	vmul.f32 v48, v54;
	v54 =	vld [tilespmem:s10+$0x8890]  }
0x1a6: {  	v47 =	vmul.f32 v47, v55;
	v50 =	vmul.f32 v50, v55;
	v55 =	vld [tilespmem:s10+$0x88A0]  }
0x1a7: {  	v45 =	vadd.f32 v45, v49;
	v46 =	vadd.f32 v46, v48;
	v48 =	vmul.f32 v51, v57;
	v49 =	vld [tilespmem:s10+$0x88B0]  }
0x1a8: {  	v43 =	vadd.f32 v43, v47;
	v44 =	vadd.f32 v44, v50;
	v47 =	vmul.f32 v52, v57;
	v50 =	vld [tilespmem:s10+$0x88C0]  }
0x1a9: {  	[tilespmem:s10+$0x10800] =	vst v45;
	v42 =	vadd.f32 v42, v48;
	v45 =	vmul.f32 v53, v58;
	v48 =	vmul.f32 v56, v58;
	v51 =	vld [tilespmem:s10+$0x88D0]  }
0x1aa: {  	v41 =	vadd.f32 v41, v47;
	v47 =	vperm.xlane v24, v5;
	[tilespmem:s10+$0x10810] =	vst v46;
	v46 =	vperm.xlane v24, v4;
	v52 =	vld [tilespmem:s10+$0x88E0]  }
0x1ab: {  	[tilespmem:s10+$0x10820] =	vst v43;
	v39 =	vadd.f32 v39, v45;
	v40 =	vadd.f32 v40, v48;
	v43 =	vperm.xlane v24, v6;
	v45 =	vld [tilespmem:s10+$0x88F0]  }
0x1ac: {  	[tilespmem:s10+$0x10830] =	vst v44;
	v44 =	vmul.f32 v59, v46;
	v46 =	vmul.f32 v54, v46;
	v48 =	vld [tilespmem:s10+$0x8900]  }
0x1ad: {  	[tilespmem:s10+$0x10840] =	vst v42;
	v42 =	vmul.f32 v55, v47;
	v47 =	vmul.f32 v49, v47;
	v49 =	vld [tilespmem:s10+$0x8910]  }
0x1ae: {  	[tilespmem:s10+$0x10850] =	vst v41;
	v38 =	vadd.f32 v38, v44;
	v37 =	vadd.f32 v37, v46;
	v41 =	vmul.f32 v50, v43;
	v44 =	vld [tilespmem:s10+$0x8920]  }
0x1af: {  	[tilespmem:s10+$0x10860] =	vst v39;
	v35 =	vadd.f32 v35, v42;
	v36 =	vadd.f32 v36, v47;
	v39 =	vmul.f32 v51, v43;
	v42 =	vld [tilespmem:s10+$0x8930]  }
0x1b0: {  	[tilespmem:s10+$0x10870] =	vst v40;
	v34 =	vadd.f32 v34, v41;
	v40 =	vperm.xlane v24, v7;
	v41 =	vperm.xlane v24, v8;
	v43 =	vld [tilespmem:s10+$0x8940]  }
0x1b1: {  	[tilespmem:s10+$0x10880] =	vst v38;
	v33 =	vadd.f32 v33, v39;
	v38 =	vperm.xlane v24, v9;
	v39 =	vperm.xlane v24, v10;
	v46 =	vld [tilespmem:s10+$0x8950]  }
0x1b2: {  	[tilespmem:s10+$0x10890] =	vst v37;
	v37 =	vmul.f32 v52, v40;
	v40 =	vmul.f32 v45, v40;
	v45 =	vld [tilespmem:s10+$0x8960]  }
0x1b3: {  	[tilespmem:s10+$0x108A0] =	vst v35;
	v35 =	vmul.f32 v48, v41;
	v41 =	vmul.f32 v49, v41;
	v47 =	vld [tilespmem:s10+$0x8970]  }
0x1b4: {  	[tilespmem:s10+$0x108B0] =	vst v36;
	v32 =	vadd.f32 v32, v37;
	v31 =	vadd.f32 v31, v40;
	v36 =	vmul.f32 v44, v38;
	v37 =	vld [tilespmem:s10+$0x8980]  }
0x1b5: {  	[tilespmem:s10+$0x108C0] =	vst v34;
	v30 =	vadd.f32 v30, v35;
	v29 =	vadd.f32 v29, v41;
	v34 =	vmul.f32 v42, v38;
	v35 =	vld [tilespmem:s10+$0x8990]  }
0x1b6: {  	[tilespmem:s10+$0x108D0] =	vst v33;
	v28 =	vadd.f32 v28, v36;
	v33 =	vmul.f32 v43, v39;
	v36 =	vmul.f32 v46, v39;
	v38 =	vld [tilespmem:s10+$0x89A0]  }
0x1b7: {  	[tilespmem:s10+$0x108E0] =	vst v32;
	v27 =	vadd.f32 v27, v34;
	v32 =	vperm.xlane v24, v11;
	v34 =	vperm.xlane v24, v12;
	v39 =	vld [tilespmem:s10+$0x89B0]  }
0x1b8: {  	[tilespmem:s10+$0x108F0] =	vst v31;
	v26 =	vadd.f32 v26, v33;
	v25 =	vadd.f32 v25, v36;
	v31 =	vperm.xlane v24, v13;
	v33 =	vld [tilespmem:s10+$0x89C0]  }
0x1b9: {  	[tilespmem:s10+$0x10900] =	vst v30;
	v30 =	vmul.f32 v45, v32;
	v32 =	vmul.f32 v47, v32;
	v36 =	vld [tilespmem:s10+$0x89D0]  }
0x1ba: {  	[tilespmem:s10+$0x10910] =	vst v29;
	v29 =	vmul.f32 v37, v34;
	v34 =	vmul.f32 v35, v34;
	v35 =	vld [tilespmem:s10+$0x89E0]  }
0x1bb: {  	[tilespmem:s10+$0x10920] =	vst v28;
	v23 =	vadd.f32 v23, v30;
	v22 =	vadd.f32 v22, v32;
	v28 =	vmul.f32 v38, v31;
	v30 =	vld [tilespmem:s10+$0x89F0]  }
0x1bc: {  	[tilespmem:s10+$0x10930] =	vst v27;
	v21 =	vadd.f32 v21, v29;
	v20 =	vadd.f32 v20, v34;
	v27 =	vmul.f32 v39, v31;
	v29 =	vld [tilespmem:s10+$0xC9E0]  }
0x1bd: {  	s21 =	sshra.s32 s20, $0x2;
	[tilespmem:s10+$0x10940] =	vst v26;
	v19 =	vadd.f32 v19, v28;
	v26 =	vperm.xlane v24, v14;
	v24 =	vperm.xlane v24, v15;
	v28 =	vld [tilespmem:s10+$0xC9F0]  }
0x1be: {  	v45 =	vld [tilespmem:s21+$0xC800];
	[tilespmem:s10+$0x10950] =	vst v25;
	v18 =	vadd.f32 v18, v27  }
0x1bf: {  	v46 =	vld [tilespmem:s21+$0xC810];
	[tilespmem:s10+$0x10960] =	vst v23;
	v23 =	vmul.f32 v33, v26;
	v25 =	vmul.f32 v36, v26  }
0x1c0: {  	v43 =	vld [tilespmem:s21+$0xC820];
	[tilespmem:s10+$0x10970] =	vst v22;
	v22 =	vmul.f32 v35, v24;
	v24 =	vmul.f32 v30, v24  }
0x1c1: {  	v44 =	vld [tilespmem:s21+$0xC830];
	[tilespmem:s10+$0x10980] =	vst v21;
	v17 =	vadd.f32 v17, v23;
	v16 =	vadd.f32 v16, v25  }
0x1c2: {  	v42 =	vld [tilespmem:s21+$0xC840];
	[tilespmem:s10+$0x10990] =	vst v20;
	v20 =	vadd.f32 v29, v22;
	v21 =	vadd.f32 v28, v24  }
0x1c3: {  	v41 =	vld [tilespmem:s21+$0xC850];
	[tilespmem:s10+$0x109A0] =	vst v19  }
0x1c4: {  	v39 =	vld [tilespmem:s21+$0xC860];
	[tilespmem:s10+$0x109B0] =	vst v18  }
0x1c5: {  	v40 =	vld [tilespmem:s21+$0xC870];
	[tilespmem:s10+$0x109C0] =	vst v17  }
0x1c6: {  	v38 =	vld [tilespmem:s21+$0xC880];
	[tilespmem:s10+$0x109D0] =	vst v16  }
0x1c7: {  	v37 =	vld [tilespmem:s21+$0xC890];
	[tilespmem:s10+$0x109E0] =	vst v20  }
0x1c8: {  	v35 =	vld [tilespmem:s21+$0xC8A0];
	[tilespmem:s10+$0x109F0] =	vst v21;
	s10 =	smov.u32 s21  }
0x1c9: {  	v36 =	vld [tilespmem:s10+$0xC8B0]  }
0x1ca: {  	v34 =	vld [tilespmem:s10+$0xC8C0]  }
0x1cb: {  	v33 =	vld [tilespmem:s10+$0xC8D0]  }
0x1cc: {  	v32 =	vld [tilespmem:s10+$0xC8E0]  }
0x1cd: {  	v31 =	vld [tilespmem:s10+$0xC8F0]  }
0x1ce: {  	v30 =	vld [tilespmem:s10+$0xC900]  }
0x1cf: {  	v29 =	vld [tilespmem:s10+$0xC910]  }
0x1d0: {  	v28 =	vld [tilespmem:s10+$0xC920]  }
0x1d1: {  	v27 =	vld [tilespmem:s10+$0xC930]  }
0x1d2: {  	v26 =	vld [tilespmem:s10+$0xC940]  }
0x1d3: {  	v25 =	vld [tilespmem:s10+$0xC950]  }
0x1d4: {  	v23 =	vld [tilespmem:s10+$0xC960]  }
0x1d5: {  	v22 =	vld [tilespmem:s10+$0xC970]  }
0x1d6: {  	v21 =	vld [tilespmem:s10+$0xC980]  }
0x1d7: {  	v20 =	vld [tilespmem:s10+$0xC990]  }
0x1d8: {  	v19 =	vld [tilespmem:s10+$0xC9A0]  }
0x1d9: {  	v18 =	vld [tilespmem:s10+$0xC9B0]  }
0x1da: {  	v17 =	vld [tilespmem:s10+$0xC9C0]  }
.Ltmp6:
0x1db: {  	v16 =	vld [tilespmem:s10+$0xC9D0];
	(pc) =	sbr.rel @p2 .LBB2_11-.Ltmp6, $4  }
0x1dc: {  	v49 =	vld [tilespmem:s10+$0x8800]  }
0x1dd: {  	v48 =	vld [tilespmem:s10+$0x8810]  }
0x1de: {  	s18 =	sadd.s32 $0x10, s18;
	v47 =	vld [tilespmem:s10+$0x8820]  }
0x1df: {  	s20 =	sadd.s32 $0x800, s20;
	v24 =	vld [tilespmem:s18+$0x0]  }
0x1e0: {  	_ =	sdelay $0x2  }
0x1e1: {  	v50 =	vld [tilespmem:s10+$0x8830]  }
0x1e2: {  	v51 =	vld [tilespmem:s10+$0x8840];
	v54 =	vperm.xlane v24, v0  }
0x1e3: {  	v52 =	vld [tilespmem:s10+$0x8850]  }
0x1e4: {  	v53 =	vld [tilespmem:s10+$0x8860];
	v59 =	vperm.xlane v24, v1;
	v49 =	vmul.f32 v49, v54  }
0x1e5: {  	v55 =	vld [tilespmem:s10+$0x8870];
	v48 =	vmul.f32 v48, v54  }
0x1e6: {  	v56 =	vld [tilespmem:s10+$0x8880];
	v61 =	vperm.xlane v24, v2;
	v47 =	vmul.f32 v47, v59;
	v45 =	vadd.f32 v45, v49  }
0x1e7: {  	v57 =	vld [tilespmem:s10+$0x8890];
	v63 =	vperm.xlane v24, v3;
	v50 =	vmul.f32 v50, v59;
	v46 =	vadd.f32 v46, v48  }
0x1e8: {  	v58 =	vld [tilespmem:s10+$0x88A0];
	v62 =	vmul.f32 v51, v61;
	v43 =	vadd.f32 v43, v47;
	[tilespmem:s10+$0x10800] =	vst v45  }
0x1e9: {  	v54 =	vld [tilespmem:s10+$0x88C0];
	v53 =	vmul.f32 v53, v63;
	v44 =	vadd.f32 v44, v50;
	[tilespmem:s10+$0x10810] =	vst v46  }
0x1ea: {  	v55 =	vmul.f32 v55, v63;
	v59 =	vperm.xlane v24, v4;
	v51 =	vld [tilespmem:s10+$0xC9E0];
	v42 =	vadd.f32 v42, v62;
	[tilespmem:s10+$0x10820] =	vst v43  }
0x1eb: {  	v49 =	vld [tilespmem:s10+$0x88B0];
	v48 =	vmul.f32 v52, v61;
	v39 =	vadd.f32 v39, v53;
	[tilespmem:s10+$0x10830] =	vst v44  }
0x1ec: {  	v40 =	vadd.f32 v40, v55;
	v60 =	vmul.f32 v56, v59;
	v61 =	vperm.xlane v24, v5;
	v56 =	vld [tilespmem:s10+$0x8980];
	[tilespmem:s10+$0x10840] =	vst v42  }
0x1ed: {  	v63 =	vperm.xlane v24, v6;
	v50 =	vmul.f32 v57, v59;
	v45 =	vld [tilespmem:s10+$0x88D0];
	v41 =	vadd.f32 v41, v48;
	[tilespmem:s10+$0x10860] =	vst v39  }
0x1ee: {  	v46 =	vld [tilespmem:s10+$0x88E0];
	v38 =	vadd.f32 v38, v60;
	[tilespmem:s10+$0x10870] =	vst v40;
	v62 =	vmul.f32 v58, v61  }
0x1ef: {  	v43 =	vld [tilespmem:s10+$0x88F0];
	v37 =	vadd.f32 v37, v50;
	v50 =	vperm.xlane v24, v12;
	v53 =	vmul.f32 v54, v63;
	[tilespmem:s10+$0x10850] =	vst v41  }
0x1f0: {  	v44 =	vld [tilespmem:s10+$0x8900];
	[tilespmem:s10+$0x10880] =	vst v38;
	v35 =	vadd.f32 v35, v62;
	v48 =	vmul.f32 v49, v61  }
0x1f1: {  	v55 =	vperm.xlane v24, v7;
	v42 =	vld [tilespmem:s10+$0x8910];
	[tilespmem:s10+$0x10890] =	vst v37;
	v34 =	vadd.f32 v34, v53;
	v53 =	vmul.f32 v56, v50  }
0x1f2: {  	v39 =	vld [tilespmem:s10+$0x8930];
	[tilespmem:s10+$0x108A0] =	vst v35;
	v36 =	vadd.f32 v36, v48;
	v45 =	vmul.f32 v45, v63  }
0x1f3: {  	v59 =	vperm.xlane v24, v8;
	v41 =	vld [tilespmem:s10+$0x8920];
	v57 =	vmul.f32 v46, v55;
	[tilespmem:s10+$0x108C0] =	vst v34;
	v21 =	vadd.f32 v21, v53  }
0x1f4: {  	v40 =	vld [tilespmem:s10+$0x8940];
	v43 =	vmul.f32 v43, v55;
	[tilespmem:s10+$0x108B0] =	vst v36;
	v33 =	vadd.f32 v33, v45  }
0x1f5: {  	v38 =	vld [tilespmem:s10+$0x8950];
	v62 =	vperm.xlane v24, v9;
	v44 =	vmul.f32 v44, v59;
	v32 =	vadd.f32 v32, v57;
	[tilespmem:s10+$0x10980] =	vst v21  }
0x1f6: {  	v52 =	vld [tilespmem:s10+$0x8960];
	v42 =	vmul.f32 v42, v59;
	v31 =	vadd.f32 v31, v43;
	[tilespmem:s10+$0x108D0] =	vst v33  }
0x1f7: {  	v58 =	vld [tilespmem:s10+$0x8990];
	v46 =	vperm.xlane v24, v10;
	v39 =	vmul.f32 v39, v62;
	v30 =	vadd.f32 v30, v44;
	[tilespmem:s10+$0x108E0] =	vst v32  }
0x1f8: {  	v60 =	vld [tilespmem:s10+$0x89A0];
	v41 =	vmul.f32 v41, v62;
	v29 =	vadd.f32 v29, v42;
	[tilespmem:s10+$0x108F0] =	vst v31  }
0x1f9: {  	v61 =	vld [tilespmem:s10+$0x89B0];
	v48 =	vperm.xlane v24, v11;
	v40 =	vmul.f32 v40, v46;
	v27 =	vadd.f32 v27, v39;
	[tilespmem:s10+$0x10900] =	vst v30  }
0x1fa: {  	v63 =	vld [tilespmem:s10+$0x89C0];
	v38 =	vmul.f32 v38, v46;
	v28 =	vadd.f32 v28, v41;
	[tilespmem:s10+$0x10910] =	vst v29  }
0x1fb: {  	v54 =	vld [tilespmem:s10+$0x8970];
	v37 =	vmul.f32 v52, v48;
	v52 =	vperm.xlane v24, v13;
	v26 =	vadd.f32 v26, v40;
	[tilespmem:s10+$0x10930] =	vst v27  }
0x1fc: {  	v47 =	vld [tilespmem:s10+$0x89E0];
	v25 =	vadd.f32 v25, v38;
	v27 =	vmul.f32 v58, v50;
	[tilespmem:s10+$0x10920] =	vst v28  }
0x1fd: {  	v56 =	vperm.xlane v24, v14;
	v45 =	vld [tilespmem:s10+$0x89D0];
	v23 =	vadd.f32 v23, v37;
	v55 =	vmul.f32 v60, v52;
	[tilespmem:s10+$0x10940] =	vst v26  }
0x1fe: {  	v49 =	vld [tilespmem:s10+$0x89F0];
	v57 =	vmul.f32 v61, v52;
	[tilespmem:s10+$0x10950] =	vst v25;
	v20 =	vadd.f32 v20, v27  }
0x1ff: {  	v58 =	vperm.xlane v24, v15;
	v59 =	vmul.f32 v63, v56;
	[tilespmem:s10+$0x10960] =	vst v23;
	v19 =	vadd.f32 v19, v55  }
0x200: {  	v28 =	vmul.f32 v54, v48;
	v54 =	vld [tilespmem:s10+$0xC9F0];
	v18 =	vadd.f32 v18, v57;
	[tilespmem:s10+$0x10990] =	vst v20  }
0x201: {  	v61 =	vmul.f32 v47, v58;
	v17 =	vadd.f32 v17, v59;
	[tilespmem:s10+$0x109A0] =	vst v19  }
0x202: {  	v60 =	vmul.f32 v45, v56;
	v22 =	vadd.f32 v22, v28;
	[tilespmem:s10+$0x109B0] =	vst v18  }
0x203: {  	v62 =	vmul.f32 v49, v58;
	v63 =	vadd.f32 v51, v61;
	[tilespmem:s10+$0x109C0] =	vst v17  }
0x204: {  	s13 =	sadd.s32 s8, s13;
	v16 =	vadd.f32 v16, v60;
	[tilespmem:s10+$0x10970] =	vst v22  }
0x205: {  	s13 =	sshll.u32 s13, $0x9;
	[tilespmem:s10+$0x109E0] =	vst v63;
	v17 =	vadd.f32 v54, v62  }
0x206: {  	s13 =	sand.u32 $0x1FFFFC00, s13;
	[tilespmem:s10+$0x109D0] =	vst v16  }
0x207: {  	s21 =	sadd.s32 s2, s13;
	[tilespmem:s10+$0x109F0] =	vst v17  }
0x208: {  	[hbm4b:s21+s3] =	stream.linear.scatter [tilespmem:s31], [sflag:$0xB], $0x1000, $0x38;
	[tilespmem:$0x12800] =	vst v63  }
.Ltmp7:
0x209: {  	_ = 	snop;
	(pc) =	sbr.rel @!p1 .LBB2_14-.Ltmp7, $4  }
0x20a: {  	s9 =	sadd.s32 @!p0 $0x300, s9;
	s13 =	simm.s32 @!p0 $0x8800;
	s10 =	simm.s32 @!p0 $0x80  }
0x20b: {  	[tilespmem:s13], [sflag:$0x3] =	stream.indirect.gather @!p0 [hbm4b:s4+s10], $0x20, s9, s10, $0xb8;
	[tilespmem:$0x12800] =	vst v63  }
0x20c: {  	s7 =	sor.u32 @!p0 $0x3, s7;
	s13 =	simm.s32 @!p0 $0xC800  }
0x20d: {  	[tilespmem:s13], [sflag:$0x7] =	stream.indirect.gather @!p0 [hbm4b:s5+s10], $0x20, s9, s10, $0xb8;
	[tilespmem:$0x12800] =	vst v63  }
0x20e: {  	_ =	swait.ge [sflag:s17], $0x1000  }
0x20f: {  	[sflag:s17] =	ssyncset.done $0x0  }
0x210: {  	s7 =	simm.s32 @p0 $0x67;
	[sflag:s17] =	ssyncadd.s32 $0xFFFFF000  }
.LBB2_14:
0x211: {  	_ =	swait.ge [sflag:s0], $0x1000  }
0x212: {  	[sflag:s0] =	ssyncset.done $0x0  }
0x213: {  	[sflag:s0] =	ssyncadd.s32 $0xFFFFF000  }
0x214: {  	_ =	swait.ge [sflag:s1], $0x1000  }
0x215: {  	[sflag:s1] =	ssyncset.done $0x0  }
0x216: {  	s9 =	simm.s32 $0x0;
	[sflag:s1] =	ssyncadd.s32 $0xFFFFF000  }
0x217: {  	v45 =	vld [tilespmem:s9+$0xD800]  }
0x218: {  	v46 =	vld [tilespmem:s9+$0xD810]  }
0x219: {  	v43 =	vld [tilespmem:s9+$0xD820]  }
0x21a: {  	v44 =	vld [tilespmem:s9+$0xD830]  }
0x21b: {  	v42 =	vld [tilespmem:s9+$0xD840]  }
0x21c: {  	v41 =	vld [tilespmem:s9+$0xD850]  }
0x21d: {  	v39 =	vld [tilespmem:s9+$0xD860]  }
0x21e: {  	v40 =	vld [tilespmem:s9+$0xD870]  }
0x21f: {  	v38 =	vld [tilespmem:s9+$0xD880]  }
0x220: {  	v37 =	vld [tilespmem:s9+$0xD890]  }
0x221: {  	v35 =	vld [tilespmem:s9+$0xD8A0]  }
0x222: {  	v36 =	vld [tilespmem:s9+$0xD8B0]  }
0x223: {  	v34 =	vld [tilespmem:s9+$0xD8C0]  }
0x224: {  	v33 =	vld [tilespmem:s9+$0xD8D0]  }
0x225: {  	v32 =	vld [tilespmem:s9+$0xD8E0]  }
0x226: {  	v31 =	vld [tilespmem:s9+$0xD8F0]  }
0x227: {  	v30 =	vld [tilespmem:s9+$0xD900]  }
0x228: {  	v29 =	vld [tilespmem:s9+$0xD910]  }
0x229: {  	v28 =	vld [tilespmem:s9+$0xD920]  }
0x22a: {  	v27 =	vld [tilespmem:s9+$0xD930]  }
0x22b: {  	v26 =	vld [tilespmem:s9+$0xD940]  }
0x22c: {  	v25 =	vld [tilespmem:s9+$0xD950]  }
0x22d: {  	v23 =	vld [tilespmem:s9+$0xD960]  }
0x22e: {  	v22 =	vld [tilespmem:s9+$0xD970]  }
0x22f: {  	v21 =	vld [tilespmem:s9+$0xD980]  }
0x230: {  	v20 =	vld [tilespmem:s9+$0xD990]  }
0x231: {  	v19 =	vld [tilespmem:s9+$0xD9A0]  }
0x232: {  	v18 =	vld [tilespmem:s9+$0xD9B0]  }
0x233: {  	v17 =	vld [tilespmem:s9+$0xD9C0]  }
0x234: {  	v16 =	vld [tilespmem:s9+$0xD9D0]  }
0x235: {  	s10 =	sshll.u32 s7, $0x7;
	v49 =	vld [tilespmem:s9+$0x9800]  }
0x236: {  	s10 =	sand.u32 $0x3FFFFF80, s10;
	v48 =	vld [tilespmem:s9+$0x9810]  }
0x237: {  	s10 =	sadd.s32 $0x3400, s10;
	v47 =	vld [tilespmem:s9+$0x9820]  }
0x238: {  	s13 =	simm.s32 $0x800;
	v24 =	vld [tilespmem:s10+$0x0]  }
.LBB2_15:
0x239: {  	p1 =	sne.s32 s13, $0x3800;
	v50 =	vld [tilespmem:s9+$0x9830]  }
0x23a: {  	v51 =	vld [tilespmem:s9+$0x9840]  }
0x23b: {  	v52 =	vld [tilespmem:s9+$0x9850]  }
0x23c: {  	v53 =	vld [tilespmem:s9+$0x9860]  }
0x23d: {  	v54 =	vperm.xlane v24, v0;
	v55 =	vperm.xlane v24, v1;
	v56 =	vld [tilespmem:s9+$0x9870]  }
0x23e: {  	v57 =	vperm.xlane v24, v2;
	v58 =	vperm.xlane v24, v3;
	v59 =	vld [tilespmem:s9+$0x9880]  }
0x23f: {  	v49 =	vmul.f32 v49, v54;
	v48 =	vmul.f32 v48, v54;
	v54 =	vld [tilespmem:s9+$0x9890]  }
0x240: {  	v47 =	vmul.f32 v47, v55;
	v50 =	vmul.f32 v50, v55;
	v55 =	vld [tilespmem:s9+$0x98A0]  }
0x241: {  	v45 =	vadd.f32 v45, v49;
	v46 =	vadd.f32 v46, v48;
	v48 =	vmul.f32 v51, v57;
	v49 =	vld [tilespmem:s9+$0x98B0]  }
0x242: {  	v43 =	vadd.f32 v43, v47;
	v44 =	vadd.f32 v44, v50;
	v47 =	vmul.f32 v52, v57;
	v50 =	vld [tilespmem:s9+$0x98C0]  }
0x243: {  	[tilespmem:s9+$0x11800] =	vst v45;
	v42 =	vadd.f32 v42, v48;
	v45 =	vmul.f32 v53, v58;
	v48 =	vmul.f32 v56, v58;
	v51 =	vld [tilespmem:s9+$0x98D0]  }
0x244: {  	v41 =	vadd.f32 v41, v47;
	v47 =	vperm.xlane v24, v5;
	[tilespmem:s9+$0x11810] =	vst v46;
	v46 =	vperm.xlane v24, v4;
	v52 =	vld [tilespmem:s9+$0x98E0]  }
0x245: {  	[tilespmem:s9+$0x11820] =	vst v43;
	v39 =	vadd.f32 v39, v45;
	v40 =	vadd.f32 v40, v48;
	v43 =	vperm.xlane v24, v6;
	v45 =	vld [tilespmem:s9+$0x98F0]  }
0x246: {  	[tilespmem:s9+$0x11830] =	vst v44;
	v44 =	vmul.f32 v59, v46;
	v46 =	vmul.f32 v54, v46;
	v48 =	vld [tilespmem:s9+$0x9900]  }
0x247: {  	[tilespmem:s9+$0x11840] =	vst v42;
	v42 =	vmul.f32 v55, v47;
	v47 =	vmul.f32 v49, v47;
	v49 =	vld [tilespmem:s9+$0x9910]  }
0x248: {  	[tilespmem:s9+$0x11850] =	vst v41;
	v38 =	vadd.f32 v38, v44;
	v37 =	vadd.f32 v37, v46;
	v41 =	vmul.f32 v50, v43;
	v44 =	vld [tilespmem:s9+$0x9920]  }
0x249: {  	[tilespmem:s9+$0x11860] =	vst v39;
	v35 =	vadd.f32 v35, v42;
	v36 =	vadd.f32 v36, v47;
	v39 =	vmul.f32 v51, v43;
	v42 =	vld [tilespmem:s9+$0x9930]  }
0x24a: {  	[tilespmem:s9+$0x11870] =	vst v40;
	v34 =	vadd.f32 v34, v41;
	v40 =	vperm.xlane v24, v7;
	v41 =	vperm.xlane v24, v8;
	v43 =	vld [tilespmem:s9+$0x9940]  }
0x24b: {  	[tilespmem:s9+$0x11880] =	vst v38;
	v33 =	vadd.f32 v33, v39;
	v38 =	vperm.xlane v24, v9;
	v39 =	vperm.xlane v24, v10;
	v46 =	vld [tilespmem:s9+$0x9950]  }
0x24c: {  	[tilespmem:s9+$0x11890] =	vst v37;
	v37 =	vmul.f32 v52, v40;
	v40 =	vmul.f32 v45, v40;
	v45 =	vld [tilespmem:s9+$0x9960]  }
0x24d: {  	[tilespmem:s9+$0x118A0] =	vst v35;
	v35 =	vmul.f32 v48, v41;
	v41 =	vmul.f32 v49, v41;
	v47 =	vld [tilespmem:s9+$0x9970]  }
0x24e: {  	[tilespmem:s9+$0x118B0] =	vst v36;
	v32 =	vadd.f32 v32, v37;
	v31 =	vadd.f32 v31, v40;
	v36 =	vmul.f32 v44, v38;
	v37 =	vld [tilespmem:s9+$0x9980]  }
0x24f: {  	[tilespmem:s9+$0x118C0] =	vst v34;
	v30 =	vadd.f32 v30, v35;
	v29 =	vadd.f32 v29, v41;
	v34 =	vmul.f32 v42, v38;
	v35 =	vld [tilespmem:s9+$0x9990]  }
0x250: {  	[tilespmem:s9+$0x118D0] =	vst v33;
	v28 =	vadd.f32 v28, v36;
	v33 =	vmul.f32 v43, v39;
	v36 =	vmul.f32 v46, v39;
	v38 =	vld [tilespmem:s9+$0x99A0]  }
0x251: {  	[tilespmem:s9+$0x118E0] =	vst v32;
	v27 =	vadd.f32 v27, v34;
	v32 =	vperm.xlane v24, v11;
	v34 =	vperm.xlane v24, v12;
	v39 =	vld [tilespmem:s9+$0x99B0]  }
0x252: {  	[tilespmem:s9+$0x118F0] =	vst v31;
	v26 =	vadd.f32 v26, v33;
	v25 =	vadd.f32 v25, v36;
	v31 =	vperm.xlane v24, v13;
	v33 =	vld [tilespmem:s9+$0x99C0]  }
0x253: {  	[tilespmem:s9+$0x11900] =	vst v30;
	v30 =	vmul.f32 v45, v32;
	v32 =	vmul.f32 v47, v32;
	v36 =	vld [tilespmem:s9+$0x99D0]  }
0x254: {  	[tilespmem:s9+$0x11910] =	vst v29;
	v29 =	vmul.f32 v37, v34;
	v34 =	vmul.f32 v35, v34;
	v35 =	vld [tilespmem:s9+$0x99E0]  }
0x255: {  	[tilespmem:s9+$0x11920] =	vst v28;
	v23 =	vadd.f32 v23, v30;
	v22 =	vadd.f32 v22, v32;
	v28 =	vmul.f32 v38, v31;
	v30 =	vld [tilespmem:s9+$0x99F0]  }
0x256: {  	[tilespmem:s9+$0x11930] =	vst v27;
	v21 =	vadd.f32 v21, v29;
	v20 =	vadd.f32 v20, v34;
	v27 =	vmul.f32 v39, v31;
	v29 =	vld [tilespmem:s9+$0xD9E0]  }
0x257: {  	s18 =	sshra.s32 s13, $0x2;
	[tilespmem:s9+$0x11940] =	vst v26;
	v19 =	vadd.f32 v19, v28;
	v26 =	vperm.xlane v24, v14;
	v24 =	vperm.xlane v24, v15;
	v28 =	vld [tilespmem:s9+$0xD9F0]  }
0x258: {  	v45 =	vld [tilespmem:s18+$0xD800];
	[tilespmem:s9+$0x11950] =	vst v25;
	v18 =	vadd.f32 v18, v27  }
0x259: {  	v46 =	vld [tilespmem:s18+$0xD810];
	[tilespmem:s9+$0x11960] =	vst v23;
	v23 =	vmul.f32 v33, v26;
	v25 =	vmul.f32 v36, v26  }
0x25a: {  	v43 =	vld [tilespmem:s18+$0xD820];
	[tilespmem:s9+$0x11970] =	vst v22;
	v22 =	vmul.f32 v35, v24;
	v24 =	vmul.f32 v30, v24  }
0x25b: {  	v44 =	vld [tilespmem:s18+$0xD830];
	[tilespmem:s9+$0x11980] =	vst v21;
	v17 =	vadd.f32 v17, v23;
	v16 =	vadd.f32 v16, v25  }
0x25c: {  	v42 =	vld [tilespmem:s18+$0xD840];
	[tilespmem:s9+$0x11990] =	vst v20;
	v20 =	vadd.f32 v29, v22;
	v21 =	vadd.f32 v28, v24  }
0x25d: {  	v41 =	vld [tilespmem:s18+$0xD850];
	[tilespmem:s9+$0x119A0] =	vst v19  }
0x25e: {  	v39 =	vld [tilespmem:s18+$0xD860];
	[tilespmem:s9+$0x119B0] =	vst v18  }
0x25f: {  	v40 =	vld [tilespmem:s18+$0xD870];
	[tilespmem:s9+$0x119C0] =	vst v17  }
0x260: {  	v38 =	vld [tilespmem:s18+$0xD880];
	[tilespmem:s9+$0x119D0] =	vst v16  }
0x261: {  	v37 =	vld [tilespmem:s18+$0xD890];
	[tilespmem:s9+$0x119E0] =	vst v20  }
0x262: {  	v35 =	vld [tilespmem:s18+$0xD8A0];
	[tilespmem:s9+$0x119F0] =	vst v21;
	s9 =	smov.u32 s18  }
0x263: {  	v36 =	vld [tilespmem:s9+$0xD8B0]  }
0x264: {  	v34 =	vld [tilespmem:s9+$0xD8C0]  }
0x265: {  	v33 =	vld [tilespmem:s9+$0xD8D0]  }
0x266: {  	v32 =	vld [tilespmem:s9+$0xD8E0]  }
0x267: {  	v31 =	vld [tilespmem:s9+$0xD8F0]  }
0x268: {  	v30 =	vld [tilespmem:s9+$0xD900]  }
0x269: {  	v29 =	vld [tilespmem:s9+$0xD910]  }
0x26a: {  	v28 =	vld [tilespmem:s9+$0xD920]  }
0x26b: {  	v27 =	vld [tilespmem:s9+$0xD930]  }
0x26c: {  	v26 =	vld [tilespmem:s9+$0xD940]  }
0x26d: {  	v25 =	vld [tilespmem:s9+$0xD950]  }
0x26e: {  	v23 =	vld [tilespmem:s9+$0xD960]  }
0x26f: {  	v22 =	vld [tilespmem:s9+$0xD970]  }
0x270: {  	v21 =	vld [tilespmem:s9+$0xD980]  }
0x271: {  	v20 =	vld [tilespmem:s9+$0xD990]  }
0x272: {  	v19 =	vld [tilespmem:s9+$0xD9A0]  }
0x273: {  	v18 =	vld [tilespmem:s9+$0xD9B0]  }
0x274: {  	v17 =	vld [tilespmem:s9+$0xD9C0]  }
.Ltmp8:
0x275: {  	v16 =	vld [tilespmem:s9+$0xD9D0];
	(pc) =	sbr.rel @p1 .LBB2_15-.Ltmp8, $4  }
0x276: {  	v49 =	vld [tilespmem:s9+$0x9800]  }
0x277: {  	v48 =	vld [tilespmem:s9+$0x9810]  }
0x278: {  	s10 =	sadd.s32 $0x10, s10;
	v47 =	vld [tilespmem:s9+$0x9820]  }
0x279: {  	s13 =	sadd.s32 $0x800, s13;
	v24 =	vld [tilespmem:s10+$0x0]  }
0x27a: {  	_ =	sdelay $0x2  }
0x27b: {  	v50 =	vld [tilespmem:s9+$0x9830]  }
0x27c: {  	v51 =	vld [tilespmem:s9+$0x9840];
	v54 =	vperm.xlane v24, v0  }
0x27d: {  	v52 =	vld [tilespmem:s9+$0x9850]  }
0x27e: {  	v53 =	vld [tilespmem:s9+$0x9860];
	v59 =	vperm.xlane v24, v1;
	v49 =	vmul.f32 v49, v54  }
0x27f: {  	v55 =	vld [tilespmem:s9+$0x9870];
	v48 =	vmul.f32 v48, v54  }
0x280: {  	v56 =	vld [tilespmem:s9+$0x9880];
	v61 =	vperm.xlane v24, v2;
	v47 =	vmul.f32 v47, v59;
	v45 =	vadd.f32 v45, v49  }
0x281: {  	v57 =	vld [tilespmem:s9+$0x9890];
	v63 =	vperm.xlane v24, v3;
	v50 =	vmul.f32 v50, v59;
	v46 =	vadd.f32 v46, v48  }
0x282: {  	v58 =	vld [tilespmem:s9+$0x98A0];
	v62 =	vmul.f32 v51, v61;
	v43 =	vadd.f32 v43, v47;
	[tilespmem:s9+$0x11800] =	vst v45  }
0x283: {  	v54 =	vld [tilespmem:s9+$0x98C0];
	v53 =	vmul.f32 v53, v63;
	v44 =	vadd.f32 v44, v50;
	[tilespmem:s9+$0x11810] =	vst v46  }
0x284: {  	v55 =	vmul.f32 v55, v63;
	v59 =	vperm.xlane v24, v4;
	v51 =	vld [tilespmem:s9+$0xD9E0];
	v42 =	vadd.f32 v42, v62;
	[tilespmem:s9+$0x11820] =	vst v43  }
0x285: {  	v49 =	vld [tilespmem:s9+$0x98B0];
	v48 =	vmul.f32 v52, v61;
	v39 =	vadd.f32 v39, v53;
	[tilespmem:s9+$0x11830] =	vst v44  }
0x286: {  	v40 =	vadd.f32 v40, v55;
	v60 =	vmul.f32 v56, v59;
	v61 =	vperm.xlane v24, v5;
	v56 =	vld [tilespmem:s9+$0x9980];
	[tilespmem:s9+$0x11840] =	vst v42  }
0x287: {  	v63 =	vperm.xlane v24, v6;
	v50 =	vmul.f32 v57, v59;
	v45 =	vld [tilespmem:s9+$0x98D0];
	v41 =	vadd.f32 v41, v48;
	[tilespmem:s9+$0x11860] =	vst v39  }
0x288: {  	v46 =	vld [tilespmem:s9+$0x98E0];
	v38 =	vadd.f32 v38, v60;
	[tilespmem:s9+$0x11870] =	vst v40;
	v62 =	vmul.f32 v58, v61  }
0x289: {  	v43 =	vld [tilespmem:s9+$0x98F0];
	v37 =	vadd.f32 v37, v50;
	v50 =	vperm.xlane v24, v12;
	v53 =	vmul.f32 v54, v63;
	[tilespmem:s9+$0x11850] =	vst v41  }
0x28a: {  	v44 =	vld [tilespmem:s9+$0x9900];
	[tilespmem:s9+$0x11880] =	vst v38;
	v35 =	vadd.f32 v35, v62;
	v48 =	vmul.f32 v49, v61  }
0x28b: {  	v55 =	vperm.xlane v24, v7;
	v42 =	vld [tilespmem:s9+$0x9910];
	[tilespmem:s9+$0x11890] =	vst v37;
	v34 =	vadd.f32 v34, v53;
	v53 =	vmul.f32 v56, v50  }
0x28c: {  	v39 =	vld [tilespmem:s9+$0x9930];
	[tilespmem:s9+$0x118A0] =	vst v35;
	v36 =	vadd.f32 v36, v48;
	v45 =	vmul.f32 v45, v63  }
0x28d: {  	v59 =	vperm.xlane v24, v8;
	v41 =	vld [tilespmem:s9+$0x9920];
	v57 =	vmul.f32 v46, v55;
	[tilespmem:s9+$0x118C0] =	vst v34;
	v21 =	vadd.f32 v21, v53  }
0x28e: {  	v40 =	vld [tilespmem:s9+$0x9940];
	v43 =	vmul.f32 v43, v55;
	[tilespmem:s9+$0x118B0] =	vst v36;
	v33 =	vadd.f32 v33, v45  }
0x28f: {  	v38 =	vld [tilespmem:s9+$0x9950];
	v62 =	vperm.xlane v24, v9;
	v44 =	vmul.f32 v44, v59;
	v32 =	vadd.f32 v32, v57;
	[tilespmem:s9+$0x11980] =	vst v21  }
0x290: {  	v52 =	vld [tilespmem:s9+$0x9960];
	v42 =	vmul.f32 v42, v59;
	v31 =	vadd.f32 v31, v43;
	[tilespmem:s9+$0x118D0] =	vst v33  }
0x291: {  	v58 =	vld [tilespmem:s9+$0x9990];
	v46 =	vperm.xlane v24, v10;
	v39 =	vmul.f32 v39, v62;
	v30 =	vadd.f32 v30, v44;
	[tilespmem:s9+$0x118E0] =	vst v32  }
0x292: {  	v60 =	vld [tilespmem:s9+$0x99A0];
	v41 =	vmul.f32 v41, v62;
	v29 =	vadd.f32 v29, v42;
	[tilespmem:s9+$0x118F0] =	vst v31  }
0x293: {  	v61 =	vld [tilespmem:s9+$0x99B0];
	v48 =	vperm.xlane v24, v11;
	v40 =	vmul.f32 v40, v46;
	v27 =	vadd.f32 v27, v39;
	[tilespmem:s9+$0x11900] =	vst v30  }
0x294: {  	v63 =	vld [tilespmem:s9+$0x99C0];
	v38 =	vmul.f32 v38, v46;
	v28 =	vadd.f32 v28, v41;
	[tilespmem:s9+$0x11910] =	vst v29  }
0x295: {  	v54 =	vld [tilespmem:s9+$0x9970];
	v37 =	vmul.f32 v52, v48;
	v52 =	vperm.xlane v24, v13;
	v26 =	vadd.f32 v26, v40;
	[tilespmem:s9+$0x11930] =	vst v27  }
0x296: {  	v47 =	vld [tilespmem:s9+$0x99E0];
	v25 =	vadd.f32 v25, v38;
	v27 =	vmul.f32 v58, v50;
	[tilespmem:s9+$0x11920] =	vst v28  }
0x297: {  	v56 =	vperm.xlane v24, v14;
	v45 =	vld [tilespmem:s9+$0x99D0];
	v23 =	vadd.f32 v23, v37;
	v55 =	vmul.f32 v60, v52;
	[tilespmem:s9+$0x11940] =	vst v26  }
0x298: {  	v49 =	vld [tilespmem:s9+$0x99F0];
	v57 =	vmul.f32 v61, v52;
	[tilespmem:s9+$0x11950] =	vst v25;
	v20 =	vadd.f32 v20, v27  }
0x299: {  	v58 =	vperm.xlane v24, v15;
	v59 =	vmul.f32 v63, v56;
	[tilespmem:s9+$0x11960] =	vst v23;
	v19 =	vadd.f32 v19, v55  }
0x29a: {  	v28 =	vmul.f32 v54, v48;
	v54 =	vld [tilespmem:s9+$0xD9F0];
	v18 =	vadd.f32 v18, v57;
	[tilespmem:s9+$0x11990] =	vst v20  }
0x29b: {  	v61 =	vmul.f32 v47, v58;
	v17 =	vadd.f32 v17, v59;
	[tilespmem:s9+$0x119A0] =	vst v19  }
0x29c: {  	v60 =	vmul.f32 v45, v56;
	v22 =	vadd.f32 v22, v28;
	[tilespmem:s9+$0x119B0] =	vst v18  }
0x29d: {  	v62 =	vmul.f32 v49, v58;
	v63 =	vadd.f32 v51, v61;
	[tilespmem:s9+$0x119C0] =	vst v17  }
.Ltmp9:
0x29e: {  	s7 =	sadd.s32 s8, s7;
	v16 =	vadd.f32 v16, v60;
	[tilespmem:s9+$0x11970] =	vst v22;
	(pc) =	sbr.rel @p0 .LBB2_18-.Ltmp9, $4  }
0x29f: {  	s7 =	sshll.u32 s7, $0x9;
	[tilespmem:s9+$0x119E0] =	vst v63;
	v17 =	vadd.f32 v54, v62  }
0x2a0: {  	s7 =	sand.u32 $0x1FFFFE00, s7;
	[tilespmem:s9+$0x119D0] =	vst v16  }
0x2a1: {  	s7 =	sadd.s32 s2, s7;
	[tilespmem:s9+$0x119F0] =	vst v17  }
0x2a2: {  	[hbm4b:s7+s3] =	stream.linear.scatter [tilespmem:s12], [sflag:$0xC], $0x1000, $0x38;
	[tilespmem:$0x12800] =	vst v63  }
.Ltmp10:
0x2a3: {  	s6 =	sshrl.u32 s6, $0x2;
	(pc) =	sbr.rel .LBB2_2-.Ltmp10, $4  }
0x2a4: {  	s7 =	simm.s32 $0x9800;
	s6 =	sadd.s32 $0x380, s6  }
0x2a5: {  	[tilespmem:s7], [sflag:$0x4] =	stream.indirect.gather [hbm4b:s4+s11], $0x20, s6, s11, $0xb8;
	[tilespmem:$0x12800] =	vst v63  }
0x2a6: {  	s21 =	simm.s32 $0xD800;
	s19 =	sadd.s32 $0x1, s19;
	s16 =	sadd.s32 $0x200, s16  }
0x2a7: {  	[tilespmem:s21], [sflag:$0x8] =	stream.indirect.gather [hbm4b:s5+s11], $0x20, s6, s11, $0xb8;
	[tilespmem:$0x12800] =	vst v63  }
.LBB2_19:
0x2a8: {  	_ =	sfence.sel $0x180000  }
0x2a9: {  	[bflag:$0x0] =	sbarrier.arrive $0xFFFF  }
0x2aa: {  	_ =	strace $0x90000047  }
0x2ab: {  	s0 =	stileid.u32;
	[bflag:$0x2] =	sbarrier.arrive $0xFFFF  }
0x2ac: {  	p0 =	sne.s32 s0, $0x0;
	s0 =	rddreg [dreg:$0x4]  }
0x2ad: {  	s0 =	sadd.s32 @!p0 $0x100000, s0  }
0x2ae: {  	[sflag:s0] =	ssyncadd.tile.s32 @!p0 $0x1;
	_ =	shalt  }
.Lfunc_end2:
_tile_overlayer_lowered:
.L_overlay_start_2:
0x2af: {  	(tag) =	ssettag $0x2  }
0x2b0: {  	s0 =	rddreg [dreg:$0x0];
	s2 =	stileid.u32  }
0x2b1: {  	s1 =	rddreg [dreg:$0x1];
	p0 =	sne.s32 s2, $0x0  }
0x2b2: {  	s3 =	rddreg [dreg:$0x2];
	[bflag:$0x3] =	sbarrier.arrive $0xFFFF;
	s2 =	simm.s32 @!p0 $0x1C0D  }
0x2b3: {  	[timem:s3], [sflag:s2] =	dma.local @!p0 [hbm:s0], s1  }
0x2b4: {  	s0 =	simm.s32 @!p0 $0xD  }
0x2b5: {  	_ =	swait.ge @!p0 [sflag:s0], s1  }
0x2b6: {  	s1 =	ssub.s32 @!p0 $0x0, s1;
	[sflag:s0] =	ssyncset.done @!p0 $0x0  }
0x2b7: {  	[sflag:s0] =	ssyncadd.s32 @!p0 s1  }
0x2b8: {  	[bflag:$0x3] =	sbarrier.arrive $0xFFFF  }
0x2b9: {  	_ =	shalt  }

// kernel: sparse-core-data-format-call.cloned.1.call-start
scs
called_computation_lowered:
.L_overlay_start_0:
0x0: {  	s2 =	sld [smem:$0x3FD9]  }
0x1: {  	s3 =	sld [smem:$0x3FFE];
	_ =	sdelay $0x1  }
0x2: {  	s1 =	srdreg.scid  }
0x3: {  	s0 =	sand.u32 $0x1, s1  }
0x4: {  	s18 =	sshll.u32 s0, $0xA;
	s2 =	sadd.s32 s3, s2  }
0x5: {  	s2 =	sadd.s32 s2, s18  }
0x6: {  	[smem:$0x3FC4] =	sst s2  }
0x7: {  	_ = 	snop  }
0x8: {  	s2 =	sld [smem:$0x3FD0];
	(tm) =	ssettm $0x1  }
0x9: {  	s19 =	sld [smem:$0x3FFB];
	_ =	sdelay $0x3  }
0xa: {  	_ =	strace s19  }
0xb: {  	s3 =	sld [smem:$0x3FFC];
	_ =	sdelay $0x3  }
0xc: {  	_ =	strace s3  }
0xd: {  	s3 =	sld [smem:$0x3FFD];
	_ =	sdelay $0x3  }
0xe: {  	_ =	strace s3  }
0xf: {  	_ =	strace $0x8FFFFFFF  }
0x10: {  	s20 =	sld [smem:$0x3FDB];
	_ =	sdelay $0x1  }
0x11: {  	s4 =	simm.s32 $_scs_section_size  }
0x12: {  	s5 =	simm.s32 $_size__tile_overlayer_lowered;
	s6 =	simm.s32 $_tile_overlayer_lowered  }
0x13: {  	s23 =	simm.s32 $0x1BFF;
	s22 =	sshll.u32 s6, $0x1;
	s3 =	sadd.s32 s4, s20  }
0x14: {  	s7 =	simm.s32 $0x0;
	s21 =	sshll.u32 s5, $0x1;
	s5 =	sadd.s32 s22, s3  }
0x15: {  	[timem:s7], [sflag:s23] =	dma.local [hbm:s5], s21  }
0x16: {  	_ =	swait.ge [sflag:s23], s21  }
0x17: {  	s4 =	ssub.s32 $0x0, s21;
	[sflag:s23] =	ssyncset.done $0x0  }
0x18: {  	[sflag:s23] =	ssyncadd.s32 s4;
	_ =	sdelay $0x1  }
0x19: {  	s24 =	simm.s32 $0x1B8B  }
0x1a: {  	_ =	swait.ge [sflag:s24], $0x1  }
0x1b: {  	[sflag:s24] =	ssyncset.done $0x0  }
0x1c: {  	s26 =	simm.s32 $0x1B8E;
	s25 =	sld [smem:$0x3FFE];
	[sflag:s24] =	ssyncadd.s32 $0xFFFFFFFF  }
0x1d: {  	s27 =	simm.s32 $execute0_lowered;
	[smem:$0x3FD2] =	sst s26  }
0x1e: {  	s5 =	sshll.u32 s27, $0x1;
	_ =	strace $0x80000049;
	[dreg:$0x1] =	wrdreg $0xFFFFFFFF  }
0x1f: {  	s28 =	simm.s32 $_size_execute0_lowered;
	s3 =	sadd.s32 s3, s5;
	[dreg:$0x0] =	wrdreg $0x0  }
0x20: {  	s5 =	sshll.u32 s28, $0x1;
	[dreg:$0x2] =	wrdreg s3  }
0x21: {  	[dreg:$0x3] =	wrdreg s5  }
0x22: {  	[dreg:$0x4] =	wrdreg $0xC0  }
0x23: {  	_ =	task [dreg:s7], $0x5FFFF  }
0x24: {  	[dreg:$0x1] =	wrdreg $0xFFFFFFFF  }
0x25: {  	[dreg:$0x0] =	wrdreg $0x60  }
0x26: {  	[dreg:$0x2] =	wrdreg s25  }
0x27: {  	[dreg:$0x3] =	wrdreg s2  }
0x28: {  	[dreg:$0x4] =	wrdreg $0x9  }
0x29: {  	_ =	task.clear_ibuf [dreg:s7], $0x5FFFF;
	_ =	strace $0x90000049  }
0x2a: {  	s29 =	simm.s32 $0x9;
	_ =	strace $0x8000004B  }
0x2b: {  	_ =	swait.ge [sflag:s29], $0x1  }
0x2c: {  	[sflag:s29] =	ssyncadd.s32 $0xFFFFFFFF  }
0x2d: {  	_ =	strace $0x9000004B  }
0x2e: {  	_ =	sfence  }
0x2f: {  	s30 =	sld [smem:$0x0];
	_ =	sdelay $0x2  }
0x30: {  	s31 =	sshll.u32 s1, $0xD;
	s1 =	sshrl.u32 s1, $0x2  }
0x31: {  	s3 =	sand.u32 $0x4000, s31;
	s1 =	sadd.s32 s1, s30  }
0x32: {  	s0 =	sor.u32 s3, s0;
	s1 =	sshll.u32 s1, $0x11  }
0x33: {  	s0 =	sor.u32 s1, s0  }
0x34: {  	s0 =	sadd.s32 $0x8F2B, s0  }
0x35: {  	[sflag:s0] =	ssyncadd.remote.s32 $0x1  }
0x36: {  	_ =	sfence.sel $0xFFFF  }
0x37: {  	[dreg:$0x0] =	wrdreg $0xFFFFFFFF;
	(pc) =	sbr.abs _section_cstart, $3  }
0x38: {  	[dreg:$0x1] =	wrdreg $0xFFFFFFFF  }
0x39: {  	_ =	task.clear_ibuf [dreg:s7], $0x2FFFF;
	_ =	strace $0x9FFFFFFF  }
0x3a: {  	(tm) =	ssettm $0x7FFFFFFF  }
0x3b: {  	_ =	shalt  }
tec
execute0_lowered:
.L_overlay_start_1:
0x0: {  	(tag) =	ssettag $0x1  }
0x1: {  	s0 =	srdreg.scid  }
0x2: {  	s1 =	sshll.u32 s0, $0x4  }
0x3: {  	s4 =	rddreg [dreg:$0x0];
	s0 =	stileid.u32;
	s1 =	sand.u32 $0x10, s1  }
0x4: {  	s2 =	rddreg [dreg:$0x1];
	s7 =	simm.s32 $0x1;
	s1 =	sor.u32 s0, s1  }
0x5: {  	s8 =	simm.s32 $0x2;
	s11 =	simm.s32 $0x0;
	s3 =	sshll.u32 s1, $0x7  }
0x6: {  	s10 =	simm.s32 $0x0;
	s4 =	sadd.s32 $0x800, s4;
	s6 =	ssub.s32 $0x68000, s3  }
.Ltmp0:
0x7: {  	s1 =	rddreg [dreg:$0x2];
	s5 =	sand.u32 $0xF80, s6;
	(pc) =	sbr.rel .LBB1_1-.Ltmp0, $4  }
0x8: {  	_ =	strace $0x8000004A;
	s9 =	smov.u32 s3;
	p0 =	sne.s32 s5, $0x0  }
0x9: {  	s6 =	sshrl.u32 s6, $0xC;
	s5 =	simm.s32 $0x1;
	s7 =	simm.s32 @!p0 $0x0  }
0xa: {  	[sflag:s5] =	ssyncpa.u1 $0x0;
	p0 =	por $0x0, $0x0;
	s6 =	sadd.s32 s7, s6  }
0xb: {  	[sflag:s8] =	ssyncpa.u1 $0x0;
	s8 =	simm.s32 $0x340000;
	s7 =	sadd.s32 $0x1, s6  }
.LBB1_4:
0xc: {  	s14 =	sshll.u32 s11, $0x3  }
0xd: {  	s30 =	sand.u32 $0x7F, s11;
	s15 =	sand.u32 $0xFFFFFC00, s14  }
0xe: {  	s11 =	sor.u32 s30, s15  }
0xf: {  	s15 =	smulhi.u32 $0x4EC4EC4F, s11  }
0x10: {  	s14 =	smulhi.u32 $0x4EC4EC4F, s14  }
0x11: {  	s15 =	sshrl.u32 s15, $0x11  }
0x12: {  	s14 =	sshrl.u32 s14, $0x11;
	s15 =	smul.u32 $0x68000, s15  }
0x13: {  	s14 =	sand.u32 $0x1F, s14  }
0x14: {  	s14 =	smul.u32 $0xD000, s14;
	s11 =	ssub.s32 s11, s15  }
0x15: {  	s15 =	sand.u32 $0x7, s11  }
0x16: {  	s14 =	sadd.s32 s2, s14;
	s11 =	sshrl.u32 s11, $0x3;
	s15 =	sshll.u32 s15, $0x12  }
0x17: {  	[tilespmem:s13+$0x0 ss:$0x81] =	vst.msk $0xffff, v0;
	s11 =	sadd.s32 s11, s14;
	s31 =	sor.u32 $0x400, s15  }
0x18: {  	[hbm4b:s11+s31] =	stream.strided.scatter [tilespmem:s12], [sflag:$0x2], $0x1000, s8, s31, $0x20;
	[tilespmem:$0x4040] =	vst v63  }
.LBB1_5:
0x19: {  	s13 =	sadd.s32 $0x1000, s9  }
0x1a: {  	p2 =	sgt.s32 s13, $0x67FFF  }
0x1b: {  	s13 =	smov.u32 @p2 s3;
	p2 =	sne.s32 s10, s7  }
.Ltmp1:
0x1c: {  	p1 =	slt.u32 s10, $0x2;
	(pc) =	sbr.rel @!p2 .LBB1_6-.Ltmp1, $4  }
0x1d: {  	s12 =	simm.s32 @!p1 $0x2  }
0x1e: {  	s14 =	sadd.s32 $0x1, s10;
	_ =	swait.ge @!p1 [sflag:s12], $0x1000  }
0x1f: {  	s11 =	smov.u32 s9;
	p0 =	por !p0, !p0;
	[sflag:s12] =	ssyncset.done @!p1 $0x0  }
0x20: {  	s10 =	smov.u32 s14;
	s9 =	smov.u32 s13;
	[sflag:s12] =	ssyncadd.s32 @!p1 $0xFFFFF000  }
.LBB1_1:
0x21: {  	p1 =	sge.u32 s10, s6  }
0x22: {  	s12 =	sand.u32 @!p1 $0x1FFFFFF, s9  }
0x23: {  	s13 =	smulhi.u32 @!p1 $0x2762763, s12;
	_ =	sdelay $0x1  }
0x24: {  	s13 =	sshrl.u32 @!p1 s13, $0xC  }
0x25: {  	s13 =	smul.u32 @!p1 $0x68000, s13;
	_ =	sdelay $0x1  }
0x26: {  	s31 =	sadd.s32 $0xFFFFFFFF, s10;
	s14 =	sxor.u32 @!p1 $0xFFFFFFFF, s10;
	s12 =	ssub.s32 @!p1 s12, s13  }
0x27: {  	s15 =	simm.s32 @!p1 $0x80;
	s14 =	sshll.u32 @!p1 s14, $0xC;
	s12 =	sshll.u32 @!p1 s12, $0x4  }
0x28: {  	s13 =	sand.u32 @!p1 $0x1000, s14;
	s14 =	simm.s32 @!p1 $0x20;
	s12 =	sadd.s32 @!p1 s4, s12  }
0x29: {  	[tilespmem:s13], [sflag:$0x1] =	stream.strided.gather @!p1 [hbm4b:s12+s14], $0x1000, s15, s14, $0x38;
	[tilespmem:$0x4040] =	vst v63  }
0x2a: {  	p1 =	sge.u32 s31, s6  }
.Ltmp2:
0x2b: {  	_ = 	snop;
	(pc) =	sbr.rel @p1 .LBB1_5-.Ltmp2, $1  }
0x2c: {  	_ =	sdelay $0x3  }
0x2d: {  	s12 =	simm.s32 $0x1  }
0x2e: {  	_ =	swait.ge [sflag:s5], $0x1000;
	s12 =	simm.s32 @!p0 $0x0  }
0x2f: {  	[sflag:s5] =	ssyncset.done $0x0;
	s13 =	sshll.u32 s12, $0xC  }
0x30: {  	[sflag:s5] =	ssyncadd.s32 $0xFFFFF000;
	s16 =	sor.u32 $0x10, s13  }
0x31: {  	s12 =	smul.u32 $0x4080, s12;
	v1 =	vld [tilespmem:s16+$0x0]  }
0x32: {  	s30 =	sand.u32 $0x1, s10;
	v0 =	vld [tilespmem:s16+$0xFFFFFFF0]  }
0x33: {  	s13 =	smul.u32 $0x4080, s30;
	s12 =	sshrl.u32 s12, $0x2  }
0x34: {  	s14 =	sor.u32 $0x2000, s12  }
0x35: {  	s31 =	sshrl.u32 s13, $0x2;
	s13 =	sadd.s32 $0x0, s14  }
0x36: {  	s15 =	simm.s32 $0x4;
	s16 =	sadd.s32 $0x20, s16;
	s12 =	sor.u32 $0x2000, s31;
	[tilespmem:s13+$0x810 ss:$0x81] =	vst.msk $0xffff, v1  }
.LBB1_3:
0x37: {  	v1 =	vld [tilespmem:s16+$0x0];
	p1 =	sne.s32 s15, $0x1FC;
	[tilespmem:s13+$0x0 ss:$0x81] =	vst.msk $0xffff, v0;
	s13 =	smov.u32 s15;
	s15 =	sadd.s32 $0x4, s15  }
.Ltmp3:
0x38: {  	v0 =	vld [tilespmem:s16+$0xFFFFFFF0];
	(pc) =	sbr.rel @p1 .LBB1_3-.Ltmp3, $4  }
0x39: {  	_ = 	snop  }
0x3a: {  	s13 =	sshra.s32 s13, $0x2  }
0x3b: {  	s13 =	sadd.s32 s13, s14  }
0x3c: {  	s16 =	sadd.s32 $0x20, s16;
	[tilespmem:s13+$0x810 ss:$0x81] =	vst.msk $0xffff, v1  }
.Ltmp4:
0x3d: {  	_ = 	snop;
	(pc) =	sbr.rel .LBB1_4-.Ltmp4, $1  }
0x3e: {  	_ =	sdelay $0x3  }
.LBB1_6:
0x3f: {  	_ =	sfence.sel $0x180000  }
0x40: {  	s2 =	simm.s32 $0x1;
	[bflag:$0x0] =	sbarrier.arrive $0xFFFF  }
0x41: {  	s31 =	simm.s32 $0x2;
	[sflag:s2] =	ssyncpa.u1 $0x1  }
0x42: {  	[sflag:s31] =	ssyncpa.u1 $0x1  }
0x43: {  	p0 =	sne.s32 s0, $0x0;
	_ =	strace $0x9000004A  }
0x44: {  	s0 =	sadd.s32 @!p0 $0x100000, s1;
	[bflag:$0x2] =	sbarrier.arrive $0xFFFF  }
0x45: {  	[sflag:s0] =	ssyncadd.tile.s32 @!p0 $0x1;
	_ =	shalt  }
.Lfunc_end1:
_tile_overlayer_lowered:
.L_overlay_start_2:
0x46: {  	(tag) =	ssettag $0x2  }
0x47: {  	s0 =	rddreg [dreg:$0x0];
	s2 =	stileid.u32  }
0x48: {  	s1 =	rddreg [dreg:$0x1];
	p0 =	sne.s32 s2, $0x0  }
0x49: {  	s3 =	rddreg [dreg:$0x2];
	[bflag:$0x3] =	sbarrier.arrive $0xFFFF;
	s2 =	simm.s32 @!p0 $0x1C01  }
0x4a: {  	[timem:s3], [sflag:s2] =	dma.local @!p0 [hbm:s0], s1  }
0x4b: {  	s0 =	simm.s32 @!p0 $0x1  }
0x4c: {  	_ =	swait.ge @!p0 [sflag:s0], s1  }
0x4d: {  	s1 =	ssub.s32 @!p0 $0x0, s1;
	[sflag:s0] =	ssyncset.done @!p0 $0x0  }
0x4e: {  	[sflag:s0] =	ssyncadd.s32 @!p0 s1  }
0x4f: {  	[bflag:$0x3] =	sbarrier.arrive $0xFFFF  }
0x50: {  	_ =	shalt  }

</sc_bundles>
